<compile_context>
chip_gen: v7x
topology: tpu7x:2x2x1
jax: 0.10.2.dev20260603
libtpu: 0.0.44.dev20260713+nightly
codegen_flags: <defaults>
</compile_context>

<pallas_src>
import jax
import jax.numpy as jnp
from jax import lax
from jax.experimental import pallas as pl
from jax.experimental.pallas import tpu as pltpu
from jax.experimental.pallas import tpu_sc as plsc

NC = 2
NS = 16
NW = NC * NS

CH = 80
LANES = 16
NORM = 100.0



def _silu(x):
    return x * jax.nn.sigmoid(x)


def _k1_body(h_ref, w1s_ref, w1t_ref, o1_ref, o2_ref):
    hb = h_ref[...]
    o1_ref[...] = jnp.dot(hb, w1s_ref[...], preferred_element_type=jnp.float32)
    o2_ref[...] = jnp.dot(hb, w1t_ref[...], preferred_element_type=jnp.float32)


def _k1(h, w1s, w1t, bn):
    n, nf = h.shape
    hid = w1s.shape[1]
    return pl.pallas_call(
        _k1_body,
        grid=(n // bn,),
        in_specs=[
            pl.BlockSpec((bn, nf), lambda i: (i, 0)),
            pl.BlockSpec((nf, hid), lambda i: (0, 0)),
            pl.BlockSpec((nf, hid), lambda i: (0, 0)),
        ],
        out_specs=[
            pl.BlockSpec((bn, hid), lambda i: (i, 0)),
            pl.BlockSpec((bn, hid), lambda i: (i, 0)),
        ],
        out_shape=[
            jax.ShapeDtypeStruct((n, hid), jnp.float32),
            jax.ShapeDtypeStruct((n, hid), jnp.float32),
        ],
    )(h, w1s, w1t)


def _sc_gather_sum(g1, g2, row1d, col1d, e, hid, beh):
    wrpt = e // (2 * NW)
    CW = 40
    nch = wrpt // CW
    G = 1000
    ng = wrpt // G
    assert nch >= 4
    assert beh % G == 0 and wrpt % G == 0 and G % CW == 0
    npair = nch // 2
    mesh = plsc.VectorSubcoreMesh(
        core_axis_name="c", subcore_axis_name="s",
        num_cores=NC, num_subcores=NS)

    def body(g1_hbm, g2_hbm, row_hbm, col_hbm, out_hbm,
             iar, iac, ibr, ibc,
             a10, a20, b10, b20, a11, a21, b11, b21,
             pb0, pb1, sg0, sg1, so0, so1, sp):
        cid = lax.axis_index("c")
        sid = lax.axis_index("s")
        wid = sid * NC + cid
        m0t = wid * wrpt

        cps = []
        for g in range(ng):
            gg = wid * ng + g
            bi = gg >> 1
            mm = (gg & 1) * G
            src_a = pl.multiple_of(2 * beh * bi + mm, 8)
            src_b = src_a + beh
            dst = pl.ds(g * G, G)
            cps.append(pltpu.async_copy(row_hbm.at[pl.ds(src_a, G)], iar.at[dst], sp))
            cps.append(pltpu.async_copy(col_hbm.at[pl.ds(src_a, G)], iac.at[dst], sp))
            cps.append(pltpu.async_copy(row_hbm.at[pl.ds(src_b, G)], ibr.at[dst], sp))
            cps.append(pltpu.async_copy(col_hbm.at[pl.ds(src_b, G)], ibc.at[dst], sp))
        for cp in cps:
            cp.wait()

        def fire(c, a1, a2, b1_, b2_, sg):
            sl = pl.ds(c * CW, CW)
            pltpu.async_copy(g1_hbm.at[iar.at[sl]], a1, sg)
            pltpu.async_copy(g2_hbm.at[iac.at[sl]], a2, sg)
            pltpu.async_copy(g1_hbm.at[ibr.at[sl]], b1_, sg)
            pltpu.async_copy(g2_hbm.at[ibc.at[sl]], b2_, sg)

        def wait_gather(c, a1, a2, b1_, b2_, sg):
            sl = pl.ds(c * CW, CW)
            pltpu.make_async_copy(g1_hbm.at[iar.at[sl]], a1, sg).wait()
            pltpu.make_async_copy(g2_hbm.at[iac.at[sl]], a2, sg).wait()
            pltpu.make_async_copy(g1_hbm.at[ibr.at[sl]], b1_, sg).wait()
            pltpu.make_async_copy(g2_hbm.at[ibc.at[sl]], b2_, sg).wait()

        def bf16_word(x1, x2, r, sl_lo, sl_hi):
            va = x1[r, sl_lo] + x2[r, sl_lo]
            vb = x1[r, sl_hi] + x2[r, sl_hi]
            ia = lax.bitcast_convert_type(va, jnp.int32)
            ib = lax.bitcast_convert_type(vb, jnp.int32)
            ra = ia + 0x7FFF + ((ia >> 16) & 1)
            rb = ib + 0x7FFF + ((ib >> 16) & 1)
            return ((ra >> 16) & 0xFFFF) | (rb & -65536)

        def pack(a1, a2, b1_, b2_, pb):
            hw = hid // 2

            def rowfn(rr, c2):
                for t in range(hw // LANES):
                    sl_lo = pl.ds(t * LANES, LANES)
                    sl_hi = pl.ds(hw + t * LANES, LANES)
                    pb[rr, sl_lo] = bf16_word(a1, a2, rr, sl_lo, sl_hi)
                    pb[rr, sl_hi] = bf16_word(b1_, b2_, rr, sl_lo, sl_hi)
                return c2

            lax.fori_loop(0, CW, rowfn, 0)

        def store(c, pb, so):
            pltpu.async_copy(pb, out_hbm.at[pl.ds(m0t + c * CW, CW)], so)

        def wait_store(c, pb, so):
            pltpu.make_async_copy(
                pb, out_hbm.at[pl.ds(m0t + c * CW, CW)], so).wait()

        fire(0, a10, a20, b10, b20, sg0)

        def pair(i2, carry):
            c0 = 2 * i2
            c1 = c0 + 1
            fire(c1, a11, a21, b11, b21, sg1)
            wait_gather(c0, a10, a20, b10, b20, sg0)

            @pl.when(i2 > 0)
            def _w0():
                wait_store(c0 - 2, pb0, so0)

            pack(a10, a20, b10, b20, pb0)
            store(c0, pb0, so0)

            @pl.when(c0 + 2 < nch)
            def _f0():
                fire(c0 + 2, a10, a20, b10, b20, sg0)

            wait_gather(c1, a11, a21, b11, b21, sg1)

            @pl.when(i2 > 0)
            def _w1():
                wait_store(c1 - 2, pb1, so1)

            pack(a11, a21, b11, b21, pb1)
            store(c1, pb1, so1)
            return carry

        lax.fori_loop(0, npair, pair, 0)

        if nch % 2 == 1:
            c_last = nch - 1
            wait_gather(c_last, a10, a20, b10, b20, sg0)
            wait_store(c_last - 2, pb0, so0)
            pack(a10, a20, b10, b20, pb0)
            store(c_last, pb0, so0)
            wait_store(c_last - 1, pb1, so1)
            wait_store(c_last, pb0, so0)
        else:
            wait_store(nch - 2, pb0, so0)
            wait_store(nch - 1, pb1, so1)

    f = pl.kernel(
        body,
        out_type=jax.ShapeDtypeStruct((e // 2, hid), jnp.int32),
        mesh=mesh,
        scratch_types=[
            pltpu.VMEM((wrpt,), jnp.int32),
            pltpu.VMEM((wrpt,), jnp.int32),
            pltpu.VMEM((wrpt,), jnp.int32),
            pltpu.VMEM((wrpt,), jnp.int32),
            pltpu.VMEM((CW, hid), jnp.float32),
            pltpu.VMEM((CW, hid), jnp.float32),
            pltpu.VMEM((CW, hid), jnp.float32),
            pltpu.VMEM((CW, hid), jnp.float32),
            pltpu.VMEM((CW, hid), jnp.float32),
            pltpu.VMEM((CW, hid), jnp.float32),
            pltpu.VMEM((CW, hid), jnp.float32),
            pltpu.VMEM((CW, hid), jnp.float32),
            pltpu.VMEM((CW, hid), jnp.int32),
            pltpu.VMEM((CW, hid), jnp.int32),
            pltpu.SemaphoreType.DMA,
            pltpu.SemaphoreType.DMA,
            pltpu.SemaphoreType.DMA,
            pltpu.SemaphoreType.DMA,
            pltpu.SemaphoreType.DMA,
        ],
    )
    return f(g1, g2, row1d, col1d)


def _k3_body(s_ref, ea_ref, w1e_ref, b1_ref, w2_ref, b2_ref, o_ref):
    s2 = s_ref[...]
    beh = s2.shape[0]
    hid = s2.shape[1]
    w1e = w1e_ref[...]
    b1 = b1_ref[...]
    w2 = w2_ref[...]
    b2 = b2_ref[...]
    for half in range(2):
        sh = s2[:, half * (hid // 2):(half + 1) * (hid // 2)]
        lo = jax.lax.bitcast_convert_type(sh << 16, jnp.float32)
        hi = jax.lax.bitcast_convert_type(sh & -65536, jnp.float32)
        sf = jnp.concatenate([lo, hi], axis=1)
        rows = pl.ds(half * beh, beh)
        x = (sf
             + jnp.dot(ea_ref[rows, :], w1e, preferred_element_type=jnp.float32)
             + b1)
        x = _silu(x)
        y = jnp.dot(x, w2, preferred_element_type=jnp.float32) + b2
        o_ref[rows, :] = _silu(y)


def _k3_body_aliased(p_ref, s_ref, ea_ref, w1e_ref, b1_ref, w2_ref, b2_ref, o_ref):
    del p_ref
    _k3_body(s_ref, ea_ref, w1e_ref, b1_ref, w2_ref, b2_ref, o_ref)


def _k3_part(s, ea_part, w1e, b1, w2, b2, be, e_tot, blk0, partial):
    ep, ea = ea_part.shape
    hid = s.shape[1]
    specs = [
        pl.BlockSpec((be // 2, hid), lambda i: (i, 0)),
        pl.BlockSpec((be, ea), lambda i: (i, 0)),
        pl.BlockSpec((ea, hid), lambda i: (0, 0)),
        pl.BlockSpec((1, hid), lambda i: (0, 0)),
        pl.BlockSpec((hid, hid), lambda i: (0, 0)),
        pl.BlockSpec((1, hid), lambda i: (0, 0)),
    ]
    out_spec = pl.BlockSpec((be, hid), lambda i: (i + blk0, 0))
    out_shape = jax.ShapeDtypeStruct((e_tot, hid), jnp.float32)
    if partial is None:
        return pl.pallas_call(
            _k3_body,
            grid=(ep // be,),
            in_specs=specs,
            out_specs=out_spec,
            out_shape=out_shape,
        )(s, ea_part, w1e, b1, w2, b2)
    specs = [pl.BlockSpec((8, hid), lambda i: (0, 0))] + specs
    return pl.pallas_call(
        _k3_body_aliased,
        grid=(ep // be,),
        in_specs=specs,
        out_specs=out_spec,
        out_shape=out_shape,
        input_output_aliases={0: 0},
    )(partial, s, ea_part, w1e, b1, w2, b2)


def _sc_segsum(mij, row3d, zeros_nh, n, e, hid, CH):
    epw = e // NW
    nch = epw // CH
    assert nch % 2 == 1 and nch >= 3
    npair = (nch - 1) // 2
    mesh = plsc.VectorSubcoreMesh(
        core_axis_name="c", subcore_axis_name="s",
        num_cores=NC, num_subcores=NS)

    def body(mij_hbm, row_hbm, z_hbm, out_hbm, idx, buf0, buf1, si0, si1, agg):
        cid = lax.axis_index("c")
        sid = lax.axis_index("s")
        wid = sid * NC + cid

        @pl.when(sid == 0)
        def _zero():
            pltpu.sync_copy(z_hbm, agg)

        plsc.subcore_barrier()

        pltpu.sync_copy(row_hbm.at[wid], idx)
        base = wid * epw

        def fire_in(c, buf, si):
            pltpu.async_copy(mij_hbm.at[pl.ds(base + c * CH, CH)], buf, si)

        def wait_in(c, buf, si):
            pltpu.make_async_copy(mij_hbm.at[pl.ds(base + c * CH, CH)], buf, si).wait()

        fire_in(0, buf0, si0)

        def pair(i2, c2):
            c0 = 2 * i2
            c1 = c0 + 1
            fire_in(c1, buf1, si1)
            wait_in(c0, buf0, si0)
            pltpu.sync_copy(buf0, agg.at[idx.at[c0]], add=True)
            fire_in(c0 + 2, buf0, si0)
            wait_in(c1, buf1, si1)
            pltpu.sync_copy(buf1, agg.at[idx.at[c1]], add=True)
            return c2

        lax.fori_loop(0, npair, pair, 0)

        c_last = nch - 1
        wait_in(c_last, buf0, si0)
        pltpu.sync_copy(buf0, agg.at[idx.at[c_last]], add=True)
        plsc.subcore_barrier()

        @pl.when(sid == 0)
        def _out():
            pltpu.sync_copy(agg, out_hbm.at[cid])

    f = pl.kernel(
        body,
        out_type=jax.ShapeDtypeStruct((NC, n, hid), jnp.float32),
        mesh=mesh,
        scratch_types=[
            pltpu.VMEM((nch, CH), jnp.int32),
            pltpu.VMEM((CH, hid), jnp.float32),
            pltpu.VMEM((CH, hid), jnp.float32),
            pltpu.SemaphoreType.DMA,
            pltpu.SemaphoreType.DMA,
            pltpu.VMEM_SHARED((n, hid), jnp.float32),
        ],
    )
    return f(mij, row3d, zeros_nh)


def _k5_body(h_ref, p_ref, w3h_ref, w3a_ref, b3_ref, w4_ref, b4_ref, o_ref):
    hb = h_ref[...]
    a = (p_ref[0] + p_ref[1]) * (1.0 / NORM)
    y = (jnp.dot(hb, w3h_ref[...], preferred_element_type=jnp.float32)
         + jnp.dot(a, w3a_ref[...], preferred_element_type=jnp.float32)
         + b3_ref[...])
    y = _silu(y)
    o_ref[...] = hb + jnp.dot(y, w4_ref[...], preferred_element_type=jnp.float32) + b4_ref[...]


def _k5(h, aggp, w3h, w3a, b3, w4, b4, bn):
    n, nf = h.shape
    hid = w3h.shape[1]
    return pl.pallas_call(
        _k5_body,
        grid=(n // bn,),
        in_specs=[
            pl.BlockSpec((bn, nf), lambda i: (i, 0)),
            pl.BlockSpec((NC, bn, hid), lambda i: (0, i, 0)),
            pl.BlockSpec((nf, hid), lambda i: (0, 0)),
            pl.BlockSpec((hid, hid), lambda i: (0, 0)),
            pl.BlockSpec((1, hid), lambda i: (0, 0)),
            pl.BlockSpec((hid, nf), lambda i: (0, 0)),
            pl.BlockSpec((1, nf), lambda i: (0, 0)),
        ],
        out_specs=pl.BlockSpec((bn, nf), lambda i: (i, 0)),
        out_shape=jax.ShapeDtypeStruct((n, nf), jnp.float32),
    )(h, aggp, w3h, w3a, b3, w4, b4)


def kernel(h, edge_index, edge_attr, W1, b1, W2, b2, W3, b3, W4, b4):
    n, nf = h.shape
    e, ea = edge_attr.shape
    hid = W2.shape[0]

    row = edge_index[0].astype(jnp.int32)
    col = edge_index[1].astype(jnp.int32)

    w1s = W1[:nf]
    w1t = W1[nf:2 * nf]
    w1e = W1[2 * nf:]
    b1r = b1.reshape(1, hid)
    w2p = W2
    b2r = b2.reshape(1, hid)
    zeros_nh = jnp.zeros((n, hid), jnp.float32)

    ch = 80
    nch = e // (NW * ch)
    row3d = row.reshape(NW, nch, ch)
    col3d = col.reshape(NW, nch, ch)

    be = 4000
    e_a = 192000

    g1, g2 = _k1(h, w1s, w1t, 1000)
    s_a = _sc_gather_sum(g1, g2, row[:e_a], col[:e_a], e_a, hid, be // 2)
    s_b = _sc_gather_sum(g1, g2, row[e_a:], col[e_a:], e - e_a, hid, be // 2)
    mij_a = _k3_part(s_a, edge_attr[:e_a], w1e, b1r, w2p, b2r, be, e, 0, None)
    mij = _k3_part(s_b, edge_attr[e_a:], w1e, b1r, w2p, b2r, be, e,
                   e_a // be, mij_a)
    aggp = _sc_segsum(mij, row3d, zeros_nh, n, e, hid, ch)
    h_out = _k5(h, aggp, W3[:nf], W3[nf:], b3.reshape(1, hid), W4,
                b4.reshape(1, nf), 1000)
    return (h_out, mij)

# --- scband reference (transcript-rebuilt; emitter-appended) ---
"""Pipeline reference for scband-gcl-52192442581787 (READ-ONLY COPY).

The authoritative reference and input builder live on the scoring server;
editing this copy changes nothing except your own understanding.
"""

import jax, jax.numpy as jnp
import numpy as np

N = 10000
E = 320000
NF = 128
EA = 16
HID = 128
NORM = 100.0


def silu(x):
    return x * jax.nn.sigmoid(x)


def setup_inputs(seed: int = 0) -> dict:
    key = jax.random.key(seed)
    ks = jax.random.split(key, 12)
    h = jax.random.normal(ks[0], (N, NF), dtype=jnp.float32)
    edge_index = jax.random.randint(ks[1], (2, E), 0, N, dtype=jnp.int64)
    edge_attr = jax.random.normal(ks[2], (E, EA), dtype=jnp.float32)
    in_edge = 2 * NF + EA
    W1 = jax.random.normal(ks[3], (in_edge, HID), dtype=jnp.float32) * (1.0 / np.sqrt(in_edge))
    b1 = jnp.zeros((HID,), dtype=jnp.float32)
    W2 = jax.random.normal(ks[4], (HID, HID), dtype=jnp.float32) * (1.0 / np.sqrt(HID))
    b2 = jnp.zeros((HID,), dtype=jnp.float32)
    in_node = HID + NF
    W3 = jax.random.normal(ks[5], (in_node, HID), dtype=jnp.float32) * (1.0 / np.sqrt(in_node))
    b3 = jnp.zeros((HID,), dtype=jnp.float32)
    W4 = jax.random.normal(ks[6], (HID, NF), dtype=jnp.float32) * (1.0 / np.sqrt(HID))
    b4 = jnp.zeros((NF,), dtype=jnp.float32)
    return {"h": h, "edge_index": edge_index, "edge_attr": edge_attr,
            "W1": W1, "b1": b1, "W2": W2, "b2": b2,
            "W3": W3, "b3": b3, "W4": W4, "b4": b4}


def reference(h, edge_index, edge_attr, W1, b1, W2, b2, W3, b3, W4, b4):
    row = edge_index[0]
    col = edge_index[1]
    source = jnp.take(h, row, axis=0)
    target = jnp.take(h, col, axis=0)
    # edge model
    out = jnp.concatenate([source, target, edge_attr], axis=1)
    x = silu(out @ W1 + b1)
    mij = silu(x @ W2 + b2)
    edge_feat = mij  # no attention, no edge_mask
    # node model: unsorted_segment_sum over row, agg_method='sum'
    agg = jax.ops.segment_sum(edge_feat, row, num_segments=N) / NORM
    agg_cat = jnp.concatenate([h, agg], axis=1)
    y = silu(agg_cat @ W3 + b3)
    node_out = y @ W4 + b4
    h_out = h + node_out
    return (h_out, mij)

if __name__ == "__main__":
    import jax
    _d = setup_inputs()
    print(jax.jit(kernel)(*tuple(_d.values())))

</pallas_src>

<mosaic_0001>
#map = affine_map<(d0, d1) -> (0, 0)>
#map1 = affine_map<(d0, d1) -> (0)>
module attributes {stable_mosaic.version = 14 : i64} {
  func.func @body(%arg0: i32, %arg1: i32, %arg2: memref<10000x128xf32, #tpu.memory_space<hbm>>, %arg3: memref<10000x128xf32, #tpu.memory_space<hbm>>, %arg4: memref<128000xi32, #tpu.memory_space<hbm>>, %arg5: memref<128000xi32, #tpu.memory_space<hbm>>, %arg6: memref<64000x128xi32, #tpu.memory_space<hbm>>, %arg7: memref<2000xi32, #tpu.memory_space<vmem>>, %arg8: memref<2000xi32, #tpu.memory_space<vmem>>, %arg9: memref<2000xi32, #tpu.memory_space<vmem>>, %arg10: memref<2000xi32, #tpu.memory_space<vmem>>, %arg11: memref<40x128xf32, #tpu.memory_space<vmem>>, %arg12: memref<40x128xf32, #tpu.memory_space<vmem>>, %arg13: memref<40x128xf32, #tpu.memory_space<vmem>>, %arg14: memref<40x128xf32, #tpu.memory_space<vmem>>, %arg15: memref<40x128xf32, #tpu.memory_space<vmem>>, %arg16: memref<40x128xf32, #tpu.memory_space<vmem>>, %arg17: memref<40x128xf32, #tpu.memory_space<vmem>>, %arg18: memref<40x128xf32, #tpu.memory_space<vmem>>, %arg19: memref<40x128xi32, #tpu.memory_space<vmem>>, %arg20: memref<40x128xi32, #tpu.memory_space<vmem>>, %arg21: memref<!tpu.dma_semaphore, #tpu.memory_space<semaphore_mem>>, %arg22: memref<!tpu.dma_semaphore, #tpu.memory_space<semaphore_mem>>, %arg23: memref<!tpu.dma_semaphore, #tpu.memory_space<semaphore_mem>>, %arg24: memref<!tpu.dma_semaphore, #tpu.memory_space<semaphore_mem>>, %arg25: memref<!tpu.dma_semaphore, #tpu.memory_space<semaphore_mem>>) attributes {dimension_semantics = [#tpu.dimension_semantics<core_parallel>, #tpu.dimension_semantics<subcore_parallel>], iteration_bounds = array<i64: 2, 16>, scalar_prefetch = 0 : i64, scratch_operands = 19 : i64, tpu.core_type = #tpu.core_type<sc_vector_subcore>, window_params = [{transform_indices = #map}, {transform_indices = #map}, {transform_indices = #map1}, {transform_indices = #map1}, {transform_indices = #map}]} {
    %mul3A = arith.constant 2 : i32
    %mul3A_0 = arith.muli %arg1, %mul3A : i32
    %add3A = arith.addi %mul3A_0, %arg0 : i32
    %mul3A_1 = arith.constant 2000 : i32
    %mul3A_2 = arith.muli %add3A, %mul3A_1 : i32
    %mul3A_3 = arith.constant 2 : i32
    %mul3A_4 = arith.muli %add3A, %mul3A_3 : i32
    %add3A_5 = arith.constant 0 : i32
    %add3A_6 = arith.addi %mul3A_4, %add3A_5 : i32
    %shift_right_arithmetic3A = arith.constant 1 : i32
    %shift_right_arithmetic3A_7 = arith.shrsi %add3A_6, %shift_right_arithmetic3A : i32
    %and3A = arith.constant 1 : i32
    %and3A_8 = arith.andi %add3A_6, %and3A : i32
    %mul3A_9 = arith.constant 1000 : i32
    %mul3A_10 = arith.muli %and3A_8, %mul3A_9 : i32
    %mul3A_11 = arith.constant 4000 : i32
    %mul3A_12 = arith.muli %mul3A_11, %shift_right_arithmetic3A_7 : i32
    %add3A_13 = arith.addi %mul3A_12, %mul3A_10 : i32
    %multiple_of3A = tpu.assume_multiple %add3A_13, 8 : i32
    %add3A_14 = arith.constant 2000 : i32
    %add3A_15 = arith.addi %multiple_of3A, %add3A_14 : i32
    %dma_start3A = arith.constant 0 : i32
    %dma_start3A_16 = tpu.memref_slice %arg7[%dma_start3A] : memref<2000xi32, #tpu.memory_space<vmem>> -> memref<1000xi32, #tpu.memory_space<vmem>>
    %dma_start3A_17 = tpu.memref_slice %arg4[%multiple_of3A] : memref<128000xi32, #tpu.memory_space<hbm>> -> memref<1000xi32, #tpu.memory_space<hbm>>
    %dma_start3A_18 = arith.constant 0 : i32
    %dma_start3A_19 = tpu.memref_slice %arg7[%dma_start3A_18] : memref<2000xi32, #tpu.memory_space<vmem>> -> memref<1000xi32, #tpu.memory_space<vmem>>
    %dma_start3A_20 = tpu.memref_slice %arg4[%multiple_of3A] : memref<128000xi32, #tpu.memory_space<hbm>> -> memref<1000xi32, #tpu.memory_space<hbm>>
    tpu.enqueue_dma source(%dma_start3A_20 : memref<1000xi32, #tpu.memory_space<hbm>>) target(%dma_start3A_19 : memref<1000xi32, #tpu.memory_space<vmem>>) target_semaphore(%arg25 : memref<!tpu.dma_semaphore, #tpu.memory_space<semaphore_mem>>)
    %dma_start3A_21 = arith.constant 0 : i32
    %dma_start3A_22 = tpu.memref_slice %arg8[%dma_start3A_21] : memref<2000xi32, #tpu.memory_space<vmem>> -> memref<1000xi32, #tpu.memory_space<vmem>>
    %dma_start3A_23 = tpu.memref_slice %arg5[%multiple_of3A] : memref<128000xi32, #tpu.memory_space<hbm>> -> memref<1000xi32, #tpu.memory_space<hbm>>
    %dma_start3A_24 = arith.constant 0 : i32
    %dma_start3A_25 = tpu.memref_slice %arg8[%dma_start3A_24] : memref<2000xi32, #tpu.memory_space<vmem>> -> memref<1000xi32, #tpu.memory_space<vmem>>
    %dma_start3A_26 = tpu.memref_slice %arg5[%multiple_of3A] : memref<128000xi32, #tpu.memory_space<hbm>> -> memref<1000xi32, #tpu.memory_space<hbm>>
    tpu.enqueue_dma source(%dma_start3A_26 : memref<1000xi32, #tpu.memory_space<hbm>>) target(%dma_start3A_25 : memref<1000xi32, #tpu.memory_space<vmem>>) target_semaphore(%arg25 : memref<!tpu.dma_semaphore, #tpu.memory_space<semaphore_mem>>)
    %dma_start3A_27 = arith.constant 0 : i32
    %dma_start3A_28 = tpu.memref_slice %arg9[%dma_start3A_27] : memref<2000xi32, #tpu.memory_space<vmem>> -> memref<1000xi32, #tpu.memory_space<vmem>>
    %dma_start3A_29 = tpu.memref_slice %arg4[%add3A_15] : memref<128000xi32, #tpu.memory_space<hbm>> -> memref<1000xi32, #tpu.memory_space<hbm>>
    %dma_start3A_30 = arith.constant 0 : i32
    %dma_start3A_31 = tpu.memref_slice %arg9[%dma_start3A_30] : memref<2000xi32, #tpu.memory_space<vmem>> -> memref<1000xi32, #tpu.memory_space<vmem>>
    %dma_start3A_32 = tpu.memref_slice %arg4[%add3A_15] : memref<128000xi32, #tpu.memory_space<hbm>> -> memref<1000xi32, #tpu.memory_space<hbm>>
    tpu.enqueue_dma source(%dma_start3A_32 : memref<1000xi32, #tpu.memory_space<hbm>>) target(%dma_start3A_31 : memref<1000xi32, #tpu.memory_space<vmem>>) target_semaphore(%arg25 : memref<!tpu.dma_semaphore, #tpu.memory_space<semaphore_mem>>)
    %dma_start3A_33 = arith.constant 0 : i32
    %dma_start3A_34 = tpu.memref_slice %arg10[%dma_start3A_33] : memref<2000xi32, #tpu.memory_space<vmem>> -> memref<1000xi32, #tpu.memory_space<vmem>>
    %dma_start3A_35 = tpu.memref_slice %arg5[%add3A_15] : memref<128000xi32, #tpu.memory_space<hbm>> -> memref<1000xi32, #tpu.memory_space<hbm>>
    %dma_start3A_36 = arith.constant 0 : i32
    %dma_start3A_37 = tpu.memref_slice %arg10[%dma_start3A_36] : memref<2000xi32, #tpu.memory_space<vmem>> -> memref<1000xi32, #tpu.memory_space<vmem>>
    %dma_start3A_38 = tpu.memref_slice %arg5[%add3A_15] : memref<128000xi32, #tpu.memory_space<hbm>> -> memref<1000xi32, #tpu.memory_space<hbm>>
    tpu.enqueue_dma source(%dma_start3A_38 : memref<1000xi32, #tpu.memory_space<hbm>>) target(%dma_start3A_37 : memref<1000xi32, #tpu.memory_space<vmem>>) target_semaphore(%arg25 : memref<!tpu.dma_semaphore, #tpu.memory_space<semaphore_mem>>)
    %mul3A_39 = arith.constant 2 : i32
    %mul3A_40 = arith.muli %add3A, %mul3A_39 : i32
    %add3A_41 = arith.constant 1 : i32
    %add3A_42 = arith.addi %mul3A_40, %add3A_41 : i32
    %shift_right_arithmetic3A_43 = arith.constant 1 : i32
    %shift_right_arithmetic3A_44 = arith.shrsi %add3A_42, %shift_right_arithmetic3A_43 : i32
    %and3A_45 = arith.constant 1 : i32
    %and3A_46 = arith.andi %add3A_42, %and3A_45 : i32
    %mul3A_47 = arith.constant 1000 : i32
    %mul3A_48 = arith.muli %and3A_46, %mul3A_47 : i32
    %mul3A_49 = arith.constant 4000 : i32
    %mul3A_50 = arith.muli %mul3A_49, %shift_right_arithmetic3A_44 : i32
    %add3A_51 = arith.addi %mul3A_50, %mul3A_48 : i32
    %multiple_of3A_52 = tpu.assume_multiple %add3A_51, 8 : i32
    %add3A_53 = arith.constant 2000 : i32
    %add3A_54 = arith.addi %multiple_of3A_52, %add3A_53 : i32
    %dma_start3A_55 = arith.constant 1000 : i32
    %dma_start3A_56 = tpu.memref_slice %arg7[%dma_start3A_55] : memref<2000xi32, #tpu.memory_space<vmem>> -> memref<1000xi32, #tpu.memory_space<vmem>>
    %dma_start3A_57 = tpu.memref_slice %arg4[%multiple_of3A_52] : memref<128000xi32, #tpu.memory_space<hbm>> -> memref<1000xi32, #tpu.memory_space<hbm>>
    %dma_start3A_58 = arith.constant 1000 : i32
    %dma_start3A_59 = tpu.memref_slice %arg7[%dma_start3A_58] : memref<2000xi32, #tpu.memory_space<vmem>> -> memref<1000xi32, #tpu.memory_space<vmem>>
    %dma_start3A_60 = tpu.memref_slice %arg4[%multiple_of3A_52] : memref<128000xi32, #tpu.memory_space<hbm>> -> memref<1000xi32, #tpu.memory_space<hbm>>
    tpu.enqueue_dma source(%dma_start3A_60 : memref<1000xi32, #tpu.memory_space<hbm>>) target(%dma_start3A_59 : memref<1000xi32, #tpu.memory_space<vmem>>) target_semaphore(%arg25 : memref<!tpu.dma_semaphore, #tpu.memory_space<semaphore_mem>>)
    %dma_start3A_61 = arith.constant 1000 : i32
    %dma_start3A_62 = tpu.memref_slice %arg8[%dma_start3A_61] : memref<2000xi32, #tpu.memory_space<vmem>> -> memref<1000xi32, #tpu.memory_space<vmem>>
    %dma_start3A_63 = tpu.memref_slice %arg5[%multiple_of3A_52] : memref<128000xi32, #tpu.memory_space<hbm>> -> memref<1000xi32, #tpu.memory_space<hbm>>
    %dma_start3A_64 = arith.constant 1000 : i32
    %dma_start3A_65 = tpu.memref_slice %arg8[%dma_start3A_64] : memref<2000xi32, #tpu.memory_space<vmem>> -> memref<1000xi32, #tpu.memory_space<vmem>>
    %dma_start3A_66 = tpu.memref_slice %arg5[%multiple_of3A_52] : memref<128000xi32, #tpu.memory_space<hbm>> -> memref<1000xi32, #tpu.memory_space<hbm>>
    tpu.enqueue_dma source(%dma_start3A_66 : memref<1000xi32, #tpu.memory_space<hbm>>) target(%dma_start3A_65 : memref<1000xi32, #tpu.memory_space<vmem>>) target_semaphore(%arg25 : memref<!tpu.dma_semaphore, #tpu.memory_space<semaphore_mem>>)
    %dma_start3A_67 = arith.constant 1000 : i32
    %dma_start3A_68 = tpu.memref_slice %arg9[%dma_start3A_67] : memref<2000xi32, #tpu.memory_space<vmem>> -> memref<1000xi32, #tpu.memory_space<vmem>>
    %dma_start3A_69 = tpu.memref_slice %arg4[%add3A_54] : memref<128000xi32, #tpu.memory_space<hbm>> -> memref<1000xi32, #tpu.memory_space<hbm>>
    %dma_start3A_70 = arith.constant 1000 : i32
    %dma_start3A_71 = tpu.memref_slice %arg9[%dma_start3A_70] : memref<2000xi32, #tpu.memory_space<vmem>> -> memref<1000xi32, #tpu.memory_space<vmem>>
    %dma_start3A_72 = tpu.memref_slice %arg4[%add3A_54] : memref<128000xi32, #tpu.memory_space<hbm>> -> memref<1000xi32, #tpu.memory_space<hbm>>
    tpu.enqueue_dma source(%dma_start3A_72 : memref<1000xi32, #tpu.memory_space<hbm>>) target(%dma_start3A_71 : memref<1000xi32, #tpu.memory_space<vmem>>) target_semaphore(%arg25 : memref<!tpu.dma_semaphore, #tpu.memory_space<semaphore_mem>>)
    %dma_start3A_73 = arith.constant 1000 : i32
    %dma_start3A_74 = tpu.memref_slice %arg10[%dma_start3A_73] : memref<2000xi32, #tpu.memory_space<vmem>> -> memref<1000xi32, #tpu.memory_space<vmem>>
    %dma_start3A_75 = tpu.memref_slice %arg5[%add3A_54] : memref<128000xi32, #tpu.memory_space<hbm>> -> memref<1000xi32, #tpu.memory_space<hbm>>
    %dma_start3A_76 = arith.constant 1000 : i32
    %dma_start3A_77 = tpu.memref_slice %arg10[%dma_start3A_76] : memref<2000xi32, #tpu.memory_space<vmem>> -> memref<1000xi32, #tpu.memory_space<vmem>>
    %dma_start3A_78 = tpu.memref_slice %arg5[%add3A_54] : memref<128000xi32, #tpu.memory_space<hbm>> -> memref<1000xi32, #tpu.memory_space<hbm>>
    tpu.enqueue_dma source(%dma_start3A_78 : memref<1000xi32, #tpu.memory_space<hbm>>) target(%dma_start3A_77 : memref<1000xi32, #tpu.memory_space<vmem>>) target_semaphore(%arg25 : memref<!tpu.dma_semaphore, #tpu.memory_space<semaphore_mem>>)
    %dma_wait3A = arith.constant 0 : i32
    %dma_wait3A_79 = tpu.memref_slice %arg7[%dma_wait3A] : memref<2000xi32, #tpu.memory_space<vmem>> -> memref<1000xi32, #tpu.memory_space<vmem>>
    %dma_wait3A_80 = tpu.memref_slice %arg4[%multiple_of3A] : memref<128000xi32, #tpu.memory_space<hbm>> -> memref<1000xi32, #tpu.memory_space<hbm>>
    %dma_wait3A_81 = arith.constant 0 : i32
    %dma_wait3A_82 = tpu.memref_slice %arg7[%dma_wait3A_81] : memref<2000xi32, #tpu.memory_space<vmem>> -> memref<1000xi32, #tpu.memory_space<vmem>>
    %dma_wait3A_83 = tpu.memref_slice %arg4[%multiple_of3A] : memref<128000xi32, #tpu.memory_space<hbm>> -> memref<1000xi32, #tpu.memory_space<hbm>>
    tpu.wait_dma2 semaphore(%arg25 : memref<!tpu.dma_semaphore, #tpu.memory_space<semaphore_mem>>) src(%dma_wait3A_83 : memref<1000xi32, #tpu.memory_space<hbm>>) dst(%dma_wait3A_82 : memref<1000xi32, #tpu.memory_space<vmem>>)
    %dma_wait3A_84 = arith.constant 0 : i32
    %dma_wait3A_85 = tpu.memref_slice %arg8[%dma_wait3A_84] : memref<2000xi32, #tpu.memory_space<vmem>> -> memref<1000xi32, #tpu.memory_space<vmem>>
    %dma_wait3A_86 = tpu.memref_slice %arg5[%multiple_of3A] : memref<128000xi32, #tpu.memory_space<hbm>> -> memref<1000xi32, #tpu.memory_space<hbm>>
    %dma_wait3A_87 = arith.constant 0 : i32
    %dma_wait3A_88 = tpu.memref_slice %arg8[%dma_wait3A_87] : memref<2000xi32, #tpu.memory_space<vmem>> -> memref<1000xi32, #tpu.memory_space<vmem>>
    %dma_wait3A_89 = tpu.memref_slice %arg5[%multiple_of3A] : memref<128000xi32, #tpu.memory_space<hbm>> -> memref<1000xi32, #tpu.memory_space<hbm>>
    tpu.wait_dma2 semaphore(%arg25 : memref<!tpu.dma_semaphore, #tpu.memory_space<semaphore_mem>>) src(%dma_wait3A_89 : memref<1000xi32, #tpu.memory_space<hbm>>) dst(%dma_wait3A_88 : memref<1000xi32, #tpu.memory_space<vmem>>)
    %dma_wait3A_90 = arith.constant 0 : i32
    %dma_wait3A_91 = tpu.memref_slice %arg9[%dma_wait3A_90] : memref<2000xi32, #tpu.memory_space<vmem>> -> memref<1000xi32, #tpu.memory_space<vmem>>
    %dma_wait3A_92 = tpu.memref_slice %arg4[%add3A_15] : memref<128000xi32, #tpu.memory_space<hbm>> -> memref<1000xi32, #tpu.memory_space<hbm>>
    %dma_wait3A_93 = arith.constant 0 : i32
    %dma_wait3A_94 = tpu.memref_slice %arg9[%dma_wait3A_93] : memref<2000xi32, #tpu.memory_space<vmem>> -> memref<1000xi32, #tpu.memory_space<vmem>>
    %dma_wait3A_95 = tpu.memref_slice %arg4[%add3A_15] : memref<128000xi32, #tpu.memory_space<hbm>> -> memref<1000xi32, #tpu.memory_space<hbm>>
    tpu.wait_dma2 semaphore(%arg25 : memref<!tpu.dma_semaphore, #tpu.memory_space<semaphore_mem>>) src(%dma_wait3A_95 : memref<1000xi32, #tpu.memory_space<hbm>>) dst(%dma_wait3A_94 : memref<1000xi32, #tpu.memory_space<vmem>>)
    %dma_wait3A_96 = arith.constant 0 : i32
    %dma_wait3A_97 = tpu.memref_slice %arg10[%dma_wait3A_96] : memref<2000xi32, #tpu.memory_space<vmem>> -> memref<1000xi32, #tpu.memory_space<vmem>>
    %dma_wait3A_98 = tpu.memref_slice %arg5[%add3A_15] : memref<128000xi32, #tpu.memory_space<hbm>> -> memref<1000xi32, #tpu.memory_space<hbm>>
    %dma_wait3A_99 = arith.constant 0 : i32
    %dma_wait3A_100 = tpu.memref_slice %arg10[%dma_wait3A_99] : memref<2000xi32, #tpu.memory_space<vmem>> -> memref<1000xi32, #tpu.memory_space<vmem>>
    %dma_wait3A_101 = tpu.memref_slice %arg5[%add3A_15] : memref<128000xi32, #tpu.memory_space<hbm>> -> memref<1000xi32, #tpu.memory_space<hbm>>
    tpu.wait_dma2 semaphore(%arg25 : memref<!tpu.dma_semaphore, #tpu.memory_space<semaphore_mem>>) src(%dma_wait3A_101 : memref<1000xi32, #tpu.memory_space<hbm>>) dst(%dma_wait3A_100 : memref<1000xi32, #tpu.memory_space<vmem>>)
    %dma_wait3A_102 = arith.constant 1000 : i32
    %dma_wait3A_103 = tpu.memref_slice %arg7[%dma_wait3A_102] : memref<2000xi32, #tpu.memory_space<vmem>> -> memref<1000xi32, #tpu.memory_space<vmem>>
    %dma_wait3A_104 = tpu.memref_slice %arg4[%multiple_of3A_52] : memref<128000xi32, #tpu.memory_space<hbm>> -> memref<1000xi32, #tpu.memory_space<hbm>>
    %dma_wait3A_105 = arith.constant 1000 : i32
    %dma_wait3A_106 = tpu.memref_slice %arg7[%dma_wait3A_105] : memref<2000xi32, #tpu.memory_space<vmem>> -> memref<1000xi32, #tpu.memory_space<vmem>>
    %dma_wait3A_107 = tpu.memref_slice %arg4[%multiple_of3A_52] : memref<128000xi32, #tpu.memory_space<hbm>> -> memref<1000xi32, #tpu.memory_space<hbm>>
    tpu.wait_dma2 semaphore(%arg25 : memref<!tpu.dma_semaphore, #tpu.memory_space<semaphore_mem>>) src(%dma_wait3A_107 : memref<1000xi32, #tpu.memory_space<hbm>>) dst(%dma_wait3A_106 : memref<1000xi32, #tpu.memory_space<vmem>>)
    %dma_wait3A_108 = arith.constant 1000 : i32
    %dma_wait3A_109 = tpu.memref_slice %arg8[%dma_wait3A_108] : memref<2000xi32, #tpu.memory_space<vmem>> -> memref<1000xi32, #tpu.memory_space<vmem>>
    %dma_wait3A_110 = tpu.memref_slice %arg5[%multiple_of3A_52] : memref<128000xi32, #tpu.memory_space<hbm>> -> memref<1000xi32, #tpu.memory_space<hbm>>
    %dma_wait3A_111 = arith.constant 1000 : i32
    %dma_wait3A_112 = tpu.memref_slice %arg8[%dma_wait3A_111] : memref<2000xi32, #tpu.memory_space<vmem>> -> memref<1000xi32, #tpu.memory_space<vmem>>
    %dma_wait3A_113 = tpu.memref_slice %arg5[%multiple_of3A_52] : memref<128000xi32, #tpu.memory_space<hbm>> -> memref<1000xi32, #tpu.memory_space<hbm>>
    tpu.wait_dma2 semaphore(%arg25 : memref<!tpu.dma_semaphore, #tpu.memory_space<semaphore_mem>>) src(%dma_wait3A_113 : memref<1000xi32, #tpu.memory_space<hbm>>) dst(%dma_wait3A_112 : memref<1000xi32, #tpu.memory_space<vmem>>)
    %dma_wait3A_114 = arith.constant 1000 : i32
    %dma_wait3A_115 = tpu.memref_slice %arg9[%dma_wait3A_114] : memref<2000xi32, #tpu.memory_space<vmem>> -> memref<1000xi32, #tpu.memory_space<vmem>>
    %dma_wait3A_116 = tpu.memref_slice %arg4[%add3A_54] : memref<128000xi32, #tpu.memory_space<hbm>> -> memref<1000xi32, #tpu.memory_space<hbm>>
    %dma_wait3A_117 = arith.constant 1000 : i32
    %dma_wait3A_118 = tpu.memref_slice %arg9[%dma_wait3A_117] : memref<2000xi32, #tpu.memory_space<vmem>> -> memref<1000xi32, #tpu.memory_space<vmem>>
    %dma_wait3A_119 = tpu.memref_slice %arg4[%add3A_54] : memref<128000xi32, #tpu.memory_space<hbm>> -> memref<1000xi32, #tpu.memory_space<hbm>>
    tpu.wait_dma2 semaphore(%arg25 : memref<!tpu.dma_semaphore, #tpu.memory_space<semaphore_mem>>) src(%dma_wait3A_119 : memref<1000xi32, #tpu.memory_space<hbm>>) dst(%dma_wait3A_118 : memref<1000xi32, #tpu.memory_space<vmem>>)
    %dma_wait3A_120 = arith.constant 1000 : i32
    %dma_wait3A_121 = tpu.memref_slice %arg10[%dma_wait3A_120] : memref<2000xi32, #tpu.memory_space<vmem>> -> memref<1000xi32, #tpu.memory_space<vmem>>
    %dma_wait3A_122 = tpu.memref_slice %arg5[%add3A_54] : memref<128000xi32, #tpu.memory_space<hbm>> -> memref<1000xi32, #tpu.memory_space<hbm>>
    %dma_wait3A_123 = arith.constant 1000 : i32
    %dma_wait3A_124 = tpu.memref_slice %arg10[%dma_wait3A_123] : memref<2000xi32, #tpu.memory_space<vmem>> -> memref<1000xi32, #tpu.memory_space<vmem>>
    %dma_wait3A_125 = tpu.memref_slice %arg5[%add3A_54] : memref<128000xi32, #tpu.memory_space<hbm>> -> memref<1000xi32, #tpu.memory_space<hbm>>
    tpu.wait_dma2 semaphore(%arg25 : memref<!tpu.dma_semaphore, #tpu.memory_space<semaphore_mem>>) src(%dma_wait3A_125 : memref<1000xi32, #tpu.memory_space<hbm>>) dst(%dma_wait3A_124 : memref<1000xi32, #tpu.memory_space<vmem>>)
    %dma_start3A_126 = arith.constant 0 : i32
    %dma_start3A_127 = tpu.memref_slice %arg7[%dma_start3A_126] : memref<2000xi32, #tpu.memory_space<vmem>> -> memref<40xi32, #tpu.memory_space<vmem>>
    %dma_start3A_128 = arith.constant 0 : i32
    %dma_start3A_129 = arith.constant 0 : i32
    %dma_start3A_130 = tpu.memref_slice %arg2[%dma_start3A_128, %dma_start3A_129] : memref<10000x128xf32, #tpu.memory_space<hbm>> -> memref<10000x128xf32, #tpu.memory_space<hbm>>
    tpu.enqueue_indirect_dma source(%dma_start3A_130 : memref<10000x128xf32, #tpu.memory_space<hbm>>) target(%arg11 : memref<40x128xf32, #tpu.memory_space<vmem>>) offsets(%dma_start3A_127 : memref<40xi32, #tpu.memory_space<vmem>>) semaphore(%arg21 : memref<!tpu.dma_semaphore, #tpu.memory_space<semaphore_mem>>)
    %dma_start3A_131 = arith.constant 0 : i32
    %dma_start3A_132 = tpu.memref_slice %arg8[%dma_start3A_131] : memref<2000xi32, #tpu.memory_space<vmem>> -> memref<40xi32, #tpu.memory_space<vmem>>
    %dma_start3A_133 = arith.constant 0 : i32
    %dma_start3A_134 = arith.constant 0 : i32
    %dma_start3A_135 = tpu.memref_slice %arg3[%dma_start3A_133, %dma_start3A_134] : memref<10000x128xf32, #tpu.memory_space<hbm>> -> memref<10000x128xf32, #tpu.memory_space<hbm>>
    tpu.enqueue_indirect_dma source(%dma_start3A_135 : memref<10000x128xf32, #tpu.memory_space<hbm>>) target(%arg12 : memref<40x128xf32, #tpu.memory_space<vmem>>) offsets(%dma_start3A_132 : memref<40xi32, #tpu.memory_space<vmem>>) semaphore(%arg21 : memref<!tpu.dma_semaphore, #tpu.memory_space<semaphore_mem>>)
    %dma_start3A_136 = arith.constant 0 : i32
    %dma_start3A_137 = tpu.memref_slice %arg9[%dma_start3A_136] : memref<2000xi32, #tpu.memory_space<vmem>> -> memref<40xi32, #tpu.memory_space<vmem>>
    %dma_start3A_138 = arith.constant 0 : i32
    %dma_start3A_139 = arith.constant 0 : i32
    %dma_start3A_140 = tpu.memref_slice %arg2[%dma_start3A_138, %dma_start3A_139] : memref<10000x128xf32, #tpu.memory_space<hbm>> -> memref<10000x128xf32, #tpu.memory_space<hbm>>
    tpu.enqueue_indirect_dma source(%dma_start3A_140 : memref<10000x128xf32, #tpu.memory_space<hbm>>) target(%arg13 : memref<40x128xf32, #tpu.memory_space<vmem>>) offsets(%dma_start3A_137 : memref<40xi32, #tpu.memory_space<vmem>>) semaphore(%arg21 : memref<!tpu.dma_semaphore, #tpu.memory_space<semaphore_mem>>)
    %dma_start3A_141 = arith.constant 0 : i32
    %dma_start3A_142 = tpu.memref_slice %arg10[%dma_start3A_141] : memref<2000xi32, #tpu.memory_space<vmem>> -> memref<40xi32, #tpu.memory_space<vmem>>
    %dma_start3A_143 = arith.constant 0 : i32
    %dma_start3A_144 = arith.constant 0 : i32
    %dma_start3A_145 = tpu.memref_slice %arg3[%dma_start3A_143, %dma_start3A_144] : memref<10000x128xf32, #tpu.memory_space<hbm>> -> memref<10000x128xf32, #tpu.memory_space<hbm>>
    tpu.enqueue_indirect_dma source(%dma_start3A_145 : memref<10000x128xf32, #tpu.memory_space<hbm>>) target(%arg14 : memref<40x128xf32, #tpu.memory_space<vmem>>) offsets(%dma_start3A_142 : memref<40xi32, #tpu.memory_space<vmem>>) semaphore(%arg21 : memref<!tpu.dma_semaphore, #tpu.memory_space<semaphore_mem>>)
    %scan3A = arith.constant 0 : i32
    %scan3A_146 = arith.constant 0 : i32
    %scan3A_147 = arith.constant 25 : i32
    %scan3A_148 = arith.addi %scan3A_146, %scan3A_147 : i32
    %scan3A_149 = arith.constant 1 : i32
    scf.for %scan3A_163 = %scan3A_146 to %scan3A_148 step %scan3A_149  : i32 {
      %mul3A_164 = arith.constant 2 : i32
      %mul3A_165 = arith.muli %mul3A_164, %scan3A_163 : i32
      %add3A_166 = arith.constant 1 : i32
      %add3A_167 = arith.addi %mul3A_165, %add3A_166 : i32
      %mul3A_168 = arith.constant 40 : i32
      %mul3A_169 = arith.muli %add3A_167, %mul3A_168 : i32
      %dma_start3A_170 = tpu.memref_slice %arg7[%mul3A_169] : memref<2000xi32, #tpu.memory_space<vmem>> -> memref<40xi32, #tpu.memory_space<vmem>>
      %dma_start3A_171 = arith.constant 0 : i32
      %dma_start3A_172 = arith.constant 0 : i32
      %dma_start3A_173 = tpu.memref_slice %arg2[%dma_start3A_171, %dma_start3A_172] : memref<10000x128xf32, #tpu.memory_space<hbm>> -> memref<10000x128xf32, #tpu.memory_space<hbm>>
      tpu.enqueue_indirect_dma source(%dma_start3A_173 : memref<10000x128xf32, #tpu.memory_space<hbm>>) target(%arg15 : memref<40x128xf32, #tpu.memory_space<vmem>>) offsets(%dma_start3A_170 : memref<40xi32, #tpu.memory_space<vmem>>) semaphore(%arg22 : memref<!tpu.dma_semaphore, #tpu.memory_space<semaphore_mem>>)
      %dma_start3A_174 = tpu.memref_slice %arg8[%mul3A_169] : memref<2000xi32, #tpu.memory_space<vmem>> -> memref<40xi32, #tpu.memory_space<vmem>>
      %dma_start3A_175 = arith.constant 0 : i32
      %dma_start3A_176 = arith.constant 0 : i32
      %dma_start3A_177 = tpu.memref_slice %arg3[%dma_start3A_175, %dma_start3A_176] : memref<10000x128xf32, #tpu.memory_space<hbm>> -> memref<10000x128xf32, #tpu.memory_space<hbm>>
      tpu.enqueue_indirect_dma source(%dma_start3A_177 : memref<10000x128xf32, #tpu.memory_space<hbm>>) target(%arg16 : memref<40x128xf32, #tpu.memory_space<vmem>>) offsets(%dma_start3A_174 : memref<40xi32, #tpu.memory_space<vmem>>) semaphore(%arg22 : memref<!tpu.dma_semaphore, #tpu.memory_space<semaphore_mem>>)
      %dma_start3A_178 = tpu.memref_slice %arg9[%mul3A_169] : memref<2000xi32, #tpu.memory_space<vmem>> -> memref<40xi32, #tpu.memory_space<vmem>>
      %dma_start3A_179 = arith.constant 0 : i32
      %dma_start3A_180 = arith.constant 0 : i32
      %dma_start3A_181 = tpu.memref_slice %arg2[%dma_start3A_179, %dma_start3A_180] : memref<10000x128xf32, #tpu.memory_space<hbm>> -> memref<10000x128xf32, #tpu.memory_space<hbm>>
      tpu.enqueue_indirect_dma source(%dma_start3A_181 : memref<10000x128xf32, #tpu.memory_space<hbm>>) target(%arg17 : memref<40x128xf32, #tpu.memory_space<vmem>>) offsets(%dma_start3A_178 : memref<40xi32, #tpu.memory_space<vmem>>) semaphore(%arg22 : memref<!tpu.dma_semaphore, #tpu.memory_space<semaphore_mem>>)
      %dma_start3A_182 = tpu.memref_slice %arg10[%mul3A_169] : memref<2000xi32, #tpu.memory_space<vmem>> -> memref<40xi32, #tpu.memory_space<vmem>>
      %dma_start3A_183 = arith.constant 0 : i32
      %dma_start3A_184 = arith.constant 0 : i32
      %dma_start3A_185 = tpu.memref_slice %arg3[%dma_start3A_183, %dma_start3A_184] : memref<10000x128xf32, #tpu.memory_space<hbm>> -> memref<10000x128xf32, #tpu.memory_space<hbm>>
      tpu.enqueue_indirect_dma source(%dma_start3A_185 : memref<10000x128xf32, #tpu.memory_space<hbm>>) target(%arg18 : memref<40x128xf32, #tpu.memory_space<vmem>>) offsets(%dma_start3A_182 : memref<40xi32, #tpu.memory_space<vmem>>) semaphore(%arg22 : memref<!tpu.dma_semaphore, #tpu.memory_space<semaphore_mem>>)
      %mul3A_186 = arith.constant 40 : i32
      %mul3A_187 = arith.muli %mul3A_165, %mul3A_186 : i32
      %dma_wait3A_188 = tpu.memref_slice %arg7[%mul3A_187] : memref<2000xi32, #tpu.memory_space<vmem>> -> memref<40xi32, #tpu.memory_space<vmem>>
      %dma_wait3A_189 = arith.constant 0 : i32
      %dma_wait3A_190 = arith.constant 0 : i32
      %dma_wait3A_191 = tpu.memref_slice %arg2[%dma_wait3A_189, %dma_wait3A_190] : memref<10000x128xf32, #tpu.memory_space<hbm>> -> memref<10000x128xf32, #tpu.memory_space<hbm>>
      tpu.wait_indirect_dma semaphore(%arg21 : memref<!tpu.dma_semaphore, #tpu.memory_space<semaphore_mem>>) src(%dma_wait3A_191 : memref<10000x128xf32, #tpu.memory_space<hbm>>) dst(%arg11 : memref<40x128xf32, #tpu.memory_space<vmem>>)
      %dma_wait3A_192 = tpu.memref_slice %arg8[%mul3A_187] : memref<2000xi32, #tpu.memory_space<vmem>> -> memref<40xi32, #tpu.memory_space<vmem>>
      %dma_wait3A_193 = arith.constant 0 : i32
      %dma_wait3A_194 = arith.constant 0 : i32
      %dma_wait3A_195 = tpu.memref_slice %arg3[%dma_wait3A_193, %dma_wait3A_194] : memref<10000x128xf32, #tpu.memory_space<hbm>> -> memref<10000x128xf32, #tpu.memory_space<hbm>>
      tpu.wait_indirect_dma semaphore(%arg21 : memref<!tpu.dma_semaphore, #tpu.memory_space<semaphore_mem>>) src(%dma_wait3A_195 : memref<10000x128xf32, #tpu.memory_space<hbm>>) dst(%arg12 : memref<40x128xf32, #tpu.memory_space<vmem>>)
      %dma_wait3A_196 = tpu.memref_slice %arg9[%mul3A_187] : memref<2000xi32, #tpu.memory_space<vmem>> -> memref<40xi32, #tpu.memory_space<vmem>>
      %dma_wait3A_197 = arith.constant 0 : i32
      %dma_wait3A_198 = arith.constant 0 : i32
      %dma_wait3A_199 = tpu.memref_slice %arg2[%dma_wait3A_197, %dma_wait3A_198] : memref<10000x128xf32, #tpu.memory_space<hbm>> -> memref<10000x128xf32, #tpu.memory_space<hbm>>
      tpu.wait_indirect_dma semaphore(%arg21 : memref<!tpu.dma_semaphore, #tpu.memory_space<semaphore_mem>>) src(%dma_wait3A_199 : memref<10000x128xf32, #tpu.memory_space<hbm>>) dst(%arg13 : memref<40x128xf32, #tpu.memory_space<vmem>>)
      %dma_wait3A_200 = tpu.memref_slice %arg10[%mul3A_187] : memref<2000xi32, #tpu.memory_space<vmem>> -> memref<40xi32, #tpu.memory_space<vmem>>
      %dma_wait3A_201 = arith.constant 0 : i32
      %dma_wait3A_202 = arith.constant 0 : i32
      %dma_wait3A_203 = tpu.memref_slice %arg3[%dma_wait3A_201, %dma_wait3A_202] : memref<10000x128xf32, #tpu.memory_space<hbm>> -> memref<10000x128xf32, #tpu.memory_space<hbm>>
      tpu.wait_indirect_dma semaphore(%arg21 : memref<!tpu.dma_semaphore, #tpu.memory_space<semaphore_mem>>) src(%dma_wait3A_203 : memref<10000x128xf32, #tpu.memory_space<hbm>>) dst(%arg14 : memref<40x128xf32, #tpu.memory_space<vmem>>)
      %gt3A = arith.constant 0 : i32
      %gt3A_204 = arith.cmpi sgt, %scan3A_163, %gt3A : i32
      %convert_element_type3A = arith.extui %gt3A_204 : i1 to i32
      %cond3A = arith.constant 0 : i32
      %cond3A_205 = arith.cmpi ne, %convert_element_type3A, %cond3A : i32
      scf.if %cond3A_205 {
        %sub3A = arith.constant 2 : i32
        %sub3A_261 = arith.subi %mul3A_165, %sub3A : i32
        %mul3A_262 = arith.constant 40 : i32
        %mul3A_263 = arith.muli %sub3A_261, %mul3A_262 : i32
        %add3A_264 = arith.addi %mul3A_2, %mul3A_263 : i32
        %dma_wait3A_265 = arith.constant 0 : i32
        %dma_wait3A_266 = tpu.memref_slice %arg6[%add3A_264, %dma_wait3A_265] : memref<64000x128xi32, #tpu.memory_space<hbm>> -> memref<40x128xi32, #tpu.memory_space<hbm>>
        %dma_wait3A_267 = arith.constant 0 : i32
        %dma_wait3A_268 = tpu.memref_slice %arg6[%add3A_264, %dma_wait3A_267] : memref<64000x128xi32, #tpu.memory_space<hbm>> -> memref<40x128xi32, #tpu.memory_space<hbm>>
        tpu.wait_dma2 semaphore(%arg23 : memref<!tpu.dma_semaphore, #tpu.memory_space<semaphore_mem>>) src(%arg19 : memref<40x128xi32, #tpu.memory_space<vmem>>) dst(%dma_wait3A_268 : memref<40x128xi32, #tpu.memory_space<hbm>>)
      } else {
      }
      %scan3A_206 = arith.constant 0 : i32
      %scan3A_207 = arith.constant 0 : i32
      %scan3A_208 = arith.constant 40 : i32
      %scan3A_209 = arith.addi %scan3A_207, %scan3A_208 : i32
      %scan3A_210 = arith.constant 1 : i32
      scf.for %scan3A_261 = %scan3A_207 to %scan3A_209 step %scan3A_210  : i32 {
        %get3A = arith.index_cast %scan3A_261 : i32 to index
        %get3A_262 = arith.constant 0 : index
        %get3A_263 = tpu.vector_load %arg11[%get3A, %get3A_262] {strides = array<i32>} : memref<40x128xf32, #tpu.memory_space<vmem>>, vector<1x16xf32>,
        %get3A_264 = vector.shape_cast %get3A_263 : vector<1x16xf32> to vector<16xf32>
        %get3A_265 = arith.index_cast %scan3A_261 : i32 to index
        %get3A_266 = arith.constant 0 : index
        %get3A_267 = tpu.vector_load %arg12[%get3A_265, %get3A_266] {strides = array<i32>} : memref<40x128xf32, #tpu.memory_space<vmem>>, vector<1x16xf32>,
        %get3A_268 = vector.shape_cast %get3A_267 : vector<1x16xf32> to vector<16xf32>
        %add3A_269 = arith.addf %get3A_264, %get3A_268 : vector<16xf32>
        %get3A_270 = arith.index_cast %scan3A_261 : i32 to index
        %get3A_271 = arith.constant 64 : index
        %get3A_272 = tpu.vector_load %arg11[%get3A_270, %get3A_271] {strides = array<i32>} : memref<40x128xf32, #tpu.memory_space<vmem>>, vector<1x16xf32>,
        %get3A_273 = vector.shape_cast %get3A_272 : vector<1x16xf32> to vector<16xf32>
        %get3A_274 = arith.index_cast %scan3A_261 : i32 to index
        %get3A_275 = arith.constant 64 : index
        %get3A_276 = tpu.vector_load %arg12[%get3A_274, %get3A_275] {strides = array<i32>} : memref<40x128xf32, #tpu.memory_space<vmem>>, vector<1x16xf32>,
        %get3A_277 = vector.shape_cast %get3A_276 : vector<1x16xf32> to vector<16xf32>
        %add3A_278 = arith.addf %get3A_273, %get3A_277 : vector<16xf32>
        %bitcast_convert_type3A = tpu.bitcast %add3A_269 : vector<16xf32> -> vector<16xi32>
        %bitcast_convert_type3A_279 = tpu.bitcast %add3A_278 : vector<16xf32> -> vector<16xi32>
        %add3A_280 = arith.constant 32767 : i32
        %add3A_281 = vector.broadcast %add3A_280 : i32 to vector<16xi32>
        %add3A_282 = arith.addi %bitcast_convert_type3A, %add3A_281 : vector<16xi32>
        %shift_right_arithmetic3A_283 = arith.constant 16 : i32
        %shift_right_arithmetic3A_284 = vector.broadcast %shift_right_arithmetic3A_283 : i32 to vector<16xi32>
        %shift_right_arithmetic3A_285 = arith.shrsi %bitcast_convert_type3A, %shift_right_arithmetic3A_284 : vector<16xi32>
        %and3A_286 = arith.constant 1 : i32
        %and3A_287 = vector.broadcast %and3A_286 : i32 to vector<16xi32>
        %and3A_288 = arith.andi %shift_right_arithmetic3A_285, %and3A_287 : vector<16xi32>
        %add3A_289 = arith.addi %add3A_282, %and3A_288 : vector<16xi32>
        %add3A_290 = arith.constant 32767 : i32
        %add3A_291 = vector.broadcast %add3A_290 : i32 to vector<16xi32>
        %add3A_292 = arith.addi %bitcast_convert_type3A_279, %add3A_291 : vector<16xi32>
        %shift_right_arithmetic3A_293 = arith.constant 16 : i32
        %shift_right_arithmetic3A_294 = vector.broadcast %shift_right_arithmetic3A_293 : i32 to vector<16xi32>
        %shift_right_arithmetic3A_295 = arith.shrsi %bitcast_convert_type3A_279, %shift_right_arithmetic3A_294 : vector<16xi32>
        %and3A_296 = arith.constant 1 : i32
        %and3A_297 = vector.broadcast %and3A_296 : i32 to vector<16xi32>
        %and3A_298 = arith.andi %shift_right_arithmetic3A_295, %and3A_297 : vector<16xi32>
        %add3A_299 = arith.addi %add3A_292, %and3A_298 : vector<16xi32>
        %shift_right_arithmetic3A_300 = arith.constant 16 : i32
        %shift_right_arithmetic3A_301 = vector.broadcast %shift_right_arithmetic3A_300 : i32 to vector<16xi32>
        %shift_right_arithmetic3A_302 = arith.shrsi %add3A_289, %shift_right_arithmetic3A_301 : vector<16xi32>
        %and3A_303 = arith.constant 65535 : i32
        %and3A_304 = vector.broadcast %and3A_303 : i32 to vector<16xi32>
        %and3A_305 = arith.andi %shift_right_arithmetic3A_302, %and3A_304 : vector<16xi32>
        %and3A_306 = arith.constant -65536 : i32
        %and3A_307 = vector.broadcast %and3A_306 : i32 to vector<16xi32>
        %and3A_308 = arith.andi %add3A_299, %and3A_307 : vector<16xi32>
        %or3A = arith.ori %and3A_305, %and3A_308 : vector<16xi32>
        %swap3A = arith.index_cast %scan3A_261 : i32 to index
        %swap3A_309 = arith.constant 0 : index
        %swap3A_310 = tpu.vector_load %arg19[%swap3A, %swap3A_309] {strides = array<i32>} : memref<40x128xi32, #tpu.memory_space<vmem>>, vector<1x16xi32>,
        %swap3A_311 = vector.shape_cast %swap3A_310 : vector<1x16xi32> to vector<16xi32>
        %swap3A_312 = vector.shape_cast %or3A : vector<16xi32> to vector<1x16xi32>
        tpu.vector_store %arg19[%swap3A, %swap3A_309], %swap3A_312 {strides = array<i32>} : memref<40x128xi32, #tpu.memory_space<vmem>>, vector<1x16xi32>,
        %get3A_313 = arith.index_cast %scan3A_261 : i32 to index
        %get3A_314 = arith.constant 0 : index
        %get3A_315 = tpu.vector_load %arg13[%get3A_313, %get3A_314] {strides = array<i32>} : memref<40x128xf32, #tpu.memory_space<vmem>>, vector<1x16xf32>,
        %get3A_316 = vector.shape_cast %get3A_315 : vector<1x16xf32> to vector<16xf32>
        %get3A_317 = arith.index_cast %scan3A_261 : i32 to index
        %get3A_318 = arith.constant 0 : index
        %get3A_319 = tpu.vector_load %arg14[%get3A_317, %get3A_318] {strides = array<i32>} : memref<40x128xf32, #tpu.memory_space<vmem>>, vector<1x16xf32>,
        %get3A_320 = vector.shape_cast %get3A_319 : vector<1x16xf32> to vector<16xf32>
        %add3A_321 = arith.addf %get3A_316, %get3A_320 : vector<16xf32>
        %get3A_322 = arith.index_cast %scan3A_261 : i32 to index
        %get3A_323 = arith.constant 64 : index
        %get3A_324 = tpu.vector_load %arg13[%get3A_322, %get3A_323] {strides = array<i32>} : memref<40x128xf32, #tpu.memory_space<vmem>>, vector<1x16xf32>,
        %get3A_325 = vector.shape_cast %get3A_324 : vector<1x16xf32> to vector<16xf32>
        %get3A_326 = arith.index_cast %scan3A_261 : i32 to index
        %get3A_327 = arith.constant 64 : index
        %get3A_328 = tpu.vector_load %arg14[%get3A_326, %get3A_327] {strides = array<i32>} : memref<40x128xf32, #tpu.memory_space<vmem>>, vector<1x16xf32>,
        %get3A_329 = vector.shape_cast %get3A_328 : vector<1x16xf32> to vector<16xf32>
        %add3A_330 = arith.addf %get3A_325, %get3A_329 : vector<16xf32>
        %bitcast_convert_type3A_331 = tpu.bitcast %add3A_321 : vector<16xf32> -> vector<16xi32>
        %bitcast_convert_type3A_332 = tpu.bitcast %add3A_330 : vector<16xf32> -> vector<16xi32>
        %add3A_333 = arith.constant 32767 : i32
        %add3A_334 = vector.broadcast %add3A_333 : i32 to vector<16xi32>
        %add3A_335 = arith.addi %bitcast_convert_type3A_331, %add3A_334 : vector<16xi32>
        %shift_right_arithmetic3A_336 = arith.constant 16 : i32
        %shift_right_arithmetic3A_337 = vector.broadcast %shift_right_arithmetic3A_336 : i32 to vector<16xi32>
        %shift_right_arithmetic3A_338 = arith.shrsi %bitcast_convert_type3A_331, %shift_right_arithmetic3A_337 : vector<16xi32>
        %and3A_339 = arith.constant 1 : i32
        %and3A_340 = vector.broadcast %and3A_339 : i32 to vector<16xi32>
        %and3A_341 = arith.andi %shift_right_arithmetic3A_338, %and3A_340 : vector<16xi32>
        %add3A_342 = arith.addi %add3A_335, %and3A_341 : vector<16xi32>
        %add3A_343 = arith.constant 32767 : i32
        %add3A_344 = vector.broadcast %add3A_343 : i32 to vector<16xi32>
        %add3A_345 = arith.addi %bitcast_convert_type3A_332, %add3A_344 : vector<16xi32>
        %shift_right_arithmetic3A_346 = arith.constant 16 : i32
        %shift_right_arithmetic3A_347 = vector.broadcast %shift_right_arithmetic3A_346 : i32 to vector<16xi32>
        %shift_right_arithmetic3A_348 = arith.shrsi %bitcast_convert_type3A_332, %shift_right_arithmetic3A_347 : vector<16xi32>
        %and3A_349 = arith.constant 1 : i32
        %and3A_350 = vector.broadcast %and3A_349 : i32 to vector<16xi32>
        %and3A_351 = arith.andi %shift_right_arithmetic3A_348, %and3A_350 : vector<16xi32>
        %add3A_352 = arith.addi %add3A_345, %and3A_351 : vector<16xi32>
        %shift_right_arithmetic3A_353 = arith.constant 16 : i32
        %shift_right_arithmetic3A_354 = vector.broadcast %shift_right_arithmetic3A_353 : i32 to vector<16xi32>
        %shift_right_arithmetic3A_355 = arith.shrsi %add3A_342, %shift_right_arithmetic3A_354 : vector<16xi32>
        %and3A_356 = arith.constant 65535 : i32
        %and3A_357 = vector.broadcast %and3A_356 : i32 to vector<16xi32>
        %and3A_358 = arith.andi %shift_right_arithmetic3A_355, %and3A_357 : vector<16xi32>
        %and3A_359 = arith.constant -65536 : i32
        %and3A_360 = vector.broadcast %and3A_359 : i32 to vector<16xi32>
        %and3A_361 = arith.andi %add3A_352, %and3A_360 : vector<16xi32>
        %or3A_362 = arith.ori %and3A_358, %and3A_361 : vector<16xi32>
        %swap3A_363 = arith.index_cast %scan3A_261 : i32 to index
        %swap3A_364 = arith.constant 64 : index
        %swap3A_365 = tpu.vector_load %arg19[%swap3A_363, %swap3A_364] {strides = array<i32>} : memref<40x128xi32, #tpu.memory_space<vmem>>, vector<1x16xi32>,
        %swap3A_366 = vector.shape_cast %swap3A_365 : vector<1x16xi32> to vector<16xi32>
        %swap3A_367 = vector.shape_cast %or3A_362 : vector<16xi32> to vector<1x16xi32>
        tpu.vector_store %arg19[%swap3A_363, %swap3A_364], %swap3A_367 {strides = array<i32>} : memref<40x128xi32, #tpu.memory_space<vmem>>, vector<1x16xi32>,
        %get3A_368 = arith.index_cast %scan3A_261 : i32 to index
        %get3A_369 = arith.constant 16 : index
        %get3A_370 = tpu.vector_load %arg11[%get3A_368, %get3A_369] {strides = array<i32>} : memref<40x128xf32, #tpu.memory_space<vmem>>, vector<1x16xf32>,
        %get3A_371 = vector.shape_cast %get3A_370 : vector<1x16xf32> to vector<16xf32>
        %get3A_372 = arith.index_cast %scan3A_261 : i32 to index
        %get3A_373 = arith.constant 16 : index
        %get3A_374 = tpu.vector_load %arg12[%get3A_372, %get3A_373] {strides = array<i32>} : memref<40x128xf32, #tpu.memory_space<vmem>>, vector<1x16xf32>,
        %get3A_375 = vector.shape_cast %get3A_374 : vector<1x16xf32> to vector<16xf32>
        %add3A_376 = arith.addf %get3A_371, %get3A_375 : vector<16xf32>
        %get3A_377 = arith.index_cast %scan3A_261 : i32 to index
        %get3A_378 = arith.constant 80 : index
        %get3A_379 = tpu.vector_load %arg11[%get3A_377, %get3A_378] {strides = array<i32>} : memref<40x128xf32, #tpu.memory_space<vmem>>, vector<1x16xf32>,
        %get3A_380 = vector.shape_cast %get3A_379 : vector<1x16xf32> to vector<16xf32>
        %get3A_381 = arith.index_cast %scan3A_261 : i32 to index
        %get3A_382 = arith.constant 80 : index
        %get3A_383 = tpu.vector_load %arg12[%get3A_381, %get3A_382] {strides = array<i32>} : memref<40x128xf32, #tpu.memory_space<vmem>>, vector<1x16xf32>,
        %get3A_384 = vector.shape_cast %get3A_383 : vector<1x16xf32> to vector<16xf32>
        %add3A_385 = arith.addf %get3A_380, %get3A_384 : vector<16xf32>
        %bitcast_convert_type3A_386 = tpu.bitcast %add3A_376 : vector<16xf32> -> vector<16xi32>
        %bitcast_convert_type3A_387 = tpu.bitcast %add3A_385 : vector<16xf32> -> vector<16xi32>
        %add3A_388 = arith.constant 32767 : i32
        %add3A_389 = vector.broadcast %add3A_388 : i32 to vector<16xi32>
        %add3A_390 = arith.addi %bitcast_convert_type3A_386, %add3A_389 : vector<16xi32>
        %shift_right_arithmetic3A_391 = arith.constant 16 : i32
        %shift_right_arithmetic3A_392 = vector.broadcast %shift_right_arithmetic3A_391 : i32 to vector<16xi32>
        %shift_right_arithmetic3A_393 = arith.shrsi %bitcast_convert_type3A_386, %shift_right_arithmetic3A_392 : vector<16xi32>
        %and3A_394 = arith.constant 1 : i32
        %and3A_395 = vector.broadcast %and3A_394 : i32 to vector<16xi32>
        %and3A_396 = arith.andi %shift_right_arithmetic3A_393, %and3A_395 : vector<16xi32>
        %add3A_397 = arith.addi %add3A_390, %and3A_396 : vector<16xi32>
        %add3A_398 = arith.constant 32767 : i32
        %add3A_399 = vector.broadcast %add3A_398 : i32 to vector<16xi32>
        %add3A_400 = arith.addi %bitcast_convert_type3A_387, %add3A_399 : vector<16xi32>
        %shift_right_arithmetic3A_401 = arith.constant 16 : i32
        %shift_right_arithmetic3A_402 = vector.broadcast %shift_right_arithmetic3A_401 : i32 to vector<16xi32>
        %shift_right_arithmetic3A_403 = arith.shrsi %bitcast_convert_type3A_387, %shift_right_arithmetic3A_402 : vector<16xi32>
        %and3A_404 = arith.constant 1 : i32
        %and3A_405 = vector.broadcast %and3A_404 : i32 to vector<16xi32>
        %and3A_406 = arith.andi %shift_right_arithmetic3A_403, %and3A_405 : vector<16xi32>
        %add3A_407 = arith.addi %add3A_400, %and3A_406 : vector<16xi32>
        %shift_right_arithmetic3A_408 = arith.constant 16 : i32
        %shift_right_arithmetic3A_409 = vector.broadcast %shift_right_arithmetic3A_408 : i32 to vector<16xi32>
        %shift_right_arithmetic3A_410 = arith.shrsi %add3A_397, %shift_right_arithmetic3A_409 : vector<16xi32>
        %and3A_411 = arith.constant 65535 : i32
        %and3A_412 = vector.broadcast %and3A_411 : i32 to vector<16xi32>
        %and3A_413 = arith.andi %shift_right_arithmetic3A_410, %and3A_412 : vector<16xi32>
        %and3A_414 = arith.constant -65536 : i32
        %and3A_415 = vector.broadcast %and3A_414 : i32 to vector<16xi32>
        %and3A_416 = arith.andi %add3A_407, %and3A_415 : vector<16xi32>
        %or3A_417 = arith.ori %and3A_413, %and3A_416 : vector<16xi32>
        %swap3A_418 = arith.index_cast %scan3A_261 : i32 to index
        %swap3A_419 = arith.constant 16 : index
        %swap3A_420 = tpu.vector_load %arg19[%swap3A_418, %swap3A_419] {strides = array<i32>} : memref<40x128xi32, #tpu.memory_space<vmem>>, vector<1x16xi32>,
        %swap3A_421 = vector.shape_cast %swap3A_420 : vector<1x16xi32> to vector<16xi32>
        %swap3A_422 = vector.shape_cast %or3A_417 : vector<16xi32> to vector<1x16xi32>
        tpu.vector_store %arg19[%swap3A_418, %swap3A_419], %swap3A_422 {strides = array<i32>} : memref<40x128xi32, #tpu.memory_space<vmem>>, vector<1x16xi32>,
        %get3A_423 = arith.index_cast %scan3A_261 : i32 to index
        %get3A_424 = arith.constant 16 : index
        %get3A_425 = tpu.vector_load %arg13[%get3A_423, %get3A_424] {strides = array<i32>} : memref<40x128xf32, #tpu.memory_space<vmem>>, vector<1x16xf32>,
        %get3A_426 = vector.shape_cast %get3A_425 : vector<1x16xf32> to vector<16xf32>
        %get3A_427 = arith.index_cast %scan3A_261 : i32 to index
        %get3A_428 = arith.constant 16 : index
        %get3A_429 = tpu.vector_load %arg14[%get3A_427, %get3A_428] {strides = array<i32>} : memref<40x128xf32, #tpu.memory_space<vmem>>, vector<1x16xf32>,
        %get3A_430 = vector.shape_cast %get3A_429 : vector<1x16xf32> to vector<16xf32>
        %add3A_431 = arith.addf %get3A_426, %get3A_430 : vector<16xf32>
        %get3A_432 = arith.index_cast %scan3A_261 : i32 to index
        %get3A_433 = arith.constant 80 : index
        %get3A_434 = tpu.vector_load %arg13[%get3A_432, %get3A_433] {strides = array<i32>} : memref<40x128xf32, #tpu.memory_space<vmem>>, vector<1x16xf32>,
        %get3A_435 = vector.shape_cast %get3A_434 : vector<1x16xf32> to vector<16xf32>
        %get3A_436 = arith.index_cast %scan3A_261 : i32 to index
        %get3A_437 = arith.constant 80 : index
        %get3A_438 = tpu.vector_load %arg14[%get3A_436, %get3A_437] {strides = array<i32>} : memref<40x128xf32, #tpu.memory_space<vmem>>, vector<1x16xf32>,
        %get3A_439 = vector.shape_cast %get3A_438 : vector<1x16xf32> to vector<16xf32>
        %add3A_440 = arith.addf %get3A_435, %get3A_439 : vector<16xf32>
        %bitcast_convert_type3A_441 = tpu.bitcast %add3A_431 : vector<16xf32> -> vector<16xi32>
        %bitcast_convert_type3A_442 = tpu.bitcast %add3A_440 : vector<16xf32> -> vector<16xi32>
        %add3A_443 = arith.constant 32767 : i32
        %add3A_444 = vector.broadcast %add3A_443 : i32 to vector<16xi32>
        %add3A_445 = arith.addi %bitcast_convert_type3A_441, %add3A_444 : vector<16xi32>
        %shift_right_arithmetic3A_446 = arith.constant 16 : i32
        %shift_right_arithmetic3A_447 = vector.broadcast %shift_right_arithmetic3A_446 : i32 to vector<16xi32>
        %shift_right_arithmetic3A_448 = arith.shrsi %bitcast_convert_type3A_441, %shift_right_arithmetic3A_447 : vector<16xi32>
        %and3A_449 = arith.constant 1 : i32
        %and3A_450 = vector.broadcast %and3A_449 : i32 to vector<16xi32>
        %and3A_451 = arith.andi %shift_right_arithmetic3A_448, %and3A_450 : vector<16xi32>
        %add3A_452 = arith.addi %add3A_445, %and3A_451 : vector<16xi32>
        %add3A_453 = arith.constant 32767 : i32
        %add3A_454 = vector.broadcast %add3A_453 : i32 to vector<16xi32>
        %add3A_455 = arith.addi %bitcast_convert_type3A_442, %add3A_454 : vector<16xi32>
        %shift_right_arithmetic3A_456 = arith.constant 16 : i32
        %shift_right_arithmetic3A_457 = vector.broadcast %shift_right_arithmetic3A_456 : i32 to vector<16xi32>
        %shift_right_arithmetic3A_458 = arith.shrsi %bitcast_convert_type3A_442, %shift_right_arithmetic3A_457 : vector<16xi32>
        %and3A_459 = arith.constant 1 : i32
        %and3A_460 = vector.broadcast %and3A_459 : i32 to vector<16xi32>
        %and3A_461 = arith.andi %shift_right_arithmetic3A_458, %and3A_460 : vector<16xi32>
        %add3A_462 = arith.addi %add3A_455, %and3A_461 : vector<16xi32>
        %shift_right_arithmetic3A_463 = arith.constant 16 : i32
        %shift_right_arithmetic3A_464 = vector.broadcast %shift_right_arithmetic3A_463 : i32 to vector<16xi32>
        %shift_right_arithmetic3A_465 = arith.shrsi %add3A_452, %shift_right_arithmetic3A_464 : vector<16xi32>
        %and3A_466 = arith.constant 65535 : i32
        %and3A_467 = vector.broadcast %and3A_466 : i32 to vector<16xi32>
        %and3A_468 = arith.andi %shift_right_arithmetic3A_465, %and3A_467 : vector<16xi32>
        %and3A_469 = arith.constant -65536 : i32
        %and3A_470 = vector.broadcast %and3A_469 : i32 to vector<16xi32>
        %and3A_471 = arith.andi %add3A_462, %and3A_470 : vector<16xi32>
        %or3A_472 = arith.ori %and3A_468, %and3A_471 : vector<16xi32>
        %swap3A_473 = arith.index_cast %scan3A_261 : i32 to index
        %swap3A_474 = arith.constant 80 : index
        %swap3A_475 = tpu.vector_load %arg19[%swap3A_473, %swap3A_474] {strides = array<i32>} : memref<40x128xi32, #tpu.memory_space<vmem>>, vector<1x16xi32>,
        %swap3A_476 = vector.shape_cast %swap3A_475 : vector<1x16xi32> to vector<16xi32>
        %swap3A_477 = vector.shape_cast %or3A_472 : vector<16xi32> to vector<1x16xi32>
        tpu.vector_store %arg19[%swap3A_473, %swap3A_474], %swap3A_477 {strides = array<i32>} : memref<40x128xi32, #tpu.memory_space<vmem>>, vector<1x16xi32>,
        %get3A_478 = arith.index_cast %scan3A_261 : i32 to index
        %get3A_479 = arith.constant 32 : index
        %get3A_480 = tpu.vector_load %arg11[%get3A_478, %get3A_479] {strides = array<i32>} : memref<40x128xf32, #tpu.memory_space<vmem>>, vector<1x16xf32>,
        %get3A_481 = vector.shape_cast %get3A_480 : vector<1x16xf32> to vector<16xf32>
        %get3A_482 = arith.index_cast %scan3A_261 : i32 to index
        %get3A_483 = arith.constant 32 : index
        %get3A_484 = tpu.vector_load %arg12[%get3A_482, %get3A_483] {strides = array<i32>} : memref<40x128xf32, #tpu.memory_space<vmem>>, vector<1x16xf32>,
        %get3A_485 = vector.shape_cast %get3A_484 : vector<1x16xf32> to vector<16xf32>
        %add3A_486 = arith.addf %get3A_481, %get3A_485 : vector<16xf32>
        %get3A_487 = arith.index_cast %scan3A_261 : i32 to index
        %get3A_488 = arith.constant 96 : index
        %get3A_489 = tpu.vector_load %arg11[%get3A_487, %get3A_488] {strides = array<i32>} : memref<40x128xf32, #tpu.memory_space<vmem>>, vector<1x16xf32>,
        %get3A_490 = vector.shape_cast %get3A_489 : vector<1x16xf32> to vector<16xf32>
        %get3A_491 = arith.index_cast %scan3A_261 : i32 to index
        %get3A_492 = arith.constant 96 : index
        %get3A_493 = tpu.vector_load %arg12[%get3A_491, %get3A_492] {strides = array<i32>} : memref<40x128xf32, #tpu.memory_space<vmem>>, vector<1x16xf32>,
        %get3A_494 = vector.shape_cast %get3A_493 : vector<1x16xf32> to vector<16xf32>
        %add3A_495 = arith.addf %get3A_490, %get3A_494 : vector<16xf32>
        %bitcast_convert_type3A_496 = tpu.bitcast %add3A_486 : vector<16xf32> -> vector<16xi32>
        %bitcast_convert_type3A_497 = tpu.bitcast %add3A_495 : vector<16xf32> -> vector<16xi32>
        %add3A_498 = arith.constant 32767 : i32
        %add3A_499 = vector.broadcast %add3A_498 : i32 to vector<16xi32>
        %add3A_500 = arith.addi %bitcast_convert_type3A_496, %add3A_499 : vector<16xi32>
        %shift_right_arithmetic3A_501 = arith.constant 16 : i32
        %shift_right_arithmetic3A_502 = vector.broadcast %shift_right_arithmetic3A_501 : i32 to vector<16xi32>
        %shift_right_arithmetic3A_503 = arith.shrsi %bitcast_convert_type3A_496, %shift_right_arithmetic3A_502 : vector<16xi32>
        %and3A_504 = arith.constant 1 : i32
        %and3A_505 = vector.broadcast %and3A_504 : i32 to vector<16xi32>
        %and3A_506 = arith.andi %shift_right_arithmetic3A_503, %and3A_505 : vector<16xi32>
        %add3A_507 = arith.addi %add3A_500, %and3A_506 : vector<16xi32>
        %add3A_508 = arith.constant 32767 : i32
        %add3A_509 = vector.broadcast %add3A_508 : i32 to vector<16xi32>
        %add3A_510 = arith.addi %bitcast_convert_type3A_497, %add3A_509 : vector<16xi32>
        %shift_right_arithmetic3A_511 = arith.constant 16 : i32
        %shift_right_arithmetic3A_512 = vector.broadcast %shift_right_arithmetic3A_511 : i32 to vector<16xi32>
        %shift_right_arithmetic3A_513 = arith.shrsi %bitcast_convert_type3A_497, %shift_right_arithmetic3A_512 : vector<16xi32>
        %and3A_514 = arith.constant 1 : i32
        %and3A_515 = vector.broadcast %and3A_514 : i32 to vector<16xi32>
        %and3A_516 = arith.andi %shift_right_arithmetic3A_513, %and3A_515 : vector<16xi32>
        %add3A_517 = arith.addi %add3A_510, %and3A_516 : vector<16xi32>
        %shift_right_arithmetic3A_518 = arith.constant 16 : i32
        %shift_right_arithmetic3A_519 = vector.broadcast %shift_right_arithmetic3A_518 : i32 to vector<16xi32>
        %shift_right_arithmetic3A_520 = arith.shrsi %add3A_507, %shift_right_arithmetic3A_519 : vector<16xi32>
        %and3A_521 = arith.constant 65535 : i32
        %and3A_522 = vector.broadcast %and3A_521 : i32 to vector<16xi32>
        %and3A_523 = arith.andi %shift_right_arithmetic3A_520, %and3A_522 : vector<16xi32>
        %and3A_524 = arith.constant -65536 : i32
        %and3A_525 = vector.broadcast %and3A_524 : i32 to vector<16xi32>
        %and3A_526 = arith.andi %add3A_517, %and3A_525 : vector<16xi32>
        %or3A_527 = arith.ori %and3A_523, %and3A_526 : vector<16xi32>
        %swap3A_528 = arith.index_cast %scan3A_261 : i32 to index
        %swap3A_529 = arith.constant 32 : index
        %swap3A_530 = tpu.vector_load %arg19[%swap3A_528, %swap3A_529] {strides = array<i32>} : memref<40x128xi32, #tpu.memory_space<vmem>>, vector<1x16xi32>,
        %swap3A_531 = vector.shape_cast %swap3A_530 : vector<1x16xi32> to vector<16xi32>
        %swap3A_532 = vector.shape_cast %or3A_527 : vector<16xi32> to vector<1x16xi32>
        tpu.vector_store %arg19[%swap3A_528, %swap3A_529], %swap3A_532 {strides = array<i32>} : memref<40x128xi32, #tpu.memory_space<vmem>>, vector<1x16xi32>,
        %get3A_533 = arith.index_cast %scan3A_261 : i32 to index
        %get3A_534 = arith.constant 32 : index
        %get3A_535 = tpu.vector_load %arg13[%get3A_533, %get3A_534] {strides = array<i32>} : memref<40x128xf32, #tpu.memory_space<vmem>>, vector<1x16xf32>,
        %get3A_536 = vector.shape_cast %get3A_535 : vector<1x16xf32> to vector<16xf32>
        %get3A_537 = arith.index_cast %scan3A_261 : i32 to index
        %get3A_538 = arith.constant 32 : index
        %get3A_539 = tpu.vector_load %arg14[%get3A_537, %get3A_538] {strides = array<i32>} : memref<40x128xf32, #tpu.memory_space<vmem>>, vector<1x16xf32>,
        %get3A_540 = vector.shape_cast %get3A_539 : vector<1x16xf32> to vector<16xf32>
        %add3A_541 = arith.addf %get3A_536, %get3A_540 : vector<16xf32>
        %get3A_542 = arith.index_cast %scan3A_261 : i32 to index
        %get3A_543 = arith.constant 96 : index
        %get3A_544 = tpu.vector_load %arg13[%get3A_542, %get3A_543] {strides = array<i32>} : memref<40x128xf32, #tpu.memory_space<vmem>>, vector<1x16xf32>,
        %get3A_545 = vector.shape_cast %get3A_544 : vector<1x16xf32> to vector<16xf32>
        %get3A_546 = arith.index_cast %scan3A_261 : i32 to index
        %get3A_547 = arith.constant 96 : index
        %get3A_548 = tpu.vector_load %arg14[%get3A_546, %get3A_547] {strides = array<i32>} : memref<40x128xf32, #tpu.memory_space<vmem>>, vector<1x16xf32>,
        %get3A_549 = vector.shape_cast %get3A_548 : vector<1x16xf32> to vector<16xf32>
        %add3A_550 = arith.addf %get3A_545, %get3A_549 : vector<16xf32>
        %bitcast_convert_type3A_551 = tpu.bitcast %add3A_541 : vector<16xf32> -> vector<16xi32>
        %bitcast_convert_type3A_552 = tpu.bitcast %add3A_550 : vector<16xf32> -> vector<16xi32>
        %add3A_553 = arith.constant 32767 : i32
        %add3A_554 = vector.broadcast %add3A_553 : i32 to vector<16xi32>
        %add3A_555 = arith.addi %bitcast_convert_type3A_551, %add3A_554 : vector<16xi32>
        %shift_right_arithmetic3A_556 = arith.constant 16 : i32
        %shift_right_arithmetic3A_557 = vector.broadcast %shift_right_arithmetic3A_556 : i32 to vector<16xi32>
        %shift_right_arithmetic3A_558 = arith.shrsi %bitcast_convert_type3A_551, %shift_right_arithmetic3A_557 : vector<16xi32>
        %and3A_559 = arith.constant 1 : i32
        %and3A_560 = vector.broadcast %and3A_559 : i32 to vector<16xi32>
        %and3A_561 = arith.andi %shift_right_arithmetic3A_558, %and3A_560 : vector<16xi32>
        %add3A_562 = arith.addi %add3A_555, %and3A_561 : vector<16xi32>
        %add3A_563 = arith.constant 32767 : i32
        %add3A_564 = vector.broadcast %add3A_563 : i32 to vector<16xi32>
        %add3A_565 = arith.addi %bitcast_convert_type3A_552, %add3A_564 : vector<16xi32>
        %shift_right_arithmetic3A_566 = arith.constant 16 : i32
        %shift_right_arithmetic3A_567 = vector.broadcast %shift_right_arithmetic3A_566 : i32 to vector<16xi32>
        %shift_right_arithmetic3A_568 = arith.shrsi %bitcast_convert_type3A_552, %shift_right_arithmetic3A_567 : vector<16xi32>
        %and3A_569 = arith.constant 1 : i32
        %and3A_570 = vector.broadcast %and3A_569 : i32 to vector<16xi32>
        %and3A_571 = arith.andi %shift_right_arithmetic3A_568, %and3A_570 : vector<16xi32>
        %add3A_572 = arith.addi %add3A_565, %and3A_571 : vector<16xi32>
        %shift_right_arithmetic3A_573 = arith.constant 16 : i32
        %shift_right_arithmetic3A_574 = vector.broadcast %shift_right_arithmetic3A_573 : i32 to vector<16xi32>
        %shift_right_arithmetic3A_575 = arith.shrsi %add3A_562, %shift_right_arithmetic3A_574 : vector<16xi32>
        %and3A_576 = arith.constant 65535 : i32
        %and3A_577 = vector.broadcast %and3A_576 : i32 to vector<16xi32>
        %and3A_578 = arith.andi %shift_right_arithmetic3A_575, %and3A_577 : vector<16xi32>
        %and3A_579 = arith.constant -65536 : i32
        %and3A_580 = vector.broadcast %and3A_579 : i32 to vector<16xi32>
        %and3A_581 = arith.andi %add3A_572, %and3A_580 : vector<16xi32>
        %or3A_582 = arith.ori %and3A_578, %and3A_581 : vector<16xi32>
        %swap3A_583 = arith.index_cast %scan3A_261 : i32 to index
        %swap3A_584 = arith.constant 96 : index
        %swap3A_585 = tpu.vector_load %arg19[%swap3A_583, %swap3A_584] {strides = array<i32>} : memref<40x128xi32, #tpu.memory_space<vmem>>, vector<1x16xi32>,
        %swap3A_586 = vector.shape_cast %swap3A_585 : vector<1x16xi32> to vector<16xi32>
        %swap3A_587 = vector.shape_cast %or3A_582 : vector<16xi32> to vector<1x16xi32>
        tpu.vector_store %arg19[%swap3A_583, %swap3A_584], %swap3A_587 {strides = array<i32>} : memref<40x128xi32, #tpu.memory_space<vmem>>, vector<1x16xi32>,
        %get3A_588 = arith.index_cast %scan3A_261 : i32 to index
        %get3A_589 = arith.constant 48 : index
        %get3A_590 = tpu.vector_load %arg11[%get3A_588, %get3A_589] {strides = array<i32>} : memref<40x128xf32, #tpu.memory_space<vmem>>, vector<1x16xf32>,
        %get3A_591 = vector.shape_cast %get3A_590 : vector<1x16xf32> to vector<16xf32>
        %get3A_592 = arith.index_cast %scan3A_261 : i32 to index
        %get3A_593 = arith.constant 48 : index
        %get3A_594 = tpu.vector_load %arg12[%get3A_592, %get3A_593] {strides = array<i32>} : memref<40x128xf32, #tpu.memory_space<vmem>>, vector<1x16xf32>,
        %get3A_595 = vector.shape_cast %get3A_594 : vector<1x16xf32> to vector<16xf32>
        %add3A_596 = arith.addf %get3A_591, %get3A_595 : vector<16xf32>
        %get3A_597 = arith.index_cast %scan3A_261 : i32 to index
        %get3A_598 = arith.constant 112 : index
        %get3A_599 = tpu.vector_load %arg11[%get3A_597, %get3A_598] {strides = array<i32>} : memref<40x128xf32, #tpu.memory_space<vmem>>, vector<1x16xf32>,
        %get3A_600 = vector.shape_cast %get3A_599 : vector<1x16xf32> to vector<16xf32>
        %get3A_601 = arith.index_cast %scan3A_261 : i32 to index
        %get3A_602 = arith.constant 112 : index
        %get3A_603 = tpu.vector_load %arg12[%get3A_601, %get3A_602] {strides = array<i32>} : memref<40x128xf32, #tpu.memory_space<vmem>>, vector<1x16xf32>,
        %get3A_604 = vector.shape_cast %get3A_603 : vector<1x16xf32> to vector<16xf32>
        %add3A_605 = arith.addf %get3A_600, %get3A_604 : vector<16xf32>
        %bitcast_convert_type3A_606 = tpu.bitcast %add3A_596 : vector<16xf32> -> vector<16xi32>
        %bitcast_convert_type3A_607 = tpu.bitcast %add3A_605 : vector<16xf32> -> vector<16xi32>
        %add3A_608 = arith.constant 32767 : i32
        %add3A_609 = vector.broadcast %add3A_608 : i32 to vector<16xi32>
        %add3A_610 = arith.addi %bitcast_convert_type3A_606, %add3A_609 : vector<16xi32>
        %shift_right_arithmetic3A_611 = arith.constant 16 : i32
        %shift_right_arithmetic3A_612 = vector.broadcast %shift_right_arithmetic3A_611 : i32 to vector<16xi32>
        %shift_right_arithmetic3A_613 = arith.shrsi %bitcast_convert_type3A_606, %shift_right_arithmetic3A_612 : vector<16xi32>
        %and3A_614 = arith.constant 1 : i32
        %and3A_615 = vector.broadcast %and3A_614 : i32 to vector<16xi32>
        %and3A_616 = arith.andi %shift_right_arithmetic3A_613, %and3A_615 : vector<16xi32>
        %add3A_617 = arith.addi %add3A_610, %and3A_616 : vector<16xi32>
        %add3A_618 = arith.constant 32767 : i32
        %add3A_619 = vector.broadcast %add3A_618 : i32 to vector<16xi32>
        %add3A_620 = arith.addi %bitcast_convert_type3A_607, %add3A_619 : vector<16xi32>
        %shift_right_arithmetic3A_621 = arith.constant 16 : i32
        %shift_right_arithmetic3A_622 = vector.broadcast %shift_right_arithmetic3A_621 : i32 to vector<16xi32>
        %shift_right_arithmetic3A_623 = arith.shrsi %bitcast_convert_type3A_607, %shift_right_arithmetic3A_622 : vector<16xi32>
        %and3A_624 = arith.constant 1 : i32
        %and3A_625 = vector.broadcast %and3A_624 : i32 to vector<16xi32>
        %and3A_626 = arith.andi %shift_right_arithmetic3A_623, %and3A_625 : vector<16xi32>
        %add3A_627 = arith.addi %add3A_620, %and3A_626 : vector<16xi32>
        %shift_right_arithmetic3A_628 = arith.constant 16 : i32
        %shift_right_arithmetic3A_629 = vector.broadcast %shift_right_arithmetic3A_628 : i32 to vector<16xi32>
        %shift_right_arithmetic3A_630 = arith.shrsi %add3A_617, %shift_right_arithmetic3A_629 : vector<16xi32>
        %and3A_631 = arith.constant 65535 : i32
        %and3A_632 = vector.broadcast %and3A_631 : i32 to vector<16xi32>
        %and3A_633 = arith.andi %shift_right_arithmetic3A_630, %and3A_632 : vector<16xi32>
        %and3A_634 = arith.constant -65536 : i32
        %and3A_635 = vector.broadcast %and3A_634 : i32 to vector<16xi32>
        %and3A_636 = arith.andi %add3A_627, %and3A_635 : vector<16xi32>
        %or3A_637 = arith.ori %and3A_633, %and3A_636 : vector<16xi32>
        %swap3A_638 = arith.index_cast %scan3A_261 : i32 to index
        %swap3A_639 = arith.constant 48 : index
        %swap3A_640 = tpu.vector_load %arg19[%swap3A_638, %swap3A_639] {strides = array<i32>} : memref<40x128xi32, #tpu.memory_space<vmem>>, vector<1x16xi32>,
        %swap3A_641 = vector.shape_cast %swap3A_640 : vector<1x16xi32> to vector<16xi32>
        %swap3A_642 = vector.shape_cast %or3A_637 : vector<16xi32> to vector<1x16xi32>
        tpu.vector_store %arg19[%swap3A_638, %swap3A_639], %swap3A_642 {strides = array<i32>} : memref<40x128xi32, #tpu.memory_space<vmem>>, vector<1x16xi32>,
        %get3A_643 = arith.index_cast %scan3A_261 : i32 to index
        %get3A_644 = arith.constant 48 : index
        %get3A_645 = tpu.vector_load %arg13[%get3A_643, %get3A_644] {strides = array<i32>} : memref<40x128xf32, #tpu.memory_space<vmem>>, vector<1x16xf32>,
        %get3A_646 = vector.shape_cast %get3A_645 : vector<1x16xf32> to vector<16xf32>
        %get3A_647 = arith.index_cast %scan3A_261 : i32 to index
        %get3A_648 = arith.constant 48 : index
        %get3A_649 = tpu.vector_load %arg14[%get3A_647, %get3A_648] {strides = array<i32>} : memref<40x128xf32, #tpu.memory_space<vmem>>, vector<1x16xf32>,
        %get3A_650 = vector.shape_cast %get3A_649 : vector<1x16xf32> to vector<16xf32>
        %add3A_651 = arith.addf %get3A_646, %get3A_650 : vector<16xf32>
        %get3A_652 = arith.index_cast %scan3A_261 : i32 to index
        %get3A_653 = arith.constant 112 : index
        %get3A_654 = tpu.vector_load %arg13[%get3A_652, %get3A_653] {strides = array<i32>} : memref<40x128xf32, #tpu.memory_space<vmem>>, vector<1x16xf32>,
        %get3A_655 = vector.shape_cast %get3A_654 : vector<1x16xf32> to vector<16xf32>
        %get3A_656 = arith.index_cast %scan3A_261 : i32 to index
        %get3A_657 = arith.constant 112 : index
        %get3A_658 = tpu.vector_load %arg14[%get3A_656, %get3A_657] {strides = array<i32>} : memref<40x128xf32, #tpu.memory_space<vmem>>, vector<1x16xf32>,
        %get3A_659 = vector.shape_cast %get3A_658 : vector<1x16xf32> to vector<16xf32>
        %add3A_660 = arith.addf %get3A_655, %get3A_659 : vector<16xf32>
        %bitcast_convert_type3A_661 = tpu.bitcast %add3A_651 : vector<16xf32> -> vector<16xi32>
        %bitcast_convert_type3A_662 = tpu.bitcast %add3A_660 : vector<16xf32> -> vector<16xi32>
        %add3A_663 = arith.constant 32767 : i32
        %add3A_664 = vector.broadcast %add3A_663 : i32 to vector<16xi32>
        %add3A_665 = arith.addi %bitcast_convert_type3A_661, %add3A_664 : vector<16xi32>
        %shift_right_arithmetic3A_666 = arith.constant 16 : i32
        %shift_right_arithmetic3A_667 = vector.broadcast %shift_right_arithmetic3A_666 : i32 to vector<16xi32>
        %shift_right_arithmetic3A_668 = arith.shrsi %bitcast_convert_type3A_661, %shift_right_arithmetic3A_667 : vector<16xi32>
        %and3A_669 = arith.constant 1 : i32
        %and3A_670 = vector.broadcast %and3A_669 : i32 to vector<16xi32>
        %and3A_671 = arith.andi %shift_right_arithmetic3A_668, %and3A_670 : vector<16xi32>
        %add3A_672 = arith.addi %add3A_665, %and3A_671 : vector<16xi32>
        %add3A_673 = arith.constant 32767 : i32
        %add3A_674 = vector.broadcast %add3A_673 : i32 to vector<16xi32>
        %add3A_675 = arith.addi %bitcast_convert_type3A_662, %add3A_674 : vector<16xi32>
        %shift_right_arithmetic3A_676 = arith.constant 16 : i32
        %shift_right_arithmetic3A_677 = vector.broadcast %shift_right_arithmetic3A_676 : i32 to vector<16xi32>
        %shift_right_arithmetic3A_678 = arith.shrsi %bitcast_convert_type3A_662, %shift_right_arithmetic3A_677 : vector<16xi32>
        %and3A_679 = arith.constant 1 : i32
        %and3A_680 = vector.broadcast %and3A_679 : i32 to vector<16xi32>
        %and3A_681 = arith.andi %shift_right_arithmetic3A_678, %and3A_680 : vector<16xi32>
        %add3A_682 = arith.addi %add3A_675, %and3A_681 : vector<16xi32>
        %shift_right_arithmetic3A_683 = arith.constant 16 : i32
        %shift_right_arithmetic3A_684 = vector.broadcast %shift_right_arithmetic3A_683 : i32 to vector<16xi32>
        %shift_right_arithmetic3A_685 = arith.shrsi %add3A_672, %shift_right_arithmetic3A_684 : vector<16xi32>
        %and3A_686 = arith.constant 65535 : i32
        %and3A_687 = vector.broadcast %and3A_686 : i32 to vector<16xi32>
        %and3A_688 = arith.andi %shift_right_arithmetic3A_685, %and3A_687 : vector<16xi32>
        %and3A_689 = arith.constant -65536 : i32
        %and3A_690 = vector.broadcast %and3A_689 : i32 to vector<16xi32>
        %and3A_691 = arith.andi %add3A_682, %and3A_690 : vector<16xi32>
        %or3A_692 = arith.ori %and3A_688, %and3A_691 : vector<16xi32>
        %swap3A_693 = arith.index_cast %scan3A_261 : i32 to index
        %swap3A_694 = arith.constant 112 : index
        %swap3A_695 = tpu.vector_load %arg19[%swap3A_693, %swap3A_694] {strides = array<i32>} : memref<40x128xi32, #tpu.memory_space<vmem>>, vector<1x16xi32>,
        %swap3A_696 = vector.shape_cast %swap3A_695 : vector<1x16xi32> to vector<16xi32>
        %swap3A_697 = vector.shape_cast %or3A_692 : vector<16xi32> to vector<1x16xi32>
        tpu.vector_store %arg19[%swap3A_693, %swap3A_694], %swap3A_697 {strides = array<i32>} : memref<40x128xi32, #tpu.memory_space<vmem>>, vector<1x16xi32>,
      }
      %scan3A_211 = arith.constant 40 : i32
      %mul3A_212 = arith.constant 40 : i32
      %mul3A_213 = arith.muli %mul3A_165, %mul3A_212 : i32
      %add3A_214 = arith.addi %mul3A_2, %mul3A_213 : i32
      %dma_start3A_215 = arith.constant 0 : i32
      %dma_start3A_216 = tpu.memref_slice %arg6[%add3A_214, %dma_start3A_215] : memref<64000x128xi32, #tpu.memory_space<hbm>> -> memref<40x128xi32, #tpu.memory_space<hbm>>
      %dma_start3A_217 = arith.constant 0 : i32
      %dma_start3A_218 = tpu.memref_slice %arg6[%add3A_214, %dma_start3A_217] : memref<64000x128xi32, #tpu.memory_space<hbm>> -> memref<40x128xi32, #tpu.memory_space<hbm>>
      tpu.enqueue_dma source(%arg19 : memref<40x128xi32, #tpu.memory_space<vmem>>) target(%dma_start3A_218 : memref<40x128xi32, #tpu.memory_space<hbm>>) target_semaphore(%arg23 : memref<!tpu.dma_semaphore, #tpu.memory_space<semaphore_mem>>)
      %add3A_219 = arith.constant 2 : i32
      %add3A_220 = arith.addi %mul3A_165, %add3A_219 : i32
      %lt3A = arith.constant 50 : i32
      %lt3A_221 = arith.cmpi slt, %add3A_220, %lt3A : i32
      %convert_element_type3A_222 = arith.extui %lt3A_221 : i1 to i32
      %cond3A_223 = arith.constant 0 : i32
      %cond3A_224 = arith.cmpi ne, %convert_element_type3A_222, %cond3A_223 : i32
      scf.if %cond3A_224 {
        %add3A_261 = arith.constant 2 : i32
        %add3A_262 = arith.addi %mul3A_165, %add3A_261 : i32
        %mul3A_263 = arith.constant 40 : i32
        %mul3A_264 = arith.muli %add3A_262, %mul3A_263 : i32
        %dma_start3A_265 = tpu.memref_slice %arg7[%mul3A_264] : memref<2000xi32, #tpu.memory_space<vmem>> -> memref<40xi32, #tpu.memory_space<vmem>>
        %dma_start3A_266 = arith.constant 0 : i32
        %dma_start3A_267 = arith.constant 0 : i32
        %dma_start3A_268 = tpu.memref_slice %arg2[%dma_start3A_266, %dma_start3A_267] : memref<10000x128xf32, #tpu.memory_space<hbm>> -> memref<10000x128xf32, #tpu.memory_space<hbm>>
        tpu.enqueue_indirect_dma source(%dma_start3A_268 : memref<10000x128xf32, #tpu.memory_space<hbm>>) target(%arg11 : memref<40x128xf32, #tpu.memory_space<vmem>>) offsets(%dma_start3A_265 : memref<40xi32, #tpu.memory_space<vmem>>) semaphore(%arg21 : memref<!tpu.dma_semaphore, #tpu.memory_space<semaphore_mem>>)
        %dma_start3A_269 = tpu.memref_slice %arg8[%mul3A_264] : memref<2000xi32, #tpu.memory_space<vmem>> -> memref<40xi32, #tpu.memory_space<vmem>>
        %dma_start3A_270 = arith.constant 0 : i32
        %dma_start3A_271 = arith.constant 0 : i32
        %dma_start3A_272 = tpu.memref_slice %arg3[%dma_start3A_270, %dma_start3A_271] : memref<10000x128xf32, #tpu.memory_space<hbm>> -> memref<10000x128xf32, #tpu.memory_space<hbm>>
        tpu.enqueue_indirect_dma source(%dma_start3A_272 : memref<10000x128xf32, #tpu.memory_space<hbm>>) target(%arg12 : memref<40x128xf32, #tpu.memory_space<vmem>>) offsets(%dma_start3A_269 : memref<40xi32, #tpu.memory_space<vmem>>) semaphore(%arg21 : memref<!tpu.dma_semaphore, #tpu.memory_space<semaphore_mem>>)
        %dma_start3A_273 = tpu.memref_slice %arg9[%mul3A_264] : memref<2000xi32, #tpu.memory_space<vmem>> -> memref<40xi32, #tpu.memory_space<vmem>>
        %dma_start3A_274 = arith.constant 0 : i32
        %dma_start3A_275 = arith.constant 0 : i32
        %dma_start3A_276 = tpu.memref_slice %arg2[%dma_start3A_274, %dma_start3A_275] : memref<10000x128xf32, #tpu.memory_space<hbm>> -> memref<10000x128xf32, #tpu.memory_space<hbm>>
        tpu.enqueue_indirect_dma source(%dma_start3A_276 : memref<10000x128xf32, #tpu.memory_space<hbm>>) target(%arg13 : memref<40x128xf32, #tpu.memory_space<vmem>>) offsets(%dma_start3A_273 : memref<40xi32, #tpu.memory_space<vmem>>) semaphore(%arg21 : memref<!tpu.dma_semaphore, #tpu.memory_space<semaphore_mem>>)
        %dma_start3A_277 = tpu.memref_slice %arg10[%mul3A_264] : memref<2000xi32, #tpu.memory_space<vmem>> -> memref<40xi32, #tpu.memory_space<vmem>>
        %dma_start3A_278 = arith.constant 0 : i32
        %dma_start3A_279 = arith.constant 0 : i32
        %dma_start3A_280 = tpu.memref_slice %arg3[%dma_start3A_278, %dma_start3A_279] : memref<10000x128xf32, #tpu.memory_space<hbm>> -> memref<10000x128xf32, #tpu.memory_space<hbm>>
        tpu.enqueue_indirect_dma source(%dma_start3A_280 : memref<10000x128xf32, #tpu.memory_space<hbm>>) target(%arg14 : memref<40x128xf32, #tpu.memory_space<vmem>>) offsets(%dma_start3A_277 : memref<40xi32, #tpu.memory_space<vmem>>) semaphore(%arg21 : memref<!tpu.dma_semaphore, #tpu.memory_space<semaphore_mem>>)
      } else {
      }
      %mul3A_225 = arith.constant 40 : i32
      %mul3A_226 = arith.muli %add3A_167, %mul3A_225 : i32
      %dma_wait3A_227 = tpu.memref_slice %arg7[%mul3A_226] : memref<2000xi32, #tpu.memory_space<vmem>> -> memref<40xi32, #tpu.memory_space<vmem>>
      %dma_wait3A_228 = arith.constant 0 : i32
      %dma_wait3A_229 = arith.constant 0 : i32
      %dma_wait3A_230 = tpu.memref_slice %arg2[%dma_wait3A_228, %dma_wait3A_229] : memref<10000x128xf32, #tpu.memory_space<hbm>> -> memref<10000x128xf32, #tpu.memory_space<hbm>>
      tpu.wait_indirect_dma semaphore(%arg22 : memref<!tpu.dma_semaphore, #tpu.memory_space<semaphore_mem>>) src(%dma_wait3A_230 : memref<10000x128xf32, #tpu.memory_space<hbm>>) dst(%arg15 : memref<40x128xf32, #tpu.memory_space<vmem>>)
      %dma_wait3A_231 = tpu.memref_slice %arg8[%mul3A_226] : memref<2000xi32, #tpu.memory_space<vmem>> -> memref<40xi32, #tpu.memory_space<vmem>>
      %dma_wait3A_232 = arith.constant 0 : i32
      %dma_wait3A_233 = arith.constant 0 : i32
      %dma_wait3A_234 = tpu.memref_slice %arg3[%dma_wait3A_232, %dma_wait3A_233] : memref<10000x128xf32, #tpu.memory_space<hbm>> -> memref<10000x128xf32, #tpu.memory_space<hbm>>
      tpu.wait_indirect_dma semaphore(%arg22 : memref<!tpu.dma_semaphore, #tpu.memory_space<semaphore_mem>>) src(%dma_wait3A_234 : memref<10000x128xf32, #tpu.memory_space<hbm>>) dst(%arg16 : memref<40x128xf32, #tpu.memory_space<vmem>>)
      %dma_wait3A_235 = tpu.memref_slice %arg9[%mul3A_226] : memref<2000xi32, #tpu.memory_space<vmem>> -> memref<40xi32, #tpu.memory_space<vmem>>
      %dma_wait3A_236 = arith.constant 0 : i32
      %dma_wait3A_237 = arith.constant 0 : i32
      %dma_wait3A_238 = tpu.memref_slice %arg2[%dma_wait3A_236, %dma_wait3A_237] : memref<10000x128xf32, #tpu.memory_space<hbm>> -> memref<10000x128xf32, #tpu.memory_space<hbm>>
      tpu.wait_indirect_dma semaphore(%arg22 : memref<!tpu.dma_semaphore, #tpu.memory_space<semaphore_mem>>) src(%dma_wait3A_238 : memref<10000x128xf32, #tpu.memory_space<hbm>>) dst(%arg17 : memref<40x128xf32, #tpu.memory_space<vmem>>)
      %dma_wait3A_239 = tpu.memref_slice %arg10[%mul3A_226] : memref<2000xi32, #tpu.memory_space<vmem>> -> memref<40xi32, #tpu.memory_space<vmem>>
      %dma_wait3A_240 = arith.constant 0 : i32
      %dma_wait3A_241 = arith.constant 0 : i32
      %dma_wait3A_242 = tpu.memref_slice %arg3[%dma_wait3A_240, %dma_wait3A_241] : memref<10000x128xf32, #tpu.memory_space<hbm>> -> memref<10000x128xf32, #tpu.memory_space<hbm>>
      tpu.wait_indirect_dma semaphore(%arg22 : memref<!tpu.dma_semaphore, #tpu.memory_space<semaphore_mem>>) src(%dma_wait3A_242 : memref<10000x128xf32, #tpu.memory_space<hbm>>) dst(%arg18 : memref<40x128xf32, #tpu.memory_space<vmem>>)
      %gt3A_243 = arith.constant 0 : i32
      %gt3A_244 = arith.cmpi sgt, %scan3A_163, %gt3A_243 : i32
      %convert_element_type3A_245 = arith.extui %gt3A_244 : i1 to i32
      %cond3A_246 = arith.constant 0 : i32
      %cond3A_247 = arith.cmpi ne, %convert_element_type3A_245, %cond3A_246 : i32
      scf.if %cond3A_247 {
        %sub3A = arith.constant 2 : i32
        %sub3A_261 = arith.subi %add3A_167, %sub3A : i32
        %mul3A_262 = arith.constant 40 : i32
        %mul3A_263 = arith.muli %sub3A_261, %mul3A_262 : i32
        %add3A_264 = arith.addi %mul3A_2, %mul3A_263 : i32
        %dma_wait3A_265 = arith.constant 0 : i32
        %dma_wait3A_266 = tpu.memref_slice %arg6[%add3A_264, %dma_wait3A_265] : memref<64000x128xi32, #tpu.memory_space<hbm>> -> memref<40x128xi32, #tpu.memory_space<hbm>>
        %dma_wait3A_267 = arith.constant 0 : i32
        %dma_wait3A_268 = tpu.memref_slice %arg6[%add3A_264, %dma_wait3A_267] : memref<64000x128xi32, #tpu.memory_space<hbm>> -> memref<40x128xi32, #tpu.memory_space<hbm>>
        tpu.wait_dma2 semaphore(%arg24 : memref<!tpu.dma_semaphore, #tpu.memory_space<semaphore_mem>>) src(%arg20 : memref<40x128xi32, #tpu.memory_space<vmem>>) dst(%dma_wait3A_268 : memref<40x128xi32, #tpu.memory_space<hbm>>)
      } else {
      }
      %scan3A_248 = arith.constant 0 : i32
      %scan3A_249 = arith.constant 0 : i32
      %scan3A_250 = arith.constant 40 : i32
      %scan3A_251 = arith.addi %scan3A_249, %scan3A_250 : i32
      %scan3A_252 = arith.constant 1 : i32
      scf.for %scan3A_261 = %scan3A_249 to %scan3A_251 step %scan3A_252  : i32 {
        %get3A = arith.index_cast %scan3A_261 : i32 to index
        %get3A_262 = arith.constant 0 : index
        %get3A_263 = tpu.vector_load %arg15[%get3A, %get3A_262] {strides = array<i32>} : memref<40x128xf32, #tpu.memory_space<vmem>>, vector<1x16xf32>,
        %get3A_264 = vector.shape_cast %get3A_263 : vector<1x16xf32> to vector<16xf32>
        %get3A_265 = arith.index_cast %scan3A_261 : i32 to index
        %get3A_266 = arith.constant 0 : index
        %get3A_267 = tpu.vector_load %arg16[%get3A_265, %get3A_266] {strides = array<i32>} : memref<40x128xf32, #tpu.memory_space<vmem>>, vector<1x16xf32>,
        %get3A_268 = vector.shape_cast %get3A_267 : vector<1x16xf32> to vector<16xf32>
        %add3A_269 = arith.addf %get3A_264, %get3A_268 : vector<16xf32>
        %get3A_270 = arith.index_cast %scan3A_261 : i32 to index
        %get3A_271 = arith.constant 64 : index
        %get3A_272 = tpu.vector_load %arg15[%get3A_270, %get3A_271] {strides = array<i32>} : memref<40x128xf32, #tpu.memory_space<vmem>>, vector<1x16xf32>,
        %get3A_273 = vector.shape_cast %get3A_272 : vector<1x16xf32> to vector<16xf32>
        %get3A_274 = arith.index_cast %scan3A_261 : i32 to index
        %get3A_275 = arith.constant 64 : index
        %get3A_276 = tpu.vector_load %arg16[%get3A_274, %get3A_275] {strides = array<i32>} : memref<40x128xf32, #tpu.memory_space<vmem>>, vector<1x16xf32>,
        %get3A_277 = vector.shape_cast %get3A_276 : vector<1x16xf32> to vector<16xf32>
        %add3A_278 = arith.addf %get3A_273, %get3A_277 : vector<16xf32>
        %bitcast_convert_type3A = tpu.bitcast %add3A_269 : vector<16xf32> -> vector<16xi32>
        %bitcast_convert_type3A_279 = tpu.bitcast %add3A_278 : vector<16xf32> -> vector<16xi32>
        %add3A_280 = arith.constant 32767 : i32
        %add3A_281 = vector.broadcast %add3A_280 : i32 to vector<16xi32>
        %add3A_282 = arith.addi %bitcast_convert_type3A, %add3A_281 : vector<16xi32>
        %shift_right_arithmetic3A_283 = arith.constant 16 : i32
        %shift_right_arithmetic3A_284 = vector.broadcast %shift_right_arithmetic3A_283 : i32 to vector<16xi32>
        %shift_right_arithmetic3A_285 = arith.shrsi %bitcast_convert_type3A, %shift_right_arithmetic3A_284 : vector<16xi32>
        %and3A_286 = arith.constant 1 : i32
        %and3A_287 = vector.broadcast %and3A_286 : i32 to vector<16xi32>
        %and3A_288 = arith.andi %shift_right_arithmetic3A_285, %and3A_287 : vector<16xi32>
        %add3A_289 = arith.addi %add3A_282, %and3A_288 : vector<16xi32>
        %add3A_290 = arith.constant 32767 : i32
        %add3A_291 = vector.broadcast %add3A_290 : i32 to vector<16xi32>
        %add3A_292 = arith.addi %bitcast_convert_type3A_279, %add3A_291 : vector<16xi32>
        %shift_right_arithmetic3A_293 = arith.constant 16 : i32
        %shift_right_arithmetic3A_294 = vector.broadcast %shift_right_arithmetic3A_293 : i32 to vector<16xi32>
        %shift_right_arithmetic3A_295 = arith.shrsi %bitcast_convert_type3A_279, %shift_right_arithmetic3A_294 : vector<16xi32>
        %and3A_296 = arith.constant 1 : i32
        %and3A_297 = vector.broadcast %and3A_296 : i32 to vector<16xi32>
        %and3A_298 = arith.andi %shift_right_arithmetic3A_295, %and3A_297 : vector<16xi32>
        %add3A_299 = arith.addi %add3A_292, %and3A_298 : vector<16xi32>
        %shift_right_arithmetic3A_300 = arith.constant 16 : i32
        %shift_right_arithmetic3A_301 = vector.broadcast %shift_right_arithmetic3A_300 : i32 to vector<16xi32>
        %shift_right_arithmetic3A_302 = arith.shrsi %add3A_289, %shift_right_arithmetic3A_301 : vector<16xi32>
        %and3A_303 = arith.constant 65535 : i32
        %and3A_304 = vector.broadcast %and3A_303 : i32 to vector<16xi32>
        %and3A_305 = arith.andi %shift_right_arithmetic3A_302, %and3A_304 : vector<16xi32>
        %and3A_306 = arith.constant -65536 : i32
        %and3A_307 = vector.broadcast %and3A_306 : i32 to vector<16xi32>
        %and3A_308 = arith.andi %add3A_299, %and3A_307 : vector<16xi32>
        %or3A = arith.ori %and3A_305, %and3A_308 : vector<16xi32>
        %swap3A = arith.index_cast %scan3A_261 : i32 to index
        %swap3A_309 = arith.constant 0 : index
        %swap3A_310 = tpu.vector_load %arg20[%swap3A, %swap3A_309] {strides = array<i32>} : memref<40x128xi32, #tpu.memory_space<vmem>>, vector<1x16xi32>,
        %swap3A_311 = vector.shape_cast %swap3A_310 : vector<1x16xi32> to vector<16xi32>
        %swap3A_312 = vector.shape_cast %or3A : vector<16xi32> to vector<1x16xi32>
        tpu.vector_store %arg20[%swap3A, %swap3A_309], %swap3A_312 {strides = array<i32>} : memref<40x128xi32, #tpu.memory_space<vmem>>, vector<1x16xi32>,
        %get3A_313 = arith.index_cast %scan3A_261 : i32 to index
        %get3A_314 = arith.constant 0 : index
        %get3A_315 = tpu.vector_load %arg17[%get3A_313, %get3A_314] {strides = array<i32>} : memref<40x128xf32, #tpu.memory_space<vmem>>, vector<1x16xf32>,
        %get3A_316 = vector.shape_cast %get3A_315 : vector<1x16xf32> to vector<16xf32>
        %get3A_317 = arith.index_cast %scan3A_261 : i32 to index
        %get3A_318 = arith.constant 0 : index
        %get3A_319 = tpu.vector_load %arg18[%get3A_317, %get3A_318] {strides = array<i32>} : memref<40x128xf32, #tpu.memory_space<vmem>>, vector<1x16xf32>,
        %get3A_320 = vector.shape_cast %get3A_319 : vector<1x16xf32> to vector<16xf32>
        %add3A_321 = arith.addf %get3A_316, %get3A_320 : vector<16xf32>
        %get3A_322 = arith.index_cast %scan3A_261 : i32 to index
        %get3A_323 = arith.constant 64 : index
        %get3A_324 = tpu.vector_load %arg17[%get3A_322, %get3A_323] {strides = array<i32>} : memref<40x128xf32, #tpu.memory_space<vmem>>, vector<1x16xf32>,
        %get3A_325 = vector.shape_cast %get3A_324 : vector<1x16xf32> to vector<16xf32>
        %get3A_326 = arith.index_cast %scan3A_261 : i32 to index
        %get3A_327 = arith.constant 64 : index
        %get3A_328 = tpu.vector_load %arg18[%get3A_326, %get3A_327] {strides = array<i32>} : memref<40x128xf32, #tpu.memory_space<vmem>>, vector<1x16xf32>,
        %get3A_329 = vector.shape_cast %get3A_328 : vector<1x16xf32> to vector<16xf32>
        %add3A_330 = arith.addf %get3A_325, %get3A_329 : vector<16xf32>
        %bitcast_convert_type3A_331 = tpu.bitcast %add3A_321 : vector<16xf32> -> vector<16xi32>
        %bitcast_convert_type3A_332 = tpu.bitcast %add3A_330 : vector<16xf32> -> vector<16xi32>
        %add3A_333 = arith.constant 32767 : i32
        %add3A_334 = vector.broadcast %add3A_333 : i32 to vector<16xi32>
        %add3A_335 = arith.addi %bitcast_convert_type3A_331, %add3A_334 : vector<16xi32>
        %shift_right_arithmetic3A_336 = arith.constant 16 : i32
        %shift_right_arithmetic3A_337 = vector.broadcast %shift_right_arithmetic3A_336 : i32 to vector<16xi32>
        %shift_right_arithmetic3A_338 = arith.shrsi %bitcast_convert_type3A_331, %shift_right_arithmetic3A_337 : vector<16xi32>
        %and3A_339 = arith.constant 1 : i32
        %and3A_340 = vector.broadcast %and3A_339 : i32 to vector<16xi32>
        %and3A_341 = arith.andi %shift_right_arithmetic3A_338, %and3A_340 : vector<16xi32>
        %add3A_342 = arith.addi %add3A_335, %and3A_341 : vector<16xi32>
        %add3A_343 = arith.constant 32767 : i32
        %add3A_344 = vector.broadcast %add3A_343 : i32 to vector<16xi32>
        %add3A_345 = arith.addi %bitcast_convert_type3A_332, %add3A_344 : vector<16xi32>
        %shift_right_arithmetic3A_346 = arith.constant 16 : i32
        %shift_right_arithmetic3A_347 = vector.broadcast %shift_right_arithmetic3A_346 : i32 to vector<16xi32>
        %shift_right_arithmetic3A_348 = arith.shrsi %bitcast_convert_type3A_332, %shift_right_arithmetic3A_347 : vector<16xi32>
        %and3A_349 = arith.constant 1 : i32
        %and3A_350 = vector.broadcast %and3A_349 : i32 to vector<16xi32>
        %and3A_351 = arith.andi %shift_right_arithmetic3A_348, %and3A_350 : vector<16xi32>
        %add3A_352 = arith.addi %add3A_345, %and3A_351 : vector<16xi32>
        %shift_right_arithmetic3A_353 = arith.constant 16 : i32
        %shift_right_arithmetic3A_354 = vector.broadcast %shift_right_arithmetic3A_353 : i32 to vector<16xi32>
        %shift_right_arithmetic3A_355 = arith.shrsi %add3A_342, %shift_right_arithmetic3A_354 : vector<16xi32>
        %and3A_356 = arith.constant 65535 : i32
        %and3A_357 = vector.broadcast %and3A_356 : i32 to vector<16xi32>
        %and3A_358 = arith.andi %shift_right_arithmetic3A_355, %and3A_357 : vector<16xi32>
        %and3A_359 = arith.constant -65536 : i32
        %and3A_360 = vector.broadcast %and3A_359 : i32 to vector<16xi32>
        %and3A_361 = arith.andi %add3A_352, %and3A_360 : vector<16xi32>
        %or3A_362 = arith.ori %and3A_358, %and3A_361 : vector<16xi32>
        %swap3A_363 = arith.index_cast %scan3A_261 : i32 to index
        %swap3A_364 = arith.constant 64 : index
        %swap3A_365 = tpu.vector_load %arg20[%swap3A_363, %swap3A_364] {strides = array<i32>} : memref<40x128xi32, #tpu.memory_space<vmem>>, vector<1x16xi32>,
        %swap3A_366 = vector.shape_cast %swap3A_365 : vector<1x16xi32> to vector<16xi32>
        %swap3A_367 = vector.shape_cast %or3A_362 : vector<16xi32> to vector<1x16xi32>
        tpu.vector_store %arg20[%swap3A_363, %swap3A_364], %swap3A_367 {strides = array<i32>} : memref<40x128xi32, #tpu.memory_space<vmem>>, vector<1x16xi32>,
        %get3A_368 = arith.index_cast %scan3A_261 : i32 to index
        %get3A_369 = arith.constant 16 : index
        %get3A_370 = tpu.vector_load %arg15[%get3A_368, %get3A_369] {strides = array<i32>} : memref<40x128xf32, #tpu.memory_space<vmem>>, vector<1x16xf32>,
        %get3A_371 = vector.shape_cast %get3A_370 : vector<1x16xf32> to vector<16xf32>
        %get3A_372 = arith.index_cast %scan3A_261 : i32 to index
        %get3A_373 = arith.constant 16 : index
        %get3A_374 = tpu.vector_load %arg16[%get3A_372, %get3A_373] {strides = array<i32>} : memref<40x128xf32, #tpu.memory_space<vmem>>, vector<1x16xf32>,
        %get3A_375 = vector.shape_cast %get3A_374 : vector<1x16xf32> to vector<16xf32>
        %add3A_376 = arith.addf %get3A_371, %get3A_375 : vector<16xf32>
        %get3A_377 = arith.index_cast %scan3A_261 : i32 to index
        %get3A_378 = arith.constant 80 : index
        %get3A_379 = tpu.vector_load %arg15[%get3A_377, %get3A_378] {strides = array<i32>} : memref<40x128xf32, #tpu.memory_space<vmem>>, vector<1x16xf32>,
        %get3A_380 = vector.shape_cast %get3A_379 : vector<1x16xf32> to vector<16xf32>
        %get3A_381 = arith.index_cast %scan3A_261 : i32 to index
        %get3A_382 = arith.constant 80 : index
        %get3A_383 = tpu.vector_load %arg16[%get3A_381, %get3A_382] {strides = array<i32>} : memref<40x128xf32, #tpu.memory_space<vmem>>, vector<1x16xf32>,
        %get3A_384 = vector.shape_cast %get3A_383 : vector<1x16xf32> to vector<16xf32>
        %add3A_385 = arith.addf %get3A_380, %get3A_384 : vector<16xf32>
        %bitcast_convert_type3A_386 = tpu.bitcast %add3A_376 : vector<16xf32> -> vector<16xi32>
        %bitcast_convert_type3A_387 = tpu.bitcast %add3A_385 : vector<16xf32> -> vector<16xi32>
        %add3A_388 = arith.constant 32767 : i32
        %add3A_389 = vector.broadcast %add3A_388 : i32 to vector<16xi32>
        %add3A_390 = arith.addi %bitcast_convert_type3A_386, %add3A_389 : vector<16xi32>
        %shift_right_arithmetic3A_391 = arith.constant 16 : i32
        %shift_right_arithmetic3A_392 = vector.broadcast %shift_right_arithmetic3A_391 : i32 to vector<16xi32>
        %shift_right_arithmetic3A_393 = arith.shrsi %bitcast_convert_type3A_386, %shift_right_arithmetic3A_392 : vector<16xi32>
        %and3A_394 = arith.constant 1 : i32
        %and3A_395 = vector.broadcast %and3A_394 : i32 to vector<16xi32>
        %and3A_396 = arith.andi %shift_right_arithmetic3A_393, %and3A_395 : vector<16xi32>
        %add3A_397 = arith.addi %add3A_390, %and3A_396 : vector<16xi32>
        %add3A_398 = arith.constant 32767 : i32
        %add3A_399 = vector.broadcast %add3A_398 : i32 to vector<16xi32>
        %add3A_400 = arith.addi %bitcast_convert_type3A_387, %add3A_399 : vector<16xi32>
        %shift_right_arithmetic3A_401 = arith.constant 16 : i32
        %shift_right_arithmetic3A_402 = vector.broadcast %shift_right_arithmetic3A_401 : i32 to vector<16xi32>
        %shift_right_arithmetic3A_403 = arith.shrsi %bitcast_convert_type3A_387, %shift_right_arithmetic3A_402 : vector<16xi32>
        %and3A_404 = arith.constant 1 : i32
        %and3A_405 = vector.broadcast %and3A_404 : i32 to vector<16xi32>
        %and3A_406 = arith.andi %shift_right_arithmetic3A_403, %and3A_405 : vector<16xi32>
        %add3A_407 = arith.addi %add3A_400, %and3A_406 : vector<16xi32>
        %shift_right_arithmetic3A_408 = arith.constant 16 : i32
        %shift_right_arithmetic3A_409 = vector.broadcast %shift_right_arithmetic3A_408 : i32 to vector<16xi32>
        %shift_right_arithmetic3A_410 = arith.shrsi %add3A_397, %shift_right_arithmetic3A_409 : vector<16xi32>
        %and3A_411 = arith.constant 65535 : i32
        %and3A_412 = vector.broadcast %and3A_411 : i32 to vector<16xi32>
        %and3A_413 = arith.andi %shift_right_arithmetic3A_410, %and3A_412 : vector<16xi32>
        %and3A_414 = arith.constant -65536 : i32
        %and3A_415 = vector.broadcast %and3A_414 : i32 to vector<16xi32>
        %and3A_416 = arith.andi %add3A_407, %and3A_415 : vector<16xi32>
        %or3A_417 = arith.ori %and3A_413, %and3A_416 : vector<16xi32>
        %swap3A_418 = arith.index_cast %scan3A_261 : i32 to index
        %swap3A_419 = arith.constant 16 : index
        %swap3A_420 = tpu.vector_load %arg20[%swap3A_418, %swap3A_419] {strides = array<i32>} : memref<40x128xi32, #tpu.memory_space<vmem>>, vector<1x16xi32>,
        %swap3A_421 = vector.shape_cast %swap3A_420 : vector<1x16xi32> to vector<16xi32>
        %swap3A_422 = vector.shape_cast %or3A_417 : vector<16xi32> to vector<1x16xi32>
        tpu.vector_store %arg20[%swap3A_418, %swap3A_419], %swap3A_422 {strides = array<i32>} : memref<40x128xi32, #tpu.memory_space<vmem>>, vector<1x16xi32>,
        %get3A_423 = arith.index_cast %scan3A_261 : i32 to index
        %get3A_424 = arith.constant 16 : index
        %get3A_425 = tpu.vector_load %arg17[%get3A_423, %get3A_424] {strides = array<i32>} : memref<40x128xf32, #tpu.memory_space<vmem>>, vector<1x16xf32>,
        %get3A_426 = vector.shape_cast %get3A_425 : vector<1x16xf32> to vector<16xf32>
        %get3A_427 = arith.index_cast %scan3A_261 : i32 to index
        %get3A_428 = arith.constant 16 : index
        %get3A_429 = tpu.vector_load %arg18[%get3A_427, %get3A_428] {strides = array<i32>} : memref<40x128xf32, #tpu.memory_space<vmem>>, vector<1x16xf32>,
        %get3A_430 = vector.shape_cast %get3A_429 : vector<1x16xf32> to vector<16xf32>
        %add3A_431 = arith.addf %get3A_426, %get3A_430 : vector<16xf32>
        %get3A_432 = arith.index_cast %scan3A_261 : i32 to index
        %get3A_433 = arith.constant 80 : index
        %get3A_434 = tpu.vector_load %arg17[%get3A_432, %get3A_433] {strides = array<i32>} : memref<40x128xf32, #tpu.memory_space<vmem>>, vector<1x16xf32>,
        %get3A_435 = vector.shape_cast %get3A_434 : vector<1x16xf32> to vector<16xf32>
        %get3A_436 = arith.index_cast %scan3A_261 : i32 to index
        %get3A_437 = arith.constant 80 : index
        %get3A_438 = tpu.vector_load %arg18[%get3A_436, %get3A_437] {strides = array<i32>} : memref<40x128xf32, #tpu.memory_space<vmem>>, vector<1x16xf32>,
        %get3A_439 = vector.shape_cast %get3A_438 : vector<1x16xf32> to vector<16xf32>
        %add3A_440 = arith.addf %get3A_435, %get3A_439 : vector<16xf32>
        %bitcast_convert_type3A_441 = tpu.bitcast %add3A_431 : vector<16xf32> -> vector<16xi32>
        %bitcast_convert_type3A_442 = tpu.bitcast %add3A_440 : vector<16xf32> -> vector<16xi32>
        %add3A_443 = arith.constant 32767 : i32
        %add3A_444 = vector.broadcast %add3A_443 : i32 to vector<16xi32>
        %add3A_445 = arith.addi %bitcast_convert_type3A_441, %add3A_444 : vector<16xi32>
        %shift_right_arithmetic3A_446 = arith.constant 16 : i32
        %shift_right_arithmetic3A_447 = vector.broadcast %shift_right_arithmetic3A_446 : i32 to vector<16xi32>
        %shift_right_arithmetic3A_448 = arith.shrsi %bitcast_convert_type3A_441, %shift_right_arithmetic3A_447 : vector<16xi32>
        %and3A_449 = arith.constant 1 : i32
        %and3A_450 = vector.broadcast %and3A_449 : i32 to vector<16xi32>
        %and3A_451 = arith.andi %shift_right_arithmetic3A_448, %and3A_450 : vector<16xi32>
        %add3A_452 = arith.addi %add3A_445, %and3A_451 : vector<16xi32>
        %add3A_453 = arith.constant 32767 : i32
        %add3A_454 = vector.broadcast %add3A_453 : i32 to vector<16xi32>
        %add3A_455 = arith.addi %bitcast_convert_type3A_442, %add3A_454 : vector<16xi32>
        %shift_right_arithmetic3A_456 = arith.constant 16 : i32
        %shift_right_arithmetic3A_457 = vector.broadcast %shift_right_arithmetic3A_456 : i32 to vector<16xi32>
        %shift_right_arithmetic3A_458 = arith.shrsi %bitcast_convert_type3A_442, %shift_right_arithmetic3A_457 : vector<16xi32>
        %and3A_459 = arith.constant 1 : i32
        %and3A_460 = vector.broadcast %and3A_459 : i32 to vector<16xi32>
        %and3A_461 = arith.andi %shift_right_arithmetic3A_458, %and3A_460 : vector<16xi32>
        %add3A_462 = arith.addi %add3A_455, %and3A_461 : vector<16xi32>
        %shift_right_arithmetic3A_463 = arith.constant 16 : i32
        %shift_right_arithmetic3A_464 = vector.broadcast %shift_right_arithmetic3A_463 : i32 to vector<16xi32>
        %shift_right_arithmetic3A_465 = arith.shrsi %add3A_452, %shift_right_arithmetic3A_464 : vector<16xi32>
        %and3A_466 = arith.constant 65535 : i32
        %and3A_467 = vector.broadcast %and3A_466 : i32 to vector<16xi32>
        %and3A_468 = arith.andi %shift_right_arithmetic3A_465, %and3A_467 : vector<16xi32>
        %and3A_469 = arith.constant -65536 : i32
        %and3A_470 = vector.broadcast %and3A_469 : i32 to vector<16xi32>
        %and3A_471 = arith.andi %add3A_462, %and3A_470 : vector<16xi32>
        %or3A_472 = arith.ori %and3A_468, %and3A_471 : vector<16xi32>
        %swap3A_473 = arith.index_cast %scan3A_261 : i32 to index
        %swap3A_474 = arith.constant 80 : index
        %swap3A_475 = tpu.vector_load %arg20[%swap3A_473, %swap3A_474] {strides = array<i32>} : memref<40x128xi32, #tpu.memory_space<vmem>>, vector<1x16xi32>,
        %swap3A_476 = vector.shape_cast %swap3A_475 : vector<1x16xi32> to vector<16xi32>
        %swap3A_477 = vector.shape_cast %or3A_472 : vector<16xi32> to vector<1x16xi32>
        tpu.vector_store %arg20[%swap3A_473, %swap3A_474], %swap3A_477 {strides = array<i32>} : memref<40x128xi32, #tpu.memory_space<vmem>>, vector<1x16xi32>,
        %get3A_478 = arith.index_cast %scan3A_261 : i32 to index
        %get3A_479 = arith.constant 32 : index
        %get3A_480 = tpu.vector_load %arg15[%get3A_478, %get3A_479] {strides = array<i32>} : memref<40x128xf32, #tpu.memory_space<vmem>>, vector<1x16xf32>,
        %get3A_481 = vector.shape_cast %get3A_480 : vector<1x16xf32> to vector<16xf32>
        %get3A_482 = arith.index_cast %scan3A_261 : i32 to index
        %get3A_483 = arith.constant 32 : index
        %get3A_484 = tpu.vector_load %arg16[%get3A_482, %get3A_483] {strides = array<i32>} : memref<40x128xf32, #tpu.memory_space<vmem>>, vector<1x16xf32>,
        %get3A_485 = vector.shape_cast %get3A_484 : vector<1x16xf32> to vector<16xf32>
        %add3A_486 = arith.addf %get3A_481, %get3A_485 : vector<16xf32>
        %get3A_487 = arith.index_cast %scan3A_261 : i32 to index
        %get3A_488 = arith.constant 96 : index
        %get3A_489 = tpu.vector_load %arg15[%get3A_487, %get3A_488] {strides = array<i32>} : memref<40x128xf32, #tpu.memory_space<vmem>>, vector<1x16xf32>,
        %get3A_490 = vector.shape_cast %get3A_489 : vector<1x16xf32> to vector<16xf32>
        %get3A_491 = arith.index_cast %scan3A_261 : i32 to index
        %get3A_492 = arith.constant 96 : index
        %get3A_493 = tpu.vector_load %arg16[%get3A_491, %get3A_492] {strides = array<i32>} : memref<40x128xf32, #tpu.memory_space<vmem>>, vector<1x16xf32>,
        %get3A_494 = vector.shape_cast %get3A_493 : vector<1x16xf32> to vector<16xf32>
        %add3A_495 = arith.addf %get3A_490, %get3A_494 : vector<16xf32>
        %bitcast_convert_type3A_496 = tpu.bitcast %add3A_486 : vector<16xf32> -> vector<16xi32>
        %bitcast_convert_type3A_497 = tpu.bitcast %add3A_495 : vector<16xf32> -> vector<16xi32>
        %add3A_498 = arith.constant 32767 : i32
        %add3A_499 = vector.broadcast %add3A_498 : i32 to vector<16xi32>
        %add3A_500 = arith.addi %bitcast_convert_type3A_496, %add3A_499 : vector<16xi32>
        %shift_right_arithmetic3A_501 = arith.constant 16 : i32
        %shift_right_arithmetic3A_502 = vector.broadcast %shift_right_arithmetic3A_501 : i32 to vector<16xi32>
        %shift_right_arithmetic3A_503 = arith.shrsi %bitcast_convert_type3A_496, %shift_right_arithmetic3A_502 : vector<16xi32>
        %and3A_504 = arith.constant 1 : i32
        %and3A_505 = vector.broadcast %and3A_504 : i32 to vector<16xi32>
        %and3A_506 = arith.andi %shift_right_arithmetic3A_503, %and3A_505 : vector<16xi32>
        %add3A_507 = arith.addi %add3A_500, %and3A_506 : vector<16xi32>
        %add3A_508 = arith.constant 32767 : i32
        %add3A_509 = vector.broadcast %add3A_508 : i32 to vector<16xi32>
        %add3A_510 = arith.addi %bitcast_convert_type3A_497, %add3A_509 : vector<16xi32>
        %shift_right_arithmetic3A_511 = arith.constant 16 : i32
        %shift_right_arithmetic3A_512 = vector.broadcast %shift_right_arithmetic3A_511 : i32 to vector<16xi32>
        %shift_right_arithmetic3A_513 = arith.shrsi %bitcast_convert_type3A_497, %shift_right_arithmetic3A_512 : vector<16xi32>
        %and3A_514 = arith.constant 1 : i32
        %and3A_515 = vector.broadcast %and3A_514 : i32 to vector<16xi32>
        %and3A_516 = arith.andi %shift_right_arithmetic3A_513, %and3A_515 : vector<16xi32>
        %add3A_517 = arith.addi %add3A_510, %and3A_516 : vector<16xi32>
        %shift_right_arithmetic3A_518 = arith.constant 16 : i32
        %shift_right_arithmetic3A_519 = vector.broadcast %shift_right_arithmetic3A_518 : i32 to vector<16xi32>
        %shift_right_arithmetic3A_520 = arith.shrsi %add3A_507, %shift_right_arithmetic3A_519 : vector<16xi32>
        %and3A_521 = arith.constant 65535 : i32
        %and3A_522 = vector.broadcast %and3A_521 : i32 to vector<16xi32>
        %and3A_523 = arith.andi %shift_right_arithmetic3A_520, %and3A_522 : vector<16xi32>
        %and3A_524 = arith.constant -65536 : i32
        %and3A_525 = vector.broadcast %and3A_524 : i32 to vector<16xi32>
        %and3A_526 = arith.andi %add3A_517, %and3A_525 : vector<16xi32>
        %or3A_527 = arith.ori %and3A_523, %and3A_526 : vector<16xi32>
        %swap3A_528 = arith.index_cast %scan3A_261 : i32 to index
        %swap3A_529 = arith.constant 32 : index
        %swap3A_530 = tpu.vector_load %arg20[%swap3A_528, %swap3A_529] {strides = array<i32>} : memref<40x128xi32, #tpu.memory_space<vmem>>, vector<1x16xi32>,
        %swap3A_531 = vector.shape_cast %swap3A_530 : vector<1x16xi32> to vector<16xi32>
        %swap3A_532 = vector.shape_cast %or3A_527 : vector<16xi32> to vector<1x16xi32>
        tpu.vector_store %arg20[%swap3A_528, %swap3A_529], %swap3A_532 {strides = array<i32>} : memref<40x128xi32, #tpu.memory_space<vmem>>, vector<1x16xi32>,
        %get3A_533 = arith.index_cast %scan3A_261 : i32 to index
        %get3A_534 = arith.constant 32 : index
        %get3A_535 = tpu.vector_load %arg17[%get3A_533, %get3A_534] {strides = array<i32>} : memref<40x128xf32, #tpu.memory_space<vmem>>, vector<1x16xf32>,
        %get3A_536 = vector.shape_cast %get3A_535 : vector<1x16xf32> to vector<16xf32>
        %get3A_537 = arith.index_cast %scan3A_261 : i32 to index
        %get3A_538 = arith.constant 32 : index
        %get3A_539 = tpu.vector_load %arg18[%get3A_537, %get3A_538] {strides = array<i32>} : memref<40x128xf32, #tpu.memory_space<vmem>>, vector<1x16xf32>,
        %get3A_540 = vector.shape_cast %get3A_539 : vector<1x16xf32> to vector<16xf32>
        %add3A_541 = arith.addf %get3A_536, %get3A_540 : vector<16xf32>
        %get3A_542 = arith.index_cast %scan3A_261 : i32 to index
        %get3A_543 = arith.constant 96 : index
        %get3A_544 = tpu.vector_load %arg17[%get3A_542, %get3A_543] {strides = array<i32>} : memref<40x128xf32, #tpu.memory_space<vmem>>, vector<1x16xf32>,
        %get3A_545 = vector.shape_cast %get3A_544 : vector<1x16xf32> to vector<16xf32>
        %get3A_546 = arith.index_cast %scan3A_261 : i32 to index
        %get3A_547 = arith.constant 96 : index
        %get3A_548 = tpu.vector_load %arg18[%get3A_546, %get3A_547] {strides = array<i32>} : memref<40x128xf32, #tpu.memory_space<vmem>>, vector<1x16xf32>,
        %get3A_549 = vector.shape_cast %get3A_548 : vector<1x16xf32> to vector<16xf32>
        %add3A_550 = arith.addf %get3A_545, %get3A_549 : vector<16xf32>
        %bitcast_convert_type3A_551 = tpu.bitcast %add3A_541 : vector<16xf32> -> vector<16xi32>
        %bitcast_convert_type3A_552 = tpu.bitcast %add3A_550 : vector<16xf32> -> vector<16xi32>
        %add3A_553 = arith.constant 32767 : i32
        %add3A_554 = vector.broadcast %add3A_553 : i32 to vector<16xi32>
        %add3A_555 = arith.addi %bitcast_convert_type3A_551, %add3A_554 : vector<16xi32>
        %shift_right_arithmetic3A_556 = arith.constant 16 : i32
        %shift_right_arithmetic3A_557 = vector.broadcast %shift_right_arithmetic3A_556 : i32 to vector<16xi32>
        %shift_right_arithmetic3A_558 = arith.shrsi %bitcast_convert_type3A_551, %shift_right_arithmetic3A_557 : vector<16xi32>
        %and3A_559 = arith.constant 1 : i32
        %and3A_560 = vector.broadcast %and3A_559 : i32 to vector<16xi32>
        %and3A_561 = arith.andi %shift_right_arithmetic3A_558, %and3A_560 : vector<16xi32>
        %add3A_562 = arith.addi %add3A_555, %and3A_561 : vector<16xi32>
        %add3A_563 = arith.constant 32767 : i32
        %add3A_564 = vector.broadcast %add3A_563 : i32 to vector<16xi32>
        %add3A_565 = arith.addi %bitcast_convert_type3A_552, %add3A_564 : vector<16xi32>
        %shift_right_arithmetic3A_566 = arith.constant 16 : i32
        %shift_right_arithmetic3A_567 = vector.broadcast %shift_right_arithmetic3A_566 : i32 to vector<16xi32>
        %shift_right_arithmetic3A_568 = arith.shrsi %bitcast_convert_type3A_552, %shift_right_arithmetic3A_567 : vector<16xi32>
        %and3A_569 = arith.constant 1 : i32
        %and3A_570 = vector.broadcast %and3A_569 : i32 to vector<16xi32>
        %and3A_571 = arith.andi %shift_right_arithmetic3A_568, %and3A_570 : vector<16xi32>
        %add3A_572 = arith.addi %add3A_565, %and3A_571 : vector<16xi32>
        %shift_right_arithmetic3A_573 = arith.constant 16 : i32
        %shift_right_arithmetic3A_574 = vector.broadcast %shift_right_arithmetic3A_573 : i32 to vector<16xi32>
        %shift_right_arithmetic3A_575 = arith.shrsi %add3A_562, %shift_right_arithmetic3A_574 : vector<16xi32>
        %and3A_576 = arith.constant 65535 : i32
        %and3A_577 = vector.broadcast %and3A_576 : i32 to vector<16xi32>
        %and3A_578 = arith.andi %shift_right_arithmetic3A_575, %and3A_577 : vector<16xi32>
        %and3A_579 = arith.constant -65536 : i32
        %and3A_580 = vector.broadcast %and3A_579 : i32 to vector<16xi32>
        %and3A_581 = arith.andi %add3A_572, %and3A_580 : vector<16xi32>
        %or3A_582 = arith.ori %and3A_578, %and3A_581 : vector<16xi32>
        %swap3A_583 = arith.index_cast %scan3A_261 : i32 to index
        %swap3A_584 = arith.constant 96 : index
        %swap3A_585 = tpu.vector_load %arg20[%swap3A_583, %swap3A_584] {strides = array<i32>} : memref<40x128xi32, #tpu.memory_space<vmem>>, vector<1x16xi32>,
        %swap3A_586 = vector.shape_cast %swap3A_585 : vector<1x16xi32> to vector<16xi32>
        %swap3A_587 = vector.shape_cast %or3A_582 : vector<16xi32> to vector<1x16xi32>
        tpu.vector_store %arg20[%swap3A_583, %swap3A_584], %swap3A_587 {strides = array<i32>} : memref<40x128xi32, #tpu.memory_space<vmem>>, vector<1x16xi32>,
        %get3A_588 = arith.index_cast %scan3A_261 : i32 to index
        %get3A_589 = arith.constant 48 : index
        %get3A_590 = tpu.vector_load %arg15[%get3A_588, %get3A_589] {strides = array<i32>} : memref<40x128xf32, #tpu.memory_space<vmem>>, vector<1x16xf32>,
        %get3A_591 = vector.shape_cast %get3A_590 : vector<1x16xf32> to vector<16xf32>
        %get3A_592 = arith.index_cast %scan3A_261 : i32 to index
        %get3A_593 = arith.constant 48 : index
        %get3A_594 = tpu.vector_load %arg16[%get3A_592, %get3A_593] {strides = array<i32>} : memref<40x128xf32, #tpu.memory_space<vmem>>, vector<1x16xf32>,
        %get3A_595 = vector.shape_cast %get3A_594 : vector<1x16xf32> to vector<16xf32>
        %add3A_596 = arith.addf %get3A_591, %get3A_595 : vector<16xf32>
        %get3A_597 = arith.index_cast %scan3A_261 : i32 to index
        %get3A_598 = arith.constant 112 : index
        %get3A_599 = tpu.vector_load %arg15[%get3A_597, %get3A_598] {strides = array<i32>} : memref<40x128xf32, #tpu.memory_space<vmem>>, vector<1x16xf32>,
        %get3A_600 = vector.shape_cast %get3A_599 : vector<1x16xf32> to vector<16xf32>
        %get3A_601 = arith.index_cast %scan3A_261 : i32 to index
        %get3A_602 = arith.constant 112 : index
        %get3A_603 = tpu.vector_load %arg16[%get3A_601, %get3A_602] {strides = array<i32>} : memref<40x128xf32, #tpu.memory_space<vmem>>, vector<1x16xf32>,
        %get3A_604 = vector.shape_cast %get3A_603 : vector<1x16xf32> to vector<16xf32>
        %add3A_605 = arith.addf %get3A_600, %get3A_604 : vector<16xf32>
        %bitcast_convert_type3A_606 = tpu.bitcast %add3A_596 : vector<16xf32> -> vector<16xi32>
        %bitcast_convert_type3A_607 = tpu.bitcast %add3A_605 : vector<16xf32> -> vector<16xi32>
        %add3A_608 = arith.constant 32767 : i32
        %add3A_609 = vector.broadcast %add3A_608 : i32 to vector<16xi32>
        %add3A_610 = arith.addi %bitcast_convert_type3A_606, %add3A_609 : vector<16xi32>
        %shift_right_arithmetic3A_611 = arith.constant 16 : i32
        %shift_right_arithmetic3A_612 = vector.broadcast %shift_right_arithmetic3A_611 : i32 to vector<16xi32>
        %shift_right_arithmetic3A_613 = arith.shrsi %bitcast_convert_type3A_606, %shift_right_arithmetic3A_612 : vector<16xi32>
        %and3A_614 = arith.constant 1 : i32
        %and3A_615 = vector.broadcast %and3A_614 : i32 to vector<16xi32>
        %and3A_616 = arith.andi %shift_right_arithmetic3A_613, %and3A_615 : vector<16xi32>
        %add3A_617 = arith.addi %add3A_610, %and3A_616 : vector<16xi32>
        %add3A_618 = arith.constant 32767 : i32
        %add3A_619 = vector.broadcast %add3A_618 : i32 to vector<16xi32>
        %add3A_620 = arith.addi %bitcast_convert_type3A_607, %add3A_619 : vector<16xi32>
        %shift_right_arithmetic3A_621 = arith.constant 16 : i32
        %shift_right_arithmetic3A_622 = vector.broadcast %shift_right_arithmetic3A_621 : i32 to vector<16xi32>
        %shift_right_arithmetic3A_623 = arith.shrsi %bitcast_convert_type3A_607, %shift_right_arithmetic3A_622 : vector<16xi32>
        %and3A_624 = arith.constant 1 : i32
        %and3A_625 = vector.broadcast %and3A_624 : i32 to vector<16xi32>
        %and3A_626 = arith.andi %shift_right_arithmetic3A_623, %and3A_625 : vector<16xi32>
        %add3A_627 = arith.addi %add3A_620, %and3A_626 : vector<16xi32>
        %shift_right_arithmetic3A_628 = arith.constant 16 : i32
        %shift_right_arithmetic3A_629 = vector.broadcast %shift_right_arithmetic3A_628 : i32 to vector<16xi32>
        %shift_right_arithmetic3A_630 = arith.shrsi %add3A_617, %shift_right_arithmetic3A_629 : vector<16xi32>
        %and3A_631 = arith.constant 65535 : i32
        %and3A_632 = vector.broadcast %and3A_631 : i32 to vector<16xi32>
        %and3A_633 = arith.andi %shift_right_arithmetic3A_630, %and3A_632 : vector<16xi32>
        %and3A_634 = arith.constant -65536 : i32
        %and3A_635 = vector.broadcast %and3A_634 : i32 to vector<16xi32>
        %and3A_636 = arith.andi %add3A_627, %and3A_635 : vector<16xi32>
        %or3A_637 = arith.ori %and3A_633, %and3A_636 : vector<16xi32>
        %swap3A_638 = arith.index_cast %scan3A_261 : i32 to index
        %swap3A_639 = arith.constant 48 : index
        %swap3A_640 = tpu.vector_load %arg20[%swap3A_638, %swap3A_639] {strides = array<i32>} : memref<40x128xi32, #tpu.memory_space<vmem>>, vector<1x16xi32>,
        %swap3A_641 = vector.shape_cast %swap3A_640 : vector<1x16xi32> to vector<16xi32>
        %swap3A_642 = vector.shape_cast %or3A_637 : vector<16xi32> to vector<1x16xi32>
        tpu.vector_store %arg20[%swap3A_638, %swap3A_639], %swap3A_642 {strides = array<i32>} : memref<40x128xi32, #tpu.memory_space<vmem>>, vector<1x16xi32>,
        %get3A_643 = arith.index_cast %scan3A_261 : i32 to index
        %get3A_644 = arith.constant 48 : index
        %get3A_645 = tpu.vector_load %arg17[%get3A_643, %get3A_644] {strides = array<i32>} : memref<40x128xf32, #tpu.memory_space<vmem>>, vector<1x16xf32>,
        %get3A_646 = vector.shape_cast %get3A_645 : vector<1x16xf32> to vector<16xf32>
        %get3A_647 = arith.index_cast %scan3A_261 : i32 to index
        %get3A_648 = arith.constant 48 : index
        %get3A_649 = tpu.vector_load %arg18[%get3A_647, %get3A_648] {strides = array<i32>} : memref<40x128xf32, #tpu.memory_space<vmem>>, vector<1x16xf32>,
        %get3A_650 = vector.shape_cast %get3A_649 : vector<1x16xf32> to vector<16xf32>
        %add3A_651 = arith.addf %get3A_646, %get3A_650 : vector<16xf32>
        %get3A_652 = arith.index_cast %scan3A_261 : i32 to index
        %get3A_653 = arith.constant 112 : index
        %get3A_654 = tpu.vector_load %arg17[%get3A_652, %get3A_653] {strides = array<i32>} : memref<40x128xf32, #tpu.memory_space<vmem>>, vector<1x16xf32>,
        %get3A_655 = vector.shape_cast %get3A_654 : vector<1x16xf32> to vector<16xf32>
        %get3A_656 = arith.index_cast %scan3A_261 : i32 to index
        %get3A_657 = arith.constant 112 : index
        %get3A_658 = tpu.vector_load %arg18[%get3A_656, %get3A_657] {strides = array<i32>} : memref<40x128xf32, #tpu.memory_space<vmem>>, vector<1x16xf32>,
        %get3A_659 = vector.shape_cast %get3A_658 : vector<1x16xf32> to vector<16xf32>
        %add3A_660 = arith.addf %get3A_655, %get3A_659 : vector<16xf32>
        %bitcast_convert_type3A_661 = tpu.bitcast %add3A_651 : vector<16xf32> -> vector<16xi32>
        %bitcast_convert_type3A_662 = tpu.bitcast %add3A_660 : vector<16xf32> -> vector<16xi32>
        %add3A_663 = arith.constant 32767 : i32
        %add3A_664 = vector.broadcast %add3A_663 : i32 to vector<16xi32>
        %add3A_665 = arith.addi %bitcast_convert_type3A_661, %add3A_664 : vector<16xi32>
        %shift_right_arithmetic3A_666 = arith.constant 16 : i32
        %shift_right_arithmetic3A_667 = vector.broadcast %shift_right_arithmetic3A_666 : i32 to vector<16xi32>
        %shift_right_arithmetic3A_668 = arith.shrsi %bitcast_convert_type3A_661, %shift_right_arithmetic3A_667 : vector<16xi32>
        %and3A_669 = arith.constant 1 : i32
        %and3A_670 = vector.broadcast %and3A_669 : i32 to vector<16xi32>
        %and3A_671 = arith.andi %shift_right_arithmetic3A_668, %and3A_670 : vector<16xi32>
        %add3A_672 = arith.addi %add3A_665, %and3A_671 : vector<16xi32>
        %add3A_673 = arith.constant 32767 : i32
        %add3A_674 = vector.broadcast %add3A_673 : i32 to vector<16xi32>
        %add3A_675 = arith.addi %bitcast_convert_type3A_662, %add3A_674 : vector<16xi32>
        %shift_right_arithmetic3A_676 = arith.constant 16 : i32
        %shift_right_arithmetic3A_677 = vector.broadcast %shift_right_arithmetic3A_676 : i32 to vector<16xi32>
        %shift_right_arithmetic3A_678 = arith.shrsi %bitcast_convert_type3A_662, %shift_right_arithmetic3A_677 : vector<16xi32>
        %and3A_679 = arith.constant 1 : i32
        %and3A_680 = vector.broadcast %and3A_679 : i32 to vector<16xi32>
        %and3A_681 = arith.andi %shift_right_arithmetic3A_678, %and3A_680 : vector<16xi32>
        %add3A_682 = arith.addi %add3A_675, %and3A_681 : vector<16xi32>
        %shift_right_arithmetic3A_683 = arith.constant 16 : i32
        %shift_right_arithmetic3A_684 = vector.broadcast %shift_right_arithmetic3A_683 : i32 to vector<16xi32>
        %shift_right_arithmetic3A_685 = arith.shrsi %add3A_672, %shift_right_arithmetic3A_684 : vector<16xi32>
        %and3A_686 = arith.constant 65535 : i32
        %and3A_687 = vector.broadcast %and3A_686 : i32 to vector<16xi32>
        %and3A_688 = arith.andi %shift_right_arithmetic3A_685, %and3A_687 : vector<16xi32>
        %and3A_689 = arith.constant -65536 : i32
        %and3A_690 = vector.broadcast %and3A_689 : i32 to vector<16xi32>
        %and3A_691 = arith.andi %add3A_682, %and3A_690 : vector<16xi32>
        %or3A_692 = arith.ori %and3A_688, %and3A_691 : vector<16xi32>
        %swap3A_693 = arith.index_cast %scan3A_261 : i32 to index
        %swap3A_694 = arith.constant 112 : index
        %swap3A_695 = tpu.vector_load %arg20[%swap3A_693, %swap3A_694] {strides = array<i32>} : memref<40x128xi32, #tpu.memory_space<vmem>>, vector<1x16xi32>,
        %swap3A_696 = vector.shape_cast %swap3A_695 : vector<1x16xi32> to vector<16xi32>
        %swap3A_697 = vector.shape_cast %or3A_692 : vector<16xi32> to vector<1x16xi32>
        tpu.vector_store %arg20[%swap3A_693, %swap3A_694], %swap3A_697 {strides = array<i32>} : memref<40x128xi32, #tpu.memory_space<vmem>>, vector<1x16xi32>,
      }
      %scan3A_253 = arith.constant 40 : i32
      %mul3A_254 = arith.constant 40 : i32
      %mul3A_255 = arith.muli %add3A_167, %mul3A_254 : i32
      %add3A_256 = arith.addi %mul3A_2, %mul3A_255 : i32
      %dma_start3A_257 = arith.constant 0 : i32
      %dma_start3A_258 = tpu.memref_slice %arg6[%add3A_256, %dma_start3A_257] : memref<64000x128xi32, #tpu.memory_space<hbm>> -> memref<40x128xi32, #tpu.memory_space<hbm>>
      %dma_start3A_259 = arith.constant 0 : i32
      %dma_start3A_260 = tpu.memref_slice %arg6[%add3A_256, %dma_start3A_259] : memref<64000x128xi32, #tpu.memory_space<hbm>> -> memref<40x128xi32, #tpu.memory_space<hbm>>
      tpu.enqueue_dma source(%arg20 : memref<40x128xi32, #tpu.memory_space<vmem>>) target(%dma_start3A_260 : memref<40x128xi32, #tpu.memory_space<hbm>>) target_semaphore(%arg24 : memref<!tpu.dma_semaphore, #tpu.memory_space<semaphore_mem>>)
    }
    %scan3A_150 = arith.constant 25 : i32
    %add3A_151 = arith.constant 1920 : i32
    %add3A_152 = arith.addi %mul3A_2, %add3A_151 : i32
    %dma_wait3A_153 = arith.constant 0 : i32
    %dma_wait3A_154 = tpu.memref_slice %arg6[%add3A_152, %dma_wait3A_153] : memref<64000x128xi32, #tpu.memory_space<hbm>> -> memref<40x128xi32, #tpu.memory_space<hbm>>
    %dma_wait3A_155 = arith.constant 0 : i32
    %dma_wait3A_156 = tpu.memref_slice %arg6[%add3A_152, %dma_wait3A_155] : memref<64000x128xi32, #tpu.memory_space<hbm>> -> memref<40x128xi32, #tpu.memory_space<hbm>>
    tpu.wait_dma2 semaphore(%arg23 : memref<!tpu.dma_semaphore, #tpu.memory_space<semaphore_mem>>) src(%arg19 : memref<40x128xi32, #tpu.memory_space<vmem>>) dst(%dma_wait3A_156 : memref<40x128xi32, #tpu.memory_space<hbm>>)
    %add3A_157 = arith.constant 1960 : i32
    %add3A_158 = arith.addi %mul3A_2, %add3A_157 : i32
    %dma_wait3A_159 = arith.constant 0 : i32
    %dma_wait3A_160 = tpu.memref_slice %arg6[%add3A_158, %dma_wait3A_159] : memref<64000x128xi32, #tpu.memory_space<hbm>> -> memref<40x128xi32, #tpu.memory_space<hbm>>
    %dma_wait3A_161 = arith.constant 0 : i32
    %dma_wait3A_162 = tpu.memref_slice %arg6[%add3A_158, %dma_wait3A_161] : memref<64000x128xi32, #tpu.memory_space<hbm>> -> memref<40x128xi32, #tpu.memory_space<hbm>>
    tpu.wait_dma2 semaphore(%arg24 : memref<!tpu.dma_semaphore, #tpu.memory_space<semaphore_mem>>) src(%arg20 : memref<40x128xi32, #tpu.memory_space<vmem>>) dst(%dma_wait3A_162 : memref<40x128xi32, #tpu.memory_space<hbm>>)
    return
  }
}

#map = affine_map<(d0, d1) -> (0, 0)>
#map1 = affine_map<(d0, d1) -> (0)>
module attributes {stable_mosaic.version = 14 : i64} {
  func.func @body(%arg0: i32, %arg1: i32, %arg2: memref<10000x128xf32, #tpu.memory_space<hbm>>, %arg3: memref<10000x128xf32, #tpu.memory_space<hbm>>, %arg4: memref<192000xi32, #tpu.memory_space<hbm>>, %arg5: memref<192000xi32, #tpu.memory_space<hbm>>, %arg6: memref<96000x128xi32, #tpu.memory_space<hbm>>, %arg7: memref<3000xi32, #tpu.memory_space<vmem>>, %arg8: memref<3000xi32, #tpu.memory_space<vmem>>, %arg9: memref<3000xi32, #tpu.memory_space<vmem>>, %arg10: memref<3000xi32, #tpu.memory_space<vmem>>, %arg11: memref<40x128xf32, #tpu.memory_space<vmem>>, %arg12: memref<40x128xf32, #tpu.memory_space<vmem>>, %arg13: memref<40x128xf32, #tpu.memory_space<vmem>>, %arg14: memref<40x128xf32, #tpu.memory_space<vmem>>, %arg15: memref<40x128xf32, #tpu.memory_space<vmem>>, %arg16: memref<40x128xf32, #tpu.memory_space<vmem>>, %arg17: memref<40x128xf32, #tpu.memory_space<vmem>>, %arg18: memref<40x128xf32, #tpu.memory_space<vmem>>, %arg19: memref<40x128xi32, #tpu.memory_space<vmem>>, %arg20: memref<40x128xi32, #tpu.memory_space<vmem>>, %arg21: memref<!tpu.dma_semaphore, #tpu.memory_space<semaphore_mem>>, %arg22: memref<!tpu.dma_semaphore, #tpu.memory_space<semaphore_mem>>, %arg23: memref<!tpu.dma_semaphore, #tpu.memory_space<semaphore_mem>>, %arg24: memref<!tpu.dma_semaphore, #tpu.memory_space<semaphore_mem>>, %arg25: memref<!tpu.dma_semaphore, #tpu.memory_space<semaphore_mem>>) attributes {dimension_semantics = [#tpu.dimension_semantics<core_parallel>, #tpu.dimension_semantics<subcore_parallel>], iteration_bounds = array<i64: 2, 16>, scalar_prefetch = 0 : i64, scratch_operands = 19 : i64, tpu.core_type = #tpu.core_type<sc_vector_subcore>, window_params = [{transform_indices = #map}, {transform_indices = #map}, {transform_indices = #map1}, {transform_indices = #map1}, {transform_indices = #map}]} {
    %mul3A = arith.constant 2 : i32
    %mul3A_0 = arith.muli %arg1, %mul3A : i32
    %add3A = arith.addi %mul3A_0, %arg0 : i32
    %mul3A_1 = arith.constant 3000 : i32
    %mul3A_2 = arith.muli %add3A, %mul3A_1 : i32
    %mul3A_3 = arith.constant 3 : i32
    %mul3A_4 = arith.muli %add3A, %mul3A_3 : i32
    %add3A_5 = arith.constant 0 : i32
    %add3A_6 = arith.addi %mul3A_4, %add3A_5 : i32
    %shift_right_arithmetic3A = arith.constant 1 : i32
    %shift_right_arithmetic3A_7 = arith.shrsi %add3A_6, %shift_right_arithmetic3A : i32
    %and3A = arith.constant 1 : i32
    %and3A_8 = arith.andi %add3A_6, %and3A : i32
    %mul3A_9 = arith.constant 1000 : i32
    %mul3A_10 = arith.muli %and3A_8, %mul3A_9 : i32
    %mul3A_11 = arith.constant 4000 : i32
    %mul3A_12 = arith.muli %mul3A_11, %shift_right_arithmetic3A_7 : i32
    %add3A_13 = arith.addi %mul3A_12, %mul3A_10 : i32
    %multiple_of3A = tpu.assume_multiple %add3A_13, 8 : i32
    %add3A_14 = arith.constant 2000 : i32
    %add3A_15 = arith.addi %multiple_of3A, %add3A_14 : i32
    %dma_start3A = arith.constant 0 : i32
    %dma_start3A_16 = tpu.memref_slice %arg7[%dma_start3A] : memref<3000xi32, #tpu.memory_space<vmem>> -> memref<1000xi32, #tpu.memory_space<vmem>>
    %dma_start3A_17 = tpu.memref_slice %arg4[%multiple_of3A] : memref<192000xi32, #tpu.memory_space<hbm>> -> memref<1000xi32, #tpu.memory_space<hbm>>
    %dma_start3A_18 = arith.constant 0 : i32
    %dma_start3A_19 = tpu.memref_slice %arg7[%dma_start3A_18] : memref<3000xi32, #tpu.memory_space<vmem>> -> memref<1000xi32, #tpu.memory_space<vmem>>
    %dma_start3A_20 = tpu.memref_slice %arg4[%multiple_of3A] : memref<192000xi32, #tpu.memory_space<hbm>> -> memref<1000xi32, #tpu.memory_space<hbm>>
    tpu.enqueue_dma source(%dma_start3A_20 : memref<1000xi32, #tpu.memory_space<hbm>>) target(%dma_start3A_19 : memref<1000xi32, #tpu.memory_space<vmem>>) target_semaphore(%arg25 : memref<!tpu.dma_semaphore, #tpu.memory_space<semaphore_mem>>)
    %dma_start3A_21 = arith.constant 0 : i32
    %dma_start3A_22 = tpu.memref_slice %arg8[%dma_start3A_21] : memref<3000xi32, #tpu.memory_space<vmem>> -> memref<1000xi32, #tpu.memory_space<vmem>>
    %dma_start3A_23 = tpu.memref_slice %arg5[%multiple_of3A] : memref<192000xi32, #tpu.memory_space<hbm>> -> memref<1000xi32, #tpu.memory_space<hbm>>
    %dma_start3A_24 = arith.constant 0 : i32
    %dma_start3A_25 = tpu.memref_slice %arg8[%dma_start3A_24] : memref<3000xi32, #tpu.memory_space<vmem>> -> memref<1000xi32, #tpu.memory_space<vmem>>
    %dma_start3A_26 = tpu.memref_slice %arg5[%multiple_of3A] : memref<192000xi32, #tpu.memory_space<hbm>> -> memref<1000xi32, #tpu.memory_space<hbm>>
    tpu.enqueue_dma source(%dma_start3A_26 : memref<1000xi32, #tpu.memory_space<hbm>>) target(%dma_start3A_25 : memref<1000xi32, #tpu.memory_space<vmem>>) target_semaphore(%arg25 : memref<!tpu.dma_semaphore, #tpu.memory_space<semaphore_mem>>)
    %dma_start3A_27 = arith.constant 0 : i32
    %dma_start3A_28 = tpu.memref_slice %arg9[%dma_start3A_27] : memref<3000xi32, #tpu.memory_space<vmem>> -> memref<1000xi32, #tpu.memory_space<vmem>>
    %dma_start3A_29 = tpu.memref_slice %arg4[%add3A_15] : memref<192000xi32, #tpu.memory_space<hbm>> -> memref<1000xi32, #tpu.memory_space<hbm>>
    %dma_start3A_30 = arith.constant 0 : i32
    %dma_start3A_31 = tpu.memref_slice %arg9[%dma_start3A_30] : memref<3000xi32, #tpu.memory_space<vmem>> -> memref<1000xi32, #tpu.memory_space<vmem>>
    %dma_start3A_32 = tpu.memref_slice %arg4[%add3A_15] : memref<192000xi32, #tpu.memory_space<hbm>> -> memref<1000xi32, #tpu.memory_space<hbm>>
    tpu.enqueue_dma source(%dma_start3A_32 : memref<1000xi32, #tpu.memory_space<hbm>>) target(%dma_start3A_31 : memref<1000xi32, #tpu.memory_space<vmem>>) target_semaphore(%arg25 : memref<!tpu.dma_semaphore, #tpu.memory_space<semaphore_mem>>)
    %dma_start3A_33 = arith.constant 0 : i32
    %dma_start3A_34 = tpu.memref_slice %arg10[%dma_start3A_33] : memref<3000xi32, #tpu.memory_space<vmem>> -> memref<1000xi32, #tpu.memory_space<vmem>>
    %dma_start3A_35 = tpu.memref_slice %arg5[%add3A_15] : memref<192000xi32, #tpu.memory_space<hbm>> -> memref<1000xi32, #tpu.memory_space<hbm>>
    %dma_start3A_36 = arith.constant 0 : i32
    %dma_start3A_37 = tpu.memref_slice %arg10[%dma_start3A_36] : memref<3000xi32, #tpu.memory_space<vmem>> -> memref<1000xi32, #tpu.memory_space<vmem>>
    %dma_start3A_38 = tpu.memref_slice %arg5[%add3A_15] : memref<192000xi32, #tpu.memory_space<hbm>> -> memref<1000xi32, #tpu.memory_space<hbm>>
    tpu.enqueue_dma source(%dma_start3A_38 : memref<1000xi32, #tpu.memory_space<hbm>>) target(%dma_start3A_37 : memref<1000xi32, #tpu.memory_space<vmem>>) target_semaphore(%arg25 : memref<!tpu.dma_semaphore, #tpu.memory_space<semaphore_mem>>)
    %mul3A_39 = arith.constant 3 : i32
    %mul3A_40 = arith.muli %add3A, %mul3A_39 : i32
    %add3A_41 = arith.constant 1 : i32
    %add3A_42 = arith.addi %mul3A_40, %add3A_41 : i32
    %shift_right_arithmetic3A_43 = arith.constant 1 : i32
    %shift_right_arithmetic3A_44 = arith.shrsi %add3A_42, %shift_right_arithmetic3A_43 : i32
    %and3A_45 = arith.constant 1 : i32
    %and3A_46 = arith.andi %add3A_42, %and3A_45 : i32
    %mul3A_47 = arith.constant 1000 : i32
    %mul3A_48 = arith.muli %and3A_46, %mul3A_47 : i32
    %mul3A_49 = arith.constant 4000 : i32
    %mul3A_50 = arith.muli %mul3A_49, %shift_right_arithmetic3A_44 : i32
    %add3A_51 = arith.addi %mul3A_50, %mul3A_48 : i32
    %multiple_of3A_52 = tpu.assume_multiple %add3A_51, 8 : i32
    %add3A_53 = arith.constant 2000 : i32
    %add3A_54 = arith.addi %multiple_of3A_52, %add3A_53 : i32
    %dma_start3A_55 = arith.constant 1000 : i32
    %dma_start3A_56 = tpu.memref_slice %arg7[%dma_start3A_55] : memref<3000xi32, #tpu.memory_space<vmem>> -> memref<1000xi32, #tpu.memory_space<vmem>>
    %dma_start3A_57 = tpu.memref_slice %arg4[%multiple_of3A_52] : memref<192000xi32, #tpu.memory_space<hbm>> -> memref<1000xi32, #tpu.memory_space<hbm>>
    %dma_start3A_58 = arith.constant 1000 : i32
    %dma_start3A_59 = tpu.memref_slice %arg7[%dma_start3A_58] : memref<3000xi32, #tpu.memory_space<vmem>> -> memref<1000xi32, #tpu.memory_space<vmem>>
    %dma_start3A_60 = tpu.memref_slice %arg4[%multiple_of3A_52] : memref<192000xi32, #tpu.memory_space<hbm>> -> memref<1000xi32, #tpu.memory_space<hbm>>
    tpu.enqueue_dma source(%dma_start3A_60 : memref<1000xi32, #tpu.memory_space<hbm>>) target(%dma_start3A_59 : memref<1000xi32, #tpu.memory_space<vmem>>) target_semaphore(%arg25 : memref<!tpu.dma_semaphore, #tpu.memory_space<semaphore_mem>>)
    %dma_start3A_61 = arith.constant 1000 : i32
    %dma_start3A_62 = tpu.memref_slice %arg8[%dma_start3A_61] : memref<3000xi32, #tpu.memory_space<vmem>> -> memref<1000xi32, #tpu.memory_space<vmem>>
    %dma_start3A_63 = tpu.memref_slice %arg5[%multiple_of3A_52] : memref<192000xi32, #tpu.memory_space<hbm>> -> memref<1000xi32, #tpu.memory_space<hbm>>
    %dma_start3A_64 = arith.constant 1000 : i32
    %dma_start3A_65 = tpu.memref_slice %arg8[%dma_start3A_64] : memref<3000xi32, #tpu.memory_space<vmem>> -> memref<1000xi32, #tpu.memory_space<vmem>>
    %dma_start3A_66 = tpu.memref_slice %arg5[%multiple_of3A_52] : memref<192000xi32, #tpu.memory_space<hbm>> -> memref<1000xi32, #tpu.memory_space<hbm>>
    tpu.enqueue_dma source(%dma_start3A_66 : memref<1000xi32, #tpu.memory_space<hbm>>) target(%dma_start3A_65 : memref<1000xi32, #tpu.memory_space<vmem>>) target_semaphore(%arg25 : memref<!tpu.dma_semaphore, #tpu.memory_space<semaphore_mem>>)
    %dma_start3A_67 = arith.constant 1000 : i32
    %dma_start3A_68 = tpu.memref_slice %arg9[%dma_start3A_67] : memref<3000xi32, #tpu.memory_space<vmem>> -> memref<1000xi32, #tpu.memory_space<vmem>>
    %dma_start3A_69 = tpu.memref_slice %arg4[%add3A_54] : memref<192000xi32, #tpu.memory_space<hbm>> -> memref<1000xi32, #tpu.memory_space<hbm>>
    %dma_start3A_70 = arith.constant 1000 : i32
    %dma_start3A_71 = tpu.memref_slice %arg9[%dma_start3A_70] : memref<3000xi32, #tpu.memory_space<vmem>> -> memref<1000xi32, #tpu.memory_space<vmem>>
    %dma_start3A_72 = tpu.memref_slice %arg4[%add3A_54] : memref<192000xi32, #tpu.memory_space<hbm>> -> memref<1000xi32, #tpu.memory_space<hbm>>
    tpu.enqueue_dma source(%dma_start3A_72 : memref<1000xi32, #tpu.memory_space<hbm>>) target(%dma_start3A_71 : memref<1000xi32, #tpu.memory_space<vmem>>) target_semaphore(%arg25 : memref<!tpu.dma_semaphore, #tpu.memory_space<semaphore_mem>>)
    %dma_start3A_73 = arith.constant 1000 : i32
    %dma_start3A_74 = tpu.memref_slice %arg10[%dma_start3A_73] : memref<3000xi32, #tpu.memory_space<vmem>> -> memref<1000xi32, #tpu.memory_space<vmem>>
    %dma_start3A_75 = tpu.memref_slice %arg5[%add3A_54] : memref<192000xi32, #tpu.memory_space<hbm>> -> memref<1000xi32, #tpu.memory_space<hbm>>
    %dma_start3A_76 = arith.constant 1000 : i32
    %dma_start3A_77 = tpu.memref_slice %arg10[%dma_start3A_76] : memref<3000xi32, #tpu.memory_space<vmem>> -> memref<1000xi32, #tpu.memory_space<vmem>>
    %dma_start3A_78 = tpu.memref_slice %arg5[%add3A_54] : memref<192000xi32, #tpu.memory_space<hbm>> -> memref<1000xi32, #tpu.memory_space<hbm>>
    tpu.enqueue_dma source(%dma_start3A_78 : memref<1000xi32, #tpu.memory_space<hbm>>) target(%dma_start3A_77 : memref<1000xi32, #tpu.memory_space<vmem>>) target_semaphore(%arg25 : memref<!tpu.dma_semaphore, #tpu.memory_space<semaphore_mem>>)
    %mul3A_79 = arith.constant 3 : i32
    %mul3A_80 = arith.muli %add3A, %mul3A_79 : i32
    %add3A_81 = arith.constant 2 : i32
    %add3A_82 = arith.addi %mul3A_80, %add3A_81 : i32
    %shift_right_arithmetic3A_83 = arith.constant 1 : i32
    %shift_right_arithmetic3A_84 = arith.shrsi %add3A_82, %shift_right_arithmetic3A_83 : i32
    %and3A_85 = arith.constant 1 : i32
    %and3A_86 = arith.andi %add3A_82, %and3A_85 : i32
    %mul3A_87 = arith.constant 1000 : i32
    %mul3A_88 = arith.muli %and3A_86, %mul3A_87 : i32
    %mul3A_89 = arith.constant 4000 : i32
    %mul3A_90 = arith.muli %mul3A_89, %shift_right_arithmetic3A_84 : i32
    %add3A_91 = arith.addi %mul3A_90, %mul3A_88 : i32
    %multiple_of3A_92 = tpu.assume_multiple %add3A_91, 8 : i32
    %add3A_93 = arith.constant 2000 : i32
    %add3A_94 = arith.addi %multiple_of3A_92, %add3A_93 : i32
    %dma_start3A_95 = arith.constant 2000 : i32
    %dma_start3A_96 = tpu.memref_slice %arg7[%dma_start3A_95] : memref<3000xi32, #tpu.memory_space<vmem>> -> memref<1000xi32, #tpu.memory_space<vmem>>
    %dma_start3A_97 = tpu.memref_slice %arg4[%multiple_of3A_92] : memref<192000xi32, #tpu.memory_space<hbm>> -> memref<1000xi32, #tpu.memory_space<hbm>>
    %dma_start3A_98 = arith.constant 2000 : i32
    %dma_start3A_99 = tpu.memref_slice %arg7[%dma_start3A_98] : memref<3000xi32, #tpu.memory_space<vmem>> -> memref<1000xi32, #tpu.memory_space<vmem>>
    %dma_start3A_100 = tpu.memref_slice %arg4[%multiple_of3A_92] : memref<192000xi32, #tpu.memory_space<hbm>> -> memref<1000xi32, #tpu.memory_space<hbm>>
    tpu.enqueue_dma source(%dma_start3A_100 : memref<1000xi32, #tpu.memory_space<hbm>>) target(%dma_start3A_99 : memref<1000xi32, #tpu.memory_space<vmem>>) target_semaphore(%arg25 : memref<!tpu.dma_semaphore, #tpu.memory_space<semaphore_mem>>)
    %dma_start3A_101 = arith.constant 2000 : i32
    %dma_start3A_102 = tpu.memref_slice %arg8[%dma_start3A_101] : memref<3000xi32, #tpu.memory_space<vmem>> -> memref<1000xi32, #tpu.memory_space<vmem>>
    %dma_start3A_103 = tpu.memref_slice %arg5[%multiple_of3A_92] : memref<192000xi32, #tpu.memory_space<hbm>> -> memref<1000xi32, #tpu.memory_space<hbm>>
    %dma_start3A_104 = arith.constant 2000 : i32
    %dma_start3A_105 = tpu.memref_slice %arg8[%dma_start3A_104] : memref<3000xi32, #tpu.memory_space<vmem>> -> memref<1000xi32, #tpu.memory_space<vmem>>
    %dma_start3A_106 = tpu.memref_slice %arg5[%multiple_of3A_92] : memref<192000xi32, #tpu.memory_space<hbm>> -> memref<1000xi32, #tpu.memory_space<hbm>>
    tpu.enqueue_dma source(%dma_start3A_106 : memref<1000xi32, #tpu.memory_space<hbm>>) target(%dma_start3A_105 : memref<1000xi32, #tpu.memory_space<vmem>>) target_semaphore(%arg25 : memref<!tpu.dma_semaphore, #tpu.memory_space<semaphore_mem>>)
    %dma_start3A_107 = arith.constant 2000 : i32
    %dma_start3A_108 = tpu.memref_slice %arg9[%dma_start3A_107] : memref<3000xi32, #tpu.memory_space<vmem>> -> memref<1000xi32, #tpu.memory_space<vmem>>
    %dma_start3A_109 = tpu.memref_slice %arg4[%add3A_94] : memref<192000xi32, #tpu.memory_space<hbm>> -> memref<1000xi32, #tpu.memory_space<hbm>>
    %dma_start3A_110 = arith.constant 2000 : i32
    %dma_start3A_111 = tpu.memref_slice %arg9[%dma_start3A_110] : memref<3000xi32, #tpu.memory_space<vmem>> -> memref<1000xi32, #tpu.memory_space<vmem>>
    %dma_start3A_112 = tpu.memref_slice %arg4[%add3A_94] : memref<192000xi32, #tpu.memory_space<hbm>> -> memref<1000xi32, #tpu.memory_space<hbm>>
    tpu.enqueue_dma source(%dma_start3A_112 : memref<1000xi32, #tpu.memory_space<hbm>>) target(%dma_start3A_111 : memref<1000xi32, #tpu.memory_space<vmem>>) target_semaphore(%arg25 : memref<!tpu.dma_semaphore, #tpu.memory_space<semaphore_mem>>)
    %dma_start3A_113 = arith.constant 2000 : i32
    %dma_start3A_114 = tpu.memref_slice %arg10[%dma_start3A_113] : memref<3000xi32, #tpu.memory_space<vmem>> -> memref<1000xi32, #tpu.memory_space<vmem>>
    %dma_start3A_115 = tpu.memref_slice %arg5[%add3A_94] : memref<192000xi32, #tpu.memory_space<hbm>> -> memref<1000xi32, #tpu.memory_space<hbm>>
    %dma_start3A_116 = arith.constant 2000 : i32
    %dma_start3A_117 = tpu.memref_slice %arg10[%dma_start3A_116] : memref<3000xi32, #tpu.memory_space<vmem>> -> memref<1000xi32, #tpu.memory_space<vmem>>
    %dma_start3A_118 = tpu.memref_slice %arg5[%add3A_94] : memref<192000xi32, #tpu.memory_space<hbm>> -> memref<1000xi32, #tpu.memory_space<hbm>>
    tpu.enqueue_dma source(%dma_start3A_118 : memref<1000xi32, #tpu.memory_space<hbm>>) target(%dma_start3A_117 : memref<1000xi32, #tpu.memory_space<vmem>>) target_semaphore(%arg25 : memref<!tpu.dma_semaphore, #tpu.memory_space<semaphore_mem>>)
    %dma_wait3A = arith.constant 0 : i32
    %dma_wait3A_119 = tpu.memref_slice %arg7[%dma_wait3A] : memref<3000xi32, #tpu.memory_space<vmem>> -> memref<1000xi32, #tpu.memory_space<vmem>>
    %dma_wait3A_120 = tpu.memref_slice %arg4[%multiple_of3A] : memref<192000xi32, #tpu.memory_space<hbm>> -> memref<1000xi32, #tpu.memory_space<hbm>>
    %dma_wait3A_121 = arith.constant 0 : i32
    %dma_wait3A_122 = tpu.memref_slice %arg7[%dma_wait3A_121] : memref<3000xi32, #tpu.memory_space<vmem>> -> memref<1000xi32, #tpu.memory_space<vmem>>
    %dma_wait3A_123 = tpu.memref_slice %arg4[%multiple_of3A] : memref<192000xi32, #tpu.memory_space<hbm>> -> memref<1000xi32, #tpu.memory_space<hbm>>
    tpu.wait_dma2 semaphore(%arg25 : memref<!tpu.dma_semaphore, #tpu.memory_space<semaphore_mem>>) src(%dma_wait3A_123 : memref<1000xi32, #tpu.memory_space<hbm>>) dst(%dma_wait3A_122 : memref<1000xi32, #tpu.memory_space<vmem>>)
    %dma_wait3A_124 = arith.constant 0 : i32
    %dma_wait3A_125 = tpu.memref_slice %arg8[%dma_wait3A_124] : memref<3000xi32, #tpu.memory_space<vmem>> -> memref<1000xi32, #tpu.memory_space<vmem>>
    %dma_wait3A_126 = tpu.memref_slice %arg5[%multiple_of3A] : memref<192000xi32, #tpu.memory_space<hbm>> -> memref<1000xi32, #tpu.memory_space<hbm>>
    %dma_wait3A_127 = arith.constant 0 : i32
    %dma_wait3A_128 = tpu.memref_slice %arg8[%dma_wait3A_127] : memref<3000xi32, #tpu.memory_space<vmem>> -> memref<1000xi32, #tpu.memory_space<vmem>>
    %dma_wait3A_129 = tpu.memref_slice %arg5[%multiple_of3A] : memref<192000xi32, #tpu.memory_space<hbm>> -> memref<1000xi32, #tpu.memory_space<hbm>>
    tpu.wait_dma2 semaphore(%arg25 : memref<!tpu.dma_semaphore, #tpu.memory_space<semaphore_mem>>) src(%dma_wait3A_129 : memref<1000xi32, #tpu.memory_space<hbm>>) dst(%dma_wait3A_128 : memref<1000xi32, #tpu.memory_space<vmem>>)
    %dma_wait3A_130 = arith.constant 0 : i32
    %dma_wait3A_131 = tpu.memref_slice %arg9[%dma_wait3A_130] : memref<3000xi32, #tpu.memory_space<vmem>> -> memref<1000xi32, #tpu.memory_space<vmem>>
    %dma_wait3A_132 = tpu.memref_slice %arg4[%add3A_15] : memref<192000xi32, #tpu.memory_space<hbm>> -> memref<1000xi32, #tpu.memory_space<hbm>>
    %dma_wait3A_133 = arith.constant 0 : i32
    %dma_wait3A_134 = tpu.memref_slice %arg9[%dma_wait3A_133] : memref<3000xi32, #tpu.memory_space<vmem>> -> memref<1000xi32, #tpu.memory_space<vmem>>
    %dma_wait3A_135 = tpu.memref_slice %arg4[%add3A_15] : memref<192000xi32, #tpu.memory_space<hbm>> -> memref<1000xi32, #tpu.memory_space<hbm>>
    tpu.wait_dma2 semaphore(%arg25 : memref<!tpu.dma_semaphore, #tpu.memory_space<semaphore_mem>>) src(%dma_wait3A_135 : memref<1000xi32, #tpu.memory_space<hbm>>) dst(%dma_wait3A_134 : memref<1000xi32, #tpu.memory_space<vmem>>)
    %dma_wait3A_136 = arith.constant 0 : i32
    %dma_wait3A_137 = tpu.memref_slice %arg10[%dma_wait3A_136] : memref<3000xi32, #tpu.memory_space<vmem>> -> memref<1000xi32, #tpu.memory_space<vmem>>
    %dma_wait3A_138 = tpu.memref_slice %arg5[%add3A_15] : memref<192000xi32, #tpu.memory_space<hbm>> -> memref<1000xi32, #tpu.memory_space<hbm>>
    %dma_wait3A_139 = arith.constant 0 : i32
    %dma_wait3A_140 = tpu.memref_slice %arg10[%dma_wait3A_139] : memref<3000xi32, #tpu.memory_space<vmem>> -> memref<1000xi32, #tpu.memory_space<vmem>>
    %dma_wait3A_141 = tpu.memref_slice %arg5[%add3A_15] : memref<192000xi32, #tpu.memory_space<hbm>> -> memref<1000xi32, #tpu.memory_space<hbm>>
    tpu.wait_dma2 semaphore(%arg25 : memref<!tpu.dma_semaphore, #tpu.memory_space<semaphore_mem>>) src(%dma_wait3A_141 : memref<1000xi32, #tpu.memory_space<hbm>>) dst(%dma_wait3A_140 : memref<1000xi32, #tpu.memory_space<vmem>>)
    %dma_wait3A_142 = arith.constant 1000 : i32
    %dma_wait3A_143 = tpu.memref_slice %arg7[%dma_wait3A_142] : memref<3000xi32, #tpu.memory_space<vmem>> -> memref<1000xi32, #tpu.memory_space<vmem>>
    %dma_wait3A_144 = tpu.memref_slice %arg4[%multiple_of3A_52] : memref<192000xi32, #tpu.memory_space<hbm>> -> memref<1000xi32, #tpu.memory_space<hbm>>
    %dma_wait3A_145 = arith.constant 1000 : i32
    %dma_wait3A_146 = tpu.memref_slice %arg7[%dma_wait3A_145] : memref<3000xi32, #tpu.memory_space<vmem>> -> memref<1000xi32, #tpu.memory_space<vmem>>
    %dma_wait3A_147 = tpu.memref_slice %arg4[%multiple_of3A_52] : memref<192000xi32, #tpu.memory_space<hbm>> -> memref<1000xi32, #tpu.memory_space<hbm>>
    tpu.wait_dma2 semaphore(%arg25 : memref<!tpu.dma_semaphore, #tpu.memory_space<semaphore_mem>>) src(%dma_wait3A_147 : memref<1000xi32, #tpu.memory_space<hbm>>) dst(%dma_wait3A_146 : memref<1000xi32, #tpu.memory_space<vmem>>)
    %dma_wait3A_148 = arith.constant 1000 : i32
    %dma_wait3A_149 = tpu.memref_slice %arg8[%dma_wait3A_148] : memref<3000xi32, #tpu.memory_space<vmem>> -> memref<1000xi32, #tpu.memory_space<vmem>>
    %dma_wait3A_150 = tpu.memref_slice %arg5[%multiple_of3A_52] : memref<192000xi32, #tpu.memory_space<hbm>> -> memref<1000xi32, #tpu.memory_space<hbm>>
    %dma_wait3A_151 = arith.constant 1000 : i32
    %dma_wait3A_152 = tpu.memref_slice %arg8[%dma_wait3A_151] : memref<3000xi32, #tpu.memory_space<vmem>> -> memref<1000xi32, #tpu.memory_space<vmem>>
    %dma_wait3A_153 = tpu.memref_slice %arg5[%multiple_of3A_52] : memref<192000xi32, #tpu.memory_space<hbm>> -> memref<1000xi32, #tpu.memory_space<hbm>>
    tpu.wait_dma2 semaphore(%arg25 : memref<!tpu.dma_semaphore, #tpu.memory_space<semaphore_mem>>) src(%dma_wait3A_153 : memref<1000xi32, #tpu.memory_space<hbm>>) dst(%dma_wait3A_152 : memref<1000xi32, #tpu.memory_space<vmem>>)
    %dma_wait3A_154 = arith.constant 1000 : i32
    %dma_wait3A_155 = tpu.memref_slice %arg9[%dma_wait3A_154] : memref<3000xi32, #tpu.memory_space<vmem>> -> memref<1000xi32, #tpu.memory_space<vmem>>
    %dma_wait3A_156 = tpu.memref_slice %arg4[%add3A_54] : memref<192000xi32, #tpu.memory_space<hbm>> -> memref<1000xi32, #tpu.memory_space<hbm>>
    %dma_wait3A_157 = arith.constant 1000 : i32
    %dma_wait3A_158 = tpu.memref_slice %arg9[%dma_wait3A_157] : memref<3000xi32, #tpu.memory_space<vmem>> -> memref<1000xi32, #tpu.memory_space<vmem>>
    %dma_wait3A_159 = tpu.memref_slice %arg4[%add3A_54] : memref<192000xi32, #tpu.memory_space<hbm>> -> memref<1000xi32, #tpu.memory_space<hbm>>
    tpu.wait_dma2 semaphore(%arg25 : memref<!tpu.dma_semaphore, #tpu.memory_space<semaphore_mem>>) src(%dma_wait3A_159 : memref<1000xi32, #tpu.memory_space<hbm>>) dst(%dma_wait3A_158 : memref<1000xi32, #tpu.memory_space<vmem>>)
    %dma_wait3A_160 = arith.constant 1000 : i32
    %dma_wait3A_161 = tpu.memref_slice %arg10[%dma_wait3A_160] : memref<3000xi32, #tpu.memory_space<vmem>> -> memref<1000xi32, #tpu.memory_space<vmem>>
    %dma_wait3A_162 = tpu.memref_slice %arg5[%add3A_54] : memref<192000xi32, #tpu.memory_space<hbm>> -> memref<1000xi32, #tpu.memory_space<hbm>>
    %dma_wait3A_163 = arith.constant 1000 : i32
    %dma_wait3A_164 = tpu.memref_slice %arg10[%dma_wait3A_163] : memref<3000xi32, #tpu.memory_space<vmem>> -> memref<1000xi32, #tpu.memory_space<vmem>>
    %dma_wait3A_165 = tpu.memref_slice %arg5[%add3A_54] : memref<192000xi32, #tpu.memory_space<hbm>> -> memref<1000xi32, #tpu.memory_space<hbm>>
    tpu.wait_dma2 semaphore(%arg25 : memref<!tpu.dma_semaphore, #tpu.memory_space<semaphore_mem>>) src(%dma_wait3A_165 : memref<1000xi32, #tpu.memory_space<hbm>>) dst(%dma_wait3A_164 : memref<1000xi32, #tpu.memory_space<vmem>>)
    %dma_wait3A_166 = arith.constant 2000 : i32
    %dma_wait3A_167 = tpu.memref_slice %arg7[%dma_wait3A_166] : memref<3000xi32, #tpu.memory_space<vmem>> -> memref<1000xi32, #tpu.memory_space<vmem>>
    %dma_wait3A_168 = tpu.memref_slice %arg4[%multiple_of3A_92] : memref<192000xi32, #tpu.memory_space<hbm>> -> memref<1000xi32, #tpu.memory_space<hbm>>
    %dma_wait3A_169 = arith.constant 2000 : i32
    %dma_wait3A_170 = tpu.memref_slice %arg7[%dma_wait3A_169] : memref<3000xi32, #tpu.memory_space<vmem>> -> memref<1000xi32, #tpu.memory_space<vmem>>
    %dma_wait3A_171 = tpu.memref_slice %arg4[%multiple_of3A_92] : memref<192000xi32, #tpu.memory_space<hbm>> -> memref<1000xi32, #tpu.memory_space<hbm>>
    tpu.wait_dma2 semaphore(%arg25 : memref<!tpu.dma_semaphore, #tpu.memory_space<semaphore_mem>>) src(%dma_wait3A_171 : memref<1000xi32, #tpu.memory_space<hbm>>) dst(%dma_wait3A_170 : memref<1000xi32, #tpu.memory_space<vmem>>)
    %dma_wait3A_172 = arith.constant 2000 : i32
    %dma_wait3A_173 = tpu.memref_slice %arg8[%dma_wait3A_172] : memref<3000xi32, #tpu.memory_space<vmem>> -> memref<1000xi32, #tpu.memory_space<vmem>>
    %dma_wait3A_174 = tpu.memref_slice %arg5[%multiple_of3A_92] : memref<192000xi32, #tpu.memory_space<hbm>> -> memref<1000xi32, #tpu.memory_space<hbm>>
    %dma_wait3A_175 = arith.constant 2000 : i32
    %dma_wait3A_176 = tpu.memref_slice %arg8[%dma_wait3A_175] : memref<3000xi32, #tpu.memory_space<vmem>> -> memref<1000xi32, #tpu.memory_space<vmem>>
    %dma_wait3A_177 = tpu.memref_slice %arg5[%multiple_of3A_92] : memref<192000xi32, #tpu.memory_space<hbm>> -> memref<1000xi32, #tpu.memory_space<hbm>>
    tpu.wait_dma2 semaphore(%arg25 : memref<!tpu.dma_semaphore, #tpu.memory_space<semaphore_mem>>) src(%dma_wait3A_177 : memref<1000xi32, #tpu.memory_space<hbm>>) dst(%dma_wait3A_176 : memref<1000xi32, #tpu.memory_space<vmem>>)
    %dma_wait3A_178 = arith.constant 2000 : i32
    %dma_wait3A_179 = tpu.memref_slice %arg9[%dma_wait3A_178] : memref<3000xi32, #tpu.memory_space<vmem>> -> memref<1000xi32, #tpu.memory_space<vmem>>
    %dma_wait3A_180 = tpu.memref_slice %arg4[%add3A_94] : memref<192000xi32, #tpu.memory_space<hbm>> -> memref<1000xi32, #tpu.memory_space<hbm>>
    %dma_wait3A_181 = arith.constant 2000 : i32
    %dma_wait3A_182 = tpu.memref_slice %arg9[%dma_wait3A_181] : memref<3000xi32, #tpu.memory_space<vmem>> -> memref<1000xi32, #tpu.memory_space<vmem>>
    %dma_wait3A_183 = tpu.memref_slice %arg4[%add3A_94] : memref<192000xi32, #tpu.memory_space<hbm>> -> memref<1000xi32, #tpu.memory_space<hbm>>
    tpu.wait_dma2 semaphore(%arg25 : memref<!tpu.dma_semaphore, #tpu.memory_space<semaphore_mem>>) src(%dma_wait3A_183 : memref<1000xi32, #tpu.memory_space<hbm>>) dst(%dma_wait3A_182 : memref<1000xi32, #tpu.memory_space<vmem>>)
    %dma_wait3A_184 = arith.constant 2000 : i32
    %dma_wait3A_185 = tpu.memref_slice %arg10[%dma_wait3A_184] : memref<3000xi32, #tpu.memory_space<vmem>> -> memref<1000xi32, #tpu.memory_space<vmem>>
    %dma_wait3A_186 = tpu.memref_slice %arg5[%add3A_94] : memref<192000xi32, #tpu.memory_space<hbm>> -> memref<1000xi32, #tpu.memory_space<hbm>>
    %dma_wait3A_187 = arith.constant 2000 : i32
    %dma_wait3A_188 = tpu.memref_slice %arg10[%dma_wait3A_187] : memref<3000xi32, #tpu.memory_space<vmem>> -> memref<1000xi32, #tpu.memory_space<vmem>>
    %dma_wait3A_189 = tpu.memref_slice %arg5[%add3A_94] : memref<192000xi32, #tpu.memory_space<hbm>> -> memref<1000xi32, #tpu.memory_space<hbm>>
    tpu.wait_dma2 semaphore(%arg25 : memref<!tpu.dma_semaphore, #tpu.memory_space<semaphore_mem>>) src(%dma_wait3A_189 : memref<1000xi32, #tpu.memory_space<hbm>>) dst(%dma_wait3A_188 : memref<1000xi32, #tpu.memory_space<vmem>>)
    %dma_start3A_190 = arith.constant 0 : i32
    %dma_start3A_191 = tpu.memref_slice %arg7[%dma_start3A_190] : memref<3000xi32, #tpu.memory_space<vmem>> -> memref<40xi32, #tpu.memory_space<vmem>>
    %dma_start3A_192 = arith.constant 0 : i32
    %dma_start3A_193 = arith.constant 0 : i32
    %dma_start3A_194 = tpu.memref_slice %arg2[%dma_start3A_192, %dma_start3A_193] : memref<10000x128xf32, #tpu.memory_space<hbm>> -> memref<10000x128xf32, #tpu.memory_space<hbm>>
    tpu.enqueue_indirect_dma source(%dma_start3A_194 : memref<10000x128xf32, #tpu.memory_space<hbm>>) target(%arg11 : memref<40x128xf32, #tpu.memory_space<vmem>>) offsets(%dma_start3A_191 : memref<40xi32, #tpu.memory_space<vmem>>) semaphore(%arg21 : memref<!tpu.dma_semaphore, #tpu.memory_space<semaphore_mem>>)
    %dma_start3A_195 = arith.constant 0 : i32
    %dma_start3A_196 = tpu.memref_slice %arg8[%dma_start3A_195] : memref<3000xi32, #tpu.memory_space<vmem>> -> memref<40xi32, #tpu.memory_space<vmem>>
    %dma_start3A_197 = arith.constant 0 : i32
    %dma_start3A_198 = arith.constant 0 : i32
    %dma_start3A_199 = tpu.memref_slice %arg3[%dma_start3A_197, %dma_start3A_198] : memref<10000x128xf32, #tpu.memory_space<hbm>> -> memref<10000x128xf32, #tpu.memory_space<hbm>>
    tpu.enqueue_indirect_dma source(%dma_start3A_199 : memref<10000x128xf32, #tpu.memory_space<hbm>>) target(%arg12 : memref<40x128xf32, #tpu.memory_space<vmem>>) offsets(%dma_start3A_196 : memref<40xi32, #tpu.memory_space<vmem>>) semaphore(%arg21 : memref<!tpu.dma_semaphore, #tpu.memory_space<semaphore_mem>>)
    %dma_start3A_200 = arith.constant 0 : i32
    %dma_start3A_201 = tpu.memref_slice %arg9[%dma_start3A_200] : memref<3000xi32, #tpu.memory_space<vmem>> -> memref<40xi32, #tpu.memory_space<vmem>>
    %dma_start3A_202 = arith.constant 0 : i32
    %dma_start3A_203 = arith.constant 0 : i32
    %dma_start3A_204 = tpu.memref_slice %arg2[%dma_start3A_202, %dma_start3A_203] : memref<10000x128xf32, #tpu.memory_space<hbm>> -> memref<10000x128xf32, #tpu.memory_space<hbm>>
    tpu.enqueue_indirect_dma source(%dma_start3A_204 : memref<10000x128xf32, #tpu.memory_space<hbm>>) target(%arg13 : memref<40x128xf32, #tpu.memory_space<vmem>>) offsets(%dma_start3A_201 : memref<40xi32, #tpu.memory_space<vmem>>) semaphore(%arg21 : memref<!tpu.dma_semaphore, #tpu.memory_space<semaphore_mem>>)
    %dma_start3A_205 = arith.constant 0 : i32
    %dma_start3A_206 = tpu.memref_slice %arg10[%dma_start3A_205] : memref<3000xi32, #tpu.memory_space<vmem>> -> memref<40xi32, #tpu.memory_space<vmem>>
    %dma_start3A_207 = arith.constant 0 : i32
    %dma_start3A_208 = arith.constant 0 : i32
    %dma_start3A_209 = tpu.memref_slice %arg3[%dma_start3A_207, %dma_start3A_208] : memref<10000x128xf32, #tpu.memory_space<hbm>> -> memref<10000x128xf32, #tpu.memory_space<hbm>>
    tpu.enqueue_indirect_dma source(%dma_start3A_209 : memref<10000x128xf32, #tpu.memory_space<hbm>>) target(%arg14 : memref<40x128xf32, #tpu.memory_space<vmem>>) offsets(%dma_start3A_206 : memref<40xi32, #tpu.memory_space<vmem>>) semaphore(%arg21 : memref<!tpu.dma_semaphore, #tpu.memory_space<semaphore_mem>>)
    %scan3A = arith.constant 0 : i32
    %scan3A_210 = arith.constant 0 : i32
    %scan3A_211 = arith.constant 37 : i32
    %scan3A_212 = arith.addi %scan3A_210, %scan3A_211 : i32
    %scan3A_213 = arith.constant 1 : i32
    scf.for %scan3A_265 = %scan3A_210 to %scan3A_212 step %scan3A_213  : i32 {
      %mul3A_266 = arith.constant 2 : i32
      %mul3A_267 = arith.muli %mul3A_266, %scan3A_265 : i32
      %add3A_268 = arith.constant 1 : i32
      %add3A_269 = arith.addi %mul3A_267, %add3A_268 : i32
      %mul3A_270 = arith.constant 40 : i32
      %mul3A_271 = arith.muli %add3A_269, %mul3A_270 : i32
      %dma_start3A_272 = tpu.memref_slice %arg7[%mul3A_271] : memref<3000xi32, #tpu.memory_space<vmem>> -> memref<40xi32, #tpu.memory_space<vmem>>
      %dma_start3A_273 = arith.constant 0 : i32
      %dma_start3A_274 = arith.constant 0 : i32
      %dma_start3A_275 = tpu.memref_slice %arg2[%dma_start3A_273, %dma_start3A_274] : memref<10000x128xf32, #tpu.memory_space<hbm>> -> memref<10000x128xf32, #tpu.memory_space<hbm>>
      tpu.enqueue_indirect_dma source(%dma_start3A_275 : memref<10000x128xf32, #tpu.memory_space<hbm>>) target(%arg15 : memref<40x128xf32, #tpu.memory_space<vmem>>) offsets(%dma_start3A_272 : memref<40xi32, #tpu.memory_space<vmem>>) semaphore(%arg22 : memref<!tpu.dma_semaphore, #tpu.memory_space<semaphore_mem>>)
      %dma_start3A_276 = tpu.memref_slice %arg8[%mul3A_271] : memref<3000xi32, #tpu.memory_space<vmem>> -> memref<40xi32, #tpu.memory_space<vmem>>
      %dma_start3A_277 = arith.constant 0 : i32
      %dma_start3A_278 = arith.constant 0 : i32
      %dma_start3A_279 = tpu.memref_slice %arg3[%dma_start3A_277, %dma_start3A_278] : memref<10000x128xf32, #tpu.memory_space<hbm>> -> memref<10000x128xf32, #tpu.memory_space<hbm>>
      tpu.enqueue_indirect_dma source(%dma_start3A_279 : memref<10000x128xf32, #tpu.memory_space<hbm>>) target(%arg16 : memref<40x128xf32, #tpu.memory_space<vmem>>) offsets(%dma_start3A_276 : memref<40xi32, #tpu.memory_space<vmem>>) semaphore(%arg22 : memref<!tpu.dma_semaphore, #tpu.memory_space<semaphore_mem>>)
      %dma_start3A_280 = tpu.memref_slice %arg9[%mul3A_271] : memref<3000xi32, #tpu.memory_space<vmem>> -> memref<40xi32, #tpu.memory_space<vmem>>
      %dma_start3A_281 = arith.constant 0 : i32
      %dma_start3A_282 = arith.constant 0 : i32
      %dma_start3A_283 = tpu.memref_slice %arg2[%dma_start3A_281, %dma_start3A_282] : memref<10000x128xf32, #tpu.memory_space<hbm>> -> memref<10000x128xf32, #tpu.memory_space<hbm>>
      tpu.enqueue_indirect_dma source(%dma_start3A_283 : memref<10000x128xf32, #tpu.memory_space<hbm>>) target(%arg17 : memref<40x128xf32, #tpu.memory_space<vmem>>) offsets(%dma_start3A_280 : memref<40xi32, #tpu.memory_space<vmem>>) semaphore(%arg22 : memref<!tpu.dma_semaphore, #tpu.memory_space<semaphore_mem>>)
      %dma_start3A_284 = tpu.memref_slice %arg10[%mul3A_271] : memref<3000xi32, #tpu.memory_space<vmem>> -> memref<40xi32, #tpu.memory_space<vmem>>
      %dma_start3A_285 = arith.constant 0 : i32
      %dma_start3A_286 = arith.constant 0 : i32
      %dma_start3A_287 = tpu.memref_slice %arg3[%dma_start3A_285, %dma_start3A_286] : memref<10000x128xf32, #tpu.memory_space<hbm>> -> memref<10000x128xf32, #tpu.memory_space<hbm>>
      tpu.enqueue_indirect_dma source(%dma_start3A_287 : memref<10000x128xf32, #tpu.memory_space<hbm>>) target(%arg18 : memref<40x128xf32, #tpu.memory_space<vmem>>) offsets(%dma_start3A_284 : memref<40xi32, #tpu.memory_space<vmem>>) semaphore(%arg22 : memref<!tpu.dma_semaphore, #tpu.memory_space<semaphore_mem>>)
      %mul3A_288 = arith.constant 40 : i32
      %mul3A_289 = arith.muli %mul3A_267, %mul3A_288 : i32
      %dma_wait3A_290 = tpu.memref_slice %arg7[%mul3A_289] : memref<3000xi32, #tpu.memory_space<vmem>> -> memref<40xi32, #tpu.memory_space<vmem>>
      %dma_wait3A_291 = arith.constant 0 : i32
      %dma_wait3A_292 = arith.constant 0 : i32
      %dma_wait3A_293 = tpu.memref_slice %arg2[%dma_wait3A_291, %dma_wait3A_292] : memref<10000x128xf32, #tpu.memory_space<hbm>> -> memref<10000x128xf32, #tpu.memory_space<hbm>>
      tpu.wait_indirect_dma semaphore(%arg21 : memref<!tpu.dma_semaphore, #tpu.memory_space<semaphore_mem>>) src(%dma_wait3A_293 : memref<10000x128xf32, #tpu.memory_space<hbm>>) dst(%arg11 : memref<40x128xf32, #tpu.memory_space<vmem>>)
      %dma_wait3A_294 = tpu.memref_slice %arg8[%mul3A_289] : memref<3000xi32, #tpu.memory_space<vmem>> -> memref<40xi32, #tpu.memory_space<vmem>>
      %dma_wait3A_295 = arith.constant 0 : i32
      %dma_wait3A_296 = arith.constant 0 : i32
      %dma_wait3A_297 = tpu.memref_slice %arg3[%dma_wait3A_295, %dma_wait3A_296] : memref<10000x128xf32, #tpu.memory_space<hbm>> -> memref<10000x128xf32, #tpu.memory_space<hbm>>
      tpu.wait_indirect_dma semaphore(%arg21 : memref<!tpu.dma_semaphore, #tpu.memory_space<semaphore_mem>>) src(%dma_wait3A_297 : memref<10000x128xf32, #tpu.memory_space<hbm>>) dst(%arg12 : memref<40x128xf32, #tpu.memory_space<vmem>>)
      %dma_wait3A_298 = tpu.memref_slice %arg9[%mul3A_289] : memref<3000xi32, #tpu.memory_space<vmem>> -> memref<40xi32, #tpu.memory_space<vmem>>
      %dma_wait3A_299 = arith.constant 0 : i32
      %dma_wait3A_300 = arith.constant 0 : i32
      %dma_wait3A_301 = tpu.memref_slice %arg2[%dma_wait3A_299, %dma_wait3A_300] : memref<10000x128xf32, #tpu.memory_space<hbm>> -> memref<10000x128xf32, #tpu.memory_space<hbm>>
      tpu.wait_indirect_dma semaphore(%arg21 : memref<!tpu.dma_semaphore, #tpu.memory_space<semaphore_mem>>) src(%dma_wait3A_301 : memref<10000x128xf32, #tpu.memory_space<hbm>>) dst(%arg13 : memref<40x128xf32, #tpu.memory_space<vmem>>)
      %dma_wait3A_302 = tpu.memref_slice %arg10[%mul3A_289] : memref<3000xi32, #tpu.memory_space<vmem>> -> memref<40xi32, #tpu.memory_space<vmem>>
      %dma_wait3A_303 = arith.constant 0 : i32
      %dma_wait3A_304 = arith.constant 0 : i32
      %dma_wait3A_305 = tpu.memref_slice %arg3[%dma_wait3A_303, %dma_wait3A_304] : memref<10000x128xf32, #tpu.memory_space<hbm>> -> memref<10000x128xf32, #tpu.memory_space<hbm>>
      tpu.wait_indirect_dma semaphore(%arg21 : memref<!tpu.dma_semaphore, #tpu.memory_space<semaphore_mem>>) src(%dma_wait3A_305 : memref<10000x128xf32, #tpu.memory_space<hbm>>) dst(%arg14 : memref<40x128xf32, #tpu.memory_space<vmem>>)
      %gt3A = arith.constant 0 : i32
      %gt3A_306 = arith.cmpi sgt, %scan3A_265, %gt3A : i32
      %convert_element_type3A = arith.extui %gt3A_306 : i1 to i32
      %cond3A = arith.constant 0 : i32
      %cond3A_307 = arith.cmpi ne, %convert_element_type3A, %cond3A : i32
      scf.if %cond3A_307 {
        %sub3A = arith.constant 2 : i32
        %sub3A_363 = arith.subi %mul3A_267, %sub3A : i32
        %mul3A_364 = arith.constant 40 : i32
        %mul3A_365 = arith.muli %sub3A_363, %mul3A_364 : i32
        %add3A_366 = arith.addi %mul3A_2, %mul3A_365 : i32
        %dma_wait3A_367 = arith.constant 0 : i32
        %dma_wait3A_368 = tpu.memref_slice %arg6[%add3A_366, %dma_wait3A_367] : memref<96000x128xi32, #tpu.memory_space<hbm>> -> memref<40x128xi32, #tpu.memory_space<hbm>>
        %dma_wait3A_369 = arith.constant 0 : i32
        %dma_wait3A_370 = tpu.memref_slice %arg6[%add3A_366, %dma_wait3A_369] : memref<96000x128xi32, #tpu.memory_space<hbm>> -> memref<40x128xi32, #tpu.memory_space<hbm>>
        tpu.wait_dma2 semaphore(%arg23 : memref<!tpu.dma_semaphore, #tpu.memory_space<semaphore_mem>>) src(%arg19 : memref<40x128xi32, #tpu.memory_space<vmem>>) dst(%dma_wait3A_370 : memref<40x128xi32, #tpu.memory_space<hbm>>)
      } else {
      }
      %scan3A_308 = arith.constant 0 : i32
      %scan3A_309 = arith.constant 0 : i32
      %scan3A_310 = arith.constant 40 : i32
      %scan3A_311 = arith.addi %scan3A_309, %scan3A_310 : i32
      %scan3A_312 = arith.constant 1 : i32
      scf.for %scan3A_363 = %scan3A_309 to %scan3A_311 step %scan3A_312  : i32 {
        %get3A = arith.index_cast %scan3A_363 : i32 to index
        %get3A_364 = arith.constant 0 : index
        %get3A_365 = tpu.vector_load %arg11[%get3A, %get3A_364] {strides = array<i32>} : memref<40x128xf32, #tpu.memory_space<vmem>>, vector<1x16xf32>,
        %get3A_366 = vector.shape_cast %get3A_365 : vector<1x16xf32> to vector<16xf32>
        %get3A_367 = arith.index_cast %scan3A_363 : i32 to index
        %get3A_368 = arith.constant 0 : index
        %get3A_369 = tpu.vector_load %arg12[%get3A_367, %get3A_368] {strides = array<i32>} : memref<40x128xf32, #tpu.memory_space<vmem>>, vector<1x16xf32>,
        %get3A_370 = vector.shape_cast %get3A_369 : vector<1x16xf32> to vector<16xf32>
        %add3A_371 = arith.addf %get3A_366, %get3A_370 : vector<16xf32>
        %get3A_372 = arith.index_cast %scan3A_363 : i32 to index
        %get3A_373 = arith.constant 64 : index
        %get3A_374 = tpu.vector_load %arg11[%get3A_372, %get3A_373] {strides = array<i32>} : memref<40x128xf32, #tpu.memory_space<vmem>>, vector<1x16xf32>,
        %get3A_375 = vector.shape_cast %get3A_374 : vector<1x16xf32> to vector<16xf32>
        %get3A_376 = arith.index_cast %scan3A_363 : i32 to index
        %get3A_377 = arith.constant 64 : index
        %get3A_378 = tpu.vector_load %arg12[%get3A_376, %get3A_377] {strides = array<i32>} : memref<40x128xf32, #tpu.memory_space<vmem>>, vector<1x16xf32>,
        %get3A_379 = vector.shape_cast %get3A_378 : vector<1x16xf32> to vector<16xf32>
        %add3A_380 = arith.addf %get3A_375, %get3A_379 : vector<16xf32>
        %bitcast_convert_type3A = tpu.bitcast %add3A_371 : vector<16xf32> -> vector<16xi32>
        %bitcast_convert_type3A_381 = tpu.bitcast %add3A_380 : vector<16xf32> -> vector<16xi32>
        %add3A_382 = arith.constant 32767 : i32
        %add3A_383 = vector.broadcast %add3A_382 : i32 to vector<16xi32>
        %add3A_384 = arith.addi %bitcast_convert_type3A, %add3A_383 : vector<16xi32>
        %shift_right_arithmetic3A_385 = arith.constant 16 : i32
        %shift_right_arithmetic3A_386 = vector.broadcast %shift_right_arithmetic3A_385 : i32 to vector<16xi32>
        %shift_right_arithmetic3A_387 = arith.shrsi %bitcast_convert_type3A, %shift_right_arithmetic3A_386 : vector<16xi32>
        %and3A_388 = arith.constant 1 : i32
        %and3A_389 = vector.broadcast %and3A_388 : i32 to vector<16xi32>
        %and3A_390 = arith.andi %shift_right_arithmetic3A_387, %and3A_389 : vector<16xi32>
        %add3A_391 = arith.addi %add3A_384, %and3A_390 : vector<16xi32>
        %add3A_392 = arith.constant 32767 : i32
        %add3A_393 = vector.broadcast %add3A_392 : i32 to vector<16xi32>
        %add3A_394 = arith.addi %bitcast_convert_type3A_381, %add3A_393 : vector<16xi32>
        %shift_right_arithmetic3A_395 = arith.constant 16 : i32
        %shift_right_arithmetic3A_396 = vector.broadcast %shift_right_arithmetic3A_395 : i32 to vector<16xi32>
        %shift_right_arithmetic3A_397 = arith.shrsi %bitcast_convert_type3A_381, %shift_right_arithmetic3A_396 : vector<16xi32>
        %and3A_398 = arith.constant 1 : i32
        %and3A_399 = vector.broadcast %and3A_398 : i32 to vector<16xi32>
        %and3A_400 = arith.andi %shift_right_arithmetic3A_397, %and3A_399 : vector<16xi32>
        %add3A_401 = arith.addi %add3A_394, %and3A_400 : vector<16xi32>
        %shift_right_arithmetic3A_402 = arith.constant 16 : i32
        %shift_right_arithmetic3A_403 = vector.broadcast %shift_right_arithmetic3A_402 : i32 to vector<16xi32>
        %shift_right_arithmetic3A_404 = arith.shrsi %add3A_391, %shift_right_arithmetic3A_403 : vector<16xi32>
        %and3A_405 = arith.constant 65535 : i32
        %and3A_406 = vector.broadcast %and3A_405 : i32 to vector<16xi32>
        %and3A_407 = arith.andi %shift_right_arithmetic3A_404, %and3A_406 : vector<16xi32>
        %and3A_408 = arith.constant -65536 : i32
        %and3A_409 = vector.broadcast %and3A_408 : i32 to vector<16xi32>
        %and3A_410 = arith.andi %add3A_401, %and3A_409 : vector<16xi32>
        %or3A = arith.ori %and3A_407, %and3A_410 : vector<16xi32>
        %swap3A = arith.index_cast %scan3A_363 : i32 to index
        %swap3A_411 = arith.constant 0 : index
        %swap3A_412 = tpu.vector_load %arg19[%swap3A, %swap3A_411] {strides = array<i32>} : memref<40x128xi32, #tpu.memory_space<vmem>>, vector<1x16xi32>,
        %swap3A_413 = vector.shape_cast %swap3A_412 : vector<1x16xi32> to vector<16xi32>
        %swap3A_414 = vector.shape_cast %or3A : vector<16xi32> to vector<1x16xi32>
        tpu.vector_store %arg19[%swap3A, %swap3A_411], %swap3A_414 {strides = array<i32>} : memref<40x128xi32, #tpu.memory_space<vmem>>, vector<1x16xi32>,
        %get3A_415 = arith.index_cast %scan3A_363 : i32 to index
        %get3A_416 = arith.constant 0 : index
        %get3A_417 = tpu.vector_load %arg13[%get3A_415, %get3A_416] {strides = array<i32>} : memref<40x128xf32, #tpu.memory_space<vmem>>, vector<1x16xf32>,
        %get3A_418 = vector.shape_cast %get3A_417 : vector<1x16xf32> to vector<16xf32>
        %get3A_419 = arith.index_cast %scan3A_363 : i32 to index
        %get3A_420 = arith.constant 0 : index
        %get3A_421 = tpu.vector_load %arg14[%get3A_419, %get3A_420] {strides = array<i32>} : memref<40x128xf32, #tpu.memory_space<vmem>>, vector<1x16xf32>,
        %get3A_422 = vector.shape_cast %get3A_421 : vector<1x16xf32> to vector<16xf32>
        %add3A_423 = arith.addf %get3A_418, %get3A_422 : vector<16xf32>
        %get3A_424 = arith.index_cast %scan3A_363 : i32 to index
        %get3A_425 = arith.constant 64 : index
        %get3A_426 = tpu.vector_load %arg13[%get3A_424, %get3A_425] {strides = array<i32>} : memref<40x128xf32, #tpu.memory_space<vmem>>, vector<1x16xf32>,
        %get3A_427 = vector.shape_cast %get3A_426 : vector<1x16xf32> to vector<16xf32>
        %get3A_428 = arith.index_cast %scan3A_363 : i32 to index
        %get3A_429 = arith.constant 64 : index
        %get3A_430 = tpu.vector_load %arg14[%get3A_428, %get3A_429] {strides = array<i32>} : memref<40x128xf32, #tpu.memory_space<vmem>>, vector<1x16xf32>,
        %get3A_431 = vector.shape_cast %get3A_430 : vector<1x16xf32> to vector<16xf32>
        %add3A_432 = arith.addf %get3A_427, %get3A_431 : vector<16xf32>
        %bitcast_convert_type3A_433 = tpu.bitcast %add3A_423 : vector<16xf32> -> vector<16xi32>
        %bitcast_convert_type3A_434 = tpu.bitcast %add3A_432 : vector<16xf32> -> vector<16xi32>
        %add3A_435 = arith.constant 32767 : i32
        %add3A_436 = vector.broadcast %add3A_435 : i32 to vector<16xi32>
        %add3A_437 = arith.addi %bitcast_convert_type3A_433, %add3A_436 : vector<16xi32>
        %shift_right_arithmetic3A_438 = arith.constant 16 : i32
        %shift_right_arithmetic3A_439 = vector.broadcast %shift_right_arithmetic3A_438 : i32 to vector<16xi32>
        %shift_right_arithmetic3A_440 = arith.shrsi %bitcast_convert_type3A_433, %shift_right_arithmetic3A_439 : vector<16xi32>
        %and3A_441 = arith.constant 1 : i32
        %and3A_442 = vector.broadcast %and3A_441 : i32 to vector<16xi32>
        %and3A_443 = arith.andi %shift_right_arithmetic3A_440, %and3A_442 : vector<16xi32>
        %add3A_444 = arith.addi %add3A_437, %and3A_443 : vector<16xi32>
        %add3A_445 = arith.constant 32767 : i32
        %add3A_446 = vector.broadcast %add3A_445 : i32 to vector<16xi32>
        %add3A_447 = arith.addi %bitcast_convert_type3A_434, %add3A_446 : vector<16xi32>
        %shift_right_arithmetic3A_448 = arith.constant 16 : i32
        %shift_right_arithmetic3A_449 = vector.broadcast %shift_right_arithmetic3A_448 : i32 to vector<16xi32>
        %shift_right_arithmetic3A_450 = arith.shrsi %bitcast_convert_type3A_434, %shift_right_arithmetic3A_449 : vector<16xi32>
        %and3A_451 = arith.constant 1 : i32
        %and3A_452 = vector.broadcast %and3A_451 : i32 to vector<16xi32>
        %and3A_453 = arith.andi %shift_right_arithmetic3A_450, %and3A_452 : vector<16xi32>
        %add3A_454 = arith.addi %add3A_447, %and3A_453 : vector<16xi32>
        %shift_right_arithmetic3A_455 = arith.constant 16 : i32
        %shift_right_arithmetic3A_456 = vector.broadcast %shift_right_arithmetic3A_455 : i32 to vector<16xi32>
        %shift_right_arithmetic3A_457 = arith.shrsi %add3A_444, %shift_right_arithmetic3A_456 : vector<16xi32>
        %and3A_458 = arith.constant 65535 : i32
        %and3A_459 = vector.broadcast %and3A_458 : i32 to vector<16xi32>
        %and3A_460 = arith.andi %shift_right_arithmetic3A_457, %and3A_459 : vector<16xi32>
        %and3A_461 = arith.constant -65536 : i32
        %and3A_462 = vector.broadcast %and3A_461 : i32 to vector<16xi32>
        %and3A_463 = arith.andi %add3A_454, %and3A_462 : vector<16xi32>
        %or3A_464 = arith.ori %and3A_460, %and3A_463 : vector<16xi32>
        %swap3A_465 = arith.index_cast %scan3A_363 : i32 to index
        %swap3A_466 = arith.constant 64 : index
        %swap3A_467 = tpu.vector_load %arg19[%swap3A_465, %swap3A_466] {strides = array<i32>} : memref<40x128xi32, #tpu.memory_space<vmem>>, vector<1x16xi32>,
        %swap3A_468 = vector.shape_cast %swap3A_467 : vector<1x16xi32> to vector<16xi32>
        %swap3A_469 = vector.shape_cast %or3A_464 : vector<16xi32> to vector<1x16xi32>
        tpu.vector_store %arg19[%swap3A_465, %swap3A_466], %swap3A_469 {strides = array<i32>} : memref<40x128xi32, #tpu.memory_space<vmem>>, vector<1x16xi32>,
        %get3A_470 = arith.index_cast %scan3A_363 : i32 to index
        %get3A_471 = arith.constant 16 : index
        %get3A_472 = tpu.vector_load %arg11[%get3A_470, %get3A_471] {strides = array<i32>} : memref<40x128xf32, #tpu.memory_space<vmem>>, vector<1x16xf32>,
        %get3A_473 = vector.shape_cast %get3A_472 : vector<1x16xf32> to vector<16xf32>
        %get3A_474 = arith.index_cast %scan3A_363 : i32 to index
        %get3A_475 = arith.constant 16 : index
        %get3A_476 = tpu.vector_load %arg12[%get3A_474, %get3A_475] {strides = array<i32>} : memref<40x128xf32, #tpu.memory_space<vmem>>, vector<1x16xf32>,
        %get3A_477 = vector.shape_cast %get3A_476 : vector<1x16xf32> to vector<16xf32>
        %add3A_478 = arith.addf %get3A_473, %get3A_477 : vector<16xf32>
        %get3A_479 = arith.index_cast %scan3A_363 : i32 to index
        %get3A_480 = arith.constant 80 : index
        %get3A_481 = tpu.vector_load %arg11[%get3A_479, %get3A_480] {strides = array<i32>} : memref<40x128xf32, #tpu.memory_space<vmem>>, vector<1x16xf32>,
        %get3A_482 = vector.shape_cast %get3A_481 : vector<1x16xf32> to vector<16xf32>
        %get3A_483 = arith.index_cast %scan3A_363 : i32 to index
        %get3A_484 = arith.constant 80 : index
        %get3A_485 = tpu.vector_load %arg12[%get3A_483, %get3A_484] {strides = array<i32>} : memref<40x128xf32, #tpu.memory_space<vmem>>, vector<1x16xf32>,
        %get3A_486 = vector.shape_cast %get3A_485 : vector<1x16xf32> to vector<16xf32>
        %add3A_487 = arith.addf %get3A_482, %get3A_486 : vector<16xf32>
        %bitcast_convert_type3A_488 = tpu.bitcast %add3A_478 : vector<16xf32> -> vector<16xi32>
        %bitcast_convert_type3A_489 = tpu.bitcast %add3A_487 : vector<16xf32> -> vector<16xi32>
        %add3A_490 = arith.constant 32767 : i32
        %add3A_491 = vector.broadcast %add3A_490 : i32 to vector<16xi32>
        %add3A_492 = arith.addi %bitcast_convert_type3A_488, %add3A_491 : vector<16xi32>
        %shift_right_arithmetic3A_493 = arith.constant 16 : i32
        %shift_right_arithmetic3A_494 = vector.broadcast %shift_right_arithmetic3A_493 : i32 to vector<16xi32>
        %shift_right_arithmetic3A_495 = arith.shrsi %bitcast_convert_type3A_488, %shift_right_arithmetic3A_494 : vector<16xi32>
        %and3A_496 = arith.constant 1 : i32
        %and3A_497 = vector.broadcast %and3A_496 : i32 to vector<16xi32>
        %and3A_498 = arith.andi %shift_right_arithmetic3A_495, %and3A_497 : vector<16xi32>
        %add3A_499 = arith.addi %add3A_492, %and3A_498 : vector<16xi32>
        %add3A_500 = arith.constant 32767 : i32
        %add3A_501 = vector.broadcast %add3A_500 : i32 to vector<16xi32>
        %add3A_502 = arith.addi %bitcast_convert_type3A_489, %add3A_501 : vector<16xi32>
        %shift_right_arithmetic3A_503 = arith.constant 16 : i32
        %shift_right_arithmetic3A_504 = vector.broadcast %shift_right_arithmetic3A_503 : i32 to vector<16xi32>
        %shift_right_arithmetic3A_505 = arith.shrsi %bitcast_convert_type3A_489, %shift_right_arithmetic3A_504 : vector<16xi32>
        %and3A_506 = arith.constant 1 : i32
        %and3A_507 = vector.broadcast %and3A_506 : i32 to vector<16xi32>
        %and3A_508 = arith.andi %shift_right_arithmetic3A_505, %and3A_507 : vector<16xi32>
        %add3A_509 = arith.addi %add3A_502, %and3A_508 : vector<16xi32>
        %shift_right_arithmetic3A_510 = arith.constant 16 : i32
        %shift_right_arithmetic3A_511 = vector.broadcast %shift_right_arithmetic3A_510 : i32 to vector<16xi32>
        %shift_right_arithmetic3A_512 = arith.shrsi %add3A_499, %shift_right_arithmetic3A_511 : vector<16xi32>
        %and3A_513 = arith.constant 65535 : i32
        %and3A_514 = vector.broadcast %and3A_513 : i32 to vector<16xi32>
        %and3A_515 = arith.andi %shift_right_arithmetic3A_512, %and3A_514 : vector<16xi32>
        %and3A_516 = arith.constant -65536 : i32
        %and3A_517 = vector.broadcast %and3A_516 : i32 to vector<16xi32>
        %and3A_518 = arith.andi %add3A_509, %and3A_517 : vector<16xi32>
        %or3A_519 = arith.ori %and3A_515, %and3A_518 : vector<16xi32>
        %swap3A_520 = arith.index_cast %scan3A_363 : i32 to index
        %swap3A_521 = arith.constant 16 : index
        %swap3A_522 = tpu.vector_load %arg19[%swap3A_520, %swap3A_521] {strides = array<i32>} : memref<40x128xi32, #tpu.memory_space<vmem>>, vector<1x16xi32>,
        %swap3A_523 = vector.shape_cast %swap3A_522 : vector<1x16xi32> to vector<16xi32>
        %swap3A_524 = vector.shape_cast %or3A_519 : vector<16xi32> to vector<1x16xi32>
        tpu.vector_store %arg19[%swap3A_520, %swap3A_521], %swap3A_524 {strides = array<i32>} : memref<40x128xi32, #tpu.memory_space<vmem>>, vector<1x16xi32>,
        %get3A_525 = arith.index_cast %scan3A_363 : i32 to index
        %get3A_526 = arith.constant 16 : index
        %get3A_527 = tpu.vector_load %arg13[%get3A_525, %get3A_526] {strides = array<i32>} : memref<40x128xf32, #tpu.memory_space<vmem>>, vector<1x16xf32>,
        %get3A_528 = vector.shape_cast %get3A_527 : vector<1x16xf32> to vector<16xf32>
        %get3A_529 = arith.index_cast %scan3A_363 : i32 to index
        %get3A_530 = arith.constant 16 : index
        %get3A_531 = tpu.vector_load %arg14[%get3A_529, %get3A_530] {strides = array<i32>} : memref<40x128xf32, #tpu.memory_space<vmem>>, vector<1x16xf32>,
        %get3A_532 = vector.shape_cast %get3A_531 : vector<1x16xf32> to vector<16xf32>
        %add3A_533 = arith.addf %get3A_528, %get3A_532 : vector<16xf32>
        %get3A_534 = arith.index_cast %scan3A_363 : i32 to index
        %get3A_535 = arith.constant 80 : index
        %get3A_536 = tpu.vector_load %arg13[%get3A_534, %get3A_535] {strides = array<i32>} : memref<40x128xf32, #tpu.memory_space<vmem>>, vector<1x16xf32>,
        %get3A_537 = vector.shape_cast %get3A_536 : vector<1x16xf32> to vector<16xf32>
        %get3A_538 = arith.index_cast %scan3A_363 : i32 to index
        %get3A_539 = arith.constant 80 : index
        %get3A_540 = tpu.vector_load %arg14[%get3A_538, %get3A_539] {strides = array<i32>} : memref<40x128xf32, #tpu.memory_space<vmem>>, vector<1x16xf32>,
        %get3A_541 = vector.shape_cast %get3A_540 : vector<1x16xf32> to vector<16xf32>
        %add3A_542 = arith.addf %get3A_537, %get3A_541 : vector<16xf32>
        %bitcast_convert_type3A_543 = tpu.bitcast %add3A_533 : vector<16xf32> -> vector<16xi32>
        %bitcast_convert_type3A_544 = tpu.bitcast %add3A_542 : vector<16xf32> -> vector<16xi32>
        %add3A_545 = arith.constant 32767 : i32
        %add3A_546 = vector.broadcast %add3A_545 : i32 to vector<16xi32>
        %add3A_547 = arith.addi %bitcast_convert_type3A_543, %add3A_546 : vector<16xi32>
        %shift_right_arithmetic3A_548 = arith.constant 16 : i32
        %shift_right_arithmetic3A_549 = vector.broadcast %shift_right_arithmetic3A_548 : i32 to vector<16xi32>
        %shift_right_arithmetic3A_550 = arith.shrsi %bitcast_convert_type3A_543, %shift_right_arithmetic3A_549 : vector<16xi32>
        %and3A_551 = arith.constant 1 : i32
        %and3A_552 = vector.broadcast %and3A_551 : i32 to vector<16xi32>
        %and3A_553 = arith.andi %shift_right_arithmetic3A_550, %and3A_552 : vector<16xi32>
        %add3A_554 = arith.addi %add3A_547, %and3A_553 : vector<16xi32>
        %add3A_555 = arith.constant 32767 : i32
        %add3A_556 = vector.broadcast %add3A_555 : i32 to vector<16xi32>
        %add3A_557 = arith.addi %bitcast_convert_type3A_544, %add3A_556 : vector<16xi32>
        %shift_right_arithmetic3A_558 = arith.constant 16 : i32
        %shift_right_arithmetic3A_559 = vector.broadcast %shift_right_arithmetic3A_558 : i32 to vector<16xi32>
        %shift_right_arithmetic3A_560 = arith.shrsi %bitcast_convert_type3A_544, %shift_right_arithmetic3A_559 : vector<16xi32>
        %and3A_561 = arith.constant 1 : i32
        %and3A_562 = vector.broadcast %and3A_561 : i32 to vector<16xi32>
        %and3A_563 = arith.andi %shift_right_arithmetic3A_560, %and3A_562 : vector<16xi32>
        %add3A_564 = arith.addi %add3A_557, %and3A_563 : vector<16xi32>
        %shift_right_arithmetic3A_565 = arith.constant 16 : i32
        %shift_right_arithmetic3A_566 = vector.broadcast %shift_right_arithmetic3A_565 : i32 to vector<16xi32>
        %shift_right_arithmetic3A_567 = arith.shrsi %add3A_554, %shift_right_arithmetic3A_566 : vector<16xi32>
        %and3A_568 = arith.constant 65535 : i32
        %and3A_569 = vector.broadcast %and3A_568 : i32 to vector<16xi32>
        %and3A_570 = arith.andi %shift_right_arithmetic3A_567, %and3A_569 : vector<16xi32>
        %and3A_571 = arith.constant -65536 : i32
        %and3A_572 = vector.broadcast %and3A_571 : i32 to vector<16xi32>
        %and3A_573 = arith.andi %add3A_564, %and3A_572 : vector<16xi32>
        %or3A_574 = arith.ori %and3A_570, %and3A_573 : vector<16xi32>
        %swap3A_575 = arith.index_cast %scan3A_363 : i32 to index
        %swap3A_576 = arith.constant 80 : index
        %swap3A_577 = tpu.vector_load %arg19[%swap3A_575, %swap3A_576] {strides = array<i32>} : memref<40x128xi32, #tpu.memory_space<vmem>>, vector<1x16xi32>,
        %swap3A_578 = vector.shape_cast %swap3A_577 : vector<1x16xi32> to vector<16xi32>
        %swap3A_579 = vector.shape_cast %or3A_574 : vector<16xi32> to vector<1x16xi32>
        tpu.vector_store %arg19[%swap3A_575, %swap3A_576], %swap3A_579 {strides = array<i32>} : memref<40x128xi32, #tpu.memory_space<vmem>>, vector<1x16xi32>,
        %get3A_580 = arith.index_cast %scan3A_363 : i32 to index
        %get3A_581 = arith.constant 32 : index
        %get3A_582 = tpu.vector_load %arg11[%get3A_580, %get3A_581] {strides = array<i32>} : memref<40x128xf32, #tpu.memory_space<vmem>>, vector<1x16xf32>,
        %get3A_583 = vector.shape_cast %get3A_582 : vector<1x16xf32> to vector<16xf32>
        %get3A_584 = arith.index_cast %scan3A_363 : i32 to index
        %get3A_585 = arith.constant 32 : index
        %get3A_586 = tpu.vector_load %arg12[%get3A_584, %get3A_585] {strides = array<i32>} : memref<40x128xf32, #tpu.memory_space<vmem>>, vector<1x16xf32>,
        %get3A_587 = vector.shape_cast %get3A_586 : vector<1x16xf32> to vector<16xf32>
        %add3A_588 = arith.addf %get3A_583, %get3A_587 : vector<16xf32>
        %get3A_589 = arith.index_cast %scan3A_363 : i32 to index
        %get3A_590 = arith.constant 96 : index
        %get3A_591 = tpu.vector_load %arg11[%get3A_589, %get3A_590] {strides = array<i32>} : memref<40x128xf32, #tpu.memory_space<vmem>>, vector<1x16xf32>,
        %get3A_592 = vector.shape_cast %get3A_591 : vector<1x16xf32> to vector<16xf32>
        %get3A_593 = arith.index_cast %scan3A_363 : i32 to index
        %get3A_594 = arith.constant 96 : index
        %get3A_595 = tpu.vector_load %arg12[%get3A_593, %get3A_594] {strides = array<i32>} : memref<40x128xf32, #tpu.memory_space<vmem>>, vector<1x16xf32>,
        %get3A_596 = vector.shape_cast %get3A_595 : vector<1x16xf32> to vector<16xf32>
        %add3A_597 = arith.addf %get3A_592, %get3A_596 : vector<16xf32>
        %bitcast_convert_type3A_598 = tpu.bitcast %add3A_588 : vector<16xf32> -> vector<16xi32>
        %bitcast_convert_type3A_599 = tpu.bitcast %add3A_597 : vector<16xf32> -> vector<16xi32>
        %add3A_600 = arith.constant 32767 : i32
        %add3A_601 = vector.broadcast %add3A_600 : i32 to vector<16xi32>
        %add3A_602 = arith.addi %bitcast_convert_type3A_598, %add3A_601 : vector<16xi32>
        %shift_right_arithmetic3A_603 = arith.constant 16 : i32
        %shift_right_arithmetic3A_604 = vector.broadcast %shift_right_arithmetic3A_603 : i32 to vector<16xi32>
        %shift_right_arithmetic3A_605 = arith.shrsi %bitcast_convert_type3A_598, %shift_right_arithmetic3A_604 : vector<16xi32>
        %and3A_606 = arith.constant 1 : i32
        %and3A_607 = vector.broadcast %and3A_606 : i32 to vector<16xi32>
        %and3A_608 = arith.andi %shift_right_arithmetic3A_605, %and3A_607 : vector<16xi32>
        %add3A_609 = arith.addi %add3A_602, %and3A_608 : vector<16xi32>
        %add3A_610 = arith.constant 32767 : i32
        %add3A_611 = vector.broadcast %add3A_610 : i32 to vector<16xi32>
        %add3A_612 = arith.addi %bitcast_convert_type3A_599, %add3A_611 : vector<16xi32>
        %shift_right_arithmetic3A_613 = arith.constant 16 : i32
        %shift_right_arithmetic3A_614 = vector.broadcast %shift_right_arithmetic3A_613 : i32 to vector<16xi32>
        %shift_right_arithmetic3A_615 = arith.shrsi %bitcast_convert_type3A_599, %shift_right_arithmetic3A_614 : vector<16xi32>
        %and3A_616 = arith.constant 1 : i32
        %and3A_617 = vector.broadcast %and3A_616 : i32 to vector<16xi32>
        %and3A_618 = arith.andi %shift_right_arithmetic3A_615, %and3A_617 : vector<16xi32>
        %add3A_619 = arith.addi %add3A_612, %and3A_618 : vector<16xi32>
        %shift_right_arithmetic3A_620 = arith.constant 16 : i32
        %shift_right_arithmetic3A_621 = vector.broadcast %shift_right_arithmetic3A_620 : i32 to vector<16xi32>
        %shift_right_arithmetic3A_622 = arith.shrsi %add3A_609, %shift_right_arithmetic3A_621 : vector<16xi32>
        %and3A_623 = arith.constant 65535 : i32
        %and3A_624 = vector.broadcast %and3A_623 : i32 to vector<16xi32>
        %and3A_625 = arith.andi %shift_right_arithmetic3A_622, %and3A_624 : vector<16xi32>
        %and3A_626 = arith.constant -65536 : i32
        %and3A_627 = vector.broadcast %and3A_626 : i32 to vector<16xi32>
        %and3A_628 = arith.andi %add3A_619, %and3A_627 : vector<16xi32>
        %or3A_629 = arith.ori %and3A_625, %and3A_628 : vector<16xi32>
        %swap3A_630 = arith.index_cast %scan3A_363 : i32 to index
        %swap3A_631 = arith.constant 32 : index
        %swap3A_632 = tpu.vector_load %arg19[%swap3A_630, %swap3A_631] {strides = array<i32>} : memref<40x128xi32, #tpu.memory_space<vmem>>, vector<1x16xi32>,
        %swap3A_633 = vector.shape_cast %swap3A_632 : vector<1x16xi32> to vector<16xi32>
        %swap3A_634 = vector.shape_cast %or3A_629 : vector<16xi32> to vector<1x16xi32>
        tpu.vector_store %arg19[%swap3A_630, %swap3A_631], %swap3A_634 {strides = array<i32>} : memref<40x128xi32, #tpu.memory_space<vmem>>, vector<1x16xi32>,
        %get3A_635 = arith.index_cast %scan3A_363 : i32 to index
        %get3A_636 = arith.constant 32 : index
        %get3A_637 = tpu.vector_load %arg13[%get3A_635, %get3A_636] {strides = array<i32>} : memref<40x128xf32, #tpu.memory_space<vmem>>, vector<1x16xf32>,
        %get3A_638 = vector.shape_cast %get3A_637 : vector<1x16xf32> to vector<16xf32>
        %get3A_639 = arith.index_cast %scan3A_363 : i32 to index
        %get3A_640 = arith.constant 32 : index
        %get3A_641 = tpu.vector_load %arg14[%get3A_639, %get3A_640] {strides = array<i32>} : memref<40x128xf32, #tpu.memory_space<vmem>>, vector<1x16xf32>,
        %get3A_642 = vector.shape_cast %get3A_641 : vector<1x16xf32> to vector<16xf32>
        %add3A_643 = arith.addf %get3A_638, %get3A_642 : vector<16xf32>
        %get3A_644 = arith.index_cast %scan3A_363 : i32 to index
        %get3A_645 = arith.constant 96 : index
        %get3A_646 = tpu.vector_load %arg13[%get3A_644, %get3A_645] {strides = array<i32>} : memref<40x128xf32, #tpu.memory_space<vmem>>, vector<1x16xf32>,
        %get3A_647 = vector.shape_cast %get3A_646 : vector<1x16xf32> to vector<16xf32>
        %get3A_648 = arith.index_cast %scan3A_363 : i32 to index
        %get3A_649 = arith.constant 96 : index
        %get3A_650 = tpu.vector_load %arg14[%get3A_648, %get3A_649] {strides = array<i32>} : memref<40x128xf32, #tpu.memory_space<vmem>>, vector<1x16xf32>,
        %get3A_651 = vector.shape_cast %get3A_650 : vector<1x16xf32> to vector<16xf32>
        %add3A_652 = arith.addf %get3A_647, %get3A_651 : vector<16xf32>
        %bitcast_convert_type3A_653 = tpu.bitcast %add3A_643 : vector<16xf32> -> vector<16xi32>
        %bitcast_convert_type3A_654 = tpu.bitcast %add3A_652 : vector<16xf32> -> vector<16xi32>
        %add3A_655 = arith.constant 32767 : i32
        %add3A_656 = vector.broadcast %add3A_655 : i32 to vector<16xi32>
        %add3A_657 = arith.addi %bitcast_convert_type3A_653, %add3A_656 : vector<16xi32>
        %shift_right_arithmetic3A_658 = arith.constant 16 : i32
        %shift_right_arithmetic3A_659 = vector.broadcast %shift_right_arithmetic3A_658 : i32 to vector<16xi32>
        %shift_right_arithmetic3A_660 = arith.shrsi %bitcast_convert_type3A_653, %shift_right_arithmetic3A_659 : vector<16xi32>
        %and3A_661 = arith.constant 1 : i32
        %and3A_662 = vector.broadcast %and3A_661 : i32 to vector<16xi32>
        %and3A_663 = arith.andi %shift_right_arithmetic3A_660, %and3A_662 : vector<16xi32>
        %add3A_664 = arith.addi %add3A_657, %and3A_663 : vector<16xi32>
        %add3A_665 = arith.constant 32767 : i32
        %add3A_666 = vector.broadcast %add3A_665 : i32 to vector<16xi32>
        %add3A_667 = arith.addi %bitcast_convert_type3A_654, %add3A_666 : vector<16xi32>
        %shift_right_arithmetic3A_668 = arith.constant 16 : i32
        %shift_right_arithmetic3A_669 = vector.broadcast %shift_right_arithmetic3A_668 : i32 to vector<16xi32>
        %shift_right_arithmetic3A_670 = arith.shrsi %bitcast_convert_type3A_654, %shift_right_arithmetic3A_669 : vector<16xi32>
        %and3A_671 = arith.constant 1 : i32
        %and3A_672 = vector.broadcast %and3A_671 : i32 to vector<16xi32>
        %and3A_673 = arith.andi %shift_right_arithmetic3A_670, %and3A_672 : vector<16xi32>
        %add3A_674 = arith.addi %add3A_667, %and3A_673 : vector<16xi32>
        %shift_right_arithmetic3A_675 = arith.constant 16 : i32
        %shift_right_arithmetic3A_676 = vector.broadcast %shift_right_arithmetic3A_675 : i32 to vector<16xi32>
        %shift_right_arithmetic3A_677 = arith.shrsi %add3A_664, %shift_right_arithmetic3A_676 : vector<16xi32>
        %and3A_678 = arith.constant 65535 : i32
        %and3A_679 = vector.broadcast %and3A_678 : i32 to vector<16xi32>
        %and3A_680 = arith.andi %shift_right_arithmetic3A_677, %and3A_679 : vector<16xi32>
        %and3A_681 = arith.constant -65536 : i32
        %and3A_682 = vector.broadcast %and3A_681 : i32 to vector<16xi32>
        %and3A_683 = arith.andi %add3A_674, %and3A_682 : vector<16xi32>
        %or3A_684 = arith.ori %and3A_680, %and3A_683 : vector<16xi32>
        %swap3A_685 = arith.index_cast %scan3A_363 : i32 to index
        %swap3A_686 = arith.constant 96 : index
        %swap3A_687 = tpu.vector_load %arg19[%swap3A_685, %swap3A_686] {strides = array<i32>} : memref<40x128xi32, #tpu.memory_space<vmem>>, vector<1x16xi32>,
        %swap3A_688 = vector.shape_cast %swap3A_687 : vector<1x16xi32> to vector<16xi32>
        %swap3A_689 = vector.shape_cast %or3A_684 : vector<16xi32> to vector<1x16xi32>
        tpu.vector_store %arg19[%swap3A_685, %swap3A_686], %swap3A_689 {strides = array<i32>} : memref<40x128xi32, #tpu.memory_space<vmem>>, vector<1x16xi32>,
        %get3A_690 = arith.index_cast %scan3A_363 : i32 to index
        %get3A_691 = arith.constant 48 : index
        %get3A_692 = tpu.vector_load %arg11[%get3A_690, %get3A_691] {strides = array<i32>} : memref<40x128xf32, #tpu.memory_space<vmem>>, vector<1x16xf32>,
        %get3A_693 = vector.shape_cast %get3A_692 : vector<1x16xf32> to vector<16xf32>
        %get3A_694 = arith.index_cast %scan3A_363 : i32 to index
        %get3A_695 = arith.constant 48 : index
        %get3A_696 = tpu.vector_load %arg12[%get3A_694, %get3A_695] {strides = array<i32>} : memref<40x128xf32, #tpu.memory_space<vmem>>, vector<1x16xf32>,
        %get3A_697 = vector.shape_cast %get3A_696 : vector<1x16xf32> to vector<16xf32>
        %add3A_698 = arith.addf %get3A_693, %get3A_697 : vector<16xf32>
        %get3A_699 = arith.index_cast %scan3A_363 : i32 to index
        %get3A_700 = arith.constant 112 : index
        %get3A_701 = tpu.vector_load %arg11[%get3A_699, %get3A_700] {strides = array<i32>} : memref<40x128xf32, #tpu.memory_space<vmem>>, vector<1x16xf32>,
        %get3A_702 = vector.shape_cast %get3A_701 : vector<1x16xf32> to vector<16xf32>
        %get3A_703 = arith.index_cast %scan3A_363 : i32 to index
        %get3A_704 = arith.constant 112 : index
        %get3A_705 = tpu.vector_load %arg12[%get3A_703, %get3A_704] {strides = array<i32>} : memref<40x128xf32, #tpu.memory_space<vmem>>, vector<1x16xf32>,
        %get3A_706 = vector.shape_cast %get3A_705 : vector<1x16xf32> to vector<16xf32>
        %add3A_707 = arith.addf %get3A_702, %get3A_706 : vector<16xf32>
        %bitcast_convert_type3A_708 = tpu.bitcast %add3A_698 : vector<16xf32> -> vector<16xi32>
        %bitcast_convert_type3A_709 = tpu.bitcast %add3A_707 : vector<16xf32> -> vector<16xi32>
        %add3A_710 = arith.constant 32767 : i32
        %add3A_711 = vector.broadcast %add3A_710 : i32 to vector<16xi32>
        %add3A_712 = arith.addi %bitcast_convert_type3A_708, %add3A_711 : vector<16xi32>
        %shift_right_arithmetic3A_713 = arith.constant 16 : i32
        %shift_right_arithmetic3A_714 = vector.broadcast %shift_right_arithmetic3A_713 : i32 to vector<16xi32>
        %shift_right_arithmetic3A_715 = arith.shrsi %bitcast_convert_type3A_708, %shift_right_arithmetic3A_714 : vector<16xi32>
        %and3A_716 = arith.constant 1 : i32
        %and3A_717 = vector.broadcast %and3A_716 : i32 to vector<16xi32>
        %and3A_718 = arith.andi %shift_right_arithmetic3A_715, %and3A_717 : vector<16xi32>
        %add3A_719 = arith.addi %add3A_712, %and3A_718 : vector<16xi32>
        %add3A_720 = arith.constant 32767 : i32
        %add3A_721 = vector.broadcast %add3A_720 : i32 to vector<16xi32>
        %add3A_722 = arith.addi %bitcast_convert_type3A_709, %add3A_721 : vector<16xi32>
        %shift_right_arithmetic3A_723 = arith.constant 16 : i32
        %shift_right_arithmetic3A_724 = vector.broadcast %shift_right_arithmetic3A_723 : i32 to vector<16xi32>
        %shift_right_arithmetic3A_725 = arith.shrsi %bitcast_convert_type3A_709, %shift_right_arithmetic3A_724 : vector<16xi32>
        %and3A_726 = arith.constant 1 : i32
        %and3A_727 = vector.broadcast %and3A_726 : i32 to vector<16xi32>
        %and3A_728 = arith.andi %shift_right_arithmetic3A_725, %and3A_727 : vector<16xi32>
        %add3A_729 = arith.addi %add3A_722, %and3A_728 : vector<16xi32>
        %shift_right_arithmetic3A_730 = arith.constant 16 : i32
        %shift_right_arithmetic3A_731 = vector.broadcast %shift_right_arithmetic3A_730 : i32 to vector<16xi32>
        %shift_right_arithmetic3A_732 = arith.shrsi %add3A_719, %shift_right_arithmetic3A_731 : vector<16xi32>
        %and3A_733 = arith.constant 65535 : i32
        %and3A_734 = vector.broadcast %and3A_733 : i32 to vector<16xi32>
        %and3A_735 = arith.andi %shift_right_arithmetic3A_732, %and3A_734 : vector<16xi32>
        %and3A_736 = arith.constant -65536 : i32
        %and3A_737 = vector.broadcast %and3A_736 : i32 to vector<16xi32>
        %and3A_738 = arith.andi %add3A_729, %and3A_737 : vector<16xi32>
        %or3A_739 = arith.ori %and3A_735, %and3A_738 : vector<16xi32>
        %swap3A_740 = arith.index_cast %scan3A_363 : i32 to index
        %swap3A_741 = arith.constant 48 : index
        %swap3A_742 = tpu.vector_load %arg19[%swap3A_740, %swap3A_741] {strides = array<i32>} : memref<40x128xi32, #tpu.memory_space<vmem>>, vector<1x16xi32>,
        %swap3A_743 = vector.shape_cast %swap3A_742 : vector<1x16xi32> to vector<16xi32>
        %swap3A_744 = vector.shape_cast %or3A_739 : vector<16xi32> to vector<1x16xi32>
        tpu.vector_store %arg19[%swap3A_740, %swap3A_741], %swap3A_744 {strides = array<i32>} : memref<40x128xi32, #tpu.memory_space<vmem>>, vector<1x16xi32>,
        %get3A_745 = arith.index_cast %scan3A_363 : i32 to index
        %get3A_746 = arith.constant 48 : index
        %get3A_747 = tpu.vector_load %arg13[%get3A_745, %get3A_746] {strides = array<i32>} : memref<40x128xf32, #tpu.memory_space<vmem>>, vector<1x16xf32>,
        %get3A_748 = vector.shape_cast %get3A_747 : vector<1x16xf32> to vector<16xf32>
        %get3A_749 = arith.index_cast %scan3A_363 : i32 to index
        %get3A_750 = arith.constant 48 : index
        %get3A_751 = tpu.vector_load %arg14[%get3A_749, %get3A_750] {strides = array<i32>} : memref<40x128xf32, #tpu.memory_space<vmem>>, vector<1x16xf32>,
        %get3A_752 = vector.shape_cast %get3A_751 : vector<1x16xf32> to vector<16xf32>
        %add3A_753 = arith.addf %get3A_748, %get3A_752 : vector<16xf32>
        %get3A_754 = arith.index_cast %scan3A_363 : i32 to index
        %get3A_755 = arith.constant 112 : index
        %get3A_756 = tpu.vector_load %arg13[%get3A_754, %get3A_755] {strides = array<i32>} : memref<40x128xf32, #tpu.memory_space<vmem>>, vector<1x16xf32>,
        %get3A_757 = vector.shape_cast %get3A_756 : vector<1x16xf32> to vector<16xf32>
        %get3A_758 = arith.index_cast %scan3A_363 : i32 to index
        %get3A_759 = arith.constant 112 : index
        %get3A_760 = tpu.vector_load %arg14[%get3A_758, %get3A_759] {strides = array<i32>} : memref<40x128xf32, #tpu.memory_space<vmem>>, vector<1x16xf32>,
        %get3A_761 = vector.shape_cast %get3A_760 : vector<1x16xf32> to vector<16xf32>
        %add3A_762 = arith.addf %get3A_757, %get3A_761 : vector<16xf32>
        %bitcast_convert_type3A_763 = tpu.bitcast %add3A_753 : vector<16xf32> -> vector<16xi32>
        %bitcast_convert_type3A_764 = tpu.bitcast %add3A_762 : vector<16xf32> -> vector<16xi32>
        %add3A_765 = arith.constant 32767 : i32
        %add3A_766 = vector.broadcast %add3A_765 : i32 to vector<16xi32>
        %add3A_767 = arith.addi %bitcast_convert_type3A_763, %add3A_766 : vector<16xi32>
        %shift_right_arithmetic3A_768 = arith.constant 16 : i32
        %shift_right_arithmetic3A_769 = vector.broadcast %shift_right_arithmetic3A_768 : i32 to vector<16xi32>
        %shift_right_arithmetic3A_770 = arith.shrsi %bitcast_convert_type3A_763, %shift_right_arithmetic3A_769 : vector<16xi32>
        %and3A_771 = arith.constant 1 : i32
        %and3A_772 = vector.broadcast %and3A_771 : i32 to vector<16xi32>
        %and3A_773 = arith.andi %shift_right_arithmetic3A_770, %and3A_772 : vector<16xi32>
        %add3A_774 = arith.addi %add3A_767, %and3A_773 : vector<16xi32>
        %add3A_775 = arith.constant 32767 : i32
        %add3A_776 = vector.broadcast %add3A_775 : i32 to vector<16xi32>
        %add3A_777 = arith.addi %bitcast_convert_type3A_764, %add3A_776 : vector<16xi32>
        %shift_right_arithmetic3A_778 = arith.constant 16 : i32
        %shift_right_arithmetic3A_779 = vector.broadcast %shift_right_arithmetic3A_778 : i32 to vector<16xi32>
        %shift_right_arithmetic3A_780 = arith.shrsi %bitcast_convert_type3A_764, %shift_right_arithmetic3A_779 : vector<16xi32>
        %and3A_781 = arith.constant 1 : i32
        %and3A_782 = vector.broadcast %and3A_781 : i32 to vector<16xi32>
        %and3A_783 = arith.andi %shift_right_arithmetic3A_780, %and3A_782 : vector<16xi32>
        %add3A_784 = arith.addi %add3A_777, %and3A_783 : vector<16xi32>
        %shift_right_arithmetic3A_785 = arith.constant 16 : i32
        %shift_right_arithmetic3A_786 = vector.broadcast %shift_right_arithmetic3A_785 : i32 to vector<16xi32>
        %shift_right_arithmetic3A_787 = arith.shrsi %add3A_774, %shift_right_arithmetic3A_786 : vector<16xi32>
        %and3A_788 = arith.constant 65535 : i32
        %and3A_789 = vector.broadcast %and3A_788 : i32 to vector<16xi32>
        %and3A_790 = arith.andi %shift_right_arithmetic3A_787, %and3A_789 : vector<16xi32>
        %and3A_791 = arith.constant -65536 : i32
        %and3A_792 = vector.broadcast %and3A_791 : i32 to vector<16xi32>
        %and3A_793 = arith.andi %add3A_784, %and3A_792 : vector<16xi32>
        %or3A_794 = arith.ori %and3A_790, %and3A_793 : vector<16xi32>
        %swap3A_795 = arith.index_cast %scan3A_363 : i32 to index
        %swap3A_796 = arith.constant 112 : index
        %swap3A_797 = tpu.vector_load %arg19[%swap3A_795, %swap3A_796] {strides = array<i32>} : memref<40x128xi32, #tpu.memory_space<vmem>>, vector<1x16xi32>,
        %swap3A_798 = vector.shape_cast %swap3A_797 : vector<1x16xi32> to vector<16xi32>
        %swap3A_799 = vector.shape_cast %or3A_794 : vector<16xi32> to vector<1x16xi32>
        tpu.vector_store %arg19[%swap3A_795, %swap3A_796], %swap3A_799 {strides = array<i32>} : memref<40x128xi32, #tpu.memory_space<vmem>>, vector<1x16xi32>,
      }
      %scan3A_313 = arith.constant 40 : i32
      %mul3A_314 = arith.constant 40 : i32
      %mul3A_315 = arith.muli %mul3A_267, %mul3A_314 : i32
      %add3A_316 = arith.addi %mul3A_2, %mul3A_315 : i32
      %dma_start3A_317 = arith.constant 0 : i32
      %dma_start3A_318 = tpu.memref_slice %arg6[%add3A_316, %dma_start3A_317] : memref<96000x128xi32, #tpu.memory_space<hbm>> -> memref<40x128xi32, #tpu.memory_space<hbm>>
      %dma_start3A_319 = arith.constant 0 : i32
      %dma_start3A_320 = tpu.memref_slice %arg6[%add3A_316, %dma_start3A_319] : memref<96000x128xi32, #tpu.memory_space<hbm>> -> memref<40x128xi32, #tpu.memory_space<hbm>>
      tpu.enqueue_dma source(%arg19 : memref<40x128xi32, #tpu.memory_space<vmem>>) target(%dma_start3A_320 : memref<40x128xi32, #tpu.memory_space<hbm>>) target_semaphore(%arg23 : memref<!tpu.dma_semaphore, #tpu.memory_space<semaphore_mem>>)
      %add3A_321 = arith.constant 2 : i32
      %add3A_322 = arith.addi %mul3A_267, %add3A_321 : i32
      %lt3A = arith.constant 75 : i32
      %lt3A_323 = arith.cmpi slt, %add3A_322, %lt3A : i32
      %convert_element_type3A_324 = arith.extui %lt3A_323 : i1 to i32
      %cond3A_325 = arith.constant 0 : i32
      %cond3A_326 = arith.cmpi ne, %convert_element_type3A_324, %cond3A_325 : i32
      scf.if %cond3A_326 {
        %add3A_363 = arith.constant 2 : i32
        %add3A_364 = arith.addi %mul3A_267, %add3A_363 : i32
        %mul3A_365 = arith.constant 40 : i32
        %mul3A_366 = arith.muli %add3A_364, %mul3A_365 : i32
        %dma_start3A_367 = tpu.memref_slice %arg7[%mul3A_366] : memref<3000xi32, #tpu.memory_space<vmem>> -> memref<40xi32, #tpu.memory_space<vmem>>
        %dma_start3A_368 = arith.constant 0 : i32
        %dma_start3A_369 = arith.constant 0 : i32
        %dma_start3A_370 = tpu.memref_slice %arg2[%dma_start3A_368, %dma_start3A_369] : memref<10000x128xf32, #tpu.memory_space<hbm>> -> memref<10000x128xf32, #tpu.memory_space<hbm>>
        tpu.enqueue_indirect_dma source(%dma_start3A_370 : memref<10000x128xf32, #tpu.memory_space<hbm>>) target(%arg11 : memref<40x128xf32, #tpu.memory_space<vmem>>) offsets(%dma_start3A_367 : memref<40xi32, #tpu.memory_space<vmem>>) semaphore(%arg21 : memref<!tpu.dma_semaphore, #tpu.memory_space<semaphore_mem>>)
        %dma_start3A_371 = tpu.memref_slice %arg8[%mul3A_366] : memref<3000xi32, #tpu.memory_space<vmem>> -> memref<40xi32, #tpu.memory_space<vmem>>
        %dma_start3A_372 = arith.constant 0 : i32
        %dma_start3A_373 = arith.constant 0 : i32
        %dma_start3A_374 = tpu.memref_slice %arg3[%dma_start3A_372, %dma_start3A_373] : memref<10000x128xf32, #tpu.memory_space<hbm>> -> memref<10000x128xf32, #tpu.memory_space<hbm>>
        tpu.enqueue_indirect_dma source(%dma_start3A_374 : memref<10000x128xf32, #tpu.memory_space<hbm>>) target(%arg12 : memref<40x128xf32, #tpu.memory_space<vmem>>) offsets(%dma_start3A_371 : memref<40xi32, #tpu.memory_space<vmem>>) semaphore(%arg21 : memref<!tpu.dma_semaphore, #tpu.memory_space<semaphore_mem>>)
        %dma_start3A_375 = tpu.memref_slice %arg9[%mul3A_366] : memref<3000xi32, #tpu.memory_space<vmem>> -> memref<40xi32, #tpu.memory_space<vmem>>
        %dma_start3A_376 = arith.constant 0 : i32
        %dma_start3A_377 = arith.constant 0 : i32
        %dma_start3A_378 = tpu.memref_slice %arg2[%dma_start3A_376, %dma_start3A_377] : memref<10000x128xf32, #tpu.memory_space<hbm>> -> memref<10000x128xf32, #tpu.memory_space<hbm>>
        tpu.enqueue_indirect_dma source(%dma_start3A_378 : memref<10000x128xf32, #tpu.memory_space<hbm>>) target(%arg13 : memref<40x128xf32, #tpu.memory_space<vmem>>) offsets(%dma_start3A_375 : memref<40xi32, #tpu.memory_space<vmem>>) semaphore(%arg21 : memref<!tpu.dma_semaphore, #tpu.memory_space<semaphore_mem>>)
        %dma_start3A_379 = tpu.memref_slice %arg10[%mul3A_366] : memref<3000xi32, #tpu.memory_space<vmem>> -> memref<40xi32, #tpu.memory_space<vmem>>
        %dma_start3A_380 = arith.constant 0 : i32
        %dma_start3A_381 = arith.constant 0 : i32
        %dma_start3A_382 = tpu.memref_slice %arg3[%dma_start3A_380, %dma_start3A_381] : memref<10000x128xf32, #tpu.memory_space<hbm>> -> memref<10000x128xf32, #tpu.memory_space<hbm>>
        tpu.enqueue_indirect_dma source(%dma_start3A_382 : memref<10000x128xf32, #tpu.memory_space<hbm>>) target(%arg14 : memref<40x128xf32, #tpu.memory_space<vmem>>) offsets(%dma_start3A_379 : memref<40xi32, #tpu.memory_space<vmem>>) semaphore(%arg21 : memref<!tpu.dma_semaphore, #tpu.memory_space<semaphore_mem>>)
      } else {
      }
      %mul3A_327 = arith.constant 40 : i32
      %mul3A_328 = arith.muli %add3A_269, %mul3A_327 : i32
      %dma_wait3A_329 = tpu.memref_slice %arg7[%mul3A_328] : memref<3000xi32, #tpu.memory_space<vmem>> -> memref<40xi32, #tpu.memory_space<vmem>>
      %dma_wait3A_330 = arith.constant 0 : i32
      %dma_wait3A_331 = arith.constant 0 : i32
      %dma_wait3A_332 = tpu.memref_slice %arg2[%dma_wait3A_330, %dma_wait3A_331] : memref<10000x128xf32, #tpu.memory_space<hbm>> -> memref<10000x128xf32, #tpu.memory_space<hbm>>
      tpu.wait_indirect_dma semaphore(%arg22 : memref<!tpu.dma_semaphore, #tpu.memory_space<semaphore_mem>>) src(%dma_wait3A_332 : memref<10000x128xf32, #tpu.memory_space<hbm>>) dst(%arg15 : memref<40x128xf32, #tpu.memory_space<vmem>>)
      %dma_wait3A_333 = tpu.memref_slice %arg8[%mul3A_328] : memref<3000xi32, #tpu.memory_space<vmem>> -> memref<40xi32, #tpu.memory_space<vmem>>
      %dma_wait3A_334 = arith.constant 0 : i32
      %dma_wait3A_335 = arith.constant 0 : i32
      %dma_wait3A_336 = tpu.memref_slice %arg3[%dma_wait3A_334, %dma_wait3A_335] : memref<10000x128xf32, #tpu.memory_space<hbm>> -> memref<10000x128xf32, #tpu.memory_space<hbm>>
      tpu.wait_indirect_dma semaphore(%arg22 : memref<!tpu.dma_semaphore, #tpu.memory_space<semaphore_mem>>) src(%dma_wait3A_336 : memref<10000x128xf32, #tpu.memory_space<hbm>>) dst(%arg16 : memref<40x128xf32, #tpu.memory_space<vmem>>)
      %dma_wait3A_337 = tpu.memref_slice %arg9[%mul3A_328] : memref<3000xi32, #tpu.memory_space<vmem>> -> memref<40xi32, #tpu.memory_space<vmem>>
      %dma_wait3A_338 = arith.constant 0 : i32
      %dma_wait3A_339 = arith.constant 0 : i32
      %dma_wait3A_340 = tpu.memref_slice %arg2[%dma_wait3A_338, %dma_wait3A_339] : memref<10000x128xf32, #tpu.memory_space<hbm>> -> memref<10000x128xf32, #tpu.memory_space<hbm>>
      tpu.wait_indirect_dma semaphore(%arg22 : memref<!tpu.dma_semaphore, #tpu.memory_space<semaphore_mem>>) src(%dma_wait3A_340 : memref<10000x128xf32, #tpu.memory_space<hbm>>) dst(%arg17 : memref<40x128xf32, #tpu.memory_space<vmem>>)
      %dma_wait3A_341 = tpu.memref_slice %arg10[%mul3A_328] : memref<3000xi32, #tpu.memory_space<vmem>> -> memref<40xi32, #tpu.memory_space<vmem>>
      %dma_wait3A_342 = arith.constant 0 : i32
      %dma_wait3A_343 = arith.constant 0 : i32
      %dma_wait3A_344 = tpu.memref_slice %arg3[%dma_wait3A_342, %dma_wait3A_343] : memref<10000x128xf32, #tpu.memory_space<hbm>> -> memref<10000x128xf32, #tpu.memory_space<hbm>>
      tpu.wait_indirect_dma semaphore(%arg22 : memref<!tpu.dma_semaphore, #tpu.memory_space<semaphore_mem>>) src(%dma_wait3A_344 : memref<10000x128xf32, #tpu.memory_space<hbm>>) dst(%arg18 : memref<40x128xf32, #tpu.memory_space<vmem>>)
      %gt3A_345 = arith.constant 0 : i32
      %gt3A_346 = arith.cmpi sgt, %scan3A_265, %gt3A_345 : i32
      %convert_element_type3A_347 = arith.extui %gt3A_346 : i1 to i32
      %cond3A_348 = arith.constant 0 : i32
      %cond3A_349 = arith.cmpi ne, %convert_element_type3A_347, %cond3A_348 : i32
      scf.if %cond3A_349 {
        %sub3A = arith.constant 2 : i32
        %sub3A_363 = arith.subi %add3A_269, %sub3A : i32
        %mul3A_364 = arith.constant 40 : i32
        %mul3A_365 = arith.muli %sub3A_363, %mul3A_364 : i32
        %add3A_366 = arith.addi %mul3A_2, %mul3A_365 : i32
        %dma_wait3A_367 = arith.constant 0 : i32
        %dma_wait3A_368 = tpu.memref_slice %arg6[%add3A_366, %dma_wait3A_367] : memref<96000x128xi32, #tpu.memory_space<hbm>> -> memref<40x128xi32, #tpu.memory_space<hbm>>
        %dma_wait3A_369 = arith.constant 0 : i32
        %dma_wait3A_370 = tpu.memref_slice %arg6[%add3A_366, %dma_wait3A_369] : memref<96000x128xi32, #tpu.memory_space<hbm>> -> memref<40x128xi32, #tpu.memory_space<hbm>>
        tpu.wait_dma2 semaphore(%arg24 : memref<!tpu.dma_semaphore, #tpu.memory_space<semaphore_mem>>) src(%arg20 : memref<40x128xi32, #tpu.memory_space<vmem>>) dst(%dma_wait3A_370 : memref<40x128xi32, #tpu.memory_space<hbm>>)
      } else {
      }
      %scan3A_350 = arith.constant 0 : i32
      %scan3A_351 = arith.constant 0 : i32
      %scan3A_352 = arith.constant 40 : i32
      %scan3A_353 = arith.addi %scan3A_351, %scan3A_352 : i32
      %scan3A_354 = arith.constant 1 : i32
      scf.for %scan3A_363 = %scan3A_351 to %scan3A_353 step %scan3A_354  : i32 {
        %get3A = arith.index_cast %scan3A_363 : i32 to index
        %get3A_364 = arith.constant 0 : index
        %get3A_365 = tpu.vector_load %arg15[%get3A, %get3A_364] {strides = array<i32>} : memref<40x128xf32, #tpu.memory_space<vmem>>, vector<1x16xf32>,
        %get3A_366 = vector.shape_cast %get3A_365 : vector<1x16xf32> to vector<16xf32>
        %get3A_367 = arith.index_cast %scan3A_363 : i32 to index
        %get3A_368 = arith.constant 0 : index
        %get3A_369 = tpu.vector_load %arg16[%get3A_367, %get3A_368] {strides = array<i32>} : memref<40x128xf32, #tpu.memory_space<vmem>>, vector<1x16xf32>,
        %get3A_370 = vector.shape_cast %get3A_369 : vector<1x16xf32> to vector<16xf32>
        %add3A_371 = arith.addf %get3A_366, %get3A_370 : vector<16xf32>
        %get3A_372 = arith.index_cast %scan3A_363 : i32 to index
        %get3A_373 = arith.constant 64 : index
        %get3A_374 = tpu.vector_load %arg15[%get3A_372, %get3A_373] {strides = array<i32>} : memref<40x128xf32, #tpu.memory_space<vmem>>, vector<1x16xf32>,
        %get3A_375 = vector.shape_cast %get3A_374 : vector<1x16xf32> to vector<16xf32>
        %get3A_376 = arith.index_cast %scan3A_363 : i32 to index
        %get3A_377 = arith.constant 64 : index
        %get3A_378 = tpu.vector_load %arg16[%get3A_376, %get3A_377] {strides = array<i32>} : memref<40x128xf32, #tpu.memory_space<vmem>>, vector<1x16xf32>,
        %get3A_379 = vector.shape_cast %get3A_378 : vector<1x16xf32> to vector<16xf32>
        %add3A_380 = arith.addf %get3A_375, %get3A_379 : vector<16xf32>
        %bitcast_convert_type3A = tpu.bitcast %add3A_371 : vector<16xf32> -> vector<16xi32>
        %bitcast_convert_type3A_381 = tpu.bitcast %add3A_380 : vector<16xf32> -> vector<16xi32>
        %add3A_382 = arith.constant 32767 : i32
        %add3A_383 = vector.broadcast %add3A_382 : i32 to vector<16xi32>
        %add3A_384 = arith.addi %bitcast_convert_type3A, %add3A_383 : vector<16xi32>
        %shift_right_arithmetic3A_385 = arith.constant 16 : i32
        %shift_right_arithmetic3A_386 = vector.broadcast %shift_right_arithmetic3A_385 : i32 to vector<16xi32>
        %shift_right_arithmetic3A_387 = arith.shrsi %bitcast_convert_type3A, %shift_right_arithmetic3A_386 : vector<16xi32>
        %and3A_388 = arith.constant 1 : i32
        %and3A_389 = vector.broadcast %and3A_388 : i32 to vector<16xi32>
        %and3A_390 = arith.andi %shift_right_arithmetic3A_387, %and3A_389 : vector<16xi32>
        %add3A_391 = arith.addi %add3A_384, %and3A_390 : vector<16xi32>
        %add3A_392 = arith.constant 32767 : i32
        %add3A_393 = vector.broadcast %add3A_392 : i32 to vector<16xi32>
        %add3A_394 = arith.addi %bitcast_convert_type3A_381, %add3A_393 : vector<16xi32>
        %shift_right_arithmetic3A_395 = arith.constant 16 : i32
        %shift_right_arithmetic3A_396 = vector.broadcast %shift_right_arithmetic3A_395 : i32 to vector<16xi32>
        %shift_right_arithmetic3A_397 = arith.shrsi %bitcast_convert_type3A_381, %shift_right_arithmetic3A_396 : vector<16xi32>
        %and3A_398 = arith.constant 1 : i32
        %and3A_399 = vector.broadcast %and3A_398 : i32 to vector<16xi32>
        %and3A_400 = arith.andi %shift_right_arithmetic3A_397, %and3A_399 : vector<16xi32>
        %add3A_401 = arith.addi %add3A_394, %and3A_400 : vector<16xi32>
        %shift_right_arithmetic3A_402 = arith.constant 16 : i32
        %shift_right_arithmetic3A_403 = vector.broadcast %shift_right_arithmetic3A_402 : i32 to vector<16xi32>
        %shift_right_arithmetic3A_404 = arith.shrsi %add3A_391, %shift_right_arithmetic3A_403 : vector<16xi32>
        %and3A_405 = arith.constant 65535 : i32
        %and3A_406 = vector.broadcast %and3A_405 : i32 to vector<16xi32>
        %and3A_407 = arith.andi %shift_right_arithmetic3A_404, %and3A_406 : vector<16xi32>
        %and3A_408 = arith.constant -65536 : i32
        %and3A_409 = vector.broadcast %and3A_408 : i32 to vector<16xi32>
        %and3A_410 = arith.andi %add3A_401, %and3A_409 : vector<16xi32>
        %or3A = arith.ori %and3A_407, %and3A_410 : vector<16xi32>
        %swap3A = arith.index_cast %scan3A_363 : i32 to index
        %swap3A_411 = arith.constant 0 : index
        %swap3A_412 = tpu.vector_load %arg20[%swap3A, %swap3A_411] {strides = array<i32>} : memref<40x128xi32, #tpu.memory_space<vmem>>, vector<1x16xi32>,
        %swap3A_413 = vector.shape_cast %swap3A_412 : vector<1x16xi32> to vector<16xi32>
        %swap3A_414 = vector.shape_cast %or3A : vector<16xi32> to vector<1x16xi32>
        tpu.vector_store %arg20[%swap3A, %swap3A_411], %swap3A_414 {strides = array<i32>} : memref<40x128xi32, #tpu.memory_space<vmem>>, vector<1x16xi32>,
        %get3A_415 = arith.index_cast %scan3A_363 : i32 to index
        %get3A_416 = arith.constant 0 : index
        %get3A_417 = tpu.vector_load %arg17[%get3A_415, %get3A_416] {strides = array<i32>} : memref<40x128xf32, #tpu.memory_space<vmem>>, vector<1x16xf32>,
        %get3A_418 = vector.shape_cast %get3A_417 : vector<1x16xf32> to vector<16xf32>
        %get3A_419 = arith.index_cast %scan3A_363 : i32 to index
        %get3A_420 = arith.constant 0 : index
        %get3A_421 = tpu.vector_load %arg18[%get3A_419, %get3A_420] {strides = array<i32>} : memref<40x128xf32, #tpu.memory_space<vmem>>, vector<1x16xf32>,
        %get3A_422 = vector.shape_cast %get3A_421 : vector<1x16xf32> to vector<16xf32>
        %add3A_423 = arith.addf %get3A_418, %get3A_422 : vector<16xf32>
        %get3A_424 = arith.index_cast %scan3A_363 : i32 to index
        %get3A_425 = arith.constant 64 : index
        %get3A_426 = tpu.vector_load %arg17[%get3A_424, %get3A_425] {strides = array<i32>} : memref<40x128xf32, #tpu.memory_space<vmem>>, vector<1x16xf32>,
        %get3A_427 = vector.shape_cast %get3A_426 : vector<1x16xf32> to vector<16xf32>
        %get3A_428 = arith.index_cast %scan3A_363 : i32 to index
        %get3A_429 = arith.constant 64 : index
        %get3A_430 = tpu.vector_load %arg18[%get3A_428, %get3A_429] {strides = array<i32>} : memref<40x128xf32, #tpu.memory_space<vmem>>, vector<1x16xf32>,
        %get3A_431 = vector.shape_cast %get3A_430 : vector<1x16xf32> to vector<16xf32>
        %add3A_432 = arith.addf %get3A_427, %get3A_431 : vector<16xf32>
        %bitcast_convert_type3A_433 = tpu.bitcast %add3A_423 : vector<16xf32> -> vector<16xi32>
        %bitcast_convert_type3A_434 = tpu.bitcast %add3A_432 : vector<16xf32> -> vector<16xi32>
        %add3A_435 = arith.constant 32767 : i32
        %add3A_436 = vector.broadcast %add3A_435 : i32 to vector<16xi32>
        %add3A_437 = arith.addi %bitcast_convert_type3A_433, %add3A_436 : vector<16xi32>
        %shift_right_arithmetic3A_438 = arith.constant 16 : i32
        %shift_right_arithmetic3A_439 = vector.broadcast %shift_right_arithmetic3A_438 : i32 to vector<16xi32>
        %shift_right_arithmetic3A_440 = arith.shrsi %bitcast_convert_type3A_433, %shift_right_arithmetic3A_439 : vector<16xi32>
        %and3A_441 = arith.constant 1 : i32
        %and3A_442 = vector.broadcast %and3A_441 : i32 to vector<16xi32>
        %and3A_443 = arith.andi %shift_right_arithmetic3A_440, %and3A_442 : vector<16xi32>
        %add3A_444 = arith.addi %add3A_437, %and3A_443 : vector<16xi32>
        %add3A_445 = arith.constant 32767 : i32
        %add3A_446 = vector.broadcast %add3A_445 : i32 to vector<16xi32>
        %add3A_447 = arith.addi %bitcast_convert_type3A_434, %add3A_446 : vector<16xi32>
        %shift_right_arithmetic3A_448 = arith.constant 16 : i32
        %shift_right_arithmetic3A_449 = vector.broadcast %shift_right_arithmetic3A_448 : i32 to vector<16xi32>
        %shift_right_arithmetic3A_450 = arith.shrsi %bitcast_convert_type3A_434, %shift_right_arithmetic3A_449 : vector<16xi32>
        %and3A_451 = arith.constant 1 : i32
        %and3A_452 = vector.broadcast %and3A_451 : i32 to vector<16xi32>
        %and3A_453 = arith.andi %shift_right_arithmetic3A_450, %and3A_452 : vector<16xi32>
        %add3A_454 = arith.addi %add3A_447, %and3A_453 : vector<16xi32>
        %shift_right_arithmetic3A_455 = arith.constant 16 : i32
        %shift_right_arithmetic3A_456 = vector.broadcast %shift_right_arithmetic3A_455 : i32 to vector<16xi32>
        %shift_right_arithmetic3A_457 = arith.shrsi %add3A_444, %shift_right_arithmetic3A_456 : vector<16xi32>
        %and3A_458 = arith.constant 65535 : i32
        %and3A_459 = vector.broadcast %and3A_458 : i32 to vector<16xi32>
        %and3A_460 = arith.andi %shift_right_arithmetic3A_457, %and3A_459 : vector<16xi32>
        %and3A_461 = arith.constant -65536 : i32
        %and3A_462 = vector.broadcast %and3A_461 : i32 to vector<16xi32>
        %and3A_463 = arith.andi %add3A_454, %and3A_462 : vector<16xi32>
        %or3A_464 = arith.ori %and3A_460, %and3A_463 : vector<16xi32>
        %swap3A_465 = arith.index_cast %scan3A_363 : i32 to index
        %swap3A_466 = arith.constant 64 : index
        %swap3A_467 = tpu.vector_load %arg20[%swap3A_465, %swap3A_466] {strides = array<i32>} : memref<40x128xi32, #tpu.memory_space<vmem>>, vector<1x16xi32>,
        %swap3A_468 = vector.shape_cast %swap3A_467 : vector<1x16xi32> to vector<16xi32>
        %swap3A_469 = vector.shape_cast %or3A_464 : vector<16xi32> to vector<1x16xi32>
        tpu.vector_store %arg20[%swap3A_465, %swap3A_466], %swap3A_469 {strides = array<i32>} : memref<40x128xi32, #tpu.memory_space<vmem>>, vector<1x16xi32>,
        %get3A_470 = arith.index_cast %scan3A_363 : i32 to index
        %get3A_471 = arith.constant 16 : index
        %get3A_472 = tpu.vector_load %arg15[%get3A_470, %get3A_471] {strides = array<i32>} : memref<40x128xf32, #tpu.memory_space<vmem>>, vector<1x16xf32>,
        %get3A_473 = vector.shape_cast %get3A_472 : vector<1x16xf32> to vector<16xf32>
        %get3A_474 = arith.index_cast %scan3A_363 : i32 to index
        %get3A_475 = arith.constant 16 : index
        %get3A_476 = tpu.vector_load %arg16[%get3A_474, %get3A_475] {strides = array<i32>} : memref<40x128xf32, #tpu.memory_space<vmem>>, vector<1x16xf32>,
        %get3A_477 = vector.shape_cast %get3A_476 : vector<1x16xf32> to vector<16xf32>
        %add3A_478 = arith.addf %get3A_473, %get3A_477 : vector<16xf32>
        %get3A_479 = arith.index_cast %scan3A_363 : i32 to index
        %get3A_480 = arith.constant 80 : index
        %get3A_481 = tpu.vector_load %arg15[%get3A_479, %get3A_480] {strides = array<i32>} : memref<40x128xf32, #tpu.memory_space<vmem>>, vector<1x16xf32>,
        %get3A_482 = vector.shape_cast %get3A_481 : vector<1x16xf32> to vector<16xf32>
        %get3A_483 = arith.index_cast %scan3A_363 : i32 to index
        %get3A_484 = arith.constant 80 : index
        %get3A_485 = tpu.vector_load %arg16[%get3A_483, %get3A_484] {strides = array<i32>} : memref<40x128xf32, #tpu.memory_space<vmem>>, vector<1x16xf32>,
        %get3A_486 = vector.shape_cast %get3A_485 : vector<1x16xf32> to vector<16xf32>
        %add3A_487 = arith.addf %get3A_482, %get3A_486 : vector<16xf32>
        %bitcast_convert_type3A_488 = tpu.bitcast %add3A_478 : vector<16xf32> -> vector<16xi32>
        %bitcast_convert_type3A_489 = tpu.bitcast %add3A_487 : vector<16xf32> -> vector<16xi32>
        %add3A_490 = arith.constant 32767 : i32
        %add3A_491 = vector.broadcast %add3A_490 : i32 to vector<16xi32>
        %add3A_492 = arith.addi %bitcast_convert_type3A_488, %add3A_491 : vector<16xi32>
        %shift_right_arithmetic3A_493 = arith.constant 16 : i32
        %shift_right_arithmetic3A_494 = vector.broadcast %shift_right_arithmetic3A_493 : i32 to vector<16xi32>
        %shift_right_arithmetic3A_495 = arith.shrsi %bitcast_convert_type3A_488, %shift_right_arithmetic3A_494 : vector<16xi32>
        %and3A_496 = arith.constant 1 : i32
        %and3A_497 = vector.broadcast %and3A_496 : i32 to vector<16xi32>
        %and3A_498 = arith.andi %shift_right_arithmetic3A_495, %and3A_497 : vector<16xi32>
        %add3A_499 = arith.addi %add3A_492, %and3A_498 : vector<16xi32>
        %add3A_500 = arith.constant 32767 : i32
        %add3A_501 = vector.broadcast %add3A_500 : i32 to vector<16xi32>
        %add3A_502 = arith.addi %bitcast_convert_type3A_489, %add3A_501 : vector<16xi32>
        %shift_right_arithmetic3A_503 = arith.constant 16 : i32
        %shift_right_arithmetic3A_504 = vector.broadcast %shift_right_arithmetic3A_503 : i32 to vector<16xi32>
        %shift_right_arithmetic3A_505 = arith.shrsi %bitcast_convert_type3A_489, %shift_right_arithmetic3A_504 : vector<16xi32>
        %and3A_506 = arith.constant 1 : i32
        %and3A_507 = vector.broadcast %and3A_506 : i32 to vector<16xi32>
        %and3A_508 = arith.andi %shift_right_arithmetic3A_505, %and3A_507 : vector<16xi32>
        %add3A_509 = arith.addi %add3A_502, %and3A_508 : vector<16xi32>
        %shift_right_arithmetic3A_510 = arith.constant 16 : i32
        %shift_right_arithmetic3A_511 = vector.broadcast %shift_right_arithmetic3A_510 : i32 to vector<16xi32>
        %shift_right_arithmetic3A_512 = arith.shrsi %add3A_499, %shift_right_arithmetic3A_511 : vector<16xi32>
        %and3A_513 = arith.constant 65535 : i32
        %and3A_514 = vector.broadcast %and3A_513 : i32 to vector<16xi32>
        %and3A_515 = arith.andi %shift_right_arithmetic3A_512, %and3A_514 : vector<16xi32>
        %and3A_516 = arith.constant -65536 : i32
        %and3A_517 = vector.broadcast %and3A_516 : i32 to vector<16xi32>
        %and3A_518 = arith.andi %add3A_509, %and3A_517 : vector<16xi32>
        %or3A_519 = arith.ori %and3A_515, %and3A_518 : vector<16xi32>
        %swap3A_520 = arith.index_cast %scan3A_363 : i32 to index
        %swap3A_521 = arith.constant 16 : index
        %swap3A_522 = tpu.vector_load %arg20[%swap3A_520, %swap3A_521] {strides = array<i32>} : memref<40x128xi32, #tpu.memory_space<vmem>>, vector<1x16xi32>,
        %swap3A_523 = vector.shape_cast %swap3A_522 : vector<1x16xi32> to vector<16xi32>
        %swap3A_524 = vector.shape_cast %or3A_519 : vector<16xi32> to vector<1x16xi32>
        tpu.vector_store %arg20[%swap3A_520, %swap3A_521], %swap3A_524 {strides = array<i32>} : memref<40x128xi32, #tpu.memory_space<vmem>>, vector<1x16xi32>,
        %get3A_525 = arith.index_cast %scan3A_363 : i32 to index
        %get3A_526 = arith.constant 16 : index
        %get3A_527 = tpu.vector_load %arg17[%get3A_525, %get3A_526] {strides = array<i32>} : memref<40x128xf32, #tpu.memory_space<vmem>>, vector<1x16xf32>,
        %get3A_528 = vector.shape_cast %get3A_527 : vector<1x16xf32> to vector<16xf32>
        %get3A_529 = arith.index_cast %scan3A_363 : i32 to index
        %get3A_530 = arith.constant 16 : index
        %get3A_531 = tpu.vector_load %arg18[%get3A_529, %get3A_530] {strides = array<i32>} : memref<40x128xf32, #tpu.memory_space<vmem>>, vector<1x16xf32>,
        %get3A_532 = vector.shape_cast %get3A_531 : vector<1x16xf32> to vector<16xf32>
        %add3A_533 = arith.addf %get3A_528, %get3A_532 : vector<16xf32>
        %get3A_534 = arith.index_cast %scan3A_363 : i32 to index
        %get3A_535 = arith.constant 80 : index
        %get3A_536 = tpu.vector_load %arg17[%get3A_534, %get3A_535] {strides = array<i32>} : memref<40x128xf32, #tpu.memory_space<vmem>>, vector<1x16xf32>,
        %get3A_537 = vector.shape_cast %get3A_536 : vector<1x16xf32> to vector<16xf32>
        %get3A_538 = arith.index_cast %scan3A_363 : i32 to index
        %get3A_539 = arith.constant 80 : index
        %get3A_540 = tpu.vector_load %arg18[%get3A_538, %get3A_539] {strides = array<i32>} : memref<40x128xf32, #tpu.memory_space<vmem>>, vector<1x16xf32>,
        %get3A_541 = vector.shape_cast %get3A_540 : vector<1x16xf32> to vector<16xf32>
        %add3A_542 = arith.addf %get3A_537, %get3A_541 : vector<16xf32>
        %bitcast_convert_type3A_543 = tpu.bitcast %add3A_533 : vector<16xf32> -> vector<16xi32>
        %bitcast_convert_type3A_544 = tpu.bitcast %add3A_542 : vector<16xf32> -> vector<16xi32>
        %add3A_545 = arith.constant 32767 : i32
        %add3A_546 = vector.broadcast %add3A_545 : i32 to vector<16xi32>
        %add3A_547 = arith.addi %bitcast_convert_type3A_543, %add3A_546 : vector<16xi32>
        %shift_right_arithmetic3A_548 = arith.constant 16 : i32
        %shift_right_arithmetic3A_549 = vector.broadcast %shift_right_arithmetic3A_548 : i32 to vector<16xi32>
        %shift_right_arithmetic3A_550 = arith.shrsi %bitcast_convert_type3A_543, %shift_right_arithmetic3A_549 : vector<16xi32>
        %and3A_551 = arith.constant 1 : i32
        %and3A_552 = vector.broadcast %and3A_551 : i32 to vector<16xi32>
        %and3A_553 = arith.andi %shift_right_arithmetic3A_550, %and3A_552 : vector<16xi32>
        %add3A_554 = arith.addi %add3A_547, %and3A_553 : vector<16xi32>
        %add3A_555 = arith.constant 32767 : i32
        %add3A_556 = vector.broadcast %add3A_555 : i32 to vector<16xi32>
        %add3A_557 = arith.addi %bitcast_convert_type3A_544, %add3A_556 : vector<16xi32>
        %shift_right_arithmetic3A_558 = arith.constant 16 : i32
        %shift_right_arithmetic3A_559 = vector.broadcast %shift_right_arithmetic3A_558 : i32 to vector<16xi32>
        %shift_right_arithmetic3A_560 = arith.shrsi %bitcast_convert_type3A_544, %shift_right_arithmetic3A_559 : vector<16xi32>
        %and3A_561 = arith.constant 1 : i32
        %and3A_562 = vector.broadcast %and3A_561 : i32 to vector<16xi32>
        %and3A_563 = arith.andi %shift_right_arithmetic3A_560, %and3A_562 : vector<16xi32>
        %add3A_564 = arith.addi %add3A_557, %and3A_563 : vector<16xi32>
        %shift_right_arithmetic3A_565 = arith.constant 16 : i32
        %shift_right_arithmetic3A_566 = vector.broadcast %shift_right_arithmetic3A_565 : i32 to vector<16xi32>
        %shift_right_arithmetic3A_567 = arith.shrsi %add3A_554, %shift_right_arithmetic3A_566 : vector<16xi32>
        %and3A_568 = arith.constant 65535 : i32
        %and3A_569 = vector.broadcast %and3A_568 : i32 to vector<16xi32>
        %and3A_570 = arith.andi %shift_right_arithmetic3A_567, %and3A_569 : vector<16xi32>
        %and3A_571 = arith.constant -65536 : i32
        %and3A_572 = vector.broadcast %and3A_571 : i32 to vector<16xi32>
        %and3A_573 = arith.andi %add3A_564, %and3A_572 : vector<16xi32>
        %or3A_574 = arith.ori %and3A_570, %and3A_573 : vector<16xi32>
        %swap3A_575 = arith.index_cast %scan3A_363 : i32 to index
        %swap3A_576 = arith.constant 80 : index
        %swap3A_577 = tpu.vector_load %arg20[%swap3A_575, %swap3A_576] {strides = array<i32>} : memref<40x128xi32, #tpu.memory_space<vmem>>, vector<1x16xi32>,
        %swap3A_578 = vector.shape_cast %swap3A_577 : vector<1x16xi32> to vector<16xi32>
        %swap3A_579 = vector.shape_cast %or3A_574 : vector<16xi32> to vector<1x16xi32>
        tpu.vector_store %arg20[%swap3A_575, %swap3A_576], %swap3A_579 {strides = array<i32>} : memref<40x128xi32, #tpu.memory_space<vmem>>, vector<1x16xi32>,
        %get3A_580 = arith.index_cast %scan3A_363 : i32 to index
        %get3A_581 = arith.constant 32 : index
        %get3A_582 = tpu.vector_load %arg15[%get3A_580, %get3A_581] {strides = array<i32>} : memref<40x128xf32, #tpu.memory_space<vmem>>, vector<1x16xf32>,
        %get3A_583 = vector.shape_cast %get3A_582 : vector<1x16xf32> to vector<16xf32>
        %get3A_584 = arith.index_cast %scan3A_363 : i32 to index
        %get3A_585 = arith.constant 32 : index
        %get3A_586 = tpu.vector_load %arg16[%get3A_584, %get3A_585] {strides = array<i32>} : memref<40x128xf32, #tpu.memory_space<vmem>>, vector<1x16xf32>,
        %get3A_587 = vector.shape_cast %get3A_586 : vector<1x16xf32> to vector<16xf32>
        %add3A_588 = arith.addf %get3A_583, %get3A_587 : vector<16xf32>
        %get3A_589 = arith.index_cast %scan3A_363 : i32 to index
        %get3A_590 = arith.constant 96 : index
        %get3A_591 = tpu.vector_load %arg15[%get3A_589, %get3A_590] {strides = array<i32>} : memref<40x128xf32, #tpu.memory_space<vmem>>, vector<1x16xf32>,
        %get3A_592 = vector.shape_cast %get3A_591 : vector<1x16xf32> to vector<16xf32>
        %get3A_593 = arith.index_cast %scan3A_363 : i32 to index
        %get3A_594 = arith.constant 96 : index
        %get3A_595 = tpu.vector_load %arg16[%get3A_593, %get3A_594] {strides = array<i32>} : memref<40x128xf32, #tpu.memory_space<vmem>>, vector<1x16xf32>,
        %get3A_596 = vector.shape_cast %get3A_595 : vector<1x16xf32> to vector<16xf32>
        %add3A_597 = arith.addf %get3A_592, %get3A_596 : vector<16xf32>
        %bitcast_convert_type3A_598 = tpu.bitcast %add3A_588 : vector<16xf32> -> vector<16xi32>
        %bitcast_convert_type3A_599 = tpu.bitcast %add3A_597 : vector<16xf32> -> vector<16xi32>
        %add3A_600 = arith.constant 32767 : i32
        %add3A_601 = vector.broadcast %add3A_600 : i32 to vector<16xi32>
        %add3A_602 = arith.addi %bitcast_convert_type3A_598, %add3A_601 : vector<16xi32>
        %shift_right_arithmetic3A_603 = arith.constant 16 : i32
        %shift_right_arithmetic3A_604 = vector.broadcast %shift_right_arithmetic3A_603 : i32 to vector<16xi32>
        %shift_right_arithmetic3A_605 = arith.shrsi %bitcast_convert_type3A_598, %shift_right_arithmetic3A_604 : vector<16xi32>
        %and3A_606 = arith.constant 1 : i32
        %and3A_607 = vector.broadcast %and3A_606 : i32 to vector<16xi32>
        %and3A_608 = arith.andi %shift_right_arithmetic3A_605, %and3A_607 : vector<16xi32>
        %add3A_609 = arith.addi %add3A_602, %and3A_608 : vector<16xi32>
        %add3A_610 = arith.constant 32767 : i32
        %add3A_611 = vector.broadcast %add3A_610 : i32 to vector<16xi32>
        %add3A_612 = arith.addi %bitcast_convert_type3A_599, %add3A_611 : vector<16xi32>
        %shift_right_arithmetic3A_613 = arith.constant 16 : i32
        %shift_right_arithmetic3A_614 = vector.broadcast %shift_right_arithmetic3A_613 : i32 to vector<16xi32>
        %shift_right_arithmetic3A_615 = arith.shrsi %bitcast_convert_type3A_599, %shift_right_arithmetic3A_614 : vector<16xi32>
        %and3A_616 = arith.constant 1 : i32
        %and3A_617 = vector.broadcast %and3A_616 : i32 to vector<16xi32>
        %and3A_618 = arith.andi %shift_right_arithmetic3A_615, %and3A_617 : vector<16xi32>
        %add3A_619 = arith.addi %add3A_612, %and3A_618 : vector<16xi32>
        %shift_right_arithmetic3A_620 = arith.constant 16 : i32
        %shift_right_arithmetic3A_621 = vector.broadcast %shift_right_arithmetic3A_620 : i32 to vector<16xi32>
        %shift_right_arithmetic3A_622 = arith.shrsi %add3A_609, %shift_right_arithmetic3A_621 : vector<16xi32>
        %and3A_623 = arith.constant 65535 : i32
        %and3A_624 = vector.broadcast %and3A_623 : i32 to vector<16xi32>
        %and3A_625 = arith.andi %shift_right_arithmetic3A_622, %and3A_624 : vector<16xi32>
        %and3A_626 = arith.constant -65536 : i32
        %and3A_627 = vector.broadcast %and3A_626 : i32 to vector<16xi32>
        %and3A_628 = arith.andi %add3A_619, %and3A_627 : vector<16xi32>
        %or3A_629 = arith.ori %and3A_625, %and3A_628 : vector<16xi32>
        %swap3A_630 = arith.index_cast %scan3A_363 : i32 to index
        %swap3A_631 = arith.constant 32 : index
        %swap3A_632 = tpu.vector_load %arg20[%swap3A_630, %swap3A_631] {strides = array<i32>} : memref<40x128xi32, #tpu.memory_space<vmem>>, vector<1x16xi32>,
        %swap3A_633 = vector.shape_cast %swap3A_632 : vector<1x16xi32> to vector<16xi32>
        %swap3A_634 = vector.shape_cast %or3A_629 : vector<16xi32> to vector<1x16xi32>
        tpu.vector_store %arg20[%swap3A_630, %swap3A_631], %swap3A_634 {strides = array<i32>} : memref<40x128xi32, #tpu.memory_space<vmem>>, vector<1x16xi32>,
        %get3A_635 = arith.index_cast %scan3A_363 : i32 to index
        %get3A_636 = arith.constant 32 : index
        %get3A_637 = tpu.vector_load %arg17[%get3A_635, %get3A_636] {strides = array<i32>} : memref<40x128xf32, #tpu.memory_space<vmem>>, vector<1x16xf32>,
        %get3A_638 = vector.shape_cast %get3A_637 : vector<1x16xf32> to vector<16xf32>
        %get3A_639 = arith.index_cast %scan3A_363 : i32 to index
        %get3A_640 = arith.constant 32 : index
        %get3A_641 = tpu.vector_load %arg18[%get3A_639, %get3A_640] {strides = array<i32>} : memref<40x128xf32, #tpu.memory_space<vmem>>, vector<1x16xf32>,
        %get3A_642 = vector.shape_cast %get3A_641 : vector<1x16xf32> to vector<16xf32>
        %add3A_643 = arith.addf %get3A_638, %get3A_642 : vector<16xf32>
        %get3A_644 = arith.index_cast %scan3A_363 : i32 to index
        %get3A_645 = arith.constant 96 : index
        %get3A_646 = tpu.vector_load %arg17[%get3A_644, %get3A_645] {strides = array<i32>} : memref<40x128xf32, #tpu.memory_space<vmem>>, vector<1x16xf32>,
        %get3A_647 = vector.shape_cast %get3A_646 : vector<1x16xf32> to vector<16xf32>
        %get3A_648 = arith.index_cast %scan3A_363 : i32 to index
        %get3A_649 = arith.constant 96 : index
        %get3A_650 = tpu.vector_load %arg18[%get3A_648, %get3A_649] {strides = array<i32>} : memref<40x128xf32, #tpu.memory_space<vmem>>, vector<1x16xf32>,
        %get3A_651 = vector.shape_cast %get3A_650 : vector<1x16xf32> to vector<16xf32>
        %add3A_652 = arith.addf %get3A_647, %get3A_651 : vector<16xf32>
        %bitcast_convert_type3A_653 = tpu.bitcast %add3A_643 : vector<16xf32> -> vector<16xi32>
        %bitcast_convert_type3A_654 = tpu.bitcast %add3A_652 : vector<16xf32> -> vector<16xi32>
        %add3A_655 = arith.constant 32767 : i32
        %add3A_656 = vector.broadcast %add3A_655 : i32 to vector<16xi32>
        %add3A_657 = arith.addi %bitcast_convert_type3A_653, %add3A_656 : vector<16xi32>
        %shift_right_arithmetic3A_658 = arith.constant 16 : i32
        %shift_right_arithmetic3A_659 = vector.broadcast %shift_right_arithmetic3A_658 : i32 to vector<16xi32>
        %shift_right_arithmetic3A_660 = arith.shrsi %bitcast_convert_type3A_653, %shift_right_arithmetic3A_659 : vector<16xi32>
        %and3A_661 = arith.constant 1 : i32
        %and3A_662 = vector.broadcast %and3A_661 : i32 to vector<16xi32>
        %and3A_663 = arith.andi %shift_right_arithmetic3A_660, %and3A_662 : vector<16xi32>
        %add3A_664 = arith.addi %add3A_657, %and3A_663 : vector<16xi32>
        %add3A_665 = arith.constant 32767 : i32
        %add3A_666 = vector.broadcast %add3A_665 : i32 to vector<16xi32>
        %add3A_667 = arith.addi %bitcast_convert_type3A_654, %add3A_666 : vector<16xi32>
        %shift_right_arithmetic3A_668 = arith.constant 16 : i32
        %shift_right_arithmetic3A_669 = vector.broadcast %shift_right_arithmetic3A_668 : i32 to vector<16xi32>
        %shift_right_arithmetic3A_670 = arith.shrsi %bitcast_convert_type3A_654, %shift_right_arithmetic3A_669 : vector<16xi32>
        %and3A_671 = arith.constant 1 : i32
        %and3A_672 = vector.broadcast %and3A_671 : i32 to vector<16xi32>
        %and3A_673 = arith.andi %shift_right_arithmetic3A_670, %and3A_672 : vector<16xi32>
        %add3A_674 = arith.addi %add3A_667, %and3A_673 : vector<16xi32>
        %shift_right_arithmetic3A_675 = arith.constant 16 : i32
        %shift_right_arithmetic3A_676 = vector.broadcast %shift_right_arithmetic3A_675 : i32 to vector<16xi32>
        %shift_right_arithmetic3A_677 = arith.shrsi %add3A_664, %shift_right_arithmetic3A_676 : vector<16xi32>
        %and3A_678 = arith.constant 65535 : i32
        %and3A_679 = vector.broadcast %and3A_678 : i32 to vector<16xi32>
        %and3A_680 = arith.andi %shift_right_arithmetic3A_677, %and3A_679 : vector<16xi32>
        %and3A_681 = arith.constant -65536 : i32
        %and3A_682 = vector.broadcast %and3A_681 : i32 to vector<16xi32>
        %and3A_683 = arith.andi %add3A_674, %and3A_682 : vector<16xi32>
        %or3A_684 = arith.ori %and3A_680, %and3A_683 : vector<16xi32>
        %swap3A_685 = arith.index_cast %scan3A_363 : i32 to index
        %swap3A_686 = arith.constant 96 : index
        %swap3A_687 = tpu.vector_load %arg20[%swap3A_685, %swap3A_686] {strides = array<i32>} : memref<40x128xi32, #tpu.memory_space<vmem>>, vector<1x16xi32>,
        %swap3A_688 = vector.shape_cast %swap3A_687 : vector<1x16xi32> to vector<16xi32>
        %swap3A_689 = vector.shape_cast %or3A_684 : vector<16xi32> to vector<1x16xi32>
        tpu.vector_store %arg20[%swap3A_685, %swap3A_686], %swap3A_689 {strides = array<i32>} : memref<40x128xi32, #tpu.memory_space<vmem>>, vector<1x16xi32>,
        %get3A_690 = arith.index_cast %scan3A_363 : i32 to index
        %get3A_691 = arith.constant 48 : index
        %get3A_692 = tpu.vector_load %arg15[%get3A_690, %get3A_691] {strides = array<i32>} : memref<40x128xf32, #tpu.memory_space<vmem>>, vector<1x16xf32>,
        %get3A_693 = vector.shape_cast %get3A_692 : vector<1x16xf32> to vector<16xf32>
        %get3A_694 = arith.index_cast %scan3A_363 : i32 to index
        %get3A_695 = arith.constant 48 : index
        %get3A_696 = tpu.vector_load %arg16[%get3A_694, %get3A_695] {strides = array<i32>} : memref<40x128xf32, #tpu.memory_space<vmem>>, vector<1x16xf32>,
        %get3A_697 = vector.shape_cast %get3A_696 : vector<1x16xf32> to vector<16xf32>
        %add3A_698 = arith.addf %get3A_693, %get3A_697 : vector<16xf32>
        %get3A_699 = arith.index_cast %scan3A_363 : i32 to index
        %get3A_700 = arith.constant 112 : index
        %get3A_701 = tpu.vector_load %arg15[%get3A_699, %get3A_700] {strides = array<i32>} : memref<40x128xf32, #tpu.memory_space<vmem>>, vector<1x16xf32>,
        %get3A_702 = vector.shape_cast %get3A_701 : vector<1x16xf32> to vector<16xf32>
        %get3A_703 = arith.index_cast %scan3A_363 : i32 to index
        %get3A_704 = arith.constant 112 : index
        %get3A_705 = tpu.vector_load %arg16[%get3A_703, %get3A_704] {strides = array<i32>} : memref<40x128xf32, #tpu.memory_space<vmem>>, vector<1x16xf32>,
        %get3A_706 = vector.shape_cast %get3A_705 : vector<1x16xf32> to vector<16xf32>
        %add3A_707 = arith.addf %get3A_702, %get3A_706 : vector<16xf32>
        %bitcast_convert_type3A_708 = tpu.bitcast %add3A_698 : vector<16xf32> -> vector<16xi32>
        %bitcast_convert_type3A_709 = tpu.bitcast %add3A_707 : vector<16xf32> -> vector<16xi32>
        %add3A_710 = arith.constant 32767 : i32
        %add3A_711 = vector.broadcast %add3A_710 : i32 to vector<16xi32>
        %add3A_712 = arith.addi %bitcast_convert_type3A_708, %add3A_711 : vector<16xi32>
        %shift_right_arithmetic3A_713 = arith.constant 16 : i32
        %shift_right_arithmetic3A_714 = vector.broadcast %shift_right_arithmetic3A_713 : i32 to vector<16xi32>
        %shift_right_arithmetic3A_715 = arith.shrsi %bitcast_convert_type3A_708, %shift_right_arithmetic3A_714 : vector<16xi32>
        %and3A_716 = arith.constant 1 : i32
        %and3A_717 = vector.broadcast %and3A_716 : i32 to vector<16xi32>
        %and3A_718 = arith.andi %shift_right_arithmetic3A_715, %and3A_717 : vector<16xi32>
        %add3A_719 = arith.addi %add3A_712, %and3A_718 : vector<16xi32>
        %add3A_720 = arith.constant 32767 : i32
        %add3A_721 = vector.broadcast %add3A_720 : i32 to vector<16xi32>
        %add3A_722 = arith.addi %bitcast_convert_type3A_709, %add3A_721 : vector<16xi32>
        %shift_right_arithmetic3A_723 = arith.constant 16 : i32
        %shift_right_arithmetic3A_724 = vector.broadcast %shift_right_arithmetic3A_723 : i32 to vector<16xi32>
        %shift_right_arithmetic3A_725 = arith.shrsi %bitcast_convert_type3A_709, %shift_right_arithmetic3A_724 : vector<16xi32>
        %and3A_726 = arith.constant 1 : i32
        %and3A_727 = vector.broadcast %and3A_726 : i32 to vector<16xi32>
        %and3A_728 = arith.andi %shift_right_arithmetic3A_725, %and3A_727 : vector<16xi32>
        %add3A_729 = arith.addi %add3A_722, %and3A_728 : vector<16xi32>
        %shift_right_arithmetic3A_730 = arith.constant 16 : i32
        %shift_right_arithmetic3A_731 = vector.broadcast %shift_right_arithmetic3A_730 : i32 to vector<16xi32>
        %shift_right_arithmetic3A_732 = arith.shrsi %add3A_719, %shift_right_arithmetic3A_731 : vector<16xi32>
        %and3A_733 = arith.constant 65535 : i32
        %and3A_734 = vector.broadcast %and3A_733 : i32 to vector<16xi32>
        %and3A_735 = arith.andi %shift_right_arithmetic3A_732, %and3A_734 : vector<16xi32>
        %and3A_736 = arith.constant -65536 : i32
        %and3A_737 = vector.broadcast %and3A_736 : i32 to vector<16xi32>
        %and3A_738 = arith.andi %add3A_729, %and3A_737 : vector<16xi32>
        %or3A_739 = arith.ori %and3A_735, %and3A_738 : vector<16xi32>
        %swap3A_740 = arith.index_cast %scan3A_363 : i32 to index
        %swap3A_741 = arith.constant 48 : index
        %swap3A_742 = tpu.vector_load %arg20[%swap3A_740, %swap3A_741] {strides = array<i32>} : memref<40x128xi32, #tpu.memory_space<vmem>>, vector<1x16xi32>,
        %swap3A_743 = vector.shape_cast %swap3A_742 : vector<1x16xi32> to vector<16xi32>
        %swap3A_744 = vector.shape_cast %or3A_739 : vector<16xi32> to vector<1x16xi32>
        tpu.vector_store %arg20[%swap3A_740, %swap3A_741], %swap3A_744 {strides = array<i32>} : memref<40x128xi32, #tpu.memory_space<vmem>>, vector<1x16xi32>,
        %get3A_745 = arith.index_cast %scan3A_363 : i32 to index
        %get3A_746 = arith.constant 48 : index
        %get3A_747 = tpu.vector_load %arg17[%get3A_745, %get3A_746] {strides = array<i32>} : memref<40x128xf32, #tpu.memory_space<vmem>>, vector<1x16xf32>,
        %get3A_748 = vector.shape_cast %get3A_747 : vector<1x16xf32> to vector<16xf32>
        %get3A_749 = arith.index_cast %scan3A_363 : i32 to index
        %get3A_750 = arith.constant 48 : index
        %get3A_751 = tpu.vector_load %arg18[%get3A_749, %get3A_750] {strides = array<i32>} : memref<40x128xf32, #tpu.memory_space<vmem>>, vector<1x16xf32>,
        %get3A_752 = vector.shape_cast %get3A_751 : vector<1x16xf32> to vector<16xf32>
        %add3A_753 = arith.addf %get3A_748, %get3A_752 : vector<16xf32>
        %get3A_754 = arith.index_cast %scan3A_363 : i32 to index
        %get3A_755 = arith.constant 112 : index
        %get3A_756 = tpu.vector_load %arg17[%get3A_754, %get3A_755] {strides = array<i32>} : memref<40x128xf32, #tpu.memory_space<vmem>>, vector<1x16xf32>,
        %get3A_757 = vector.shape_cast %get3A_756 : vector<1x16xf32> to vector<16xf32>
        %get3A_758 = arith.index_cast %scan3A_363 : i32 to index
        %get3A_759 = arith.constant 112 : index
        %get3A_760 = tpu.vector_load %arg18[%get3A_758, %get3A_759] {strides = array<i32>} : memref<40x128xf32, #tpu.memory_space<vmem>>, vector<1x16xf32>,
        %get3A_761 = vector.shape_cast %get3A_760 : vector<1x16xf32> to vector<16xf32>
        %add3A_762 = arith.addf %get3A_757, %get3A_761 : vector<16xf32>
        %bitcast_convert_type3A_763 = tpu.bitcast %add3A_753 : vector<16xf32> -> vector<16xi32>
        %bitcast_convert_type3A_764 = tpu.bitcast %add3A_762 : vector<16xf32> -> vector<16xi32>
        %add3A_765 = arith.constant 32767 : i32
        %add3A_766 = vector.broadcast %add3A_765 : i32 to vector<16xi32>
        %add3A_767 = arith.addi %bitcast_convert_type3A_763, %add3A_766 : vector<16xi32>
        %shift_right_arithmetic3A_768 = arith.constant 16 : i32
        %shift_right_arithmetic3A_769 = vector.broadcast %shift_right_arithmetic3A_768 : i32 to vector<16xi32>
        %shift_right_arithmetic3A_770 = arith.shrsi %bitcast_convert_type3A_763, %shift_right_arithmetic3A_769 : vector<16xi32>
        %and3A_771 = arith.constant 1 : i32
        %and3A_772 = vector.broadcast %and3A_771 : i32 to vector<16xi32>
        %and3A_773 = arith.andi %shift_right_arithmetic3A_770, %and3A_772 : vector<16xi32>
        %add3A_774 = arith.addi %add3A_767, %and3A_773 : vector<16xi32>
        %add3A_775 = arith.constant 32767 : i32
        %add3A_776 = vector.broadcast %add3A_775 : i32 to vector<16xi32>
        %add3A_777 = arith.addi %bitcast_convert_type3A_764, %add3A_776 : vector<16xi32>
        %shift_right_arithmetic3A_778 = arith.constant 16 : i32
        %shift_right_arithmetic3A_779 = vector.broadcast %shift_right_arithmetic3A_778 : i32 to vector<16xi32>
        %shift_right_arithmetic3A_780 = arith.shrsi %bitcast_convert_type3A_764, %shift_right_arithmetic3A_779 : vector<16xi32>
        %and3A_781 = arith.constant 1 : i32
        %and3A_782 = vector.broadcast %and3A_781 : i32 to vector<16xi32>
        %and3A_783 = arith.andi %shift_right_arithmetic3A_780, %and3A_782 : vector<16xi32>
        %add3A_784 = arith.addi %add3A_777, %and3A_783 : vector<16xi32>
        %shift_right_arithmetic3A_785 = arith.constant 16 : i32
        %shift_right_arithmetic3A_786 = vector.broadcast %shift_right_arithmetic3A_785 : i32 to vector<16xi32>
        %shift_right_arithmetic3A_787 = arith.shrsi %add3A_774, %shift_right_arithmetic3A_786 : vector<16xi32>
        %and3A_788 = arith.constant 65535 : i32
        %and3A_789 = vector.broadcast %and3A_788 : i32 to vector<16xi32>
        %and3A_790 = arith.andi %shift_right_arithmetic3A_787, %and3A_789 : vector<16xi32>
        %and3A_791 = arith.constant -65536 : i32
        %and3A_792 = vector.broadcast %and3A_791 : i32 to vector<16xi32>
        %and3A_793 = arith.andi %add3A_784, %and3A_792 : vector<16xi32>
        %or3A_794 = arith.ori %and3A_790, %and3A_793 : vector<16xi32>
        %swap3A_795 = arith.index_cast %scan3A_363 : i32 to index
        %swap3A_796 = arith.constant 112 : index
        %swap3A_797 = tpu.vector_load %arg20[%swap3A_795, %swap3A_796] {strides = array<i32>} : memref<40x128xi32, #tpu.memory_space<vmem>>, vector<1x16xi32>,
        %swap3A_798 = vector.shape_cast %swap3A_797 : vector<1x16xi32> to vector<16xi32>
        %swap3A_799 = vector.shape_cast %or3A_794 : vector<16xi32> to vector<1x16xi32>
        tpu.vector_store %arg20[%swap3A_795, %swap3A_796], %swap3A_799 {strides = array<i32>} : memref<40x128xi32, #tpu.memory_space<vmem>>, vector<1x16xi32>,
      }
      %scan3A_355 = arith.constant 40 : i32
      %mul3A_356 = arith.constant 40 : i32
      %mul3A_357 = arith.muli %add3A_269, %mul3A_356 : i32
      %add3A_358 = arith.addi %mul3A_2, %mul3A_357 : i32
      %dma_start3A_359 = arith.constant 0 : i32
      %dma_start3A_360 = tpu.memref_slice %arg6[%add3A_358, %dma_start3A_359] : memref<96000x128xi32, #tpu.memory_space<hbm>> -> memref<40x128xi32, #tpu.memory_space<hbm>>
      %dma_start3A_361 = arith.constant 0 : i32
      %dma_start3A_362 = tpu.memref_slice %arg6[%add3A_358, %dma_start3A_361] : memref<96000x128xi32, #tpu.memory_space<hbm>> -> memref<40x128xi32, #tpu.memory_space<hbm>>
      tpu.enqueue_dma source(%arg20 : memref<40x128xi32, #tpu.memory_space<vmem>>) target(%dma_start3A_362 : memref<40x128xi32, #tpu.memory_space<hbm>>) target_semaphore(%arg24 : memref<!tpu.dma_semaphore, #tpu.memory_space<semaphore_mem>>)
    }
    %scan3A_214 = arith.constant 37 : i32
    %dma_wait3A_215 = arith.constant 2960 : i32
    %dma_wait3A_216 = tpu.memref_slice %arg7[%dma_wait3A_215] : memref<3000xi32, #tpu.memory_space<vmem>> -> memref<40xi32, #tpu.memory_space<vmem>>
    %dma_wait3A_217 = arith.constant 0 : i32
    %dma_wait3A_218 = arith.constant 0 : i32
    %dma_wait3A_219 = tpu.memref_slice %arg2[%dma_wait3A_217, %dma_wait3A_218] : memref<10000x128xf32, #tpu.memory_space<hbm>> -> memref<10000x128xf32, #tpu.memory_space<hbm>>
    tpu.wait_indirect_dma semaphore(%arg21 : memref<!tpu.dma_semaphore, #tpu.memory_space<semaphore_mem>>) src(%dma_wait3A_219 : memref<10000x128xf32, #tpu.memory_space<hbm>>) dst(%arg11 : memref<40x128xf32, #tpu.memory_space<vmem>>)
    %dma_wait3A_220 = arith.constant 2960 : i32
    %dma_wait3A_221 = tpu.memref_slice %arg8[%dma_wait3A_220] : memref<3000xi32, #tpu.memory_space<vmem>> -> memref<40xi32, #tpu.memory_space<vmem>>
    %dma_wait3A_222 = arith.constant 0 : i32
    %dma_wait3A_223 = arith.constant 0 : i32
    %dma_wait3A_224 = tpu.memref_slice %arg3[%dma_wait3A_222, %dma_wait3A_223] : memref<10000x128xf32, #tpu.memory_space<hbm>> -> memref<10000x128xf32, #tpu.memory_space<hbm>>
    tpu.wait_indirect_dma semaphore(%arg21 : memref<!tpu.dma_semaphore, #tpu.memory_space<semaphore_mem>>) src(%dma_wait3A_224 : memref<10000x128xf32, #tpu.memory_space<hbm>>) dst(%arg12 : memref<40x128xf32, #tpu.memory_space<vmem>>)
    %dma_wait3A_225 = arith.constant 2960 : i32
    %dma_wait3A_226 = tpu.memref_slice %arg9[%dma_wait3A_225] : memref<3000xi32, #tpu.memory_space<vmem>> -> memref<40xi32, #tpu.memory_space<vmem>>
    %dma_wait3A_227 = arith.constant 0 : i32
    %dma_wait3A_228 = arith.constant 0 : i32
    %dma_wait3A_229 = tpu.memref_slice %arg2[%dma_wait3A_227, %dma_wait3A_228] : memref<10000x128xf32, #tpu.memory_space<hbm>> -> memref<10000x128xf32, #tpu.memory_space<hbm>>
    tpu.wait_indirect_dma semaphore(%arg21 : memref<!tpu.dma_semaphore, #tpu.memory_space<semaphore_mem>>) src(%dma_wait3A_229 : memref<10000x128xf32, #tpu.memory_space<hbm>>) dst(%arg13 : memref<40x128xf32, #tpu.memory_space<vmem>>)
    %dma_wait3A_230 = arith.constant 2960 : i32
    %dma_wait3A_231 = tpu.memref_slice %arg10[%dma_wait3A_230] : memref<3000xi32, #tpu.memory_space<vmem>> -> memref<40xi32, #tpu.memory_space<vmem>>
    %dma_wait3A_232 = arith.constant 0 : i32
    %dma_wait3A_233 = arith.constant 0 : i32
    %dma_wait3A_234 = tpu.memref_slice %arg3[%dma_wait3A_232, %dma_wait3A_233] : memref<10000x128xf32, #tpu.memory_space<hbm>> -> memref<10000x128xf32, #tpu.memory_space<hbm>>
    tpu.wait_indirect_dma semaphore(%arg21 : memref<!tpu.dma_semaphore, #tpu.memory_space<semaphore_mem>>) src(%dma_wait3A_234 : memref<10000x128xf32, #tpu.memory_space<hbm>>) dst(%arg14 : memref<40x128xf32, #tpu.memory_space<vmem>>)
    %add3A_235 = arith.constant 2880 : i32
    %add3A_236 = arith.addi %mul3A_2, %add3A_235 : i32
    %dma_wait3A_237 = arith.constant 0 : i32
    %dma_wait3A_238 = tpu.memref_slice %arg6[%add3A_236, %dma_wait3A_237] : memref<96000x128xi32, #tpu.memory_space<hbm>> -> memref<40x128xi32, #tpu.memory_space<hbm>>
    %dma_wait3A_239 = arith.constant 0 : i32
    %dma_wait3A_240 = tpu.memref_slice %arg6[%add3A_236, %dma_wait3A_239] : memref<96000x128xi32, #tpu.memory_space<hbm>> -> memref<40x128xi32, #tpu.memory_space<hbm>>
    tpu.wait_dma2 semaphore(%arg23 : memref<!tpu.dma_semaphore, #tpu.memory_space<semaphore_mem>>) src(%arg19 : memref<40x128xi32, #tpu.memory_space<vmem>>) dst(%dma_wait3A_240 : memref<40x128xi32, #tpu.memory_space<hbm>>)
    %scan3A_241 = arith.constant 0 : i32
    %scan3A_242 = arith.constant 0 : i32
    %scan3A_243 = arith.constant 40 : i32
    %scan3A_244 = arith.addi %scan3A_242, %scan3A_243 : i32
    %scan3A_245 = arith.constant 1 : i32
    scf.for %scan3A_265 = %scan3A_242 to %scan3A_244 step %scan3A_245  : i32 {
      %get3A = arith.index_cast %scan3A_265 : i32 to index
      %get3A_266 = arith.constant 0 : index
      %get3A_267 = tpu.vector_load %arg11[%get3A, %get3A_266] {strides = array<i32>} : memref<40x128xf32, #tpu.memory_space<vmem>>, vector<1x16xf32>,
      %get3A_268 = vector.shape_cast %get3A_267 : vector<1x16xf32> to vector<16xf32>
      %get3A_269 = arith.index_cast %scan3A_265 : i32 to index
      %get3A_270 = arith.constant 0 : index
      %get3A_271 = tpu.vector_load %arg12[%get3A_269, %get3A_270] {strides = array<i32>} : memref<40x128xf32, #tpu.memory_space<vmem>>, vector<1x16xf32>,
      %get3A_272 = vector.shape_cast %get3A_271 : vector<1x16xf32> to vector<16xf32>
      %add3A_273 = arith.addf %get3A_268, %get3A_272 : vector<16xf32>
      %get3A_274 = arith.index_cast %scan3A_265 : i32 to index
      %get3A_275 = arith.constant 64 : index
      %get3A_276 = tpu.vector_load %arg11[%get3A_274, %get3A_275] {strides = array<i32>} : memref<40x128xf32, #tpu.memory_space<vmem>>, vector<1x16xf32>,
      %get3A_277 = vector.shape_cast %get3A_276 : vector<1x16xf32> to vector<16xf32>
      %get3A_278 = arith.index_cast %scan3A_265 : i32 to index
      %get3A_279 = arith.constant 64 : index
      %get3A_280 = tpu.vector_load %arg12[%get3A_278, %get3A_279] {strides = array<i32>} : memref<40x128xf32, #tpu.memory_space<vmem>>, vector<1x16xf32>,
      %get3A_281 = vector.shape_cast %get3A_280 : vector<1x16xf32> to vector<16xf32>
      %add3A_282 = arith.addf %get3A_277, %get3A_281 : vector<16xf32>
      %bitcast_convert_type3A = tpu.bitcast %add3A_273 : vector<16xf32> -> vector<16xi32>
      %bitcast_convert_type3A_283 = tpu.bitcast %add3A_282 : vector<16xf32> -> vector<16xi32>
      %add3A_284 = arith.constant 32767 : i32
      %add3A_285 = vector.broadcast %add3A_284 : i32 to vector<16xi32>
      %add3A_286 = arith.addi %bitcast_convert_type3A, %add3A_285 : vector<16xi32>
      %shift_right_arithmetic3A_287 = arith.constant 16 : i32
      %shift_right_arithmetic3A_288 = vector.broadcast %shift_right_arithmetic3A_287 : i32 to vector<16xi32>
      %shift_right_arithmetic3A_289 = arith.shrsi %bitcast_convert_type3A, %shift_right_arithmetic3A_288 : vector<16xi32>
      %and3A_290 = arith.constant 1 : i32
      %and3A_291 = vector.broadcast %and3A_290 : i32 to vector<16xi32>
      %and3A_292 = arith.andi %shift_right_arithmetic3A_289, %and3A_291 : vector<16xi32>
      %add3A_293 = arith.addi %add3A_286, %and3A_292 : vector<16xi32>
      %add3A_294 = arith.constant 32767 : i32
      %add3A_295 = vector.broadcast %add3A_294 : i32 to vector<16xi32>
      %add3A_296 = arith.addi %bitcast_convert_type3A_283, %add3A_295 : vector<16xi32>
      %shift_right_arithmetic3A_297 = arith.constant 16 : i32
      %shift_right_arithmetic3A_298 = vector.broadcast %shift_right_arithmetic3A_297 : i32 to vector<16xi32>
      %shift_right_arithmetic3A_299 = arith.shrsi %bitcast_convert_type3A_283, %shift_right_arithmetic3A_298 : vector<16xi32>
      %and3A_300 = arith.constant 1 : i32
      %and3A_301 = vector.broadcast %and3A_300 : i32 to vector<16xi32>
      %and3A_302 = arith.andi %shift_right_arithmetic3A_299, %and3A_301 : vector<16xi32>
      %add3A_303 = arith.addi %add3A_296, %and3A_302 : vector<16xi32>
      %shift_right_arithmetic3A_304 = arith.constant 16 : i32
      %shift_right_arithmetic3A_305 = vector.broadcast %shift_right_arithmetic3A_304 : i32 to vector<16xi32>
      %shift_right_arithmetic3A_306 = arith.shrsi %add3A_293, %shift_right_arithmetic3A_305 : vector<16xi32>
      %and3A_307 = arith.constant 65535 : i32
      %and3A_308 = vector.broadcast %and3A_307 : i32 to vector<16xi32>
      %and3A_309 = arith.andi %shift_right_arithmetic3A_306, %and3A_308 : vector<16xi32>
      %and3A_310 = arith.constant -65536 : i32
      %and3A_311 = vector.broadcast %and3A_310 : i32 to vector<16xi32>
      %and3A_312 = arith.andi %add3A_303, %and3A_311 : vector<16xi32>
      %or3A = arith.ori %and3A_309, %and3A_312 : vector<16xi32>
      %swap3A = arith.index_cast %scan3A_265 : i32 to index
      %swap3A_313 = arith.constant 0 : index
      %swap3A_314 = tpu.vector_load %arg19[%swap3A, %swap3A_313] {strides = array<i32>} : memref<40x128xi32, #tpu.memory_space<vmem>>, vector<1x16xi32>,
      %swap3A_315 = vector.shape_cast %swap3A_314 : vector<1x16xi32> to vector<16xi32>
      %swap3A_316 = vector.shape_cast %or3A : vector<16xi32> to vector<1x16xi32>
      tpu.vector_store %arg19[%swap3A, %swap3A_313], %swap3A_316 {strides = array<i32>} : memref<40x128xi32, #tpu.memory_space<vmem>>, vector<1x16xi32>,
      %get3A_317 = arith.index_cast %scan3A_265 : i32 to index
      %get3A_318 = arith.constant 0 : index
      %get3A_319 = tpu.vector_load %arg13[%get3A_317, %get3A_318] {strides = array<i32>} : memref<40x128xf32, #tpu.memory_space<vmem>>, vector<1x16xf32>,
      %get3A_320 = vector.shape_cast %get3A_319 : vector<1x16xf32> to vector<16xf32>
      %get3A_321 = arith.index_cast %scan3A_265 : i32 to index
      %get3A_322 = arith.constant 0 : index
      %get3A_323 = tpu.vector_load %arg14[%get3A_321, %get3A_322] {strides = array<i32>} : memref<40x128xf32, #tpu.memory_space<vmem>>, vector<1x16xf32>,
      %get3A_324 = vector.shape_cast %get3A_323 : vector<1x16xf32> to vector<16xf32>
      %add3A_325 = arith.addf %get3A_320, %get3A_324 : vector<16xf32>
      %get3A_326 = arith.index_cast %scan3A_265 : i32 to index
      %get3A_327 = arith.constant 64 : index
      %get3A_328 = tpu.vector_load %arg13[%get3A_326, %get3A_327] {strides = array<i32>} : memref<40x128xf32, #tpu.memory_space<vmem>>, vector<1x16xf32>,
      %get3A_329 = vector.shape_cast %get3A_328 : vector<1x16xf32> to vector<16xf32>
      %get3A_330 = arith.index_cast %scan3A_265 : i32 to index
      %get3A_331 = arith.constant 64 : index
      %get3A_332 = tpu.vector_load %arg14[%get3A_330, %get3A_331] {strides = array<i32>} : memref<40x128xf32, #tpu.memory_space<vmem>>, vector<1x16xf32>,
      %get3A_333 = vector.shape_cast %get3A_332 : vector<1x16xf32> to vector<16xf32>
      %add3A_334 = arith.addf %get3A_329, %get3A_333 : vector<16xf32>
      %bitcast_convert_type3A_335 = tpu.bitcast %add3A_325 : vector<16xf32> -> vector<16xi32>
      %bitcast_convert_type3A_336 = tpu.bitcast %add3A_334 : vector<16xf32> -> vector<16xi32>
      %add3A_337 = arith.constant 32767 : i32
      %add3A_338 = vector.broadcast %add3A_337 : i32 to vector<16xi32>
      %add3A_339 = arith.addi %bitcast_convert_type3A_335, %add3A_338 : vector<16xi32>
      %shift_right_arithmetic3A_340 = arith.constant 16 : i32
      %shift_right_arithmetic3A_341 = vector.broadcast %shift_right_arithmetic3A_340 : i32 to vector<16xi32>
      %shift_right_arithmetic3A_342 = arith.shrsi %bitcast_convert_type3A_335, %shift_right_arithmetic3A_341 : vector<16xi32>
      %and3A_343 = arith.constant 1 : i32
      %and3A_344 = vector.broadcast %and3A_343 : i32 to vector<16xi32>
      %and3A_345 = arith.andi %shift_right_arithmetic3A_342, %and3A_344 : vector<16xi32>
      %add3A_346 = arith.addi %add3A_339, %and3A_345 : vector<16xi32>
      %add3A_347 = arith.constant 32767 : i32
      %add3A_348 = vector.broadcast %add3A_347 : i32 to vector<16xi32>
      %add3A_349 = arith.addi %bitcast_convert_type3A_336, %add3A_348 : vector<16xi32>
      %shift_right_arithmetic3A_350 = arith.constant 16 : i32
      %shift_right_arithmetic3A_351 = vector.broadcast %shift_right_arithmetic3A_350 : i32 to vector<16xi32>
      %shift_right_arithmetic3A_352 = arith.shrsi %bitcast_convert_type3A_336, %shift_right_arithmetic3A_351 : vector<16xi32>
      %and3A_353 = arith.constant 1 : i32
      %and3A_354 = vector.broadcast %and3A_353 : i32 to vector<16xi32>
      %and3A_355 = arith.andi %shift_right_arithmetic3A_352, %and3A_354 : vector<16xi32>
      %add3A_356 = arith.addi %add3A_349, %and3A_355 : vector<16xi32>
      %shift_right_arithmetic3A_357 = arith.constant 16 : i32
      %shift_right_arithmetic3A_358 = vector.broadcast %shift_right_arithmetic3A_357 : i32 to vector<16xi32>
      %shift_right_arithmetic3A_359 = arith.shrsi %add3A_346, %shift_right_arithmetic3A_358 : vector<16xi32>
      %and3A_360 = arith.constant 65535 : i32
      %and3A_361 = vector.broadcast %and3A_360 : i32 to vector<16xi32>
      %and3A_362 = arith.andi %shift_right_arithmetic3A_359, %and3A_361 : vector<16xi32>
      %and3A_363 = arith.constant -65536 : i32
      %and3A_364 = vector.broadcast %and3A_363 : i32 to vector<16xi32>
      %and3A_365 = arith.andi %add3A_356, %and3A_364 : vector<16xi32>
      %or3A_366 = arith.ori %and3A_362, %and3A_365 : vector<16xi32>
      %swap3A_367 = arith.index_cast %scan3A_265 : i32 to index
      %swap3A_368 = arith.constant 64 : index
      %swap3A_369 = tpu.vector_load %arg19[%swap3A_367, %swap3A_368] {strides = array<i32>} : memref<40x128xi32, #tpu.memory_space<vmem>>, vector<1x16xi32>,
      %swap3A_370 = vector.shape_cast %swap3A_369 : vector<1x16xi32> to vector<16xi32>
      %swap3A_371 = vector.shape_cast %or3A_366 : vector<16xi32> to vector<1x16xi32>
      tpu.vector_store %arg19[%swap3A_367, %swap3A_368], %swap3A_371 {strides = array<i32>} : memref<40x128xi32, #tpu.memory_space<vmem>>, vector<1x16xi32>,
      %get3A_372 = arith.index_cast %scan3A_265 : i32 to index
      %get3A_373 = arith.constant 16 : index
      %get3A_374 = tpu.vector_load %arg11[%get3A_372, %get3A_373] {strides = array<i32>} : memref<40x128xf32, #tpu.memory_space<vmem>>, vector<1x16xf32>,
      %get3A_375 = vector.shape_cast %get3A_374 : vector<1x16xf32> to vector<16xf32>
      %get3A_376 = arith.index_cast %scan3A_265 : i32 to index
      %get3A_377 = arith.constant 16 : index
      %get3A_378 = tpu.vector_load %arg12[%get3A_376, %get3A_377] {strides = array<i32>} : memref<40x128xf32, #tpu.memory_space<vmem>>, vector<1x16xf32>,
      %get3A_379 = vector.shape_cast %get3A_378 : vector<1x16xf32> to vector<16xf32>
      %add3A_380 = arith.addf %get3A_375, %get3A_379 : vector<16xf32>
      %get3A_381 = arith.index_cast %scan3A_265 : i32 to index
      %get3A_382 = arith.constant 80 : index
      %get3A_383 = tpu.vector_load %arg11[%get3A_381, %get3A_382] {strides = array<i32>} : memref<40x128xf32, #tpu.memory_space<vmem>>, vector<1x16xf32>,
      %get3A_384 = vector.shape_cast %get3A_383 : vector<1x16xf32> to vector<16xf32>
      %get3A_385 = arith.index_cast %scan3A_265 : i32 to index
      %get3A_386 = arith.constant 80 : index
      %get3A_387 = tpu.vector_load %arg12[%get3A_385, %get3A_386] {strides = array<i32>} : memref<40x128xf32, #tpu.memory_space<vmem>>, vector<1x16xf32>,
      %get3A_388 = vector.shape_cast %get3A_387 : vector<1x16xf32> to vector<16xf32>
      %add3A_389 = arith.addf %get3A_384, %get3A_388 : vector<16xf32>
      %bitcast_convert_type3A_390 = tpu.bitcast %add3A_380 : vector<16xf32> -> vector<16xi32>
      %bitcast_convert_type3A_391 = tpu.bitcast %add3A_389 : vector<16xf32> -> vector<16xi32>
      %add3A_392 = arith.constant 32767 : i32
      %add3A_393 = vector.broadcast %add3A_392 : i32 to vector<16xi32>
      %add3A_394 = arith.addi %bitcast_convert_type3A_390, %add3A_393 : vector<16xi32>
      %shift_right_arithmetic3A_395 = arith.constant 16 : i32
      %shift_right_arithmetic3A_396 = vector.broadcast %shift_right_arithmetic3A_395 : i32 to vector<16xi32>
      %shift_right_arithmetic3A_397 = arith.shrsi %bitcast_convert_type3A_390, %shift_right_arithmetic3A_396 : vector<16xi32>
      %and3A_398 = arith.constant 1 : i32
      %and3A_399 = vector.broadcast %and3A_398 : i32 to vector<16xi32>
      %and3A_400 = arith.andi %shift_right_arithmetic3A_397, %and3A_399 : vector<16xi32>
      %add3A_401 = arith.addi %add3A_394, %and3A_400 : vector<16xi32>
      %add3A_402 = arith.constant 32767 : i32
      %add3A_403 = vector.broadcast %add3A_402 : i32 to vector<16xi32>
      %add3A_404 = arith.addi %bitcast_convert_type3A_391, %add3A_403 : vector<16xi32>
      %shift_right_arithmetic3A_405 = arith.constant 16 : i32
      %shift_right_arithmetic3A_406 = vector.broadcast %shift_right_arithmetic3A_405 : i32 to vector<16xi32>
      %shift_right_arithmetic3A_407 = arith.shrsi %bitcast_convert_type3A_391, %shift_right_arithmetic3A_406 : vector<16xi32>
      %and3A_408 = arith.constant 1 : i32
      %and3A_409 = vector.broadcast %and3A_408 : i32 to vector<16xi32>
      %and3A_410 = arith.andi %shift_right_arithmetic3A_407, %and3A_409 : vector<16xi32>
      %add3A_411 = arith.addi %add3A_404, %and3A_410 : vector<16xi32>
      %shift_right_arithmetic3A_412 = arith.constant 16 : i32
      %shift_right_arithmetic3A_413 = vector.broadcast %shift_right_arithmetic3A_412 : i32 to vector<16xi32>
      %shift_right_arithmetic3A_414 = arith.shrsi %add3A_401, %shift_right_arithmetic3A_413 : vector<16xi32>
      %and3A_415 = arith.constant 65535 : i32
      %and3A_416 = vector.broadcast %and3A_415 : i32 to vector<16xi32>
      %and3A_417 = arith.andi %shift_right_arithmetic3A_414, %and3A_416 : vector<16xi32>
      %and3A_418 = arith.constant -65536 : i32
      %and3A_419 = vector.broadcast %and3A_418 : i32 to vector<16xi32>
      %and3A_420 = arith.andi %add3A_411, %and3A_419 : vector<16xi32>
      %or3A_421 = arith.ori %and3A_417, %and3A_420 : vector<16xi32>
      %swap3A_422 = arith.index_cast %scan3A_265 : i32 to index
      %swap3A_423 = arith.constant 16 : index
      %swap3A_424 = tpu.vector_load %arg19[%swap3A_422, %swap3A_423] {strides = array<i32>} : memref<40x128xi32, #tpu.memory_space<vmem>>, vector<1x16xi32>,
      %swap3A_425 = vector.shape_cast %swap3A_424 : vector<1x16xi32> to vector<16xi32>
      %swap3A_426 = vector.shape_cast %or3A_421 : vector<16xi32> to vector<1x16xi32>
      tpu.vector_store %arg19[%swap3A_422, %swap3A_423], %swap3A_426 {strides = array<i32>} : memref<40x128xi32, #tpu.memory_space<vmem>>, vector<1x16xi32>,
      %get3A_427 = arith.index_cast %scan3A_265 : i32 to index
      %get3A_428 = arith.constant 16 : index
      %get3A_429 = tpu.vector_load %arg13[%get3A_427, %get3A_428] {strides = array<i32>} : memref<40x128xf32, #tpu.memory_space<vmem>>, vector<1x16xf32>,
      %get3A_430 = vector.shape_cast %get3A_429 : vector<1x16xf32> to vector<16xf32>
      %get3A_431 = arith.index_cast %scan3A_265 : i32 to index
      %get3A_432 = arith.constant 16 : index
      %get3A_433 = tpu.vector_load %arg14[%get3A_431, %get3A_432] {strides = array<i32>} : memref<40x128xf32, #tpu.memory_space<vmem>>, vector<1x16xf32>,
      %get3A_434 = vector.shape_cast %get3A_433 : vector<1x16xf32> to vector<16xf32>
      %add3A_435 = arith.addf %get3A_430, %get3A_434 : vector<16xf32>
      %get3A_436 = arith.index_cast %scan3A_265 : i32 to index
      %get3A_437 = arith.constant 80 : index
      %get3A_438 = tpu.vector_load %arg13[%get3A_436, %get3A_437] {strides = array<i32>} : memref<40x128xf32, #tpu.memory_space<vmem>>, vector<1x16xf32>,
      %get3A_439 = vector.shape_cast %get3A_438 : vector<1x16xf32> to vector<16xf32>
      %get3A_440 = arith.index_cast %scan3A_265 : i32 to index
      %get3A_441 = arith.constant 80 : index
      %get3A_442 = tpu.vector_load %arg14[%get3A_440, %get3A_441] {strides = array<i32>} : memref<40x128xf32, #tpu.memory_space<vmem>>, vector<1x16xf32>,
      %get3A_443 = vector.shape_cast %get3A_442 : vector<1x16xf32> to vector<16xf32>
      %add3A_444 = arith.addf %get3A_439, %get3A_443 : vector<16xf32>
      %bitcast_convert_type3A_445 = tpu.bitcast %add3A_435 : vector<16xf32> -> vector<16xi32>
      %bitcast_convert_type3A_446 = tpu.bitcast %add3A_444 : vector<16xf32> -> vector<16xi32>
      %add3A_447 = arith.constant 32767 : i32
      %add3A_448 = vector.broadcast %add3A_447 : i32 to vector<16xi32>
      %add3A_449 = arith.addi %bitcast_convert_type3A_445, %add3A_448 : vector<16xi32>
      %shift_right_arithmetic3A_450 = arith.constant 16 : i32
      %shift_right_arithmetic3A_451 = vector.broadcast %shift_right_arithmetic3A_450 : i32 to vector<16xi32>
      %shift_right_arithmetic3A_452 = arith.shrsi %bitcast_convert_type3A_445, %shift_right_arithmetic3A_451 : vector<16xi32>
      %and3A_453 = arith.constant 1 : i32
      %and3A_454 = vector.broadcast %and3A_453 : i32 to vector<16xi32>
      %and3A_455 = arith.andi %shift_right_arithmetic3A_452, %and3A_454 : vector<16xi32>
      %add3A_456 = arith.addi %add3A_449, %and3A_455 : vector<16xi32>
      %add3A_457 = arith.constant 32767 : i32
      %add3A_458 = vector.broadcast %add3A_457 : i32 to vector<16xi32>
      %add3A_459 = arith.addi %bitcast_convert_type3A_446, %add3A_458 : vector<16xi32>
      %shift_right_arithmetic3A_460 = arith.constant 16 : i32
      %shift_right_arithmetic3A_461 = vector.broadcast %shift_right_arithmetic3A_460 : i32 to vector<16xi32>
      %shift_right_arithmetic3A_462 = arith.shrsi %bitcast_convert_type3A_446, %shift_right_arithmetic3A_461 : vector<16xi32>
      %and3A_463 = arith.constant 1 : i32
      %and3A_464 = vector.broadcast %and3A_463 : i32 to vector<16xi32>
      %and3A_465 = arith.andi %shift_right_arithmetic3A_462, %and3A_464 : vector<16xi32>
      %add3A_466 = arith.addi %add3A_459, %and3A_465 : vector<16xi32>
      %shift_right_arithmetic3A_467 = arith.constant 16 : i32
      %shift_right_arithmetic3A_468 = vector.broadcast %shift_right_arithmetic3A_467 : i32 to vector<16xi32>
      %shift_right_arithmetic3A_469 = arith.shrsi %add3A_456, %shift_right_arithmetic3A_468 : vector<16xi32>
      %and3A_470 = arith.constant 65535 : i32
      %and3A_471 = vector.broadcast %and3A_470 : i32 to vector<16xi32>
      %and3A_472 = arith.andi %shift_right_arithmetic3A_469, %and3A_471 : vector<16xi32>
      %and3A_473 = arith.constant -65536 : i32
      %and3A_474 = vector.broadcast %and3A_473 : i32 to vector<16xi32>
      %and3A_475 = arith.andi %add3A_466, %and3A_474 : vector<16xi32>
      %or3A_476 = arith.ori %and3A_472, %and3A_475 : vector<16xi32>
      %swap3A_477 = arith.index_cast %scan3A_265 : i32 to index
      %swap3A_478 = arith.constant 80 : index
      %swap3A_479 = tpu.vector_load %arg19[%swap3A_477, %swap3A_478] {strides = array<i32>} : memref<40x128xi32, #tpu.memory_space<vmem>>, vector<1x16xi32>,
      %swap3A_480 = vector.shape_cast %swap3A_479 : vector<1x16xi32> to vector<16xi32>
      %swap3A_481 = vector.shape_cast %or3A_476 : vector<16xi32> to vector<1x16xi32>
      tpu.vector_store %arg19[%swap3A_477, %swap3A_478], %swap3A_481 {strides = array<i32>} : memref<40x128xi32, #tpu.memory_space<vmem>>, vector<1x16xi32>,
      %get3A_482 = arith.index_cast %scan3A_265 : i32 to index
      %get3A_483 = arith.constant 32 : index
      %get3A_484 = tpu.vector_load %arg11[%get3A_482, %get3A_483] {strides = array<i32>} : memref<40x128xf32, #tpu.memory_space<vmem>>, vector<1x16xf32>,
      %get3A_485 = vector.shape_cast %get3A_484 : vector<1x16xf32> to vector<16xf32>
      %get3A_486 = arith.index_cast %scan3A_265 : i32 to index
      %get3A_487 = arith.constant 32 : index
      %get3A_488 = tpu.vector_load %arg12[%get3A_486, %get3A_487] {strides = array<i32>} : memref<40x128xf32, #tpu.memory_space<vmem>>, vector<1x16xf32>,
      %get3A_489 = vector.shape_cast %get3A_488 : vector<1x16xf32> to vector<16xf32>
      %add3A_490 = arith.addf %get3A_485, %get3A_489 : vector<16xf32>
      %get3A_491 = arith.index_cast %scan3A_265 : i32 to index
      %get3A_492 = arith.constant 96 : index
      %get3A_493 = tpu.vector_load %arg11[%get3A_491, %get3A_492] {strides = array<i32>} : memref<40x128xf32, #tpu.memory_space<vmem>>, vector<1x16xf32>,
      %get3A_494 = vector.shape_cast %get3A_493 : vector<1x16xf32> to vector<16xf32>
      %get3A_495 = arith.index_cast %scan3A_265 : i32 to index
      %get3A_496 = arith.constant 96 : index
      %get3A_497 = tpu.vector_load %arg12[%get3A_495, %get3A_496] {strides = array<i32>} : memref<40x128xf32, #tpu.memory_space<vmem>>, vector<1x16xf32>,
      %get3A_498 = vector.shape_cast %get3A_497 : vector<1x16xf32> to vector<16xf32>
      %add3A_499 = arith.addf %get3A_494, %get3A_498 : vector<16xf32>
      %bitcast_convert_type3A_500 = tpu.bitcast %add3A_490 : vector<16xf32> -> vector<16xi32>
      %bitcast_convert_type3A_501 = tpu.bitcast %add3A_499 : vector<16xf32> -> vector<16xi32>
      %add3A_502 = arith.constant 32767 : i32
      %add3A_503 = vector.broadcast %add3A_502 : i32 to vector<16xi32>
      %add3A_504 = arith.addi %bitcast_convert_type3A_500, %add3A_503 : vector<16xi32>
      %shift_right_arithmetic3A_505 = arith.constant 16 : i32
      %shift_right_arithmetic3A_506 = vector.broadcast %shift_right_arithmetic3A_505 : i32 to vector<16xi32>
      %shift_right_arithmetic3A_507 = arith.shrsi %bitcast_convert_type3A_500, %shift_right_arithmetic3A_506 : vector<16xi32>
      %and3A_508 = arith.constant 1 : i32
      %and3A_509 = vector.broadcast %and3A_508 : i32 to vector<16xi32>
      %and3A_510 = arith.andi %shift_right_arithmetic3A_507, %and3A_509 : vector<16xi32>
      %add3A_511 = arith.addi %add3A_504, %and3A_510 : vector<16xi32>
      %add3A_512 = arith.constant 32767 : i32
      %add3A_513 = vector.broadcast %add3A_512 : i32 to vector<16xi32>
      %add3A_514 = arith.addi %bitcast_convert_type3A_501, %add3A_513 : vector<16xi32>
      %shift_right_arithmetic3A_515 = arith.constant 16 : i32
      %shift_right_arithmetic3A_516 = vector.broadcast %shift_right_arithmetic3A_515 : i32 to vector<16xi32>
      %shift_right_arithmetic3A_517 = arith.shrsi %bitcast_convert_type3A_501, %shift_right_arithmetic3A_516 : vector<16xi32>
      %and3A_518 = arith.constant 1 : i32
      %and3A_519 = vector.broadcast %and3A_518 : i32 to vector<16xi32>
      %and3A_520 = arith.andi %shift_right_arithmetic3A_517, %and3A_519 : vector<16xi32>
      %add3A_521 = arith.addi %add3A_514, %and3A_520 : vector<16xi32>
      %shift_right_arithmetic3A_522 = arith.constant 16 : i32
      %shift_right_arithmetic3A_523 = vector.broadcast %shift_right_arithmetic3A_522 : i32 to vector<16xi32>
      %shift_right_arithmetic3A_524 = arith.shrsi %add3A_511, %shift_right_arithmetic3A_523 : vector<16xi32>
      %and3A_525 = arith.constant 65535 : i32
      %and3A_526 = vector.broadcast %and3A_525 : i32 to vector<16xi32>
      %and3A_527 = arith.andi %shift_right_arithmetic3A_524, %and3A_526 : vector<16xi32>
      %and3A_528 = arith.constant -65536 : i32
      %and3A_529 = vector.broadcast %and3A_528 : i32 to vector<16xi32>
      %and3A_530 = arith.andi %add3A_521, %and3A_529 : vector<16xi32>
      %or3A_531 = arith.ori %and3A_527, %and3A_530 : vector<16xi32>
      %swap3A_532 = arith.index_cast %scan3A_265 : i32 to index
      %swap3A_533 = arith.constant 32 : index
      %swap3A_534 = tpu.vector_load %arg19[%swap3A_532, %swap3A_533] {strides = array<i32>} : memref<40x128xi32, #tpu.memory_space<vmem>>, vector<1x16xi32>,
      %swap3A_535 = vector.shape_cast %swap3A_534 : vector<1x16xi32> to vector<16xi32>
      %swap3A_536 = vector.shape_cast %or3A_531 : vector<16xi32> to vector<1x16xi32>
      tpu.vector_store %arg19[%swap3A_532, %swap3A_533], %swap3A_536 {strides = array<i32>} : memref<40x128xi32, #tpu.memory_space<vmem>>, vector<1x16xi32>,
      %get3A_537 = arith.index_cast %scan3A_265 : i32 to index
      %get3A_538 = arith.constant 32 : index
      %get3A_539 = tpu.vector_load %arg13[%get3A_537, %get3A_538] {strides = array<i32>} : memref<40x128xf32, #tpu.memory_space<vmem>>, vector<1x16xf32>,
      %get3A_540 = vector.shape_cast %get3A_539 : vector<1x16xf32> to vector<16xf32>
      %get3A_541 = arith.index_cast %scan3A_265 : i32 to index
      %get3A_542 = arith.constant 32 : index
      %get3A_543 = tpu.vector_load %arg14[%get3A_541, %get3A_542] {strides = array<i32>} : memref<40x128xf32, #tpu.memory_space<vmem>>, vector<1x16xf32>,
      %get3A_544 = vector.shape_cast %get3A_543 : vector<1x16xf32> to vector<16xf32>
      %add3A_545 = arith.addf %get3A_540, %get3A_544 : vector<16xf32>
      %get3A_546 = arith.index_cast %scan3A_265 : i32 to index
      %get3A_547 = arith.constant 96 : index
      %get3A_548 = tpu.vector_load %arg13[%get3A_546, %get3A_547] {strides = array<i32>} : memref<40x128xf32, #tpu.memory_space<vmem>>, vector<1x16xf32>,
      %get3A_549 = vector.shape_cast %get3A_548 : vector<1x16xf32> to vector<16xf32>
      %get3A_550 = arith.index_cast %scan3A_265 : i32 to index
      %get3A_551 = arith.constant 96 : index
      %get3A_552 = tpu.vector_load %arg14[%get3A_550, %get3A_551] {strides = array<i32>} : memref<40x128xf32, #tpu.memory_space<vmem>>, vector<1x16xf32>,
      %get3A_553 = vector.shape_cast %get3A_552 : vector<1x16xf32> to vector<16xf32>
      %add3A_554 = arith.addf %get3A_549, %get3A_553 : vector<16xf32>
      %bitcast_convert_type3A_555 = tpu.bitcast %add3A_545 : vector<16xf32> -> vector<16xi32>
      %bitcast_convert_type3A_556 = tpu.bitcast %add3A_554 : vector<16xf32> -> vector<16xi32>
      %add3A_557 = arith.constant 32767 : i32
      %add3A_558 = vector.broadcast %add3A_557 : i32 to vector<16xi32>
      %add3A_559 = arith.addi %bitcast_convert_type3A_555, %add3A_558 : vector<16xi32>
      %shift_right_arithmetic3A_560 = arith.constant 16 : i32
      %shift_right_arithmetic3A_561 = vector.broadcast %shift_right_arithmetic3A_560 : i32 to vector<16xi32>
      %shift_right_arithmetic3A_562 = arith.shrsi %bitcast_convert_type3A_555, %shift_right_arithmetic3A_561 : vector<16xi32>
      %and3A_563 = arith.constant 1 : i32
      %and3A_564 = vector.broadcast %and3A_563 : i32 to vector<16xi32>
      %and3A_565 = arith.andi %shift_right_arithmetic3A_562, %and3A_564 : vector<16xi32>
      %add3A_566 = arith.addi %add3A_559, %and3A_565 : vector<16xi32>
      %add3A_567 = arith.constant 32767 : i32
      %add3A_568 = vector.broadcast %add3A_567 : i32 to vector<16xi32>
      %add3A_569 = arith.addi %bitcast_convert_type3A_556, %add3A_568 : vector<16xi32>
      %shift_right_arithmetic3A_570 = arith.constant 16 : i32
      %shift_right_arithmetic3A_571 = vector.broadcast %shift_right_arithmetic3A_570 : i32 to vector<16xi32>
      %shift_right_arithmetic3A_572 = arith.shrsi %bitcast_convert_type3A_556, %shift_right_arithmetic3A_571 : vector<16xi32>
      %and3A_573 = arith.constant 1 : i32
      %and3A_574 = vector.broadcast %and3A_573 : i32 to vector<16xi32>
      %and3A_575 = arith.andi %shift_right_arithmetic3A_572, %and3A_574 : vector<16xi32>
      %add3A_576 = arith.addi %add3A_569, %and3A_575 : vector<16xi32>
      %shift_right_arithmetic3A_577 = arith.constant 16 : i32
      %shift_right_arithmetic3A_578 = vector.broadcast %shift_right_arithmetic3A_577 : i32 to vector<16xi32>
      %shift_right_arithmetic3A_579 = arith.shrsi %add3A_566, %shift_right_arithmetic3A_578 : vector<16xi32>
      %and3A_580 = arith.constant 65535 : i32
      %and3A_581 = vector.broadcast %and3A_580 : i32 to vector<16xi32>
      %and3A_582 = arith.andi %shift_right_arithmetic3A_579, %and3A_581 : vector<16xi32>
      %and3A_583 = arith.constant -65536 : i32
      %and3A_584 = vector.broadcast %and3A_583 : i32 to vector<16xi32>
      %and3A_585 = arith.andi %add3A_576, %and3A_584 : vector<16xi32>
      %or3A_586 = arith.ori %and3A_582, %and3A_585 : vector<16xi32>
      %swap3A_587 = arith.index_cast %scan3A_265 : i32 to index
      %swap3A_588 = arith.constant 96 : index
      %swap3A_589 = tpu.vector_load %arg19[%swap3A_587, %swap3A_588] {strides = array<i32>} : memref<40x128xi32, #tpu.memory_space<vmem>>, vector<1x16xi32>,
      %swap3A_590 = vector.shape_cast %swap3A_589 : vector<1x16xi32> to vector<16xi32>
      %swap3A_591 = vector.shape_cast %or3A_586 : vector<16xi32> to vector<1x16xi32>
      tpu.vector_store %arg19[%swap3A_587, %swap3A_588], %swap3A_591 {strides = array<i32>} : memref<40x128xi32, #tpu.memory_space<vmem>>, vector<1x16xi32>,
      %get3A_592 = arith.index_cast %scan3A_265 : i32 to index
      %get3A_593 = arith.constant 48 : index
      %get3A_594 = tpu.vector_load %arg11[%get3A_592, %get3A_593] {strides = array<i32>} : memref<40x128xf32, #tpu.memory_space<vmem>>, vector<1x16xf32>,
      %get3A_595 = vector.shape_cast %get3A_594 : vector<1x16xf32> to vector<16xf32>
      %get3A_596 = arith.index_cast %scan3A_265 : i32 to index
      %get3A_597 = arith.constant 48 : index
      %get3A_598 = tpu.vector_load %arg12[%get3A_596, %get3A_597] {strides = array<i32>} : memref<40x128xf32, #tpu.memory_space<vmem>>, vector<1x16xf32>,
      %get3A_599 = vector.shape_cast %get3A_598 : vector<1x16xf32> to vector<16xf32>
      %add3A_600 = arith.addf %get3A_595, %get3A_599 : vector<16xf32>
      %get3A_601 = arith.index_cast %scan3A_265 : i32 to index
      %get3A_602 = arith.constant 112 : index
      %get3A_603 = tpu.vector_load %arg11[%get3A_601, %get3A_602] {strides = array<i32>} : memref<40x128xf32, #tpu.memory_space<vmem>>, vector<1x16xf32>,
      %get3A_604 = vector.shape_cast %get3A_603 : vector<1x16xf32> to vector<16xf32>
      %get3A_605 = arith.index_cast %scan3A_265 : i32 to index
      %get3A_606 = arith.constant 112 : index
      %get3A_607 = tpu.vector_load %arg12[%get3A_605, %get3A_606] {strides = array<i32>} : memref<40x128xf32, #tpu.memory_space<vmem>>, vector<1x16xf32>,
      %get3A_608 = vector.shape_cast %get3A_607 : vector<1x16xf32> to vector<16xf32>
      %add3A_609 = arith.addf %get3A_604, %get3A_608 : vector<16xf32>
      %bitcast_convert_type3A_610 = tpu.bitcast %add3A_600 : vector<16xf32> -> vector<16xi32>
      %bitcast_convert_type3A_611 = tpu.bitcast %add3A_609 : vector<16xf32> -> vector<16xi32>
      %add3A_612 = arith.constant 32767 : i32
      %add3A_613 = vector.broadcast %add3A_612 : i32 to vector<16xi32>
      %add3A_614 = arith.addi %bitcast_convert_type3A_610, %add3A_613 : vector<16xi32>
      %shift_right_arithmetic3A_615 = arith.constant 16 : i32
      %shift_right_arithmetic3A_616 = vector.broadcast %shift_right_arithmetic3A_615 : i32 to vector<16xi32>
      %shift_right_arithmetic3A_617 = arith.shrsi %bitcast_convert_type3A_610, %shift_right_arithmetic3A_616 : vector<16xi32>
      %and3A_618 = arith.constant 1 : i32
      %and3A_619 = vector.broadcast %and3A_618 : i32 to vector<16xi32>
      %and3A_620 = arith.andi %shift_right_arithmetic3A_617, %and3A_619 : vector<16xi32>
      %add3A_621 = arith.addi %add3A_614, %and3A_620 : vector<16xi32>
      %add3A_622 = arith.constant 32767 : i32
      %add3A_623 = vector.broadcast %add3A_622 : i32 to vector<16xi32>
      %add3A_624 = arith.addi %bitcast_convert_type3A_611, %add3A_623 : vector<16xi32>
      %shift_right_arithmetic3A_625 = arith.constant 16 : i32
      %shift_right_arithmetic3A_626 = vector.broadcast %shift_right_arithmetic3A_625 : i32 to vector<16xi32>
      %shift_right_arithmetic3A_627 = arith.shrsi %bitcast_convert_type3A_611, %shift_right_arithmetic3A_626 : vector<16xi32>
      %and3A_628 = arith.constant 1 : i32
      %and3A_629 = vector.broadcast %and3A_628 : i32 to vector<16xi32>
      %and3A_630 = arith.andi %shift_right_arithmetic3A_627, %and3A_629 : vector<16xi32>
      %add3A_631 = arith.addi %add3A_624, %and3A_630 : vector<16xi32>
      %shift_right_arithmetic3A_632 = arith.constant 16 : i32
      %shift_right_arithmetic3A_633 = vector.broadcast %shift_right_arithmetic3A_632 : i32 to vector<16xi32>
      %shift_right_arithmetic3A_634 = arith.shrsi %add3A_621, %shift_right_arithmetic3A_633 : vector<16xi32>
      %and3A_635 = arith.constant 65535 : i32
      %and3A_636 = vector.broadcast %and3A_635 : i32 to vector<16xi32>
      %and3A_637 = arith.andi %shift_right_arithmetic3A_634, %and3A_636 : vector<16xi32>
      %and3A_638 = arith.constant -65536 : i32
      %and3A_639 = vector.broadcast %and3A_638 : i32 to vector<16xi32>
      %and3A_640 = arith.andi %add3A_631, %and3A_639 : vector<16xi32>
      %or3A_641 = arith.ori %and3A_637, %and3A_640 : vector<16xi32>
      %swap3A_642 = arith.index_cast %scan3A_265 : i32 to index
      %swap3A_643 = arith.constant 48 : index
      %swap3A_644 = tpu.vector_load %arg19[%swap3A_642, %swap3A_643] {strides = array<i32>} : memref<40x128xi32, #tpu.memory_space<vmem>>, vector<1x16xi32>,
      %swap3A_645 = vector.shape_cast %swap3A_644 : vector<1x16xi32> to vector<16xi32>
      %swap3A_646 = vector.shape_cast %or3A_641 : vector<16xi32> to vector<1x16xi32>
      tpu.vector_store %arg19[%swap3A_642, %swap3A_643], %swap3A_646 {strides = array<i32>} : memref<40x128xi32, #tpu.memory_space<vmem>>, vector<1x16xi32>,
      %get3A_647 = arith.index_cast %scan3A_265 : i32 to index
      %get3A_648 = arith.constant 48 : index
      %get3A_649 = tpu.vector_load %arg13[%get3A_647, %get3A_648] {strides = array<i32>} : memref<40x128xf32, #tpu.memory_space<vmem>>, vector<1x16xf32>,
      %get3A_650 = vector.shape_cast %get3A_649 : vector<1x16xf32> to vector<16xf32>
      %get3A_651 = arith.index_cast %scan3A_265 : i32 to index
      %get3A_652 = arith.constant 48 : index
      %get3A_653 = tpu.vector_load %arg14[%get3A_651, %get3A_652] {strides = array<i32>} : memref<40x128xf32, #tpu.memory_space<vmem>>, vector<1x16xf32>,
      %get3A_654 = vector.shape_cast %get3A_653 : vector<1x16xf32> to vector<16xf32>
      %add3A_655 = arith.addf %get3A_650, %get3A_654 : vector<16xf32>
      %get3A_656 = arith.index_cast %scan3A_265 : i32 to index
      %get3A_657 = arith.constant 112 : index
      %get3A_658 = tpu.vector_load %arg13[%get3A_656, %get3A_657] {strides = array<i32>} : memref<40x128xf32, #tpu.memory_space<vmem>>, vector<1x16xf32>,
      %get3A_659 = vector.shape_cast %get3A_658 : vector<1x16xf32> to vector<16xf32>
      %get3A_660 = arith.index_cast %scan3A_265 : i32 to index
      %get3A_661 = arith.constant 112 : index
      %get3A_662 = tpu.vector_load %arg14[%get3A_660, %get3A_661] {strides = array<i32>} : memref<40x128xf32, #tpu.memory_space<vmem>>, vector<1x16xf32>,
      %get3A_663 = vector.shape_cast %get3A_662 : vector<1x16xf32> to vector<16xf32>
      %add3A_664 = arith.addf %get3A_659, %get3A_663 : vector<16xf32>
      %bitcast_convert_type3A_665 = tpu.bitcast %add3A_655 : vector<16xf32> -> vector<16xi32>
      %bitcast_convert_type3A_666 = tpu.bitcast %add3A_664 : vector<16xf32> -> vector<16xi32>
      %add3A_667 = arith.constant 32767 : i32
      %add3A_668 = vector.broadcast %add3A_667 : i32 to vector<16xi32>
      %add3A_669 = arith.addi %bitcast_convert_type3A_665, %add3A_668 : vector<16xi32>
      %shift_right_arithmetic3A_670 = arith.constant 16 : i32
      %shift_right_arithmetic3A_671 = vector.broadcast %shift_right_arithmetic3A_670 : i32 to vector<16xi32>
      %shift_right_arithmetic3A_672 = arith.shrsi %bitcast_convert_type3A_665, %shift_right_arithmetic3A_671 : vector<16xi32>
      %and3A_673 = arith.constant 1 : i32
      %and3A_674 = vector.broadcast %and3A_673 : i32 to vector<16xi32>
      %and3A_675 = arith.andi %shift_right_arithmetic3A_672, %and3A_674 : vector<16xi32>
      %add3A_676 = arith.addi %add3A_669, %and3A_675 : vector<16xi32>
      %add3A_677 = arith.constant 32767 : i32
      %add3A_678 = vector.broadcast %add3A_677 : i32 to vector<16xi32>
      %add3A_679 = arith.addi %bitcast_convert_type3A_666, %add3A_678 : vector<16xi32>
      %shift_right_arithmetic3A_680 = arith.constant 16 : i32
      %shift_right_arithmetic3A_681 = vector.broadcast %shift_right_arithmetic3A_680 : i32 to vector<16xi32>
      %shift_right_arithmetic3A_682 = arith.shrsi %bitcast_convert_type3A_666, %shift_right_arithmetic3A_681 : vector<16xi32>
      %and3A_683 = arith.constant 1 : i32
      %and3A_684 = vector.broadcast %and3A_683 : i32 to vector<16xi32>
      %and3A_685 = arith.andi %shift_right_arithmetic3A_682, %and3A_684 : vector<16xi32>
      %add3A_686 = arith.addi %add3A_679, %and3A_685 : vector<16xi32>
      %shift_right_arithmetic3A_687 = arith.constant 16 : i32
      %shift_right_arithmetic3A_688 = vector.broadcast %shift_right_arithmetic3A_687 : i32 to vector<16xi32>
      %shift_right_arithmetic3A_689 = arith.shrsi %add3A_676, %shift_right_arithmetic3A_688 : vector<16xi32>
      %and3A_690 = arith.constant 65535 : i32
      %and3A_691 = vector.broadcast %and3A_690 : i32 to vector<16xi32>
      %and3A_692 = arith.andi %shift_right_arithmetic3A_689, %and3A_691 : vector<16xi32>
      %and3A_693 = arith.constant -65536 : i32
      %and3A_694 = vector.broadcast %and3A_693 : i32 to vector<16xi32>
      %and3A_695 = arith.andi %add3A_686, %and3A_694 : vector<16xi32>
      %or3A_696 = arith.ori %and3A_692, %and3A_695 : vector<16xi32>
      %swap3A_697 = arith.index_cast %scan3A_265 : i32 to index
      %swap3A_698 = arith.constant 112 : index
      %swap3A_699 = tpu.vector_load %arg19[%swap3A_697, %swap3A_698] {strides = array<i32>} : memref<40x128xi32, #tpu.memory_space<vmem>>, vector<1x16xi32>,
      %swap3A_700 = vector.shape_cast %swap3A_699 : vector<1x16xi32> to vector<16xi32>
      %swap3A_701 = vector.shape_cast %or3A_696 : vector<16xi32> to vector<1x16xi32>
      tpu.vector_store %arg19[%swap3A_697, %swap3A_698], %swap3A_701 {strides = array<i32>} : memref<40x128xi32, #tpu.memory_space<vmem>>, vector<1x16xi32>,
    }
    %scan3A_246 = arith.constant 40 : i32
    %add3A_247 = arith.constant 2960 : i32
    %add3A_248 = arith.addi %mul3A_2, %add3A_247 : i32
    %dma_start3A_249 = arith.constant 0 : i32
    %dma_start3A_250 = tpu.memref_slice %arg6[%add3A_248, %dma_start3A_249] : memref<96000x128xi32, #tpu.memory_space<hbm>> -> memref<40x128xi32, #tpu.memory_space<hbm>>
    %dma_start3A_251 = arith.constant 0 : i32
    %dma_start3A_252 = tpu.memref_slice %arg6[%add3A_248, %dma_start3A_251] : memref<96000x128xi32, #tpu.memory_space<hbm>> -> memref<40x128xi32, #tpu.memory_space<hbm>>
    tpu.enqueue_dma source(%arg19 : memref<40x128xi32, #tpu.memory_space<vmem>>) target(%dma_start3A_252 : memref<40x128xi32, #tpu.memory_space<hbm>>) target_semaphore(%arg23 : memref<!tpu.dma_semaphore, #tpu.memory_space<semaphore_mem>>)
    %add3A_253 = arith.constant 2920 : i32
    %add3A_254 = arith.addi %mul3A_2, %add3A_253 : i32
    %dma_wait3A_255 = arith.constant 0 : i32
    %dma_wait3A_256 = tpu.memref_slice %arg6[%add3A_254, %dma_wait3A_255] : memref<96000x128xi32, #tpu.memory_space<hbm>> -> memref<40x128xi32, #tpu.memory_space<hbm>>
    %dma_wait3A_257 = arith.constant 0 : i32
    %dma_wait3A_258 = tpu.memref_slice %arg6[%add3A_254, %dma_wait3A_257] : memref<96000x128xi32, #tpu.memory_space<hbm>> -> memref<40x128xi32, #tpu.memory_space<hbm>>
    tpu.wait_dma2 semaphore(%arg24 : memref<!tpu.dma_semaphore, #tpu.memory_space<semaphore_mem>>) src(%arg20 : memref<40x128xi32, #tpu.memory_space<vmem>>) dst(%dma_wait3A_258 : memref<40x128xi32, #tpu.memory_space<hbm>>)
    %add3A_259 = arith.constant 2960 : i32
    %add3A_260 = arith.addi %mul3A_2, %add3A_259 : i32
    %dma_wait3A_261 = arith.constant 0 : i32
    %dma_wait3A_262 = tpu.memref_slice %arg6[%add3A_260, %dma_wait3A_261] : memref<96000x128xi32, #tpu.memory_space<hbm>> -> memref<40x128xi32, #tpu.memory_space<hbm>>
    %dma_wait3A_263 = arith.constant 0 : i32
    %dma_wait3A_264 = tpu.memref_slice %arg6[%add3A_260, %dma_wait3A_263] : memref<96000x128xi32, #tpu.memory_space<hbm>> -> memref<40x128xi32, #tpu.memory_space<hbm>>
    tpu.wait_dma2 semaphore(%arg23 : memref<!tpu.dma_semaphore, #tpu.memory_space<semaphore_mem>>) src(%arg19 : memref<40x128xi32, #tpu.memory_space<vmem>>) dst(%dma_wait3A_264 : memref<40x128xi32, #tpu.memory_space<hbm>>)
    return
  }
}

#map = affine_map<(d0, d1) -> (0, 0)>
#map1 = affine_map<(d0, d1) -> (0, 0, 0)>
module attributes {stable_mosaic.version = 14 : i64} {
  func.func @body(%arg0: i32, %arg1: i32, %arg2: memref<320000x128xf32, #tpu.memory_space<hbm>>, %arg3: memref<32x125x80xi32, #tpu.memory_space<hbm>>, %arg4: memref<10000x128xf32, #tpu.memory_space<hbm>>, %arg5: memref<2x10000x128xf32, #tpu.memory_space<hbm>>, %arg6: memref<125x80xi32, #tpu.memory_space<vmem>>, %arg7: memref<80x128xf32, #tpu.memory_space<vmem>>, %arg8: memref<80x128xf32, #tpu.memory_space<vmem>>, %arg9: memref<!tpu.dma_semaphore, #tpu.memory_space<semaphore_mem>>, %arg10: memref<!tpu.dma_semaphore, #tpu.memory_space<semaphore_mem>>, %arg11: memref<10000x128xf32, #tpu.memory_space<vmem_shared>>) attributes {dimension_semantics = [#tpu.dimension_semantics<core_parallel>, #tpu.dimension_semantics<subcore_parallel>], iteration_bounds = array<i64: 2, 16>, scalar_prefetch = 0 : i64, scratch_operands = 6 : i64, tpu.core_type = #tpu.core_type<sc_vector_subcore>, window_params = [{transform_indices = #map}, {transform_indices = #map1}, {transform_indices = #map}, {transform_indices = #map1}]} {
    %mul3A = arith.constant 2 : i32
    %mul3A_0 = arith.muli %arg1, %mul3A : i32
    %add3A = arith.addi %mul3A_0, %arg0 : i32
    %eq3A = arith.constant 0 : i32
    %eq3A_1 = arith.cmpi eq, %arg1, %eq3A : i32
    %convert_element_type3A = arith.extui %eq3A_1 : i1 to i32
    %cond3A = arith.constant 0 : i32
    %cond3A_2 = arith.cmpi ne, %convert_element_type3A, %cond3A : i32
    scf.if %cond3A_2 {
      "tpu.region"() ({
        %run_scoped3A_26 = tpu.sem_alloc : memref<!tpu.dma_semaphore, #tpu.memory_space<semaphore_mem>>
        tpu.enqueue_dma source(%arg4 : memref<10000x128xf32, #tpu.memory_space<hbm>>) target(%arg11 : memref<10000x128xf32, #tpu.memory_space<vmem_shared>>) target_semaphore(%run_scoped3A_26 : memref<!tpu.dma_semaphore, #tpu.memory_space<semaphore_mem>>)
        tpu.wait_dma2 semaphore(%run_scoped3A_26 : memref<!tpu.dma_semaphore, #tpu.memory_space<semaphore_mem>>) src(%arg4 : memref<10000x128xf32, #tpu.memory_space<hbm>>) dst(%arg11 : memref<10000x128xf32, #tpu.memory_space<vmem_shared>>)
        tpu.yield
      }) : () -> ()
    } else {
    }
    %barrier3A = arith.constant 0 : index
    tpu.barrier barrier_id(%barrier3A)
    "tpu.region"() ({
      %run_scoped3A_26 = tpu.sem_alloc : memref<!tpu.dma_semaphore, #tpu.memory_space<semaphore_mem>>
      %dma_start3A_27 = arith.constant 0 : i32
      %dma_start3A_28 = arith.constant 0 : i32
      %dma_start3A_29 = tpu.memref_slice %arg3[%add3A, %dma_start3A_27, %dma_start3A_28] : memref<32x125x80xi32, #tpu.memory_space<hbm>> -> memref<1x125x80xi32, #tpu.memory_space<hbm>>
      %dma_start3A_30 = tpu.memref_squeeze %dma_start3A_29 : memref<1x125x80xi32, #tpu.memory_space<hbm>> -> memref<125x80xi32, #tpu.memory_space<hbm>>
      %dma_start3A_31 = arith.constant 0 : i32
      %dma_start3A_32 = arith.constant 0 : i32
      %dma_start3A_33 = tpu.memref_slice %arg3[%add3A, %dma_start3A_31, %dma_start3A_32] : memref<32x125x80xi32, #tpu.memory_space<hbm>> -> memref<1x125x80xi32, #tpu.memory_space<hbm>>
      %dma_start3A_34 = tpu.memref_squeeze %dma_start3A_33 : memref<1x125x80xi32, #tpu.memory_space<hbm>> -> memref<125x80xi32, #tpu.memory_space<hbm>>
      tpu.enqueue_dma source(%dma_start3A_34 : memref<125x80xi32, #tpu.memory_space<hbm>>) target(%arg6 : memref<125x80xi32, #tpu.memory_space<vmem>>) target_semaphore(%run_scoped3A_26 : memref<!tpu.dma_semaphore, #tpu.memory_space<semaphore_mem>>)
      %dma_wait3A_35 = arith.constant 0 : i32
      %dma_wait3A_36 = arith.constant 0 : i32
      %dma_wait3A_37 = tpu.memref_slice %arg3[%add3A, %dma_wait3A_35, %dma_wait3A_36] : memref<32x125x80xi32, #tpu.memory_space<hbm>> -> memref<1x125x80xi32, #tpu.memory_space<hbm>>
      %dma_wait3A_38 = tpu.memref_squeeze %dma_wait3A_37 : memref<1x125x80xi32, #tpu.memory_space<hbm>> -> memref<125x80xi32, #tpu.memory_space<hbm>>
      %dma_wait3A_39 = arith.constant 0 : i32
      %dma_wait3A_40 = arith.constant 0 : i32
      %dma_wait3A_41 = tpu.memref_slice %arg3[%add3A, %dma_wait3A_39, %dma_wait3A_40] : memref<32x125x80xi32, #tpu.memory_space<hbm>> -> memref<1x125x80xi32, #tpu.memory_space<hbm>>
      %dma_wait3A_42 = tpu.memref_squeeze %dma_wait3A_41 : memref<1x125x80xi32, #tpu.memory_space<hbm>> -> memref<125x80xi32, #tpu.memory_space<hbm>>
      tpu.wait_dma2 semaphore(%run_scoped3A_26 : memref<!tpu.dma_semaphore, #tpu.memory_space<semaphore_mem>>) src(%dma_wait3A_42 : memref<125x80xi32, #tpu.memory_space<hbm>>) dst(%arg6 : memref<125x80xi32, #tpu.memory_space<vmem>>)
      tpu.yield
    }) : () -> ()
    %mul3A_3 = arith.constant 10000 : i32
    %mul3A_4 = arith.muli %add3A, %mul3A_3 : i32
    %add3A_5 = arith.constant 0 : i32
    %add3A_6 = arith.addi %mul3A_4, %add3A_5 : i32
    %dma_start3A = arith.constant 0 : i32
    %dma_start3A_7 = tpu.memref_slice %arg2[%add3A_6, %dma_start3A] : memref<320000x128xf32, #tpu.memory_space<hbm>> -> memref<80x128xf32, #tpu.memory_space<hbm>>
    %dma_start3A_8 = arith.constant 0 : i32
    %dma_start3A_9 = tpu.memref_slice %arg2[%add3A_6, %dma_start3A_8] : memref<320000x128xf32, #tpu.memory_space<hbm>> -> memref<80x128xf32, #tpu.memory_space<hbm>>
    tpu.enqueue_dma source(%dma_start3A_9 : memref<80x128xf32, #tpu.memory_space<hbm>>) target(%arg7 : memref<80x128xf32, #tpu.memory_space<vmem>>) target_semaphore(%arg9 : memref<!tpu.dma_semaphore, #tpu.memory_space<semaphore_mem>>)
    %scan3A = arith.constant 0 : i32
    %scan3A_10 = arith.constant 0 : i32
    %scan3A_11 = arith.constant 62 : i32
    %scan3A_12 = arith.addi %scan3A_10, %scan3A_11 : i32
    %scan3A_13 = arith.constant 1 : i32
    scf.for %scan3A_26 = %scan3A_10 to %scan3A_12 step %scan3A_13  : i32 {
      %mul3A_27 = arith.constant 2 : i32
      %mul3A_28 = arith.muli %mul3A_27, %scan3A_26 : i32
      %add3A_29 = arith.constant 1 : i32
      %add3A_30 = arith.addi %mul3A_28, %add3A_29 : i32
      %mul3A_31 = arith.constant 80 : i32
      %mul3A_32 = arith.muli %add3A_30, %mul3A_31 : i32
      %add3A_33 = arith.addi %mul3A_4, %mul3A_32 : i32
      %dma_start3A_34 = arith.constant 0 : i32
      %dma_start3A_35 = tpu.memref_slice %arg2[%add3A_33, %dma_start3A_34] : memref<320000x128xf32, #tpu.memory_space<hbm>> -> memref<80x128xf32, #tpu.memory_space<hbm>>
      %dma_start3A_36 = arith.constant 0 : i32
      %dma_start3A_37 = tpu.memref_slice %arg2[%add3A_33, %dma_start3A_36] : memref<320000x128xf32, #tpu.memory_space<hbm>> -> memref<80x128xf32, #tpu.memory_space<hbm>>
      tpu.enqueue_dma source(%dma_start3A_37 : memref<80x128xf32, #tpu.memory_space<hbm>>) target(%arg8 : memref<80x128xf32, #tpu.memory_space<vmem>>) target_semaphore(%arg10 : memref<!tpu.dma_semaphore, #tpu.memory_space<semaphore_mem>>)
      %mul3A_38 = arith.constant 80 : i32
      %mul3A_39 = arith.muli %mul3A_28, %mul3A_38 : i32
      %add3A_40 = arith.addi %mul3A_4, %mul3A_39 : i32
      %dma_wait3A_41 = arith.constant 0 : i32
      %dma_wait3A_42 = tpu.memref_slice %arg2[%add3A_40, %dma_wait3A_41] : memref<320000x128xf32, #tpu.memory_space<hbm>> -> memref<80x128xf32, #tpu.memory_space<hbm>>
      %dma_wait3A_43 = arith.constant 0 : i32
      %dma_wait3A_44 = tpu.memref_slice %arg2[%add3A_40, %dma_wait3A_43] : memref<320000x128xf32, #tpu.memory_space<hbm>> -> memref<80x128xf32, #tpu.memory_space<hbm>>
      tpu.wait_dma2 semaphore(%arg9 : memref<!tpu.dma_semaphore, #tpu.memory_space<semaphore_mem>>) src(%dma_wait3A_44 : memref<80x128xf32, #tpu.memory_space<hbm>>) dst(%arg7 : memref<80x128xf32, #tpu.memory_space<vmem>>)
      "tpu.region"() ({
        %run_scoped3A_61 = tpu.sem_alloc : memref<!tpu.dma_semaphore, #tpu.memory_space<semaphore_mem>>
        %dma_start3A_62 = arith.constant 0 : i32
        %dma_start3A_63 = tpu.memref_slice %arg6[%mul3A_28, %dma_start3A_62] : memref<125x80xi32, #tpu.memory_space<vmem>> -> memref<1x80xi32, #tpu.memory_space<vmem>>
        %dma_start3A_64 = tpu.memref_squeeze %dma_start3A_63 : memref<1x80xi32, #tpu.memory_space<vmem>> -> memref<80xi32, #tpu.memory_space<vmem>>
        %dma_start3A_65 = arith.constant 0 : i32
        %dma_start3A_66 = arith.constant 0 : i32
        %dma_start3A_67 = tpu.memref_slice %arg11[%dma_start3A_65, %dma_start3A_66] : memref<10000x128xf32, #tpu.memory_space<vmem_shared>> -> memref<10000x128xf32, #tpu.memory_space<vmem_shared>>
        tpu.enqueue_indirect_dma source(%arg7 : memref<80x128xf32, #tpu.memory_space<vmem>>) target(%dma_start3A_67 : memref<10000x128xf32, #tpu.memory_space<vmem_shared>>) offsets(%dma_start3A_64 : memref<80xi32, #tpu.memory_space<vmem>>) semaphore(%run_scoped3A_61 : memref<!tpu.dma_semaphore, #tpu.memory_space<semaphore_mem>>) {add = true}
        %dma_wait3A_68 = arith.constant 0 : i32
        %dma_wait3A_69 = tpu.memref_slice %arg6[%mul3A_28, %dma_wait3A_68] : memref<125x80xi32, #tpu.memory_space<vmem>> -> memref<1x80xi32, #tpu.memory_space<vmem>>
        %dma_wait3A_70 = tpu.memref_squeeze %dma_wait3A_69 : memref<1x80xi32, #tpu.memory_space<vmem>> -> memref<80xi32, #tpu.memory_space<vmem>>
        %dma_wait3A_71 = arith.constant 0 : i32
        %dma_wait3A_72 = arith.constant 0 : i32
        %dma_wait3A_73 = tpu.memref_slice %arg11[%dma_wait3A_71, %dma_wait3A_72] : memref<10000x128xf32, #tpu.memory_space<vmem_shared>> -> memref<10000x128xf32, #tpu.memory_space<vmem_shared>>
        tpu.wait_indirect_dma semaphore(%run_scoped3A_61 : memref<!tpu.dma_semaphore, #tpu.memory_space<semaphore_mem>>) src(%arg7 : memref<80x128xf32, #tpu.memory_space<vmem>>) dst(%dma_wait3A_73 : memref<10000x128xf32, #tpu.memory_space<vmem_shared>>)
        tpu.yield
      }) : () -> ()
      %add3A_45 = arith.constant 2 : i32
      %add3A_46 = arith.addi %mul3A_28, %add3A_45 : i32
      %mul3A_47 = arith.constant 80 : i32
      %mul3A_48 = arith.muli %add3A_46, %mul3A_47 : i32
      %add3A_49 = arith.addi %mul3A_4, %mul3A_48 : i32
      %dma_start3A_50 = arith.constant 0 : i32
      %dma_start3A_51 = tpu.memref_slice %arg2[%add3A_49, %dma_start3A_50] : memref<320000x128xf32, #tpu.memory_space<hbm>> -> memref<80x128xf32, #tpu.memory_space<hbm>>
      %dma_start3A_52 = arith.constant 0 : i32
      %dma_start3A_53 = tpu.memref_slice %arg2[%add3A_49, %dma_start3A_52] : memref<320000x128xf32, #tpu.memory_space<hbm>> -> memref<80x128xf32, #tpu.memory_space<hbm>>
      tpu.enqueue_dma source(%dma_start3A_53 : memref<80x128xf32, #tpu.memory_space<hbm>>) target(%arg7 : memref<80x128xf32, #tpu.memory_space<vmem>>) target_semaphore(%arg9 : memref<!tpu.dma_semaphore, #tpu.memory_space<semaphore_mem>>)
      %mul3A_54 = arith.constant 80 : i32
      %mul3A_55 = arith.muli %add3A_30, %mul3A_54 : i32
      %add3A_56 = arith.addi %mul3A_4, %mul3A_55 : i32
      %dma_wait3A_57 = arith.constant 0 : i32
      %dma_wait3A_58 = tpu.memref_slice %arg2[%add3A_56, %dma_wait3A_57] : memref<320000x128xf32, #tpu.memory_space<hbm>> -> memref<80x128xf32, #tpu.memory_space<hbm>>
      %dma_wait3A_59 = arith.constant 0 : i32
      %dma_wait3A_60 = tpu.memref_slice %arg2[%add3A_56, %dma_wait3A_59] : memref<320000x128xf32, #tpu.memory_space<hbm>> -> memref<80x128xf32, #tpu.memory_space<hbm>>
      tpu.wait_dma2 semaphore(%arg10 : memref<!tpu.dma_semaphore, #tpu.memory_space<semaphore_mem>>) src(%dma_wait3A_60 : memref<80x128xf32, #tpu.memory_space<hbm>>) dst(%arg8 : memref<80x128xf32, #tpu.memory_space<vmem>>)
      "tpu.region"() ({
        %run_scoped3A_61 = tpu.sem_alloc : memref<!tpu.dma_semaphore, #tpu.memory_space<semaphore_mem>>
        %dma_start3A_62 = arith.constant 0 : i32
        %dma_start3A_63 = tpu.memref_slice %arg6[%add3A_30, %dma_start3A_62] : memref<125x80xi32, #tpu.memory_space<vmem>> -> memref<1x80xi32, #tpu.memory_space<vmem>>
        %dma_start3A_64 = tpu.memref_squeeze %dma_start3A_63 : memref<1x80xi32, #tpu.memory_space<vmem>> -> memref<80xi32, #tpu.memory_space<vmem>>
        %dma_start3A_65 = arith.constant 0 : i32
        %dma_start3A_66 = arith.constant 0 : i32
        %dma_start3A_67 = tpu.memref_slice %arg11[%dma_start3A_65, %dma_start3A_66] : memref<10000x128xf32, #tpu.memory_space<vmem_shared>> -> memref<10000x128xf32, #tpu.memory_space<vmem_shared>>
        tpu.enqueue_indirect_dma source(%arg8 : memref<80x128xf32, #tpu.memory_space<vmem>>) target(%dma_start3A_67 : memref<10000x128xf32, #tpu.memory_space<vmem_shared>>) offsets(%dma_start3A_64 : memref<80xi32, #tpu.memory_space<vmem>>) semaphore(%run_scoped3A_61 : memref<!tpu.dma_semaphore, #tpu.memory_space<semaphore_mem>>) {add = true}
        %dma_wait3A_68 = arith.constant 0 : i32
        %dma_wait3A_69 = tpu.memref_slice %arg6[%add3A_30, %dma_wait3A_68] : memref<125x80xi32, #tpu.memory_space<vmem>> -> memref<1x80xi32, #tpu.memory_space<vmem>>
        %dma_wait3A_70 = tpu.memref_squeeze %dma_wait3A_69 : memref<1x80xi32, #tpu.memory_space<vmem>> -> memref<80xi32, #tpu.memory_space<vmem>>
        %dma_wait3A_71 = arith.constant 0 : i32
        %dma_wait3A_72 = arith.constant 0 : i32
        %dma_wait3A_73 = tpu.memref_slice %arg11[%dma_wait3A_71, %dma_wait3A_72] : memref<10000x128xf32, #tpu.memory_space<vmem_shared>> -> memref<10000x128xf32, #tpu.memory_space<vmem_shared>>
        tpu.wait_indirect_dma semaphore(%run_scoped3A_61 : memref<!tpu.dma_semaphore, #tpu.memory_space<semaphore_mem>>) src(%arg8 : memref<80x128xf32, #tpu.memory_space<vmem>>) dst(%dma_wait3A_73 : memref<10000x128xf32, #tpu.memory_space<vmem_shared>>)
        tpu.yield
      }) : () -> ()
    }
    %scan3A_14 = arith.constant 62 : i32
    %add3A_15 = arith.constant 9920 : i32
    %add3A_16 = arith.addi %mul3A_4, %add3A_15 : i32
    %dma_wait3A = arith.constant 0 : i32
    %dma_wait3A_17 = tpu.memref_slice %arg2[%add3A_16, %dma_wait3A] : memref<320000x128xf32, #tpu.memory_space<hbm>> -> memref<80x128xf32, #tpu.memory_space<hbm>>
    %dma_wait3A_18 = arith.constant 0 : i32
    %dma_wait3A_19 = tpu.memref_slice %arg2[%add3A_16, %dma_wait3A_18] : memref<320000x128xf32, #tpu.memory_space<hbm>> -> memref<80x128xf32, #tpu.memory_space<hbm>>
    tpu.wait_dma2 semaphore(%arg9 : memref<!tpu.dma_semaphore, #tpu.memory_space<semaphore_mem>>) src(%dma_wait3A_19 : memref<80x128xf32, #tpu.memory_space<hbm>>) dst(%arg7 : memref<80x128xf32, #tpu.memory_space<vmem>>)
    %run_scoped3A = arith.constant 124 : i32
    "tpu.region"() ({
      %run_scoped3A_26 = tpu.sem_alloc : memref<!tpu.dma_semaphore, #tpu.memory_space<semaphore_mem>>
      %dma_start3A_27 = arith.constant 0 : i32
      %dma_start3A_28 = tpu.memref_slice %arg6[%run_scoped3A, %dma_start3A_27] : memref<125x80xi32, #tpu.memory_space<vmem>> -> memref<1x80xi32, #tpu.memory_space<vmem>>
      %dma_start3A_29 = tpu.memref_squeeze %dma_start3A_28 : memref<1x80xi32, #tpu.memory_space<vmem>> -> memref<80xi32, #tpu.memory_space<vmem>>
      %dma_start3A_30 = arith.constant 0 : i32
      %dma_start3A_31 = arith.constant 0 : i32
      %dma_start3A_32 = tpu.memref_slice %arg11[%dma_start3A_30, %dma_start3A_31] : memref<10000x128xf32, #tpu.memory_space<vmem_shared>> -> memref<10000x128xf32, #tpu.memory_space<vmem_shared>>
      tpu.enqueue_indirect_dma source(%arg7 : memref<80x128xf32, #tpu.memory_space<vmem>>) target(%dma_start3A_32 : memref<10000x128xf32, #tpu.memory_space<vmem_shared>>) offsets(%dma_start3A_29 : memref<80xi32, #tpu.memory_space<vmem>>) semaphore(%run_scoped3A_26 : memref<!tpu.dma_semaphore, #tpu.memory_space<semaphore_mem>>) {add = true}
      %dma_wait3A_33 = arith.constant 0 : i32
      %dma_wait3A_34 = tpu.memref_slice %arg6[%run_scoped3A, %dma_wait3A_33] : memref<125x80xi32, #tpu.memory_space<vmem>> -> memref<1x80xi32, #tpu.memory_space<vmem>>
      %dma_wait3A_35 = tpu.memref_squeeze %dma_wait3A_34 : memref<1x80xi32, #tpu.memory_space<vmem>> -> memref<80xi32, #tpu.memory_space<vmem>>
      %dma_wait3A_36 = arith.constant 0 : i32
      %dma_wait3A_37 = arith.constant 0 : i32
      %dma_wait3A_38 = tpu.memref_slice %arg11[%dma_wait3A_36, %dma_wait3A_37] : memref<10000x128xf32, #tpu.memory_space<vmem_shared>> -> memref<10000x128xf32, #tpu.memory_space<vmem_shared>>
      tpu.wait_indirect_dma semaphore(%run_scoped3A_26 : memref<!tpu.dma_semaphore, #tpu.memory_space<semaphore_mem>>) src(%arg7 : memref<80x128xf32, #tpu.memory_space<vmem>>) dst(%dma_wait3A_38 : memref<10000x128xf32, #tpu.memory_space<vmem_shared>>)
      tpu.yield
    }) : () -> ()
    %barrier3A_20 = arith.constant 0 : index
    tpu.barrier barrier_id(%barrier3A_20)
    %eq3A_21 = arith.constant 0 : i32
    %eq3A_22 = arith.cmpi eq, %arg1, %eq3A_21 : i32
    %convert_element_type3A_23 = arith.extui %eq3A_22 : i1 to i32
    %cond3A_24 = arith.constant 0 : i32
    %cond3A_25 = arith.cmpi ne, %convert_element_type3A_23, %cond3A_24 : i32
    scf.if %cond3A_25 {
      "tpu.region"() ({
        %run_scoped3A_26 = tpu.sem_alloc : memref<!tpu.dma_semaphore, #tpu.memory_space<semaphore_mem>>
        %dma_start3A_27 = arith.constant 0 : i32
        %dma_start3A_28 = arith.constant 0 : i32
        %dma_start3A_29 = tpu.memref_slice %arg5[%arg0, %dma_start3A_27, %dma_start3A_28] : memref<2x10000x128xf32, #tpu.memory_space<hbm>> -> memref<1x10000x128xf32, #tpu.memory_space<hbm>>
        %dma_start3A_30 = tpu.memref_squeeze %dma_start3A_29 : memref<1x10000x128xf32, #tpu.memory_space<hbm>> -> memref<10000x128xf32, #tpu.memory_space<hbm>>
        tpu.enqueue_dma source(%arg11 : memref<10000x128xf32, #tpu.memory_space<vmem_shared>>) target(%dma_start3A_30 : memref<10000x128xf32, #tpu.memory_space<hbm>>) target_semaphore(%run_scoped3A_26 : memref<!tpu.dma_semaphore, #tpu.memory_space<semaphore_mem>>)
        %dma_wait3A_31 = arith.constant 0 : i32
        %dma_wait3A_32 = arith.constant 0 : i32
        %dma_wait3A_33 = tpu.memref_slice %arg5[%arg0, %dma_wait3A_31, %dma_wait3A_32] : memref<2x10000x128xf32, #tpu.memory_space<hbm>> -> memref<1x10000x128xf32, #tpu.memory_space<hbm>>
        %dma_wait3A_34 = tpu.memref_squeeze %dma_wait3A_33 : memref<1x10000x128xf32, #tpu.memory_space<hbm>> -> memref<10000x128xf32, #tpu.memory_space<hbm>>
        tpu.wait_dma2 semaphore(%run_scoped3A_26 : memref<!tpu.dma_semaphore, #tpu.memory_space<semaphore_mem>>) src(%arg11 : memref<10000x128xf32, #tpu.memory_space<vmem_shared>>) dst(%dma_wait3A_34 : memref<10000x128xf32, #tpu.memory_space<hbm>>)
        tpu.yield
      }) : () -> ()
    } else {
    }
    return
  }
}

module attributes {stable_mosaic.version = 14 : i64} {
  func.func @_k1_body(%arg0: i32, %arg1: memref<1000x128xf32, #tpu.memory_space<vmem>>, %arg2: memref<128x128xf32, #tpu.memory_space<vmem>>, %arg3: memref<128x128xf32, #tpu.memory_space<vmem>>, %arg4: memref<1000x128xf32, #tpu.memory_space<vmem>>, %arg5: memref<1000x128xf32, #tpu.memory_space<vmem>>) attributes {dimension_semantics = [#tpu.dimension_semantics<arbitrary>], iteration_bounds = array<i64: 10>, scalar_prefetch = 0 : i64, scratch_operands = 0 : i64, tpu.core_type = #tpu.core_type<tc>, window_params = [{transform_indices = @transform_0, window_bounds = array<i64: 1000, 128>}, {pipeline_mode = #tpu.pipeline_mode<synchronous>, transform_indices = @transform_1, window_bounds = array<i64: 128, 128>}, {pipeline_mode = #tpu.pipeline_mode<synchronous>, transform_indices = @transform_2, window_bounds = array<i64: 128, 128>}, {transform_indices = @transform_3, window_bounds = array<i64: 1000, 128>}, {transform_indices = @transform_4, window_bounds = array<i64: 1000, 128>}]} {
    %get3A = arith.constant 0 : index
    %get3A_0 = arith.constant 0 : index
    %get3A_1 = vector.load %arg1[%get3A, %get3A_0] : memref<1000x128xf32, #tpu.memory_space<vmem>>, vector<1000x128xf32>
    %get3A_2 = arith.constant 0 : index
    %get3A_3 = arith.constant 0 : index
    %get3A_4 = vector.load %arg2[%get3A_2, %get3A_3] : memref<128x128xf32, #tpu.memory_space<vmem>>, vector<128x128xf32>
    %dot_general3A = arith.constant dense<0.000000e+00> : vector<1000x128xf32>
    %dot_general3A_5 = tpu.matmul %get3A_1, %get3A_4, %dot_general3A {dimension_numbers = #tpu.dot_dimension_numbers<[1], [0], [0], [1], [0, 0, 1, 1], [], []>, transpose_lhs_hint = false} : vector<1000x128xf32>, vector<128x128xf32>, vector<1000x128xf32> -> vector<1000x128xf32>
    %swap3A = arith.constant 0 : index
    %swap3A_6 = arith.constant 0 : index
    %swap3A_7 = vector.load %arg4[%swap3A, %swap3A_6] : memref<1000x128xf32, #tpu.memory_space<vmem>>, vector<1000x128xf32>
    tpu.vector_store %arg4[%swap3A, %swap3A_6], %dot_general3A_5 {strides = array<i32>} : memref<1000x128xf32, #tpu.memory_space<vmem>>, vector<1000x128xf32>,
    %get3A_8 = arith.constant 0 : index
    %get3A_9 = arith.constant 0 : index
    %get3A_10 = vector.load %arg3[%get3A_8, %get3A_9] : memref<128x128xf32, #tpu.memory_space<vmem>>, vector<128x128xf32>
    %dot_general3A_11 = arith.constant dense<0.000000e+00> : vector<1000x128xf32>
    %dot_general3A_12 = tpu.matmul %get3A_1, %get3A_10, %dot_general3A_11 {dimension_numbers = #tpu.dot_dimension_numbers<[1], [0], [0], [1], [0, 0, 1, 1], [], []>, transpose_lhs_hint = false} : vector<1000x128xf32>, vector<128x128xf32>, vector<1000x128xf32> -> vector<1000x128xf32>
    %swap3A_13 = arith.constant 0 : index
    %swap3A_14 = arith.constant 0 : index
    %swap3A_15 = vector.load %arg5[%swap3A_13, %swap3A_14] : memref<1000x128xf32, #tpu.memory_space<vmem>>, vector<1000x128xf32>
    tpu.vector_store %arg5[%swap3A_13, %swap3A_14], %dot_general3A_12 {strides = array<i32>} : memref<1000x128xf32, #tpu.memory_space<vmem>>, vector<1000x128xf32>,
    return
  }
  func.func @transform_0(%arg0: i32) -> (i32, i32) {
    %c0_i32 = arith.constant 0 : i32
    %c0_i32_0 = arith.constant 0 : i32
    return %arg0, %c0_i32 : i32, i32
  }
  func.func @transform_1(%arg0: i32) -> (i32, i32) {
    %c0_i32 = arith.constant 0 : i32
    %c0_i32_0 = arith.constant 0 : i32
    %c0_i32_1 = arith.constant 0 : i32
    return %c0_i32, %c0_i32_0 : i32, i32
  }
  func.func @transform_2(%arg0: i32) -> (i32, i32) {
    %c0_i32 = arith.constant 0 : i32
    %c0_i32_0 = arith.constant 0 : i32
    %c0_i32_1 = arith.constant 0 : i32
    return %c0_i32, %c0_i32_0 : i32, i32
  }
  func.func @transform_3(%arg0: i32) -> (i32, i32) {
    %c0_i32 = arith.constant 0 : i32
    %c0_i32_0 = arith.constant 0 : i32
    return %arg0, %c0_i32 : i32, i32
  }
  func.func @transform_4(%arg0: i32) -> (i32, i32) {
    %c0_i32 = arith.constant 0 : i32
    %c0_i32_0 = arith.constant 0 : i32
    return %arg0, %c0_i32 : i32, i32
  }
}

module attributes {stable_mosaic.version = 14 : i64} {
  func.func @_k3_body(%arg0: i32, %arg1: memref<2000x128xi32, #tpu.memory_space<vmem>>, %arg2: memref<4000x16xf32, #tpu.memory_space<vmem>>, %arg3: memref<16x128xf32, #tpu.memory_space<vmem>>, %arg4: memref<1x128xf32, #tpu.memory_space<vmem>>, %arg5: memref<128x128xf32, #tpu.memory_space<vmem>>, %arg6: memref<1x128xf32, #tpu.memory_space<vmem>>, %arg7: memref<4000x128xf32, #tpu.memory_space<vmem>>) attributes {dimension_semantics = [#tpu.dimension_semantics<arbitrary>], iteration_bounds = array<i64: 48>, scalar_prefetch = 0 : i64, scratch_operands = 0 : i64, tpu.core_type = #tpu.core_type<tc>, window_params = [{transform_indices = @transform_0, window_bounds = array<i64: 2000, 128>}, {transform_indices = @transform_1, window_bounds = array<i64: 4000, 16>}, {pipeline_mode = #tpu.pipeline_mode<synchronous>, transform_indices = @transform_2, window_bounds = array<i64: 16, 128>}, {pipeline_mode = #tpu.pipeline_mode<synchronous>, transform_indices = @transform_3, window_bounds = array<i64: 1, 128>}, {pipeline_mode = #tpu.pipeline_mode<synchronous>, transform_indices = @transform_4, window_bounds = array<i64: 128, 128>}, {pipeline_mode = #tpu.pipeline_mode<synchronous>, transform_indices = @transform_5, window_bounds = array<i64: 1, 128>}, {transform_indices = @transform_6, window_bounds = array<i64: 4000, 128>}]} {
    %get3A = arith.constant 0 : index
    %get3A_0 = arith.constant 0 : index
    %get3A_1 = vector.load %arg1[%get3A, %get3A_0] : memref<2000x128xi32, #tpu.memory_space<vmem>>, vector<2000x128xi32>
    %get3A_2 = arith.constant 0 : index
    %get3A_3 = arith.constant 0 : index
    %get3A_4 = vector.load %arg3[%get3A_2, %get3A_3] : memref<16x128xf32, #tpu.memory_space<vmem>>, vector<16x128xf32>
    %get3A_5 = arith.constant 0 : index
    %get3A_6 = arith.constant 0 : index
    %get3A_7 = vector.load %arg4[%get3A_5, %get3A_6] : memref<1x128xf32, #tpu.memory_space<vmem>>, vector<1x128xf32>
    %get3A_8 = arith.constant 0 : index
    %get3A_9 = arith.constant 0 : index
    %get3A_10 = vector.load %arg5[%get3A_8, %get3A_9] : memref<128x128xf32, #tpu.memory_space<vmem>>, vector<128x128xf32>
    %get3A_11 = arith.constant 0 : index
    %get3A_12 = arith.constant 0 : index
    %get3A_13 = vector.load %arg6[%get3A_11, %get3A_12] : memref<1x128xf32, #tpu.memory_space<vmem>>, vector<1x128xf32>
    %slice3A = vector.extract_strided_slice %get3A_1 {offsets = [0, 0], sizes = [2000, 64], strides = [1, 1]} : vector<2000x128xi32> to vector<2000x64xi32>
    %shift_left3A = arith.constant 16 : i32
    %shift_left3A_14 = vector.broadcast %shift_left3A : i32 to vector<2000x64xi32>
    %shift_left3A_15 = arith.shli %slice3A, %shift_left3A_14 : vector<2000x64xi32>
    %bitcast_convert_type3A = tpu.bitcast %shift_left3A_15 : vector<2000x64xi32> -> vector<2000x64xf32>
    %and3A = arith.constant -65536 : i32
    %and3A_16 = vector.broadcast %and3A : i32 to vector<2000x64xi32>
    %and3A_17 = arith.andi %slice3A, %and3A_16 : vector<2000x64xi32>
    %bitcast_convert_type3A_18 = tpu.bitcast %and3A_17 : vector<2000x64xi32> -> vector<2000x64xf32>
    %concatenate3A = tpu.concatenate %bitcast_convert_type3A, %bitcast_convert_type3A_18 in 1 : vector<2000x64xf32>, vector<2000x64xf32> -> vector<2000x128xf32>
    %get3A_19 = arith.constant 0 : index
    %get3A_20 = arith.constant 0 : index
    %get3A_21 = vector.load %arg2[%get3A_19, %get3A_20] : memref<4000x16xf32, #tpu.memory_space<vmem>>, vector<2000x16xf32>
    %dot_general3A = arith.constant dense<0.000000e+00> : vector<2000x128xf32>
    %dot_general3A_22 = tpu.matmul %get3A_21, %get3A_4, %dot_general3A {dimension_numbers = #tpu.dot_dimension_numbers<[1], [0], [0], [1], [0, 0, 1, 1], [], []>, transpose_lhs_hint = false} : vector<2000x16xf32>, vector<16x128xf32>, vector<2000x128xf32> -> vector<2000x128xf32>
    %add3A = arith.addf %concatenate3A, %dot_general3A_22 : vector<2000x128xf32>
    %add3A_23 = vector.broadcast %get3A_7 : vector<1x128xf32> to vector<2000x128xf32>
    %add3A_24 = arith.addf %add3A, %add3A_23 : vector<2000x128xf32>
    %logistic3A = arith.negf %add3A_24 : vector<2000x128xf32>
    %logistic3A_25 = math.exp %logistic3A : vector<2000x128xf32>
    %logistic3A_26 = arith.constant 1.000000e+00 : f32
    %logistic3A_27 = vector.broadcast %logistic3A_26 : f32 to vector<2000x128xf32>
    %logistic3A_28 = arith.addf %logistic3A_27, %logistic3A_25 : vector<2000x128xf32>
    %logistic3A_29 = arith.divf %logistic3A_27, %logistic3A_28 : vector<2000x128xf32>
    %mul3A = arith.mulf %add3A_24, %logistic3A_29 : vector<2000x128xf32>
    %dot_general3A_30 = arith.constant dense<0.000000e+00> : vector<2000x128xf32>
    %dot_general3A_31 = tpu.matmul %mul3A, %get3A_10, %dot_general3A_30 {dimension_numbers = #tpu.dot_dimension_numbers<[1], [0], [0], [1], [0, 0, 1, 1], [], []>, transpose_lhs_hint = false} : vector<2000x128xf32>, vector<128x128xf32>, vector<2000x128xf32> -> vector<2000x128xf32>
    %add3A_32 = vector.broadcast %get3A_13 : vector<1x128xf32> to vector<2000x128xf32>
    %add3A_33 = arith.addf %dot_general3A_31, %add3A_32 : vector<2000x128xf32>
    %logistic3A_34 = arith.negf %add3A_33 : vector<2000x128xf32>
    %logistic3A_35 = math.exp %logistic3A_34 : vector<2000x128xf32>
    %logistic3A_36 = arith.constant 1.000000e+00 : f32
    %logistic3A_37 = vector.broadcast %logistic3A_36 : f32 to vector<2000x128xf32>
    %logistic3A_38 = arith.addf %logistic3A_37, %logistic3A_35 : vector<2000x128xf32>
    %logistic3A_39 = arith.divf %logistic3A_37, %logistic3A_38 : vector<2000x128xf32>
    %mul3A_40 = arith.mulf %add3A_33, %logistic3A_39 : vector<2000x128xf32>
    %swap3A = arith.constant 0 : index
    %swap3A_41 = arith.constant 0 : index
    %swap3A_42 = vector.load %arg7[%swap3A, %swap3A_41] : memref<4000x128xf32, #tpu.memory_space<vmem>>, vector<2000x128xf32>
    tpu.vector_store %arg7[%swap3A, %swap3A_41], %mul3A_40 {strides = array<i32>} : memref<4000x128xf32, #tpu.memory_space<vmem>>, vector<2000x128xf32>,
    %slice3A_43 = vector.extract_strided_slice %get3A_1 {offsets = [0, 64], sizes = [2000, 64], strides = [1, 1]} : vector<2000x128xi32> to vector<2000x64xi32>
    %shift_left3A_44 = arith.constant 16 : i32
    %shift_left3A_45 = vector.broadcast %shift_left3A_44 : i32 to vector<2000x64xi32>
    %shift_left3A_46 = arith.shli %slice3A_43, %shift_left3A_45 : vector<2000x64xi32>
    %bitcast_convert_type3A_47 = tpu.bitcast %shift_left3A_46 : vector<2000x64xi32> -> vector<2000x64xf32>
    %and3A_48 = arith.constant -65536 : i32
    %and3A_49 = vector.broadcast %and3A_48 : i32 to vector<2000x64xi32>
    %and3A_50 = arith.andi %slice3A_43, %and3A_49 : vector<2000x64xi32>
    %bitcast_convert_type3A_51 = tpu.bitcast %and3A_50 : vector<2000x64xi32> -> vector<2000x64xf32>
    %concatenate3A_52 = tpu.concatenate %bitcast_convert_type3A_47, %bitcast_convert_type3A_51 in 1 : vector<2000x64xf32>, vector<2000x64xf32> -> vector<2000x128xf32>
    %get3A_53 = arith.constant 2000 : index
    %get3A_54 = arith.constant 0 : index
    %get3A_55 = vector.load %arg2[%get3A_53, %get3A_54] : memref<4000x16xf32, #tpu.memory_space<vmem>>, vector<2000x16xf32>
    %dot_general3A_56 = arith.constant dense<0.000000e+00> : vector<2000x128xf32>
    %dot_general3A_57 = tpu.matmul %get3A_55, %get3A_4, %dot_general3A_56 {dimension_numbers = #tpu.dot_dimension_numbers<[1], [0], [0], [1], [0, 0, 1, 1], [], []>, transpose_lhs_hint = false} : vector<2000x16xf32>, vector<16x128xf32>, vector<2000x128xf32> -> vector<2000x128xf32>
    %add3A_58 = arith.addf %concatenate3A_52, %dot_general3A_57 : vector<2000x128xf32>
    %add3A_59 = vector.broadcast %get3A_7 : vector<1x128xf32> to vector<2000x128xf32>
    %add3A_60 = arith.addf %add3A_58, %add3A_59 : vector<2000x128xf32>
    %logistic3A_61 = arith.negf %add3A_60 : vector<2000x128xf32>
    %logistic3A_62 = math.exp %logistic3A_61 : vector<2000x128xf32>
    %logistic3A_63 = arith.constant 1.000000e+00 : f32
    %logistic3A_64 = vector.broadcast %logistic3A_63 : f32 to vector<2000x128xf32>
    %logistic3A_65 = arith.addf %logistic3A_64, %logistic3A_62 : vector<2000x128xf32>
    %logistic3A_66 = arith.divf %logistic3A_64, %logistic3A_65 : vector<2000x128xf32>
    %mul3A_67 = arith.mulf %add3A_60, %logistic3A_66 : vector<2000x128xf32>
    %dot_general3A_68 = arith.constant dense<0.000000e+00> : vector<2000x128xf32>
    %dot_general3A_69 = tpu.matmul %mul3A_67, %get3A_10, %dot_general3A_68 {dimension_numbers = #tpu.dot_dimension_numbers<[1], [0], [0], [1], [0, 0, 1, 1], [], []>, transpose_lhs_hint = false} : vector<2000x128xf32>, vector<128x128xf32>, vector<2000x128xf32> -> vector<2000x128xf32>
    %add3A_70 = vector.broadcast %get3A_13 : vector<1x128xf32> to vector<2000x128xf32>
    %add3A_71 = arith.addf %dot_general3A_69, %add3A_70 : vector<2000x128xf32>
    %logistic3A_72 = arith.negf %add3A_71 : vector<2000x128xf32>
    %logistic3A_73 = math.exp %logistic3A_72 : vector<2000x128xf32>
    %logistic3A_74 = arith.constant 1.000000e+00 : f32
    %logistic3A_75 = vector.broadcast %logistic3A_74 : f32 to vector<2000x128xf32>
    %logistic3A_76 = arith.addf %logistic3A_75, %logistic3A_73 : vector<2000x128xf32>
    %logistic3A_77 = arith.divf %logistic3A_75, %logistic3A_76 : vector<2000x128xf32>
    %mul3A_78 = arith.mulf %add3A_71, %logistic3A_77 : vector<2000x128xf32>
    %swap3A_79 = arith.constant 2000 : index
    %swap3A_80 = arith.constant 0 : index
    %swap3A_81 = vector.load %arg7[%swap3A_79, %swap3A_80] : memref<4000x128xf32, #tpu.memory_space<vmem>>, vector<2000x128xf32>
    tpu.vector_store %arg7[%swap3A_79, %swap3A_80], %mul3A_78 {strides = array<i32>} : memref<4000x128xf32, #tpu.memory_space<vmem>>, vector<2000x128xf32>,
    return
  }
  func.func @transform_0(%arg0: i32) -> (i32, i32) {
    %c0_i32 = arith.constant 0 : i32
    %c0_i32_0 = arith.constant 0 : i32
    return %arg0, %c0_i32 : i32, i32
  }
  func.func @transform_1(%arg0: i32) -> (i32, i32) {
    %c0_i32 = arith.constant 0 : i32
    %c0_i32_0 = arith.constant 0 : i32
    return %arg0, %c0_i32 : i32, i32
  }
  func.func @transform_2(%arg0: i32) -> (i32, i32) {
    %c0_i32 = arith.constant 0 : i32
    %c0_i32_0 = arith.constant 0 : i32
    %c0_i32_1 = arith.constant 0 : i32
    return %c0_i32, %c0_i32_0 : i32, i32
  }
  func.func @transform_3(%arg0: i32) -> (i32, i32) {
    %c0_i32 = arith.constant 0 : i32
    %c0_i32_0 = arith.constant 0 : i32
    %c0_i32_1 = arith.constant 0 : i32
    return %c0_i32, %c0_i32_0 : i32, i32
  }
  func.func @transform_4(%arg0: i32) -> (i32, i32) {
    %c0_i32 = arith.constant 0 : i32
    %c0_i32_0 = arith.constant 0 : i32
    %c0_i32_1 = arith.constant 0 : i32
    return %c0_i32, %c0_i32_0 : i32, i32
  }
  func.func @transform_5(%arg0: i32) -> (i32, i32) {
    %c0_i32 = arith.constant 0 : i32
    %c0_i32_0 = arith.constant 0 : i32
    %c0_i32_1 = arith.constant 0 : i32
    return %c0_i32, %c0_i32_0 : i32, i32
  }
  func.func @transform_6(%arg0: i32) -> (i32, i32) {
    %add3A = arith.constant 0 : i32
    %add3A_0 = arith.addi %arg0, %add3A : i32
    %c0_i32 = arith.constant 0 : i32
    %c0_i32_1 = arith.constant 0 : i32
    return %add3A_0, %c0_i32 : i32, i32
  }
}

module attributes {stable_mosaic.version = 14 : i64} {
  func.func @_k3_body_aliased(%arg0: i32, %arg1: memref<8x128xf32, #tpu.memory_space<vmem>>, %arg2: memref<2000x128xi32, #tpu.memory_space<vmem>>, %arg3: memref<4000x16xf32, #tpu.memory_space<vmem>>, %arg4: memref<16x128xf32, #tpu.memory_space<vmem>>, %arg5: memref<1x128xf32, #tpu.memory_space<vmem>>, %arg6: memref<128x128xf32, #tpu.memory_space<vmem>>, %arg7: memref<1x128xf32, #tpu.memory_space<vmem>>, %arg8: memref<4000x128xf32, #tpu.memory_space<vmem>>) attributes {dimension_semantics = [#tpu.dimension_semantics<arbitrary>], iteration_bounds = array<i64: 32>, scalar_prefetch = 0 : i64, scratch_operands = 0 : i64, tpu.core_type = #tpu.core_type<tc>, window_params = [{transform_indices = @transform_0, window_bounds = array<i64: 8, 128>}, {transform_indices = @transform_1, window_bounds = array<i64: 2000, 128>}, {transform_indices = @transform_2, window_bounds = array<i64: 4000, 16>}, {pipeline_mode = #tpu.pipeline_mode<synchronous>, transform_indices = @transform_3, window_bounds = array<i64: 16, 128>}, {pipeline_mode = #tpu.pipeline_mode<synchronous>, transform_indices = @transform_4, window_bounds = array<i64: 1, 128>}, {pipeline_mode = #tpu.pipeline_mode<synchronous>, transform_indices = @transform_5, window_bounds = array<i64: 128, 128>}, {pipeline_mode = #tpu.pipeline_mode<synchronous>, transform_indices = @transform_6, window_bounds = array<i64: 1, 128>}, {transform_indices = @transform_7, window_bounds = array<i64: 4000, 128>}]} {
    %get3A = arith.constant 0 : index
    %get3A_0 = arith.constant 0 : index
    %get3A_1 = vector.load %arg2[%get3A, %get3A_0] : memref<2000x128xi32, #tpu.memory_space<vmem>>, vector<2000x128xi32>
    %get3A_2 = arith.constant 0 : index
    %get3A_3 = arith.constant 0 : index
    %get3A_4 = vector.load %arg4[%get3A_2, %get3A_3] : memref<16x128xf32, #tpu.memory_space<vmem>>, vector<16x128xf32>
    %get3A_5 = arith.constant 0 : index
    %get3A_6 = arith.constant 0 : index
    %get3A_7 = vector.load %arg5[%get3A_5, %get3A_6] : memref<1x128xf32, #tpu.memory_space<vmem>>, vector<1x128xf32>
    %get3A_8 = arith.constant 0 : index
    %get3A_9 = arith.constant 0 : index
    %get3A_10 = vector.load %arg6[%get3A_8, %get3A_9] : memref<128x128xf32, #tpu.memory_space<vmem>>, vector<128x128xf32>
    %get3A_11 = arith.constant 0 : index
    %get3A_12 = arith.constant 0 : index
    %get3A_13 = vector.load %arg7[%get3A_11, %get3A_12] : memref<1x128xf32, #tpu.memory_space<vmem>>, vector<1x128xf32>
    %slice3A = vector.extract_strided_slice %get3A_1 {offsets = [0, 0], sizes = [2000, 64], strides = [1, 1]} : vector<2000x128xi32> to vector<2000x64xi32>
    %shift_left3A = arith.constant 16 : i32
    %shift_left3A_14 = vector.broadcast %shift_left3A : i32 to vector<2000x64xi32>
    %shift_left3A_15 = arith.shli %slice3A, %shift_left3A_14 : vector<2000x64xi32>
    %bitcast_convert_type3A = tpu.bitcast %shift_left3A_15 : vector<2000x64xi32> -> vector<2000x64xf32>
    %and3A = arith.constant -65536 : i32
    %and3A_16 = vector.broadcast %and3A : i32 to vector<2000x64xi32>
    %and3A_17 = arith.andi %slice3A, %and3A_16 : vector<2000x64xi32>
    %bitcast_convert_type3A_18 = tpu.bitcast %and3A_17 : vector<2000x64xi32> -> vector<2000x64xf32>
    %concatenate3A = tpu.concatenate %bitcast_convert_type3A, %bitcast_convert_type3A_18 in 1 : vector<2000x64xf32>, vector<2000x64xf32> -> vector<2000x128xf32>
    %get3A_19 = arith.constant 0 : index
    %get3A_20 = arith.constant 0 : index
    %get3A_21 = vector.load %arg3[%get3A_19, %get3A_20] : memref<4000x16xf32, #tpu.memory_space<vmem>>, vector<2000x16xf32>
    %dot_general3A = arith.constant dense<0.000000e+00> : vector<2000x128xf32>
    %dot_general3A_22 = tpu.matmul %get3A_21, %get3A_4, %dot_general3A {dimension_numbers = #tpu.dot_dimension_numbers<[1], [0], [0], [1], [0, 0, 1, 1], [], []>, transpose_lhs_hint = false} : vector<2000x16xf32>, vector<16x128xf32>, vector<2000x128xf32> -> vector<2000x128xf32>
    %add3A = arith.addf %concatenate3A, %dot_general3A_22 : vector<2000x128xf32>
    %add3A_23 = vector.broadcast %get3A_7 : vector<1x128xf32> to vector<2000x128xf32>
    %add3A_24 = arith.addf %add3A, %add3A_23 : vector<2000x128xf32>
    %logistic3A = arith.negf %add3A_24 : vector<2000x128xf32>
    %logistic3A_25 = math.exp %logistic3A : vector<2000x128xf32>
    %logistic3A_26 = arith.constant 1.000000e+00 : f32
    %logistic3A_27 = vector.broadcast %logistic3A_26 : f32 to vector<2000x128xf32>
    %logistic3A_28 = arith.addf %logistic3A_27, %logistic3A_25 : vector<2000x128xf32>
    %logistic3A_29 = arith.divf %logistic3A_27, %logistic3A_28 : vector<2000x128xf32>
    %mul3A = arith.mulf %add3A_24, %logistic3A_29 : vector<2000x128xf32>
    %dot_general3A_30 = arith.constant dense<0.000000e+00> : vector<2000x128xf32>
    %dot_general3A_31 = tpu.matmul %mul3A, %get3A_10, %dot_general3A_30 {dimension_numbers = #tpu.dot_dimension_numbers<[1], [0], [0], [1], [0, 0, 1, 1], [], []>, transpose_lhs_hint = false} : vector<2000x128xf32>, vector<128x128xf32>, vector<2000x128xf32> -> vector<2000x128xf32>
    %add3A_32 = vector.broadcast %get3A_13 : vector<1x128xf32> to vector<2000x128xf32>
    %add3A_33 = arith.addf %dot_general3A_31, %add3A_32 : vector<2000x128xf32>
    %logistic3A_34 = arith.negf %add3A_33 : vector<2000x128xf32>
    %logistic3A_35 = math.exp %logistic3A_34 : vector<2000x128xf32>
    %logistic3A_36 = arith.constant 1.000000e+00 : f32
    %logistic3A_37 = vector.broadcast %logistic3A_36 : f32 to vector<2000x128xf32>
    %logistic3A_38 = arith.addf %logistic3A_37, %logistic3A_35 : vector<2000x128xf32>
    %logistic3A_39 = arith.divf %logistic3A_37, %logistic3A_38 : vector<2000x128xf32>
    %mul3A_40 = arith.mulf %add3A_33, %logistic3A_39 : vector<2000x128xf32>
    %swap3A = arith.constant 0 : index
    %swap3A_41 = arith.constant 0 : index
    %swap3A_42 = vector.load %arg8[%swap3A, %swap3A_41] : memref<4000x128xf32, #tpu.memory_space<vmem>>, vector<2000x128xf32>
    tpu.vector_store %arg8[%swap3A, %swap3A_41], %mul3A_40 {strides = array<i32>} : memref<4000x128xf32, #tpu.memory_space<vmem>>, vector<2000x128xf32>,
    %slice3A_43 = vector.extract_strided_slice %get3A_1 {offsets = [0, 64], sizes = [2000, 64], strides = [1, 1]} : vector<2000x128xi32> to vector<2000x64xi32>
    %shift_left3A_44 = arith.constant 16 : i32
    %shift_left3A_45 = vector.broadcast %shift_left3A_44 : i32 to vector<2000x64xi32>
    %shift_left3A_46 = arith.shli %slice3A_43, %shift_left3A_45 : vector<2000x64xi32>
    %bitcast_convert_type3A_47 = tpu.bitcast %shift_left3A_46 : vector<2000x64xi32> -> vector<2000x64xf32>
    %and3A_48 = arith.constant -65536 : i32
    %and3A_49 = vector.broadcast %and3A_48 : i32 to vector<2000x64xi32>
    %and3A_50 = arith.andi %slice3A_43, %and3A_49 : vector<2000x64xi32>
    %bitcast_convert_type3A_51 = tpu.bitcast %and3A_50 : vector<2000x64xi32> -> vector<2000x64xf32>
    %concatenate3A_52 = tpu.concatenate %bitcast_convert_type3A_47, %bitcast_convert_type3A_51 in 1 : vector<2000x64xf32>, vector<2000x64xf32> -> vector<2000x128xf32>
    %get3A_53 = arith.constant 2000 : index
    %get3A_54 = arith.constant 0 : index
    %get3A_55 = vector.load %arg3[%get3A_53, %get3A_54] : memref<4000x16xf32, #tpu.memory_space<vmem>>, vector<2000x16xf32>
    %dot_general3A_56 = arith.constant dense<0.000000e+00> : vector<2000x128xf32>
    %dot_general3A_57 = tpu.matmul %get3A_55, %get3A_4, %dot_general3A_56 {dimension_numbers = #tpu.dot_dimension_numbers<[1], [0], [0], [1], [0, 0, 1, 1], [], []>, transpose_lhs_hint = false} : vector<2000x16xf32>, vector<16x128xf32>, vector<2000x128xf32> -> vector<2000x128xf32>
    %add3A_58 = arith.addf %concatenate3A_52, %dot_general3A_57 : vector<2000x128xf32>
    %add3A_59 = vector.broadcast %get3A_7 : vector<1x128xf32> to vector<2000x128xf32>
    %add3A_60 = arith.addf %add3A_58, %add3A_59 : vector<2000x128xf32>
    %logistic3A_61 = arith.negf %add3A_60 : vector<2000x128xf32>
    %logistic3A_62 = math.exp %logistic3A_61 : vector<2000x128xf32>
    %logistic3A_63 = arith.constant 1.000000e+00 : f32
    %logistic3A_64 = vector.broadcast %logistic3A_63 : f32 to vector<2000x128xf32>
    %logistic3A_65 = arith.addf %logistic3A_64, %logistic3A_62 : vector<2000x128xf32>
    %logistic3A_66 = arith.divf %logistic3A_64, %logistic3A_65 : vector<2000x128xf32>
    %mul3A_67 = arith.mulf %add3A_60, %logistic3A_66 : vector<2000x128xf32>
    %dot_general3A_68 = arith.constant dense<0.000000e+00> : vector<2000x128xf32>
    %dot_general3A_69 = tpu.matmul %mul3A_67, %get3A_10, %dot_general3A_68 {dimension_numbers = #tpu.dot_dimension_numbers<[1], [0], [0], [1], [0, 0, 1, 1], [], []>, transpose_lhs_hint = false} : vector<2000x128xf32>, vector<128x128xf32>, vector<2000x128xf32> -> vector<2000x128xf32>
    %add3A_70 = vector.broadcast %get3A_13 : vector<1x128xf32> to vector<2000x128xf32>
    %add3A_71 = arith.addf %dot_general3A_69, %add3A_70 : vector<2000x128xf32>
    %logistic3A_72 = arith.negf %add3A_71 : vector<2000x128xf32>
    %logistic3A_73 = math.exp %logistic3A_72 : vector<2000x128xf32>
    %logistic3A_74 = arith.constant 1.000000e+00 : f32
    %logistic3A_75 = vector.broadcast %logistic3A_74 : f32 to vector<2000x128xf32>
    %logistic3A_76 = arith.addf %logistic3A_75, %logistic3A_73 : vector<2000x128xf32>
    %logistic3A_77 = arith.divf %logistic3A_75, %logistic3A_76 : vector<2000x128xf32>
    %mul3A_78 = arith.mulf %add3A_71, %logistic3A_77 : vector<2000x128xf32>
    %swap3A_79 = arith.constant 2000 : index
    %swap3A_80 = arith.constant 0 : index
    %swap3A_81 = vector.load %arg8[%swap3A_79, %swap3A_80] : memref<4000x128xf32, #tpu.memory_space<vmem>>, vector<2000x128xf32>
    tpu.vector_store %arg8[%swap3A_79, %swap3A_80], %mul3A_78 {strides = array<i32>} : memref<4000x128xf32, #tpu.memory_space<vmem>>, vector<2000x128xf32>,
    return
  }
  func.func @transform_0(%arg0: i32) -> (i32, i32) {
    %c0_i32 = arith.constant 0 : i32
    %c0_i32_0 = arith.constant 0 : i32
    %c0_i32_1 = arith.constant 0 : i32
    return %c0_i32, %c0_i32_0 : i32, i32
  }
  func.func @transform_1(%arg0: i32) -> (i32, i32) {
    %c0_i32 = arith.constant 0 : i32
    %c0_i32_0 = arith.constant 0 : i32
    return %arg0, %c0_i32 : i32, i32
  }
  func.func @transform_2(%arg0: i32) -> (i32, i32) {
    %c0_i32 = arith.constant 0 : i32
    %c0_i32_0 = arith.constant 0 : i32
    return %arg0, %c0_i32 : i32, i32
  }
  func.func @transform_3(%arg0: i32) -> (i32, i32) {
    %c0_i32 = arith.constant 0 : i32
    %c0_i32_0 = arith.constant 0 : i32
    %c0_i32_1 = arith.constant 0 : i32
    return %c0_i32, %c0_i32_0 : i32, i32
  }
  func.func @transform_4(%arg0: i32) -> (i32, i32) {
    %c0_i32 = arith.constant 0 : i32
    %c0_i32_0 = arith.constant 0 : i32
    %c0_i32_1 = arith.constant 0 : i32
    return %c0_i32, %c0_i32_0 : i32, i32
  }
  func.func @transform_5(%arg0: i32) -> (i32, i32) {
    %c0_i32 = arith.constant 0 : i32
    %c0_i32_0 = arith.constant 0 : i32
    %c0_i32_1 = arith.constant 0 : i32
    return %c0_i32, %c0_i32_0 : i32, i32
  }
  func.func @transform_6(%arg0: i32) -> (i32, i32) {
    %c0_i32 = arith.constant 0 : i32
    %c0_i32_0 = arith.constant 0 : i32
    %c0_i32_1 = arith.constant 0 : i32
    return %c0_i32, %c0_i32_0 : i32, i32
  }
  func.func @transform_7(%arg0: i32) -> (i32, i32) {
    %add3A = arith.constant 48 : i32
    %add3A_0 = arith.addi %arg0, %add3A : i32
    %c0_i32 = arith.constant 0 : i32
    %c0_i32_1 = arith.constant 0 : i32
    return %add3A_0, %c0_i32 : i32, i32
  }
}

module attributes {stable_mosaic.version = 14 : i64} {
  func.func @_k5_body(%arg0: i32, %arg1: memref<1000x128xf32, #tpu.memory_space<vmem>>, %arg2: memref<2x1000x128xf32, #tpu.memory_space<vmem>>, %arg3: memref<128x128xf32, #tpu.memory_space<vmem>>, %arg4: memref<128x128xf32, #tpu.memory_space<vmem>>, %arg5: memref<1x128xf32, #tpu.memory_space<vmem>>, %arg6: memref<128x128xf32, #tpu.memory_space<vmem>>, %arg7: memref<1x128xf32, #tpu.memory_space<vmem>>, %arg8: memref<1000x128xf32, #tpu.memory_space<vmem>>) attributes {dimension_semantics = [#tpu.dimension_semantics<arbitrary>], iteration_bounds = array<i64: 10>, scalar_prefetch = 0 : i64, scratch_operands = 0 : i64, tpu.core_type = #tpu.core_type<tc>, window_params = [{transform_indices = @transform_0, window_bounds = array<i64: 1000, 128>}, {transform_indices = @transform_1, window_bounds = array<i64: 2, 1000, 128>}, {pipeline_mode = #tpu.pipeline_mode<synchronous>, transform_indices = @transform_2, window_bounds = array<i64: 128, 128>}, {pipeline_mode = #tpu.pipeline_mode<synchronous>, transform_indices = @transform_3, window_bounds = array<i64: 128, 128>}, {pipeline_mode = #tpu.pipeline_mode<synchronous>, transform_indices = @transform_4, window_bounds = array<i64: 1, 128>}, {pipeline_mode = #tpu.pipeline_mode<synchronous>, transform_indices = @transform_5, window_bounds = array<i64: 128, 128>}, {pipeline_mode = #tpu.pipeline_mode<synchronous>, transform_indices = @transform_6, window_bounds = array<i64: 1, 128>}, {transform_indices = @transform_7, window_bounds = array<i64: 1000, 128>}]} {
    %get3A = arith.constant 0 : index
    %get3A_0 = arith.constant 0 : index
    %get3A_1 = vector.load %arg1[%get3A, %get3A_0] : memref<1000x128xf32, #tpu.memory_space<vmem>>, vector<1000x128xf32>
    %get3A_2 = arith.constant 0 : index
    %get3A_3 = arith.constant 0 : index
    %get3A_4 = arith.constant 0 : index
    %get3A_5 = vector.load %arg2[%get3A_2, %get3A_3, %get3A_4] : memref<2x1000x128xf32, #tpu.memory_space<vmem>>, vector<1x1000x128xf32>
    %get3A_6 = vector.shape_cast %get3A_5 : vector<1x1000x128xf32> to vector<1000x128xf32>
    %get3A_7 = arith.constant 1 : index
    %get3A_8 = arith.constant 0 : index
    %get3A_9 = arith.constant 0 : index
    %get3A_10 = vector.load %arg2[%get3A_7, %get3A_8, %get3A_9] : memref<2x1000x128xf32, #tpu.memory_space<vmem>>, vector<1x1000x128xf32>
    %get3A_11 = vector.shape_cast %get3A_10 : vector<1x1000x128xf32> to vector<1000x128xf32>
    %add3A = arith.addf %get3A_6, %get3A_11 : vector<1000x128xf32>
    %mul3A = arith.constant 0.00999999977 : f32
    %mul3A_12 = vector.broadcast %mul3A : f32 to vector<1000x128xf32>
    %mul3A_13 = arith.mulf %add3A, %mul3A_12 : vector<1000x128xf32>
    %get3A_14 = arith.constant 0 : index
    %get3A_15 = arith.constant 0 : index
    %get3A_16 = vector.load %arg3[%get3A_14, %get3A_15] : memref<128x128xf32, #tpu.memory_space<vmem>>, vector<128x128xf32>
    %dot_general3A = arith.constant dense<0.000000e+00> : vector<1000x128xf32>
    %dot_general3A_17 = tpu.matmul %get3A_1, %get3A_16, %dot_general3A {dimension_numbers = #tpu.dot_dimension_numbers<[1], [0], [0], [1], [0, 0, 1, 1], [], []>, transpose_lhs_hint = false} : vector<1000x128xf32>, vector<128x128xf32>, vector<1000x128xf32> -> vector<1000x128xf32>
    %get3A_18 = arith.constant 0 : index
    %get3A_19 = arith.constant 0 : index
    %get3A_20 = vector.load %arg4[%get3A_18, %get3A_19] : memref<128x128xf32, #tpu.memory_space<vmem>>, vector<128x128xf32>
    %dot_general3A_21 = arith.constant dense<0.000000e+00> : vector<1000x128xf32>
    %dot_general3A_22 = tpu.matmul %mul3A_13, %get3A_20, %dot_general3A_21 {dimension_numbers = #tpu.dot_dimension_numbers<[1], [0], [0], [1], [0, 0, 1, 1], [], []>, transpose_lhs_hint = false} : vector<1000x128xf32>, vector<128x128xf32>, vector<1000x128xf32> -> vector<1000x128xf32>
    %add3A_23 = arith.addf %dot_general3A_17, %dot_general3A_22 : vector<1000x128xf32>
    %get3A_24 = arith.constant 0 : index
    %get3A_25 = arith.constant 0 : index
    %get3A_26 = vector.load %arg5[%get3A_24, %get3A_25] : memref<1x128xf32, #tpu.memory_space<vmem>>, vector<1x128xf32>
    %add3A_27 = vector.broadcast %get3A_26 : vector<1x128xf32> to vector<1000x128xf32>
    %add3A_28 = arith.addf %add3A_23, %add3A_27 : vector<1000x128xf32>
    %logistic3A = arith.negf %add3A_28 : vector<1000x128xf32>
    %logistic3A_29 = math.exp %logistic3A : vector<1000x128xf32>
    %logistic3A_30 = arith.constant 1.000000e+00 : f32
    %logistic3A_31 = vector.broadcast %logistic3A_30 : f32 to vector<1000x128xf32>
    %logistic3A_32 = arith.addf %logistic3A_31, %logistic3A_29 : vector<1000x128xf32>
    %logistic3A_33 = arith.divf %logistic3A_31, %logistic3A_32 : vector<1000x128xf32>
    %mul3A_34 = arith.mulf %add3A_28, %logistic3A_33 : vector<1000x128xf32>
    %get3A_35 = arith.constant 0 : index
    %get3A_36 = arith.constant 0 : index
    %get3A_37 = vector.load %arg6[%get3A_35, %get3A_36] : memref<128x128xf32, #tpu.memory_space<vmem>>, vector<128x128xf32>
    %dot_general3A_38 = arith.constant dense<0.000000e+00> : vector<1000x128xf32>
    %dot_general3A_39 = tpu.matmul %mul3A_34, %get3A_37, %dot_general3A_38 {dimension_numbers = #tpu.dot_dimension_numbers<[1], [0], [0], [1], [0, 0, 1, 1], [], []>, transpose_lhs_hint = false} : vector<1000x128xf32>, vector<128x128xf32>, vector<1000x128xf32> -> vector<1000x128xf32>
    %add3A_40 = arith.addf %get3A_1, %dot_general3A_39 : vector<1000x128xf32>
    %get3A_41 = arith.constant 0 : index
    %get3A_42 = arith.constant 0 : index
    %get3A_43 = vector.load %arg7[%get3A_41, %get3A_42] : memref<1x128xf32, #tpu.memory_space<vmem>>, vector<1x128xf32>
    %add3A_44 = vector.broadcast %get3A_43 : vector<1x128xf32> to vector<1000x128xf32>
    %add3A_45 = arith.addf %add3A_40, %add3A_44 : vector<1000x128xf32>
    %swap3A = arith.constant 0 : index
    %swap3A_46 = arith.constant 0 : index
    %swap3A_47 = vector.load %arg8[%swap3A, %swap3A_46] : memref<1000x128xf32, #tpu.memory_space<vmem>>, vector<1000x128xf32>
    tpu.vector_store %arg8[%swap3A, %swap3A_46], %add3A_45 {strides = array<i32>} : memref<1000x128xf32, #tpu.memory_space<vmem>>, vector<1000x128xf32>,
    return
  }
  func.func @transform_0(%arg0: i32) -> (i32, i32) {
    %c0_i32 = arith.constant 0 : i32
    %c0_i32_0 = arith.constant 0 : i32
    return %arg0, %c0_i32 : i32, i32
  }
  func.func @transform_1(%arg0: i32) -> (i32, i32, i32) {
    %c0_i32 = arith.constant 0 : i32
    %c0_i32_0 = arith.constant 0 : i32
    %c0_i32_1 = arith.constant 0 : i32
    return %c0_i32, %arg0, %c0_i32_0 : i32, i32, i32
  }
  func.func @transform_2(%arg0: i32) -> (i32, i32) {
    %c0_i32 = arith.constant 0 : i32
    %c0_i32_0 = arith.constant 0 : i32
    %c0_i32_1 = arith.constant 0 : i32
    return %c0_i32, %c0_i32_0 : i32, i32
  }
  func.func @transform_3(%arg0: i32) -> (i32, i32) {
    %c0_i32 = arith.constant 0 : i32
    %c0_i32_0 = arith.constant 0 : i32
    %c0_i32_1 = arith.constant 0 : i32
    return %c0_i32, %c0_i32_0 : i32, i32
  }
  func.func @transform_4(%arg0: i32) -> (i32, i32) {
    %c0_i32 = arith.constant 0 : i32
    %c0_i32_0 = arith.constant 0 : i32
    %c0_i32_1 = arith.constant 0 : i32
    return %c0_i32, %c0_i32_0 : i32, i32
  }
  func.func @transform_5(%arg0: i32) -> (i32, i32) {
    %c0_i32 = arith.constant 0 : i32
    %c0_i32_0 = arith.constant 0 : i32
    %c0_i32_1 = arith.constant 0 : i32
    return %c0_i32, %c0_i32_0 : i32, i32
  }
  func.func @transform_6(%arg0: i32) -> (i32, i32) {
    %c0_i32 = arith.constant 0 : i32
    %c0_i32_0 = arith.constant 0 : i32
    %c0_i32_1 = arith.constant 0 : i32
    return %c0_i32, %c0_i32_0 : i32, i32
  }
  func.func @transform_7(%arg0: i32) -> (i32, i32) {
    %c0_i32 = arith.constant 0 : i32
    %c0_i32_0 = arith.constant 0 : i32
    return %arg0, %c0_i32 : i32, i32
  }
}

</mosaic_0001>

<sc_bundles>
// kernel: kernel.12.cloned.1.call-start
scs
__scs_entry_jumppad:
0x0: {  	(pc) =	sbr.rel $0x88, $3  }
0x1: {  	(tag) =	ssettag $0x0;
	lr =	simm.s32 $0x1  }
0x2: {  	[smem:$0x3F96] =	sst lr;
	_ =	strace $0xD0000000  }
0x3: {  	_ = 	snop  }
0x4: {  	_ = 	snop  }
0x5: {  	_ = 	snop  }
0x6: {  	_ = 	snop  }
0x7: {  	_ = 	snop  }
__scs_overlays_trampoline_lowered:
0x8: {  	[smem:$0x3FA5] =	sst s0  }
0x9: {  	[smem:$0x3FA6] =	sst s1  }
0xa: {  	[smem:$0x3FA7] =	sst s2  }
0xb: {  	[smem:$0x3FA8] =	sst s3  }
0xc: {  	[smem:$0x3FA9] =	sst s4  }
0xd: {  	[smem:$0x3FAA] =	sst s5  }
0xe: {  	[smem:$0x3FAB] =	sst s6  }
0xf: {  	[smem:$0x3FAC] =	sst s7  }
0x10: {  	[smem:$0x3FAD] =	sst s8  }
0x11: {  	[smem:$0x3FAE] =	sst s9;
	s0 =	simm.s32 @!p0 $0x0  }
0x12: {  	s1 =	sld [smem:$0x3F94];
	s0 =	simm.s32 @p0 $0x1  }
0x13: {  	[smem:$0x3FAF] =	sst s0;
	s0 =	simm.s32 @!p1 $0x0  }
0x14: {  	s2 =	sld [smem:$0x3F93];
	s0 =	simm.s32 @p1 $0x1  }
0x15: {  	[smem:$0x3FB0] =	sst s0;
	s0 =	simm.s32 @!p2 $0x0  }
0x16: {  	s3 =	sld [smem:$0x3FDB];
	s0 =	simm.s32 @p2 $0x1  }
0x17: {  	s4 =	simm.s32 $0x1BF5;
	[smem:$0x3FB2] =	sst s0  }
0x18: {  	s0 =	sld [smem:$0x3F95];
	_ =	swait.ge [sflag:s4], $0x0  }
0x19: {  	s7 =	sld [smem:$0x3F96]  }
0x1a: {  	s8 =	sadd.s32 $0xFFFFE003, lr  }
0x1b: {  	s9 =	sadd.s32 $0xFFFFFEF7, lr;
	s5 =	simm.s32 $0xFFFFFFFF;
	p2 =	slt.u32 s8, $0xFFFFF086  }
0x1c: {  	p1 =	slt.u32 s9, $0xF7A;
	s5 =	simm.s32 @!p2 $0x0  }
0x1d: {  	s5 =	simm.s32 @p1 $0x1;
	p0 =	seq.s32 s7, s2  }
0x1e: {  	s7 =	smul.u32 @!p0 $0xF7A, s2;
	p2 =	seq.s32 @!p0 s5, $0x0  }
0x1f: {  	s9 =	smul.u32 $0xF7A, s1;
	s8 =	simm.s32 @!p0 $0x1BF5;
	p2 =	por !p2, p0  }
0x20: {  	[sflag:s8] =	ssyncset.s32 @!p0 $0xFFFFF086;
	s6 =	sadd.s32 @!p0 s3, s7;
	s7 =	simm.s32 @!p0 $0x108  }
0x21: {  	s3 =	sadd.s32 s3, s9;
	s6 =	sadd.s32 @!p0 $0x88, s6;
	s7 =	simm.s32 @p2 $0x1082  }
0x22: {  	[simem:s7], [sflag:s8] =	dma.local @!p0 [hbm:s6], $0xF7A  }
0x23: {  	s9 =	sor.u32 $0xD0000000, s2;
	s6 =	simm.s32 $0x108;
	_ =	swait.ge @!p0 [sflag:s8], $0x0  }
0x24: {  	s3 =	sadd.s32 $0x88, s3;
	s6 =	simm.s32 @!p1 $0x1082;
	[sflag:s4] =	ssyncset.s32 $0xFFFFF086  }
0x25: {  	[simem:s6], [sflag:s4] =	dma.local [hbm:s3], $0xF7A  }
0x26: {  	[smem:$0x3F96] =	sst s1;
	(tag) =	ssettag s2;
	_ =	strace s9  }
0x27: {  	s1 =	sld [smem:$0x3FA6]  }
0x28: {  	s2 =	sld [smem:$0x3FA7]  }
0x29: {  	s4 =	sld [smem:$0x3FA9]  }
0x2a: {  	p0 =	seq.s32 s5, $0x0;
	s5 =	sld [smem:$0x3FAA]  }
0x2b: {  	s6 =	sld [smem:$0x3FAB]  }
0x2c: {  	s7 =	sld [smem:$0x3FAC]  }
0x2d: {  	s3 =	simm.s32 $0x108;
	s8 =	sld [smem:$0x3FAD]  }
0x2e: {  	s3 =	simm.s32 @!p0 $0x1082;
	s9 =	sld [smem:$0x3FAE]  }
0x2f: {  	lr =	sadd.s32 s0, s3;
	s0 =	sld [smem:$0x3FA5]  }
0x30: {  	s3 =	sld [smem:$0x3FA8]  }
0x31: {  	[smem:$0x3FB1] =	sst s10  }
0x32: {  	s10 =	sld [smem:$0x3FAF];
	_ =	sdelay $0x3  }
0x33: {  	p0 =	seq.s32 s10, $0x1;
	s10 =	sld [smem:$0x3FB1];
	_ =	sdelay $0x3  }
0x34: {  	[smem:$0x3FB1] =	sst s10  }
0x35: {  	s10 =	sld [smem:$0x3FB0];
	_ =	sdelay $0x3  }
0x36: {  	p1 =	seq.s32 s10, $0x1;
	s10 =	sld [smem:$0x3FB1];
	_ =	sdelay $0x3  }
0x37: {  	[smem:$0x3FB1] =	sst s10  }
0x38: {  	s10 =	sld [smem:$0x3FB2]  }
0x39: {  	_ = 	snop;
	(pc) =	sbr.ind lr, $3  }
0x3a: {  	_ = 	snop  }
0x3b: {  	_ = 	snop  }
0x3c: {  	p2 =	seq.s32 s10, $0x1;
	s10 =	sld [smem:$0x3FB1]  }
0x3d: {  	_ =	shalt  }
0x3e: {  	_ =	shalt  }
0x3f: {  	_ =	shalt  }
0x40: {  	_ =	shalt  }
0x41: {  	_ =	shalt  }
0x42: {  	_ =	shalt  }
0x43: {  	_ =	shalt  }
0x44: {  	_ =	shalt  }
0x45: {  	_ =	shalt  }
0x46: {  	_ =	shalt  }
0x47: {  	_ =	shalt  }
0x48: {  	_ =	shalt  }
0x49: {  	_ =	shalt  }
0x4a: {  	_ =	shalt  }
0x4b: {  	_ =	shalt  }
0x4c: {  	_ =	shalt  }
0x4d: {  	_ =	shalt  }
0x4e: {  	_ =	shalt  }
0x4f: {  	_ =	shalt  }
0x50: {  	_ =	shalt  }
0x51: {  	_ =	shalt  }
0x52: {  	_ =	shalt  }
0x53: {  	_ =	shalt  }
0x54: {  	_ =	shalt  }
0x55: {  	_ =	shalt  }
0x56: {  	_ =	shalt  }
0x57: {  	_ =	shalt  }
0x58: {  	_ =	shalt  }
0x59: {  	_ =	shalt  }
0x5a: {  	_ =	shalt  }
0x5b: {  	_ =	shalt  }
0x5c: {  	_ =	shalt  }
0x5d: {  	_ =	shalt  }
0x5e: {  	_ =	shalt  }
0x5f: {  	_ =	shalt  }
0x60: {  	_ =	shalt  }
0x61: {  	_ =	shalt  }
0x62: {  	_ =	shalt  }
0x63: {  	_ =	shalt  }
0x64: {  	_ =	shalt  }
0x65: {  	_ =	shalt  }
0x66: {  	_ =	shalt  }
0x67: {  	_ =	shalt  }
0x68: {  	_ =	shalt  }
0x69: {  	_ =	shalt  }
0x6a: {  	_ =	shalt  }
0x6b: {  	_ =	shalt  }
0x6c: {  	_ =	shalt  }
0x6d: {  	_ =	shalt  }
0x6e: {  	_ =	shalt  }
0x6f: {  	_ =	shalt  }
0x70: {  	_ =	shalt  }
0x71: {  	_ =	shalt  }
0x72: {  	_ =	shalt  }
0x73: {  	_ =	shalt  }
0x74: {  	_ =	shalt  }
0x75: {  	_ =	shalt  }
0x76: {  	_ =	shalt  }
0x77: {  	_ =	shalt  }
0x78: {  	_ =	shalt  }
0x79: {  	_ =	shalt  }
0x7a: {  	_ =	shalt  }
0x7b: {  	_ =	shalt  }
0x7c: {  	_ =	shalt  }
0x7d: {  	_ =	shalt  }
0x7e: {  	_ =	shalt  }
0x7f: {  	_ =	shalt  }
0x80: {  	_ =	shalt  }
0x81: {  	_ =	shalt  }
0x82: {  	_ =	shalt  }
0x83: {  	_ =	shalt  }
0x84: {  	_ =	shalt  }
0x85: {  	_ =	shalt  }
0x86: {  	_ =	shalt  }
0x87: {  	_ =	shalt  }
.Lfunc_end0:
.L_simem_size_0:
called_computation.1_lowered:
.L_overlay_start_0:
0x88: {  	s2 =	sld [smem:$0x3FD9]  }
0x89: {  	s3 =	sld [smem:$0x3FFE];
	_ =	sdelay $0x1  }
0x8a: {  	s1 =	srdreg.scid  }
0x8b: {  	s0 =	sand.u32 $0x1, s1  }
0x8c: {  	s15 =	sshll.u32 s0, $0xA;
	s2 =	sadd.s32 s3, s2  }
0x8d: {  	s2 =	sadd.s32 s2, s15  }
0x8e: {  	[smem:$0x3FBD] =	sst s2  }
0x8f: {  	_ = 	snop  }
0x90: {  	s2 =	sld [smem:$0x3FD0];
	_ =	sdelay $0x2  }
0x91: {  	s16 =	simm.s32 $0xB;
	s4 =	simm.s32 $0x10  }
0x92: {  	[smem:s4], [sflag:s16] =	dma.local [hbm:s2], $0x1  }
0x93: {  	_ =	swait.eq [sflag:s16], $0x1  }
0x94: {  	[sflag:s16] =	ssyncset.done $0x0  }
0x95: {  	[sflag:s16] =	ssyncadd.s32 $0xFFFFFFFF  }
0x96: {  	s17 =	sld [smem:$0x10];
	(tm) =	ssettm $0x1  }
0x97: {  	s18 =	sld [smem:$0x3FFB];
	_ =	sdelay $0x3  }
0x98: {  	_ =	strace s18  }
0x99: {  	s2 =	sld [smem:$0x3FFC];
	_ =	sdelay $0x3  }
0x9a: {  	_ =	strace s2  }
0x9b: {  	s2 =	sld [smem:$0x3FFD];
	_ =	sdelay $0x3  }
0x9c: {  	_ =	strace s2  }
0x9d: {  	_ =	strace $0x8FFFFFFF  }
0x9e: {  	s19 =	sld [smem:$0x3FDB];
	_ =	sdelay $0x1  }
0x9f: {  	s20 =	simm.s32 $_scs_section_size  }
0xa0: {  	s5 =	simm.s32 $_size__tile_overlayer_lowered;
	s6 =	simm.s32 $_tile_overlayer_lowered  }
0xa1: {  	s7 =	simm.s32 $0x1BFF;
	s21 =	sshll.u32 s6, $0x1;
	s4 =	sadd.s32 s20, s19  }
0xa2: {  	s22 =	simm.s32 $0x0;
	s5 =	sshll.u32 s5, $0x1;
	s6 =	sadd.s32 s21, s4  }
0xa3: {  	[timem:s22], [sflag:s7] =	dma.local [hbm:s6], s5  }
0xa4: {  	_ =	swait.ge [sflag:s7], s5  }
0xa5: {  	s5 =	ssub.s32 $0x0, s5;
	[sflag:s7] =	ssyncset.done $0x0  }
0xa6: {  	[sflag:s7] =	ssyncadd.s32 s5;
	_ =	sdelay $0x1  }
0xa7: {  	s23 =	simm.s32 $0x1B8B  }
0xa8: {  	_ =	swait.ge [sflag:s23], $0x1  }
0xa9: {  	[sflag:s23] =	ssyncset.done $0x0  }
0xaa: {  	[sflag:s23] =	ssyncadd.s32 $0xFFFFFFFF  }
0xab: {  	s5 =	sld [smem:$0x0]  }
0xac: {  	s6 =	sand.u32 $0xFFFFFFFE, s1  }
0xad: {  	p0 =	sne.s32 s1, s6  }
0xae: {  	s6 =	sshll.u32 @p0 s6, $0xE  }
0xaf: {  	s6 =	sadd.s32 @p0 $0x11B8D, s6;
	s7 =	sshll.u32 @p0 s5, $0x11  }
0xb0: {  	s6 =	sor.u32 @p0 s7, s6  }
0xb1: {  	[sflag:s6] =	ssyncadd.remote.s32 @p0 $0x1;
	_ =	sdelay $0x1  }
0xb2: {  	s6 =	simm.s32 @p0 $0x1B8D  }
0xb3: {  	_ =	swait.eq @p0 [sflag:s6], $0x1  }
0xb4: {  	[sflag:s6] =	ssyncadd.s32 @p0 $0xFFFFFFFF  }
0xb5: {  	s7 =	sshll.u32 @!p0 s1, $0xE  }
0xb6: {  	s7 =	sor.u32 @!p0 $0x4000, s7;
	s6 =	simm.s32 @!p0 $0x1B8D  }
0xb7: {  	s5 =	sshll.u32 @!p0 s5, $0x11;
	s7 =	sadd.s32 @!p0 $0x11B8D, s7;
	_ =	swait.eq @!p0 [sflag:s6], $0x1  }
0xb8: {  	s5 =	sor.u32 @!p0 s5, s7;
	[sflag:s6] =	ssyncadd.s32 @!p0 $0xFFFFFFFF  }
0xb9: {  	s25 =	simm.s32 $0x1B8E;
	s24 =	sld [smem:$0x3FFE];
	[sflag:s5] =	ssyncadd.remote.s32 @!p0 $0x1  }
0xba: {  	s26 =	simm.s32 $execute0_lowered;
	[smem:$0x3FD2] =	sst s25  }
0xbb: {  	s6 =	sshll.u32 s26, $0x1;
	_ =	strace $0x80000049;
	[dreg:$0x1] =	wrdreg $0xFFFFFFFF  }
0xbc: {  	s28 =	simm.s32 $_size_execute0_lowered;
	s4 =	sadd.s32 s4, s6;
	[dreg:$0x0] =	wrdreg $0x0  }
0xbd: {  	s6 =	sshll.u32 s28, $0x1;
	[dreg:$0x2] =	wrdreg s4  }
0xbe: {  	[dreg:$0x3] =	wrdreg s6  }
0xbf: {  	[dreg:$0x4] =	wrdreg $0xC0  }
0xc0: {  	_ =	task [dreg:s22], $0x5FFFF  }
0xc1: {  	[dreg:$0x1] =	wrdreg $0xFFFFFFFF  }
0xc2: {  	[dreg:$0x0] =	wrdreg $0x60  }
0xc3: {  	[dreg:$0x2] =	wrdreg s17  }
0xc4: {  	[dreg:$0x3] =	wrdreg s24  }
0xc5: {  	[dreg:$0x4] =	wrdreg $0xA  }
0xc6: {  	_ =	task.clear_ibuf [dreg:s22], $0x5FFFF;
	_ =	strace $0x90000049  }
0xc7: {  	s29 =	simm.s32 $0xA;
	_ =	strace $0x8000004B  }
0xc8: {  	_ =	swait.ge [sflag:s29], $0x1  }
0xc9: {  	[sflag:s29] =	ssyncadd.s32 $0xFFFFFFFF  }
0xca: {  	_ =	strace $0x9000004B  }
0xcb: {  	_ =	sfence  }
0xcc: {  	s30 =	sld [smem:$0x0];
	_ =	sdelay $0x2  }
0xcd: {  	s31 =	sshll.u32 s1, $0xD;
	s1 =	sshrl.u32 s1, $0x2  }
0xce: {  	s4 =	sand.u32 $0x4000, s31;
	s1 =	sadd.s32 s1, s30  }
0xcf: {  	s0 =	sor.u32 s4, s0;
	s1 =	sshll.u32 s1, $0x11  }
0xd0: {  	s0 =	sor.u32 s1, s0  }
0xd1: {  	s0 =	sadd.s32 $0x8F2B, s0  }
0xd2: {  	[sflag:s0] =	ssyncadd.remote.s32 $0x1  }
0xd3: {  	_ =	sfence.sel $0xFFFF  }
0xd4: {  	[dreg:$0x0] =	wrdreg $0xFFFFFFFF;
	(pc) =	sbr.abs _section_cstart, $3  }
0xd5: {  	[dreg:$0x1] =	wrdreg $0xFFFFFFFF  }
0xd6: {  	_ =	task.clear_ibuf [dreg:s22], $0x2FFFF;
	_ =	strace $0x9FFFFFFF  }
0xd7: {  	(tm) =	ssettm $0x7FFFFFFF  }
tec
execute0_lowered:
.L_overlay_start_1:
0x0: {  	(tag) =	ssettag $0x1  }
0x1: {  	s1 =	rddreg [dreg:$0x0]  }
0x2: {  	s0 =	rddreg [dreg:$0x1];
	s3 =	simm.s32 $0x0;
	s2 =	srdreg.scid  }
0x3: {  	s4 =	stileid.u32;
	s30 =	simm.s32 $0x7000;
	s31 =	simm.s32 $0x8400  }
0x4: {  	s19 =	simm.s32 $0x1;
	s20 =	simm.s32 $0xC000;
	s21 =	simm.s32 $0x2  }
0x5: {  	s22 =	simm.s32 $0xD400;
	s28 =	simm.s32 $0x0;
	[smem:$0x7FF] =	sst s3  }
0x6: {  	s2 =	sand.u32 $0x1, s2;
	s4 =	sshll.u32 s4, $0x1;
	s8 =	sadd.s32 $0x1A6200, s0  }
0x7: {  	s14 =	sadd.s32 $0x1AA200, s0;
	s5 =	sadd.s32 $0x1AE200, s0;
	s6 =	sor.u32 s2, s4  }
0x8: {  	_ =	strace $0x8000004A;
	s2 =	ssub.s32 $0x2, s2;
	s7 =	smul.u32 $0xFA0, s6  }
0x9: {  	s4 =	sadd.s32 $0x8000, s0;
	s0 =	simm.s32 $0x9800;
	s9 =	sshrl.u32 s2, $0x1  }
0xa: {  	s6 =	smul.u32 $0x7D0, s6;
	s23 =	ssub.s32 s2, s9;
	s24 =	sshrl.u32 s7, $0x3  }
0xb: {  	s26 =	sadd.s32 $0x3E8, s7;
	s7 =	sadd.s32 $0xBB8, s7;
	s15 =	smax.u32 s23, $0x1  }
0xc: {  	s23 =	simm.s32 $0x5;
	s25 =	sadd.s32 s8, s24;
	s10 =	sadd.s32 $0xFA, s24  }
0xd: {  	s2 =	sadd.s32 s14, s24;
	s29 =	sshrl.u32 s7, $0x3;
	[dreg:$0x3] =	wrdreg s25  }
0xe: {  	s24 =	simm.s32 $0x28;
	[dreg:$0x4] =	wrdreg s2;
	s9 =	sadd.s32 s8, s10  }
0xf: {  	s10 =	sadd.s32 s14, s10;
	s2 =	sshrl.u32 s26, $0x3;
	s13 =	sadd.s32 s8, s29  }
0x10: {  	s25 =	simm.s32 $0x3;
	s26 =	simm.s32 $0x4;
	s11 =	sadd.s32 s8, s2  }
0x11: {  	s12 =	sadd.s32 s14, s2;
	s14 =	sadd.s32 s14, s29;
	s2 =	simm.s32 $0xAC00  }
.LBB2_1:
0x12: {  	s7 =	rddreg [dreg:$0x3]  }
0x13: {  	[tilespmem:s3], [sflag:$0x5] =	stream.linear.gather [hbm4b:s7+s3], $0x3E8, $0x38;
	[tilespmem:$0xE800] =	vst v63  }
0x14: {  	s17 =	rddreg [dreg:$0x4];
	s8 =	simm.s32 $0x800  }
0x15: {  	[tilespmem:s8], [sflag:$0x5] =	stream.linear.gather [hbm4b:s17+s3], $0x3E8, $0x38;
	[tilespmem:$0xE800] =	vst v63  }
0x16: {  	s7 =	simm.s32 $0x1000  }
0x17: {  	[tilespmem:s7], [sflag:$0x5] =	stream.linear.gather [hbm4b:s9+s3], $0x3E8, $0x38;
	[tilespmem:$0xE800] =	vst v63  }
0x18: {  	s16 =	simm.s32 $0x1800  }
0x19: {  	[tilespmem:s16], [sflag:$0x5] =	stream.linear.gather [hbm4b:s10+s3], $0x3E8, $0x38;
	[tilespmem:$0xE800] =	vst v63  }
0x1a: {  	s17 =	simm.s32 $0x3E8  }
0x1b: {  	[tilespmem:s17], [sflag:$0x5] =	stream.linear.gather [hbm4b:s11+s3], $0x3E8, $0x38;
	[tilespmem:$0xE800] =	vst v63  }
0x1c: {  	s18 =	simm.s32 $0xBE8  }
0x1d: {  	[tilespmem:s18], [sflag:$0x5] =	stream.linear.gather [hbm4b:s12+s3], $0x3E8, $0x38;
	[tilespmem:$0xE800] =	vst v63  }
0x1e: {  	s18 =	simm.s32 $0x13E8  }
0x1f: {  	[tilespmem:s18], [sflag:$0x5] =	stream.linear.gather [hbm4b:s13+s3], $0x3E8, $0x38;
	[tilespmem:$0xE800] =	vst v63  }
0x20: {  	s18 =	simm.s32 $0x1BE8  }
0x21: {  	[tilespmem:s18], [sflag:$0x5] =	stream.linear.gather [hbm4b:s14+s3], $0x3E8, $0x38;
	[tilespmem:$0xE800] =	vst v63  }
0x22: {  	_ =	swait.ge [sflag:s23], $0x3E8  }
0x23: {  	[sflag:s23] =	ssyncset.done $0x0  }
0x24: {  	[sflag:s23] =	ssyncadd.s32 $0xFFFFFC18  }
0x25: {  	_ =	swait.ge [sflag:s23], $0x3E8  }
0x26: {  	[sflag:s23] =	ssyncset.done $0x0  }
0x27: {  	[sflag:s23] =	ssyncadd.s32 $0xFFFFFC18  }
0x28: {  	_ =	swait.ge [sflag:s23], $0x3E8  }
0x29: {  	[sflag:s23] =	ssyncset.done $0x0  }
0x2a: {  	[sflag:s23] =	ssyncadd.s32 $0xFFFFFC18  }
0x2b: {  	_ =	swait.ge [sflag:s23], $0x3E8  }
0x2c: {  	[sflag:s23] =	ssyncset.done $0x0  }
0x2d: {  	[sflag:s23] =	ssyncadd.s32 $0xFFFFFC18  }
0x2e: {  	_ =	swait.ge [sflag:s23], $0x3E8  }
0x2f: {  	[sflag:s23] =	ssyncset.done $0x0  }
0x30: {  	[sflag:s23] =	ssyncadd.s32 $0xFFFFFC18  }
0x31: {  	_ =	swait.ge [sflag:s23], $0x3E8  }
0x32: {  	[sflag:s23] =	ssyncset.done $0x0  }
0x33: {  	[sflag:s23] =	ssyncadd.s32 $0xFFFFFC18  }
0x34: {  	_ =	swait.ge [sflag:s23], $0x3E8  }
0x35: {  	[sflag:s23] =	ssyncset.done $0x0  }
0x36: {  	[sflag:s23] =	ssyncadd.s32 $0xFFFFFC18  }
0x37: {  	_ =	swait.ge [sflag:s23], $0x3E8  }
0x38: {  	[sflag:s23] =	ssyncset.done $0x0  }
0x39: {  	s18 =	simm.s32 $0x2000;
	[sflag:s23] =	ssyncadd.s32 $0xFFFFFC18  }
0x3a: {  	[tilespmem:s18], [sflag:$0x1] =	stream.indirect.gather [hbm4b:s1+s24], $0x80, s3, s24, $0xb8;
	[tilespmem:$0xE800] =	vst v63  }
0x3b: {  	s18 =	simm.s32 $0x3400  }
0x3c: {  	[tilespmem:s18], [sflag:$0x1] =	stream.indirect.gather [hbm4b:s4+s24], $0x80, s8, s24, $0xb8;
	[tilespmem:$0xE800] =	vst v63  }
0x3d: {  	s17 =	simm.s32 $0x4800  }
0x3e: {  	[tilespmem:s17], [sflag:$0x1] =	stream.indirect.gather [hbm4b:s1+s24], $0x80, s7, s24, $0xb8;
	[tilespmem:$0xE800] =	vst v63  }
0x3f: {  	s29 =	simm.s32 $0x0;
	s18 =	simm.s32 $0x5C00  }
0x40: {  	[tilespmem:s18], [sflag:$0x1] =	stream.indirect.gather [hbm4b:s4+s24], $0x80, s16, s24, $0xb8;
	[tilespmem:$0xE800] =	vst v63  }
.LBB2_2:
0x41: {  	s17 =	smul.u32 $0x50, s29;
	_ =	sdelay $0x1  }
0x42: {  	s16 =	sadd.s32 $0x28, s17  }
0x43: {  	[tilespmem:s30], [sflag:$0x2] =	stream.indirect.gather [hbm4b:s1+s24], $0x80, s16, s24, $0xb8;
	[tilespmem:$0xE800] =	vst v63  }
0x44: {  	s7 =	sadd.s32 $0x828, s17  }
0x45: {  	[tilespmem:s31], [sflag:$0x2] =	stream.indirect.gather [hbm4b:s4+s24], $0x80, s7, s24, $0xb8;
	[tilespmem:$0xE800] =	vst v63  }
0x46: {  	s8 =	sadd.s32 $0x1028, s17  }
0x47: {  	[tilespmem:s0], [sflag:$0x2] =	stream.indirect.gather [hbm4b:s1+s24], $0x80, s8, s24, $0xb8;
	[tilespmem:$0xE800] =	vst v63  }
0x48: {  	s18 =	sadd.s32 $0x1828, s17  }
0x49: {  	[tilespmem:s2], [sflag:$0x2] =	stream.indirect.gather [hbm4b:s4+s24], $0x80, s18, s24, $0xb8;
	[tilespmem:$0xE800] =	vst v63  }
0x4a: {  	_ =	swait.ge [sflag:s19], $0x1400  }
0x4b: {  	[sflag:s19] =	ssyncset.done $0x0  }
0x4c: {  	[sflag:s19] =	ssyncadd.s32 $0xFFFFEC00  }
0x4d: {  	_ =	swait.ge [sflag:s19], $0x1400  }
0x4e: {  	[sflag:s19] =	ssyncset.done $0x0  }
0x4f: {  	[sflag:s19] =	ssyncadd.s32 $0xFFFFEC00  }
0x50: {  	_ =	swait.ge [sflag:s19], $0x1400  }
0x51: {  	[sflag:s19] =	ssyncset.done $0x0  }
0x52: {  	[sflag:s19] =	ssyncadd.s32 $0xFFFFEC00  }
0x53: {  	_ =	swait.ge [sflag:s19], $0x1400  }
0x54: {  	p0 =	seq.s32 s29, $0x0;
	[sflag:s19] =	ssyncset.done $0x0  }
0x55: {  	s7 =	simm.s32 @!p0 $0x3;
	[sflag:s19] =	ssyncadd.s32 $0xFFFFEC00  }
0x56: {  	_ =	swait.ge @!p0 [sflag:s7], $0x1400  }
0x57: {  	[sflag:s7] =	ssyncset.done @!p0 $0x0  }
0x58: {  	s18 =	simm.s32 $0x0;
	[sflag:s7] =	ssyncadd.s32 @!p0 $0xFFFFEC00  }
0x59: {  	v0 =	vld [tilespmem:s18+$0x4830]  }
0x5a: {  	v1 =	vld [tilespmem:s18+$0x5C30]  }
0x5b: {  	v2 =	vld [tilespmem:s18+$0x4870]  }
0x5c: {  	v3 =	vld [tilespmem:s18+$0x5C70]  }
0x5d: {  	v4 =	vld [tilespmem:s18+$0x2000]  }
0x5e: {  	v5 =	vld [tilespmem:s18+$0x3400]  }
0x5f: {  	v6 =	vld [tilespmem:s18+$0x2040]  }
0x60: {  	v7 =	vld [tilespmem:s18+$0x3440];
	_ =	sdelay $0x2  }
0x61: {  	v8 =	vld [tilespmem:s18+$0x4800];
	v0 =	vadd.f32 v1, v0  }
0x62: {  	v1 =	vadd.f32 v3, v2;
	v2 =	vld [tilespmem:s18+$0x5C00];
	v4 =	vadd.f32 v5, v4  }
0x63: {  	v11 =	vld [tilespmem:s18+$0x5C40];
	v6 =	vadd.f32 v7, v6  }
0x64: {  	v3 =	vld [tilespmem:s18+$0x4840];
	v9 =	vshrl.u32 v0, $0x10;
	v10 =	vshrl.u32 v1, $0x10;
	v7 =	vshrl.u32 v4, $0x10  }
0x65: {  	v12 =	vshrl.u32 v6, $0x10;
	v5 =	vand.u32 $0x1, v9;
	v9 =	vand.u32 $0x1, v10;
	v10 =	vld [tilespmem:s18+$0x2010]  }
0x66: {  	v7 =	vand.u32 $0x1, v7;
	v0 =	vadd.s32 v5, v0;
	v1 =	vadd.s32 v9, v1;
	v5 =	vld [tilespmem:s18+$0x3410]  }
0x67: {  	v9 =	vld [tilespmem:s18+$0x2050];
	v0 =	vadd.s32 $0x7FFF, v0;
	v1 =	vadd.s32 $0x7FFF, v1;
	v2 =	vadd.f32 v2, v8  }
0x68: {  	v12 =	vand.u32 $0x1, v12;
	v8 =	vld [tilespmem:s18+$0x3450];
	v0 =	vshrl.u32 v0, $0x10;
	v1 =	vand.u32 $0xFFFF0000, v1  }
0x69: {  	v3 =	vadd.f32 v11, v3;
	v0 =	vor.u32 v0, v1;
	v1 =	vld [tilespmem:s18+$0x4810];
	v11 =	vshrl.u32 v2, $0x10  }
0x6a: {  	[tilespmem:s18+$0xC070] =	vst v0;
	v0 =	vadd.s32 v7, v4;
	v4 =	vadd.s32 v12, v6;
	v6 =	vand.u32 $0x1, v11;
	v7 =	vld [tilespmem:s18+$0x5C10]  }
0x6b: {  	v11 =	vld [tilespmem:s18+$0x5C50];
	v2 =	vadd.s32 v6, v2;
	v6 =	vshrl.u32 v3, $0x10;
	v5 =	vadd.f32 v5, v10  }
0x6c: {  	v10 =	vld [tilespmem:s18+$0x4850];
	v0 =	vadd.s32 $0x7FFF, v0;
	v4 =	vadd.s32 $0x7FFF, v4;
	v6 =	vand.u32 $0x1, v6  }
0x6d: {  	v12 =	vld [tilespmem:s18+$0x3420];
	v3 =	vadd.s32 v6, v3;
	v6 =	vadd.f32 v8, v9;
	v8 =	vshrl.u32 v5, $0x10  }
0x6e: {  	v2 =	vadd.s32 $0x7FFF, v2;
	v0 =	vshrl.u32 v0, $0x10;
	v9 =	vld [tilespmem:s18+$0x2020];
	v8 =	vand.u32 $0x1, v8  }
0x6f: {  	v13 =	vld [tilespmem:s18+$0x2060];
	v5 =	vadd.s32 v8, v5;
	v8 =	vshrl.u32 v6, $0x10;
	v7 =	vadd.f32 v7, v1  }
0x70: {  	v2 =	vshrl.u32 v2, $0x10;
	v3 =	vadd.s32 $0x7FFF, v3;
	v1 =	vand.u32 $0x1, v8;
	v8 =	vld [tilespmem:s18+$0x3460]  }
0x71: {  	v14 =	vld [tilespmem:s18+$0x4820];
	v3 =	vand.u32 $0xFFFF0000, v3;
	v10 =	vadd.f32 v11, v10;
	v11 =	vshrl.u32 v7, $0x10  }
0x72: {  	v6 =	vadd.s32 v1, v6;
	v1 =	vand.u32 $0xFFFF0000, v4;
	v4 =	vand.u32 $0x1, v11;
	v11 =	vld [tilespmem:s18+$0x5C20]  }
0x73: {  	v9 =	vadd.f32 v12, v9;
	v12 =	vld [tilespmem:s18+$0x4860];
	v4 =	vadd.s32 v4, v7;
	v7 =	vshrl.u32 v10, $0x10  }
0x74: {  	v5 =	vadd.s32 $0x7FFF, v5;
	v16 =	vadd.s32 $0x7FFF, v4;
	v4 =	vand.u32 $0x1, v7;
	v7 =	vld [tilespmem:s18+$0x5C60]  }
0x75: {  	v4 =	vadd.s32 v4, v10;
	v8 =	vadd.f32 v8, v13;
	v10 =	vshrl.u32 v9, $0x10;
	v13 =	vld [tilespmem:s18+$0x2030]  }
0x76: {  	v6 =	vadd.s32 $0x7FFF, v6;
	v17 =	vadd.s32 $0x7FFF, v4;
	v4 =	vand.u32 $0x1, v10;
	v10 =	vld [tilespmem:s18+$0x3430]  }
0x77: {  	v18 =	vld [tilespmem:s18+$0x2070];
	v6 =	vand.u32 $0xFFFF0000, v6;
	v15 =	vshrl.u32 v8, $0x10;
	v14 =	vadd.f32 v11, v14  }
0x78: {  	v19 =	vld [tilespmem:s18+$0x3470];
	v9 =	vadd.s32 v4, v9;
	v4 =	vshrl.u32 v5, $0x10;
	v5 =	vand.u32 $0x1, v15  }
0x79: {  	v5 =	vadd.s32 v5, v8;
	v20 =	vadd.f32 v7, v12;
	v7 =	vshrl.u32 v14, $0x10  }
0x7a: {  	v9 =	vadd.s32 $0x7FFF, v9;
	v11 =	vadd.s32 $0x7FFF, v5;
	v5 =	vand.u32 $0x1, v7  }
0x7b: {  	s7 =	simm.s32 $0x80;
	v7 =	vadd.s32 v5, v14;
	v14 =	vshrl.u32 v20, $0x10;
	v15 =	vadd.f32 v10, v13  }
0x7c: {  	v8 =	vshrl.u32 v16, $0x10;
	v5 =	vld [tilespmem:s7+$0x4830];
	v12 =	vadd.s32 $0x7FFF, v7;
	v10 =	vand.u32 $0x1, v14  }
0x7d: {  	v7 =	vld [tilespmem:s7+$0x5C30];
	v14 =	vadd.f32 v19, v18;
	v16 =	vadd.s32 v10, v20;
	v18 =	vshrl.u32 v15, $0x10  }
0x7e: {  	s8 =	simm.s32 $0x400;
	v13 =	vand.u32 $0xFFFF0000, v17;
	v10 =	vld [tilespmem:s7+$0x4870];
	v16 =	vadd.s32 $0x7FFF, v16;
	v17 =	vand.u32 $0x1, v18  }
.LBB2_3:
0x7f: {  	p1 =	sne.s32 s8, $0x4E00;
	v18 =	vld [tilespmem:s7+$0x5C70];
	v9 =	vshrl.u32 v9, $0x10;
	v15 =	vadd.s32 v17, v15;
	v17 =	vshrl.u32 v14, $0x10  }
0x80: {  	v11 =	vand.u32 $0xFFFF0000, v11;
	v19 =	vld [tilespmem:s7+$0x2000];
	v15 =	vadd.s32 $0x7FFF, v15;
	v17 =	vand.u32 $0x1, v17  }
0x81: {  	v12 =	vshrl.u32 v12, $0x10;
	v16 =	vand.u32 $0xFFFF0000, v16;
	v20 =	vld [tilespmem:s7+$0x3400];
	v14 =	vadd.s32 v17, v14  }
0x82: {  	v0 =	vor.u32 v0, v1;
	v17 =	vld [tilespmem:s7+$0x2040];
	v1 =	vadd.s32 $0x7FFF, v14;
	v14 =	vshrl.u32 v15, $0x10  }
0x83: {  	v15 =	vld [tilespmem:s7+$0x3440];
	[tilespmem:s18+$0xC000] =	vst v0;
	v0 =	vor.u32 v2, v3;
	v2 =	vor.u32 v4, v6;
	v1 =	vand.u32 $0xFFFF0000, v1  }
0x84: {  	v4 =	vadd.f32 v7, v5;
	v3 =	vld [tilespmem:s7+$0x4800];
	v5 =	vadd.f32 v18, v10;
	[tilespmem:s18+$0xC040] =	vst v0;
	v0 =	vor.u32 v8, v13  }
0x85: {  	v7 =	vor.u32 v12, v16;
	v1 =	vor.u32 v14, v1;
	v6 =	vld [tilespmem:s7+$0x5C00];
	[tilespmem:s18+$0xC010] =	vst v2;
	v2 =	vor.u32 v9, v11  }
0x86: {  	v10 =	vshrl.u32 v4, $0x10;
	v8 =	vadd.f32 v20, v19;
	v9 =	vld [tilespmem:s7+$0x4840];
	v11 =	vshrl.u32 v5, $0x10;
	[tilespmem:s18+$0xC050] =	vst v0  }
0x87: {  	v10 =	vand.u32 $0x1, v10;
	v0 =	vld [tilespmem:s7+$0x5C40];
	v11 =	vand.u32 $0x1, v11;
	[tilespmem:s18+$0xC020] =	vst v2  }
0x88: {  	v4 =	vadd.s32 v10, v4;
	v2 =	vadd.f32 v15, v17;
	v12 =	vld [tilespmem:s7+$0x2010];
	v5 =	vadd.s32 v11, v5;
	[tilespmem:s18+$0xC060] =	vst v7  }
0x89: {  	v7 =	vshrl.u32 v8, $0x10;
	v4 =	vadd.s32 $0x7FFF, v4;
	v10 =	vld [tilespmem:s7+$0x3410];
	v5 =	vadd.s32 $0x7FFF, v5;
	[tilespmem:s18+$0xC030] =	vst v1;
	s18 =	smov.u32 s7  }
0x8a: {  	v4 =	vshrl.u32 v4, $0x10;
	v1 =	vadd.f32 v6, v3;
	v3 =	vld [tilespmem:s18+$0x2050];
	v5 =	vand.u32 $0xFFFF0000, v5  }
0x8b: {  	v6 =	vand.u32 $0x1, v7;
	v7 =	vshrl.u32 v2, $0x10;
	v11 =	vld [tilespmem:s18+$0x3450];
	v4 =	vor.u32 v4, v5  }
0x8c: {  	v5 =	vand.u32 $0x1, v7;
	v0 =	vadd.f32 v0, v9;
	v7 =	vshrl.u32 v1, $0x10;
	v9 =	vld [tilespmem:s18+$0x4810];
	[tilespmem:s18+$0xC070] =	vst v4  }
0x8d: {  	v4 =	vadd.s32 v6, v8;
	v2 =	vadd.s32 v5, v2;
	v5 =	vand.u32 $0x1, v7;
	v6 =	vld [tilespmem:s18+$0x5C10]  }
0x8e: {  	v1 =	vadd.s32 v5, v1;
	v5 =	vshrl.u32 v0, $0x10;
	v7 =	vadd.f32 v10, v12;
	v8 =	vld [tilespmem:s18+$0x4850]  }
0x8f: {  	v4 =	vadd.s32 $0x7FFF, v4;
	v2 =	vadd.s32 $0x7FFF, v2;
	v5 =	vand.u32 $0x1, v5;
	v10 =	vld [tilespmem:s18+$0x5C50]  }
0x90: {  	v0 =	vadd.s32 v5, v0;
	v3 =	vadd.f32 v11, v3;
	v5 =	vshrl.u32 v7, $0x10;
	v11 =	vld [tilespmem:s18+$0x2020]  }
0x91: {  	v12 =	vadd.s32 $0x7FFF, v1;
	v13 =	vadd.s32 $0x7FFF, v0;
	v0 =	vand.u32 $0x1, v5;
	v5 =	vld [tilespmem:s18+$0x3420]  }
0x92: {  	v1 =	vadd.s32 v0, v7;
	v7 =	vshrl.u32 v3, $0x10;
	v6 =	vadd.f32 v6, v9;
	v9 =	vld [tilespmem:s18+$0x2060]  }
0x93: {  	v0 =	vshrl.u32 v4, $0x10;
	v4 =	vadd.s32 $0x7FFF, v1;
	v1 =	vand.u32 $0x1, v7;
	v7 =	vld [tilespmem:s18+$0x3460]  }
0x94: {  	v3 =	vadd.s32 v1, v3;
	v8 =	vadd.f32 v10, v8;
	v10 =	vshrl.u32 v6, $0x10;
	v14 =	vld [tilespmem:s18+$0x4820]  }
0x95: {  	v1 =	vand.u32 $0xFFFF0000, v2;
	v15 =	vadd.s32 $0x7FFF, v3;
	v2 =	vand.u32 $0x1, v10;
	v10 =	vld [tilespmem:s18+$0x5C20]  }
0x96: {  	v3 =	vadd.s32 v2, v6;
	v6 =	vshrl.u32 v8, $0x10;
	v5 =	vadd.f32 v5, v11;
	v11 =	vld [tilespmem:s18+$0x4860]  }
0x97: {  	v2 =	vshrl.u32 v12, $0x10;
	v12 =	vadd.s32 $0x7FFF, v3;
	v3 =	vand.u32 $0x1, v6;
	v6 =	vld [tilespmem:s18+$0x5C60]  }
0x98: {  	v8 =	vadd.s32 v3, v8;
	v7 =	vadd.f32 v7, v9;
	v9 =	vshrl.u32 v5, $0x10;
	v16 =	vld [tilespmem:s18+$0x2030]  }
0x99: {  	v3 =	vand.u32 $0xFFFF0000, v13;
	v13 =	vadd.s32 $0x7FFF, v8;
	v8 =	vand.u32 $0x1, v9;
	v17 =	vld [tilespmem:s18+$0x3430]  }
0x9a: {  	v5 =	vadd.s32 v8, v5;
	v8 =	vshrl.u32 v7, $0x10;
	v10 =	vadd.f32 v10, v14;
	v14 =	vld [tilespmem:s18+$0x2070]  }
0x9b: {  	v4 =	vshrl.u32 v4, $0x10;
	v9 =	vadd.s32 $0x7FFF, v5;
	v5 =	vand.u32 $0x1, v8;
	v18 =	vld [tilespmem:s18+$0x3470]  }
0x9c: {  	v5 =	vadd.s32 v5, v7;
	v19 =	vadd.f32 v6, v11;
	v7 =	vshrl.u32 v10, $0x10  }
.Ltmp0:
0x9d: {  	v6 =	vand.u32 $0xFFFF0000, v15;
	v11 =	vadd.s32 $0x7FFF, v5;
	v5 =	vand.u32 $0x1, v7;
	(pc) =	sbr.rel @p1 .LBB2_3-.Ltmp0, $4  }
0x9e: {  	s7 =	sshra.s32 s8, $0x2;
	v7 =	vadd.s32 v5, v10;
	v10 =	vshrl.u32 v19, $0x10;
	v15 =	vadd.f32 v17, v16  }
0x9f: {  	v8 =	vshrl.u32 v12, $0x10;
	v5 =	vld [tilespmem:s7+$0x4830];
	v12 =	vadd.s32 $0x7FFF, v7;
	v10 =	vand.u32 $0x1, v10  }
0xa0: {  	v7 =	vld [tilespmem:s7+$0x5C30];
	v16 =	vadd.s32 v10, v19;
	v14 =	vadd.f32 v18, v14;
	v17 =	vshrl.u32 v15, $0x10  }
0xa1: {  	s8 =	sadd.s32 $0x200, s8;
	v13 =	vand.u32 $0xFFFF0000, v13;
	v10 =	vld [tilespmem:s7+$0x4870];
	v16 =	vadd.s32 $0x7FFF, v16;
	v17 =	vand.u32 $0x1, v17  }
0xa2: {  	v18 =	vld [tilespmem:s7+$0x5C70]  }
0xa3: {  	v19 =	vld [tilespmem:s7+$0x2000]  }
0xa4: {  	v20 =	vld [tilespmem:s7+$0x3400]  }
0xa5: {  	v21 =	vld [tilespmem:s7+$0x2040];
	v0 =	vor.u32 v0, v1  }
0xa6: {  	v1 =	vld [tilespmem:s7+$0x3440];
	v8 =	vor.u32 v8, v13;
	v12 =	vshrl.u32 v12, $0x10;
	[tilespmem:s18+$0xC000] =	vst v0;
	v0 =	vor.u32 v2, v3  }
0xa7: {  	v2 =	vld [tilespmem:s7+$0x4800];
	[tilespmem:s18+$0xC040] =	vst v0;
	v0 =	vor.u32 v4, v6;
	v4 =	vshrl.u32 v9, $0x10;
	v6 =	vadd.s32 v17, v15  }
0xa8: {  	v9 =	vand.u32 $0xFFFF0000, v11;
	v3 =	vld [tilespmem:s7+$0x5C00];
	[tilespmem:s18+$0xC010] =	vst v0;
	v0 =	vshrl.u32 v14, $0x10;
	v6 =	vadd.s32 $0x7FFF, v6  }
0xa9: {  	v4 =	vor.u32 v4, v9;
	v5 =	vadd.f32 v7, v5;
	v0 =	vand.u32 $0x1, v0  }
0xaa: {  	v11 =	vld [tilespmem:s7+$0x4840];
	[tilespmem:s18+$0xC050] =	vst v8;
	v8 =	vand.u32 $0xFFFF0000, v16;
	v0 =	vadd.s32 v0, v14;
	v7 =	vadd.f32 v18, v10  }
0xab: {  	v9 =	vld [tilespmem:s7+$0x5C40];
	[tilespmem:s18+$0xC020] =	vst v4;
	v4 =	vshrl.u32 v6, $0x10;
	v6 =	vor.u32 v12, v8;
	v0 =	vadd.s32 $0x7FFF, v0  }
0xac: {  	v8 =	vld [tilespmem:s7+$0x2010];
	[tilespmem:s18+$0xC060] =	vst v6;
	v6 =	vadd.f32 v20, v19;
	v0 =	vand.u32 $0xFFFF0000, v0  }
0xad: {  	v10 =	vshrl.u32 v7, $0x10;
	v0 =	vor.u32 v4, v0;
	v4 =	vshrl.u32 v5, $0x10  }
0xae: {  	v1 =	vadd.f32 v1, v21;
	v10 =	vand.u32 $0x1, v10;
	v4 =	vand.u32 $0x1, v4  }
0xaf: {  	v12 =	vld [tilespmem:s7+$0x3410];
	v2 =	vadd.f32 v3, v2;
	[tilespmem:s18+$0xC030] =	vst v0;
	v0 =	vshrl.u32 v6, $0x10;
	v4 =	vadd.s32 v4, v5  }
0xb0: {  	v5 =	vadd.s32 v10, v7;
	v0 =	vand.u32 $0x1, v0;
	v10 =	vshrl.u32 v1, $0x10  }
0xb1: {  	v9 =	vadd.f32 v9, v11;
	v11 =	vshrl.u32 v2, $0x10;
	v4 =	vadd.s32 $0x7FFF, v4  }
0xb2: {  	v7 =	vld [tilespmem:s7+$0x2050];
	v5 =	vadd.s32 $0x7FFF, v5;
	v10 =	vand.u32 $0x1, v10;
	v0 =	vadd.s32 v0, v6  }
0xb3: {  	v3 =	vshrl.u32 v4, $0x10;
	v4 =	vand.u32 $0xFFFF0000, v5;
	v5 =	vld [tilespmem:s7+$0x3450];
	v1 =	vadd.s32 v10, v1  }
0xb4: {  	v6 =	vld [tilespmem:s7+$0x5C10];
	v8 =	vadd.f32 v12, v8;
	v0 =	vadd.s32 $0x7FFF, v0;
	v3 =	vor.u32 v3, v4  }
0xb5: {  	v4 =	vld [tilespmem:s7+$0x4810];
	v1 =	vadd.s32 $0x7FFF, v1;
	v0 =	vshrl.u32 v0, $0x10;
	[tilespmem:s7+$0xC070] =	vst v3;
	v3 =	vand.u32 $0x1, v11  }
0xb6: {  	v10 =	vld [tilespmem:s7+$0x4850];
	v1 =	vand.u32 $0xFFFF0000, v1;
	v2 =	vadd.s32 v3, v2;
	v3 =	vshrl.u32 v9, $0x10  }
0xb7: {  	v11 =	vld [tilespmem:s7+$0x5C50];
	v0 =	vor.u32 v0, v1;
	v3 =	vand.u32 $0x1, v3  }
0xb8: {  	v12 =	vld [tilespmem:s7+$0x3420];
	v3 =	vadd.s32 v3, v9;
	v5 =	vadd.f32 v5, v7;
	v7 =	vshrl.u32 v8, $0x10  }
0xb9: {  	v2 =	vadd.s32 $0x7FFF, v2;
	v9 =	vld [tilespmem:s7+$0x2020];
	v3 =	vadd.s32 $0x7FFF, v3;
	v7 =	vand.u32 $0x1, v7  }
0xba: {  	v13 =	vld [tilespmem:s7+$0x3460];
	v4 =	vadd.f32 v6, v4;
	v7 =	vadd.s32 v7, v8;
	v8 =	vshrl.u32 v5, $0x10  }
0xbb: {  	v2 =	vshrl.u32 v2, $0x10;
	v6 =	vld [tilespmem:s7+$0x2060];
	v3 =	vand.u32 $0xFFFF0000, v3;
	v8 =	vand.u32 $0x1, v8  }
0xbc: {  	v14 =	vld [tilespmem:s7+$0x5C20];
	v5 =	vadd.s32 v8, v5;
	v8 =	vadd.f32 v11, v10;
	v10 =	vshrl.u32 v4, $0x10  }
0xbd: {  	[tilespmem:s7+$0xC000] =	vst v0;
	v7 =	vadd.s32 $0x7FFF, v7;
	v0 =	vor.u32 v2, v3;
	v11 =	vld [tilespmem:s7+$0x4820];
	v10 =	vand.u32 $0x1, v10  }
0xbe: {  	v15 =	vld [tilespmem:s7+$0x5C60];
	v9 =	vadd.f32 v12, v9;
	v4 =	vadd.s32 v10, v4;
	v10 =	vshrl.u32 v8, $0x10  }
0xbf: {  	v7 =	vshrl.u32 v7, $0x10;
	v5 =	vadd.s32 $0x7FFF, v5;
	v12 =	vld [tilespmem:s7+$0x4860];
	v10 =	vand.u32 $0x1, v10  }
0xc0: {  	v16 =	vld [tilespmem:s7+$0x3430];
	v6 =	vadd.f32 v13, v6;
	v8 =	vadd.s32 v10, v8;
	v10 =	vshrl.u32 v9, $0x10  }
0xc1: {  	v17 =	vld [tilespmem:s7+$0x3470];
	v5 =	vand.u32 $0xFFFF0000, v5;
	v4 =	vadd.s32 $0x7FFF, v4;
	v10 =	vand.u32 $0x1, v10  }
0xc2: {  	v13 =	vld [tilespmem:s7+$0x2030];
	v11 =	vadd.f32 v14, v11;
	v9 =	vadd.s32 v10, v9;
	v10 =	vshrl.u32 v6, $0x10  }
0xc3: {  	v3 =	vor.u32 v7, v5;
	v8 =	vadd.s32 $0x7FFF, v8;
	v14 =	vld [tilespmem:s7+$0x2070];
	v10 =	vand.u32 $0x1, v10  }
0xc4: {  	v6 =	vadd.s32 v10, v6;
	v10 =	vadd.f32 v15, v12;
	v12 =	vshrl.u32 v11, $0x10  }
0xc5: {  	v4 =	vshrl.u32 v4, $0x10;
	v8 =	vand.u32 $0xFFFF0000, v8;
	v12 =	vand.u32 $0x1, v12  }
0xc6: {  	v9 =	vadd.s32 $0x7FFF, v9;
	v11 =	vadd.s32 v12, v11;
	v12 =	vshrl.u32 v10, $0x10  }
0xc7: {  	v13 =	vadd.f32 v16, v13;
	v4 =	vor.u32 v4, v8;
	v12 =	vand.u32 $0x1, v12  }
0xc8: {  	v6 =	vadd.s32 $0x7FFF, v6;
	v10 =	vadd.s32 v12, v10;
	v12 =	vadd.f32 v17, v14  }
0xc9: {  	v9 =	vshrl.u32 v9, $0x10;
	v6 =	vand.u32 $0xFFFF0000, v6;
	v11 =	vadd.s32 $0x7FFF, v11  }
0xca: {  	v5 =	vor.u32 v9, v6;
	v14 =	vshrl.u32 v13, $0x10;
	v1 =	vshrl.u32 v12, $0x10  }
0xcb: {  	[tilespmem:s7+$0xC040] =	vst v0;
	v0 =	vshrl.u32 v11, $0x10;
	v14 =	vand.u32 $0x1, v14;
	v1 =	vand.u32 $0x1, v1  }
0xcc: {  	[tilespmem:s7+$0xC010] =	vst v3;
	v10 =	vadd.s32 $0x7FFF, v10;
	v13 =	vadd.s32 v14, v13;
	v1 =	vadd.s32 v1, v12  }
0xcd: {  	[tilespmem:s7+$0xC050] =	vst v4;
	v3 =	vand.u32 $0xFFFF0000, v10;
	v2 =	vadd.s32 $0x7FFF, v13;
	v1 =	vadd.s32 $0x7FFF, v1  }
0xce: {  	s8 =	sadd.s32 s6, s17;
	[tilespmem:s7+$0xC020] =	vst v5;
	v0 =	vor.u32 v0, v3;
	v2 =	vshrl.u32 v2, $0x10;
	v1 =	vand.u32 $0xFFFF0000, v1  }
0xcf: {  	s8 =	sshll.u32 s8, $0x4;
	[tilespmem:s7+$0xC060] =	vst v0;
	v1 =	vor.u32 v2, v1  }
0xd0: {  	p1 =	seq.s32 s29, $0x18;
	s18 =	sadd.s32 s5, s8;
	[tilespmem:s7+$0xC030] =	vst v1  }
0xd1: {  	[hbm4b:s18+s3] =	stream.linear.scatter [tilespmem:s20], [sflag:$0x3], $0x1400, $0x38;
	[tilespmem:$0xE800] =	vst v63  }
0xd2: {  	s8 =	simm.s32 @!p1 $0x28;
	s7 =	sadd.s32 @!p1 $0x50, s17;
	s18 =	simm.s32 @!p1 $0x2000  }
0xd3: {  	[tilespmem:s18], [sflag:$0x1] =	stream.indirect.gather @!p1 [hbm4b:s1+s8], $0x80, s7, s8, $0xb8;
	[tilespmem:$0xE800] =	vst v63  }
0xd4: {  	s7 =	sadd.s32 @!p1 $0x850, s17;
	s18 =	simm.s32 @!p1 $0x3400  }
0xd5: {  	[tilespmem:s18], [sflag:$0x1] =	stream.indirect.gather @!p1 [hbm4b:s4+s8], $0x80, s7, s8, $0xb8;
	[tilespmem:$0xE800] =	vst v63  }
0xd6: {  	s7 =	sadd.s32 @!p1 $0x1050, s17;
	s18 =	simm.s32 @!p1 $0x4800  }
0xd7: {  	[tilespmem:s18], [sflag:$0x1] =	stream.indirect.gather @!p1 [hbm4b:s1+s8], $0x80, s7, s8, $0xb8;
	[tilespmem:$0xE800] =	vst v63  }
0xd8: {  	s7 =	sadd.s32 @!p1 $0x1850, s17;
	s17 =	simm.s32 @!p1 $0x5C00  }
0xd9: {  	[tilespmem:s17], [sflag:$0x1] =	stream.indirect.gather @!p1 [hbm4b:s4+s8], $0x80, s7, s8, $0xb8;
	[tilespmem:$0xE800] =	vst v63  }
0xda: {  	_ =	swait.ge [sflag:s21], $0x1400  }
0xdb: {  	[sflag:s21] =	ssyncset.done $0x0  }
0xdc: {  	[sflag:s21] =	ssyncadd.s32 $0xFFFFEC00  }
0xdd: {  	_ =	swait.ge [sflag:s21], $0x1400  }
0xde: {  	[sflag:s21] =	ssyncset.done $0x0  }
0xdf: {  	[sflag:s21] =	ssyncadd.s32 $0xFFFFEC00  }
0xe0: {  	_ =	swait.ge [sflag:s21], $0x1400  }
0xe1: {  	[sflag:s21] =	ssyncset.done $0x0  }
0xe2: {  	[sflag:s21] =	ssyncadd.s32 $0xFFFFEC00  }
0xe3: {  	_ =	swait.ge [sflag:s21], $0x1400  }
0xe4: {  	[sflag:s21] =	ssyncset.done $0x0  }
0xe5: {  	s7 =	simm.s32 @!p0 $0x4;
	[sflag:s21] =	ssyncadd.s32 $0xFFFFEC00  }
0xe6: {  	_ =	swait.ge @!p0 [sflag:s7], $0x1400  }
0xe7: {  	[sflag:s7] =	ssyncset.done @!p0 $0x0  }
0xe8: {  	s17 =	simm.s32 $0x0;
	[sflag:s7] =	ssyncadd.s32 @!p0 $0xFFFFEC00  }
0xe9: {  	v0 =	vld [tilespmem:s17+$0x9830]  }
0xea: {  	v1 =	vld [tilespmem:s17+$0xAC30]  }
0xeb: {  	v2 =	vld [tilespmem:s17+$0x9870]  }
0xec: {  	v3 =	vld [tilespmem:s17+$0xAC70]  }
0xed: {  	v4 =	vld [tilespmem:s17+$0x7000]  }
0xee: {  	v5 =	vld [tilespmem:s17+$0x8400]  }
0xef: {  	v6 =	vld [tilespmem:s17+$0x7040]  }
0xf0: {  	v7 =	vld [tilespmem:s17+$0x8440];
	_ =	sdelay $0x2  }
0xf1: {  	v8 =	vld [tilespmem:s17+$0x9800];
	v0 =	vadd.f32 v1, v0  }
0xf2: {  	v1 =	vadd.f32 v3, v2;
	v2 =	vld [tilespmem:s17+$0xAC00];
	v4 =	vadd.f32 v5, v4  }
0xf3: {  	v11 =	vld [tilespmem:s17+$0xAC40];
	v6 =	vadd.f32 v7, v6  }
0xf4: {  	v3 =	vld [tilespmem:s17+$0x9840];
	v9 =	vshrl.u32 v0, $0x10;
	v10 =	vshrl.u32 v1, $0x10;
	v7 =	vshrl.u32 v4, $0x10  }
0xf5: {  	v12 =	vshrl.u32 v6, $0x10;
	v5 =	vand.u32 $0x1, v9;
	v9 =	vand.u32 $0x1, v10;
	v10 =	vld [tilespmem:s17+$0x7010]  }
0xf6: {  	v7 =	vand.u32 $0x1, v7;
	v0 =	vadd.s32 v5, v0;
	v1 =	vadd.s32 v9, v1;
	v5 =	vld [tilespmem:s17+$0x8410]  }
0xf7: {  	v9 =	vld [tilespmem:s17+$0x7050];
	v0 =	vadd.s32 $0x7FFF, v0;
	v1 =	vadd.s32 $0x7FFF, v1;
	v2 =	vadd.f32 v2, v8  }
0xf8: {  	v12 =	vand.u32 $0x1, v12;
	v8 =	vld [tilespmem:s17+$0x8450];
	v0 =	vshrl.u32 v0, $0x10;
	v1 =	vand.u32 $0xFFFF0000, v1  }
0xf9: {  	v3 =	vadd.f32 v11, v3;
	v0 =	vor.u32 v0, v1;
	v1 =	vld [tilespmem:s17+$0x9810];
	v11 =	vshrl.u32 v2, $0x10  }
0xfa: {  	[tilespmem:s17+$0xD470] =	vst v0;
	v0 =	vadd.s32 v7, v4;
	v4 =	vadd.s32 v12, v6;
	v6 =	vand.u32 $0x1, v11;
	v7 =	vld [tilespmem:s17+$0xAC10]  }
0xfb: {  	v11 =	vld [tilespmem:s17+$0xAC50];
	v2 =	vadd.s32 v6, v2;
	v6 =	vshrl.u32 v3, $0x10;
	v5 =	vadd.f32 v5, v10  }
0xfc: {  	v10 =	vld [tilespmem:s17+$0x9850];
	v0 =	vadd.s32 $0x7FFF, v0;
	v4 =	vadd.s32 $0x7FFF, v4;
	v6 =	vand.u32 $0x1, v6  }
0xfd: {  	v12 =	vld [tilespmem:s17+$0x8420];
	v3 =	vadd.s32 v6, v3;
	v6 =	vadd.f32 v8, v9;
	v8 =	vshrl.u32 v5, $0x10  }
0xfe: {  	v2 =	vadd.s32 $0x7FFF, v2;
	v0 =	vshrl.u32 v0, $0x10;
	v9 =	vld [tilespmem:s17+$0x7020];
	v8 =	vand.u32 $0x1, v8  }
0xff: {  	v13 =	vld [tilespmem:s17+$0x7060];
	v5 =	vadd.s32 v8, v5;
	v8 =	vshrl.u32 v6, $0x10;
	v7 =	vadd.f32 v7, v1  }
0x100: {  	v2 =	vshrl.u32 v2, $0x10;
	v3 =	vadd.s32 $0x7FFF, v3;
	v1 =	vand.u32 $0x1, v8;
	v8 =	vld [tilespmem:s17+$0x8460]  }
0x101: {  	v14 =	vld [tilespmem:s17+$0x9820];
	v3 =	vand.u32 $0xFFFF0000, v3;
	v10 =	vadd.f32 v11, v10;
	v11 =	vshrl.u32 v7, $0x10  }
0x102: {  	v6 =	vadd.s32 v1, v6;
	v1 =	vand.u32 $0xFFFF0000, v4;
	v4 =	vand.u32 $0x1, v11;
	v11 =	vld [tilespmem:s17+$0xAC20]  }
0x103: {  	v9 =	vadd.f32 v12, v9;
	v12 =	vld [tilespmem:s17+$0x9860];
	v4 =	vadd.s32 v4, v7;
	v7 =	vshrl.u32 v10, $0x10  }
0x104: {  	v5 =	vadd.s32 $0x7FFF, v5;
	v16 =	vadd.s32 $0x7FFF, v4;
	v4 =	vand.u32 $0x1, v7;
	v7 =	vld [tilespmem:s17+$0xAC60]  }
0x105: {  	v4 =	vadd.s32 v4, v10;
	v8 =	vadd.f32 v8, v13;
	v10 =	vshrl.u32 v9, $0x10;
	v13 =	vld [tilespmem:s17+$0x7030]  }
0x106: {  	v6 =	vadd.s32 $0x7FFF, v6;
	v17 =	vadd.s32 $0x7FFF, v4;
	v4 =	vand.u32 $0x1, v10;
	v10 =	vld [tilespmem:s17+$0x8430]  }
0x107: {  	v18 =	vld [tilespmem:s17+$0x7070];
	v6 =	vand.u32 $0xFFFF0000, v6;
	v15 =	vshrl.u32 v8, $0x10;
	v14 =	vadd.f32 v11, v14  }
0x108: {  	v19 =	vld [tilespmem:s17+$0x8470];
	v9 =	vadd.s32 v4, v9;
	v4 =	vshrl.u32 v5, $0x10;
	v5 =	vand.u32 $0x1, v15  }
0x109: {  	v5 =	vadd.s32 v5, v8;
	v63 =	vadd.f32 v7, v12;
	v7 =	vshrl.u32 v14, $0x10  }
0x10a: {  	v9 =	vadd.s32 $0x7FFF, v9;
	v11 =	vadd.s32 $0x7FFF, v5;
	v5 =	vand.u32 $0x1, v7  }
0x10b: {  	s7 =	simm.s32 $0x80;
	v7 =	vadd.s32 v5, v14;
	v14 =	vshrl.u32 v63, $0x10;
	v15 =	vadd.f32 v10, v13  }
0x10c: {  	v8 =	vshrl.u32 v16, $0x10;
	v5 =	vld [tilespmem:s7+$0x9830];
	v12 =	vadd.s32 $0x7FFF, v7;
	v10 =	vand.u32 $0x1, v14  }
0x10d: {  	v7 =	vld [tilespmem:s7+$0xAC30];
	v14 =	vadd.f32 v19, v18;
	v16 =	vadd.s32 v10, v63;
	v18 =	vshrl.u32 v15, $0x10  }
0x10e: {  	s8 =	simm.s32 $0x400;
	v13 =	vand.u32 $0xFFFF0000, v17;
	v10 =	vld [tilespmem:s7+$0x9870];
	v16 =	vadd.s32 $0x7FFF, v16;
	v17 =	vand.u32 $0x1, v18  }
.LBB2_5:
0x10f: {  	p0 =	sne.s32 s8, $0x4E00;
	v18 =	vld [tilespmem:s7+$0xAC70];
	v9 =	vshrl.u32 v9, $0x10;
	v15 =	vadd.s32 v17, v15;
	v17 =	vshrl.u32 v14, $0x10  }
0x110: {  	v11 =	vand.u32 $0xFFFF0000, v11;
	v19 =	vld [tilespmem:s7+$0x7000];
	v15 =	vadd.s32 $0x7FFF, v15;
	v17 =	vand.u32 $0x1, v17  }
0x111: {  	v12 =	vshrl.u32 v12, $0x10;
	v16 =	vand.u32 $0xFFFF0000, v16;
	v20 =	vld [tilespmem:s7+$0x8400];
	v14 =	vadd.s32 v17, v14  }
0x112: {  	v0 =	vor.u32 v0, v1;
	v17 =	vld [tilespmem:s7+$0x7040];
	v1 =	vadd.s32 $0x7FFF, v14;
	v14 =	vshrl.u32 v15, $0x10  }
0x113: {  	v15 =	vld [tilespmem:s7+$0x8440];
	[tilespmem:s17+$0xD400] =	vst v0;
	v0 =	vor.u32 v2, v3;
	v2 =	vor.u32 v4, v6;
	v1 =	vand.u32 $0xFFFF0000, v1  }
0x114: {  	v4 =	vadd.f32 v7, v5;
	v3 =	vld [tilespmem:s7+$0x9800];
	v5 =	vadd.f32 v18, v10;
	[tilespmem:s17+$0xD440] =	vst v0;
	v0 =	vor.u32 v8, v13  }
0x115: {  	v7 =	vor.u32 v12, v16;
	v1 =	vor.u32 v14, v1;
	v6 =	vld [tilespmem:s7+$0xAC00];
	[tilespmem:s17+$0xD410] =	vst v2;
	v2 =	vor.u32 v9, v11  }
0x116: {  	v10 =	vshrl.u32 v4, $0x10;
	v8 =	vadd.f32 v20, v19;
	v9 =	vld [tilespmem:s7+$0x9840];
	v11 =	vshrl.u32 v5, $0x10;
	[tilespmem:s17+$0xD450] =	vst v0  }
0x117: {  	v10 =	vand.u32 $0x1, v10;
	v0 =	vld [tilespmem:s7+$0xAC40];
	v11 =	vand.u32 $0x1, v11;
	[tilespmem:s17+$0xD420] =	vst v2  }
0x118: {  	v4 =	vadd.s32 v10, v4;
	v2 =	vadd.f32 v15, v17;
	v12 =	vld [tilespmem:s7+$0x7010];
	v5 =	vadd.s32 v11, v5;
	[tilespmem:s17+$0xD460] =	vst v7  }
0x119: {  	v7 =	vshrl.u32 v8, $0x10;
	v4 =	vadd.s32 $0x7FFF, v4;
	v10 =	vld [tilespmem:s7+$0x8410];
	v5 =	vadd.s32 $0x7FFF, v5;
	[tilespmem:s17+$0xD430] =	vst v1;
	s17 =	smov.u32 s7  }
0x11a: {  	v4 =	vshrl.u32 v4, $0x10;
	v1 =	vadd.f32 v6, v3;
	v3 =	vld [tilespmem:s17+$0x7050];
	v5 =	vand.u32 $0xFFFF0000, v5  }
0x11b: {  	v6 =	vand.u32 $0x1, v7;
	v7 =	vshrl.u32 v2, $0x10;
	v11 =	vld [tilespmem:s17+$0x8450];
	v4 =	vor.u32 v4, v5  }
0x11c: {  	v5 =	vand.u32 $0x1, v7;
	v0 =	vadd.f32 v0, v9;
	v7 =	vshrl.u32 v1, $0x10;
	v9 =	vld [tilespmem:s17+$0x9810];
	[tilespmem:s17+$0xD470] =	vst v4  }
0x11d: {  	v4 =	vadd.s32 v6, v8;
	v2 =	vadd.s32 v5, v2;
	v5 =	vand.u32 $0x1, v7;
	v6 =	vld [tilespmem:s17+$0xAC10]  }
0x11e: {  	v1 =	vadd.s32 v5, v1;
	v5 =	vshrl.u32 v0, $0x10;
	v7 =	vadd.f32 v10, v12;
	v8 =	vld [tilespmem:s17+$0x9850]  }
0x11f: {  	v4 =	vadd.s32 $0x7FFF, v4;
	v2 =	vadd.s32 $0x7FFF, v2;
	v5 =	vand.u32 $0x1, v5;
	v10 =	vld [tilespmem:s17+$0xAC50]  }
0x120: {  	v0 =	vadd.s32 v5, v0;
	v3 =	vadd.f32 v11, v3;
	v5 =	vshrl.u32 v7, $0x10;
	v11 =	vld [tilespmem:s17+$0x7020]  }
0x121: {  	v12 =	vadd.s32 $0x7FFF, v1;
	v13 =	vadd.s32 $0x7FFF, v0;
	v0 =	vand.u32 $0x1, v5;
	v5 =	vld [tilespmem:s17+$0x8420]  }
0x122: {  	v1 =	vadd.s32 v0, v7;
	v7 =	vshrl.u32 v3, $0x10;
	v6 =	vadd.f32 v6, v9;
	v9 =	vld [tilespmem:s17+$0x7060]  }
0x123: {  	v0 =	vshrl.u32 v4, $0x10;
	v4 =	vadd.s32 $0x7FFF, v1;
	v1 =	vand.u32 $0x1, v7;
	v7 =	vld [tilespmem:s17+$0x8460]  }
0x124: {  	v3 =	vadd.s32 v1, v3;
	v8 =	vadd.f32 v10, v8;
	v10 =	vshrl.u32 v6, $0x10;
	v14 =	vld [tilespmem:s17+$0x9820]  }
0x125: {  	v1 =	vand.u32 $0xFFFF0000, v2;
	v15 =	vadd.s32 $0x7FFF, v3;
	v2 =	vand.u32 $0x1, v10;
	v10 =	vld [tilespmem:s17+$0xAC20]  }
0x126: {  	v3 =	vadd.s32 v2, v6;
	v6 =	vshrl.u32 v8, $0x10;
	v5 =	vadd.f32 v5, v11;
	v11 =	vld [tilespmem:s17+$0x9860]  }
0x127: {  	v2 =	vshrl.u32 v12, $0x10;
	v12 =	vadd.s32 $0x7FFF, v3;
	v3 =	vand.u32 $0x1, v6;
	v6 =	vld [tilespmem:s17+$0xAC60]  }
0x128: {  	v8 =	vadd.s32 v3, v8;
	v7 =	vadd.f32 v7, v9;
	v9 =	vshrl.u32 v5, $0x10;
	v16 =	vld [tilespmem:s17+$0x7030]  }
0x129: {  	v3 =	vand.u32 $0xFFFF0000, v13;
	v13 =	vadd.s32 $0x7FFF, v8;
	v8 =	vand.u32 $0x1, v9;
	v17 =	vld [tilespmem:s17+$0x8430]  }
0x12a: {  	v5 =	vadd.s32 v8, v5;
	v8 =	vshrl.u32 v7, $0x10;
	v10 =	vadd.f32 v10, v14;
	v14 =	vld [tilespmem:s17+$0x7070]  }
0x12b: {  	v4 =	vshrl.u32 v4, $0x10;
	v9 =	vadd.s32 $0x7FFF, v5;
	v5 =	vand.u32 $0x1, v8;
	v18 =	vld [tilespmem:s17+$0x8470]  }
0x12c: {  	v5 =	vadd.s32 v5, v7;
	v19 =	vadd.f32 v6, v11;
	v7 =	vshrl.u32 v10, $0x10  }
.Ltmp1:
0x12d: {  	v6 =	vand.u32 $0xFFFF0000, v15;
	v11 =	vadd.s32 $0x7FFF, v5;
	v5 =	vand.u32 $0x1, v7;
	(pc) =	sbr.rel @p0 .LBB2_5-.Ltmp1, $4  }
0x12e: {  	s7 =	sshra.s32 s8, $0x2;
	v7 =	vadd.s32 v5, v10;
	v10 =	vshrl.u32 v19, $0x10;
	v15 =	vadd.f32 v17, v16  }
0x12f: {  	v8 =	vshrl.u32 v12, $0x10;
	v5 =	vld [tilespmem:s7+$0x9830];
	v12 =	vadd.s32 $0x7FFF, v7;
	v10 =	vand.u32 $0x1, v10  }
0x130: {  	v7 =	vld [tilespmem:s7+$0xAC30];
	v16 =	vadd.s32 v10, v19;
	v14 =	vadd.f32 v18, v14;
	v17 =	vshrl.u32 v15, $0x10  }
0x131: {  	s8 =	sadd.s32 $0x200, s8;
	v13 =	vand.u32 $0xFFFF0000, v13;
	v10 =	vld [tilespmem:s7+$0x9870];
	v16 =	vadd.s32 $0x7FFF, v16;
	v17 =	vand.u32 $0x1, v17  }
0x132: {  	v18 =	vld [tilespmem:s7+$0xAC70]  }
0x133: {  	v19 =	vld [tilespmem:s7+$0x7000]  }
0x134: {  	v20 =	vld [tilespmem:s7+$0x8400]  }
0x135: {  	v21 =	vld [tilespmem:s7+$0x7040];
	v0 =	vor.u32 v0, v1;
	v49 =	vor.u32 v2, v3;
	v51 =	vor.u32 v4, v6  }
0x136: {  	v48 =	vld [tilespmem:s7+$0x8440];
	v53 =	vshrl.u32 v9, $0x10;
	v54 =	vadd.s32 v17, v15;
	v55 =	vshrl.u32 v14, $0x10;
	[tilespmem:s17+$0xD400] =	vst v0  }
0x137: {  	v56 =	vand.u32 $0xFFFF0000, v11;
	v8 =	vor.u32 v8, v13;
	v0 =	vand.u32 $0x1, v55;
	v50 =	vld [tilespmem:s7+$0x9800];
	[tilespmem:s17+$0xD440] =	vst v49  }
0x138: {  	v12 =	vshrl.u32 v12, $0x10;
	v58 =	vand.u32 $0xFFFF0000, v16;
	v0 =	vadd.s32 v0, v14;
	v52 =	vld [tilespmem:s7+$0xAC00];
	[tilespmem:s17+$0xD410] =	vst v51  }
0x139: {  	v6 =	vadd.s32 $0x7FFF, v54;
	v4 =	vor.u32 v53, v56;
	v0 =	vadd.s32 $0x7FFF, v0;
	v57 =	vld [tilespmem:s7+$0x9840];
	[tilespmem:s17+$0xD450] =	vst v8  }
0x13a: {  	v62 =	vor.u32 v12, v58;
	v61 =	vshrl.u32 v6, $0x10;
	v0 =	vand.u32 $0xFFFF0000, v0;
	v59 =	vld [tilespmem:s7+$0xAC40];
	[tilespmem:s17+$0xD420] =	vst v4  }
0x13b: {  	v0 =	vor.u32 v61, v0;
	v63 =	vld [tilespmem:s7+$0x7010];
	[tilespmem:s17+$0xD460] =	vst v62  }
0x13c: {  	v60 =	vadd.f32 v18, v10;
	v18 =	vld [tilespmem:s7+$0x8410];
	[tilespmem:s17+$0xD430] =	vst v0  }
0x13d: {  	v1 =	vadd.f32 v48, v21;
	v21 =	vld [tilespmem:s7+$0x7050]  }
0x13e: {  	v24 =	vld [tilespmem:s7+$0x8450]  }
0x13f: {  	v26 =	vld [tilespmem:s7+$0x9810]  }
0x140: {  	v29 =	vld [tilespmem:s7+$0xAC10]  }
0x141: {  	v31 =	vld [tilespmem:s7+$0x9850]  }
0x142: {  	v32 =	vld [tilespmem:s7+$0xAC50]  }
0x143: {  	v5 =	vadd.f32 v7, v5;
	v34 =	vld [tilespmem:s7+$0x7020]  }
0x144: {  	v37 =	vld [tilespmem:s7+$0x7060]  }
0x145: {  	v16 =	vshrl.u32 v5, $0x10;
	v17 =	vadd.f32 v20, v19;
	v38 =	vld [tilespmem:s7+$0x8460]  }
0x146: {  	v4 =	vand.u32 $0x1, v16;
	v10 =	vshrl.u32 v60, $0x10;
	v41 =	vld [tilespmem:s7+$0x9820]  }
0x147: {  	v4 =	vadd.s32 v4, v5;
	v20 =	vshrl.u32 v17, $0x10;
	v25 =	vshrl.u32 v1, $0x10;
	v42 =	vld [tilespmem:s7+$0xAC20]  }
0x148: {  	v10 =	vand.u32 $0x1, v10;
	v4 =	vadd.s32 $0x7FFF, v4;
	v2 =	vadd.f32 v52, v50;
	v44 =	vld [tilespmem:s7+$0x9860]  }
0x149: {  	v0 =	vand.u32 $0x1, v20;
	v45 =	vld [tilespmem:s7+$0xAC60];
	v19 =	vadd.s32 v10, v60;
	v22 =	vshrl.u32 v4, $0x10  }
0x14a: {  	v47 =	vld [tilespmem:s7+$0x7030];
	v10 =	vand.u32 $0x1, v25;
	v0 =	vadd.s32 v0, v17;
	v5 =	vadd.s32 $0x7FFF, v19  }
0x14b: {  	v48 =	vld [tilespmem:s7+$0x8430];
	v9 =	vadd.f32 v59, v57;
	v27 =	vshrl.u32 v2, $0x10;
	v1 =	vadd.s32 v10, v1  }
0x14c: {  	v50 =	vld [tilespmem:s7+$0x7070];
	v0 =	vadd.s32 $0x7FFF, v0;
	v23 =	vand.u32 $0xFFFF0000, v5;
	v28 =	vand.u32 $0x1, v27  }
0x14d: {  	v51 =	vld [tilespmem:s7+$0x8470];
	v1 =	vadd.s32 $0x7FFF, v1;
	v0 =	vshrl.u32 v0, $0x10;
	v3 =	vor.u32 v22, v23  }
0x14e: {  	v35 =	vld [tilespmem:s7+$0x8420];
	v2 =	vadd.s32 v28, v2;
	v30 =	vshrl.u32 v9, $0x10;
	v8 =	vadd.f32 v18, v63  }
0x14f: {  	v1 =	vand.u32 $0xFFFF0000, v1;
	v5 =	vadd.f32 v24, v21;
	v4 =	vadd.f32 v29, v26  }
0x150: {  	[tilespmem:s7+$0xD470] =	vst v3;
	v3 =	vand.u32 $0x1, v30;
	v39 =	vadd.f32 v32, v31;
	v6 =	vadd.f32 v38, v37  }
0x151: {  	v2 =	vadd.s32 $0x7FFF, v2;
	v11 =	vadd.f32 v42, v41;
	v52 =	vadd.f32 v45, v44  }
0x152: {  	v13 =	vadd.f32 v48, v47;
	v55 =	vadd.f32 v51, v50;
	v0 =	vor.u32 v0, v1  }
0x153: {  	v3 =	vadd.s32 v3, v9;
	v33 =	vshrl.u32 v8, $0x10;
	v9 =	vadd.f32 v35, v34  }
0x154: {  	v2 =	vshrl.u32 v2, $0x10;
	v3 =	vadd.s32 $0x7FFF, v3;
	v7 =	vand.u32 $0x1, v33  }
0x155: {  	v36 =	vshrl.u32 v5, $0x10;
	v40 =	vshrl.u32 v4, $0x10;
	v43 =	vshrl.u32 v39, $0x10  }
0x156: {  	v49 =	vshrl.u32 v6, $0x10;
	v53 =	vshrl.u32 v11, $0x10;
	v54 =	vshrl.u32 v52, $0x10  }
0x157: {  	v56 =	vshrl.u32 v13, $0x10;
	v57 =	vshrl.u32 v55, $0x10;
	v7 =	vadd.s32 v7, v8  }
0x158: {  	v8 =	vand.u32 $0x1, v36;
	v10 =	vand.u32 $0x1, v40;
	v46 =	vshrl.u32 v9, $0x10  }
0x159: {  	v3 =	vand.u32 $0xFFFF0000, v3;
	v12 =	vand.u32 $0x1, v53;
	v14 =	vand.u32 $0x1, v56  }
0x15a: {  	v1 =	vand.u32 $0x1, v57;
	v7 =	vadd.s32 $0x7FFF, v7;
	v5 =	vadd.s32 v8, v5  }
0x15b: {  	v4 =	vadd.s32 v10, v4;
	v10 =	vand.u32 $0x1, v43;
	v11 =	vadd.s32 v12, v11  }
0x15c: {  	v12 =	vand.u32 $0x1, v54;
	v13 =	vadd.s32 v14, v13;
	v58 =	vor.u32 v2, v3  }
0x15d: {  	v1 =	vadd.s32 v1, v55;
	v5 =	vadd.s32 $0x7FFF, v5;
	v4 =	vadd.s32 $0x7FFF, v4  }
0x15e: {  	v8 =	vadd.s32 v10, v39;
	v10 =	vand.u32 $0x1, v46;
	v7 =	vshrl.u32 v7, $0x10  }
0x15f: {  	v11 =	vadd.s32 $0x7FFF, v11;
	v59 =	vadd.s32 $0x7FFF, v13;
	v1 =	vadd.s32 $0x7FFF, v1  }
0x160: {  	v8 =	vadd.s32 $0x7FFF, v8;
	v9 =	vadd.s32 v10, v9;
	v10 =	vand.u32 $0x1, v49  }
0x161: {  	v5 =	vand.u32 $0xFFFF0000, v5;
	v4 =	vshrl.u32 v4, $0x10;
	v2 =	vshrl.u32 v59, $0x10  }
0x162: {  	[tilespmem:s7+$0xD400] =	vst v0;
	v1 =	vand.u32 $0xFFFF0000, v1;
	v9 =	vadd.s32 $0x7FFF, v9;
	v6 =	vadd.s32 v10, v6  }
0x163: {  	s29 =	sadd.s32 $0x1, s29;
	[tilespmem:s7+$0xD440] =	vst v58;
	v10 =	vadd.s32 v12, v52;
	v8 =	vand.u32 $0xFFFF0000, v8;
	v60 =	vor.u32 v7, v5  }
0x164: {  	p0 =	sne.s32 s29, $0x19;
	v1 =	vor.u32 v2, v1;
	v6 =	vadd.s32 $0x7FFF, v6;
	v10 =	vadd.s32 $0x7FFF, v10;
	[tilespmem:s7+$0xD410] =	vst v60  }
.Ltmp2:
0x165: {  	v9 =	vshrl.u32 v9, $0x10;
	v4 =	vor.u32 v4, v8;
	[tilespmem:s7+$0xD430] =	vst v1;
	v6 =	vand.u32 $0xFFFF0000, v6;
	(pc) =	sbr.rel @p0 .LBB2_2-.Ltmp2, $4  }
0x166: {  	s8 =	sadd.s32 s6, s16;
	v61 =	vshrl.u32 v11, $0x10;
	v62 =	vand.u32 $0xFFFF0000, v10;
	[tilespmem:s7+$0xD450] =	vst v4;
	v63 =	vor.u32 v9, v6  }
0x167: {  	s8 =	sshll.u32 s8, $0x4;
	v0 =	vor.u32 v61, v62;
	[tilespmem:s7+$0xD420] =	vst v63  }
0x168: {  	s18 =	sadd.s32 s5, s8;
	[tilespmem:s7+$0xD460] =	vst v0  }
0x169: {  	[hbm4b:s18+s3] =	stream.linear.scatter [tilespmem:s22], [sflag:$0x4], $0x1400, $0x38;
	[tilespmem:$0xE800] =	vst v63  }
0x16a: {  	s28 =	sadd.s32 $0x1, s28  }
0x16b: {  	_ =	swait.ge [sflag:s25], $0x1400;
	p0 =	sne.s32 s28, s15  }
.Ltmp3:
0x16c: {  	[sflag:s25] =	ssyncset.done $0x0;
	(pc) =	sbr.rel @p0 .LBB2_1-.Ltmp3, $4  }
0x16d: {  	[sflag:s25] =	ssyncadd.s32 $0xFFFFEC00  }
0x16e: {  	_ =	swait.ge [sflag:s26], $0x1400  }
0x16f: {  	[sflag:s26] =	ssyncset.done $0x0  }
0x170: {  	[sflag:s26] =	ssyncadd.s32 $0xFFFFEC00  }
0x171: {  	_ =	sfence.sel $0x180000  }
0x172: {  	[bflag:$0x0] =	sbarrier.arrive $0xFFFF  }
0x173: {  	_ =	strace $0x9000004A  }
0x174: {  	s0 =	stileid.u32;
	[bflag:$0x2] =	sbarrier.arrive $0xFFFF  }
0x175: {  	p0 =	sne.s32 s0, $0x0;
	s0 =	rddreg [dreg:$0x2]  }
0x176: {  	s0 =	sadd.s32 @!p0 $0x100000, s0  }
0x177: {  	[sflag:s0] =	ssyncadd.tile.s32 @!p0 $0x1;
	_ =	shalt  }
.Lfunc_end2:
_tile_overlayer_lowered:
.L_overlay_start_2:
0x178: {  	(tag) =	ssettag $0x2  }
0x179: {  	s0 =	rddreg [dreg:$0x0];
	s2 =	stileid.u32  }
0x17a: {  	s1 =	rddreg [dreg:$0x1];
	p0 =	sne.s32 s2, $0x0  }
0x17b: {  	s3 =	rddreg [dreg:$0x2];
	[bflag:$0x3] =	sbarrier.arrive $0xFFFF;
	s2 =	simm.s32 @!p0 $0x1C06  }
0x17c: {  	[timem:s3], [sflag:s2] =	dma.local @!p0 [hbm:s0], s1  }
0x17d: {  	s0 =	simm.s32 @!p0 $0x6  }
0x17e: {  	_ =	swait.ge @!p0 [sflag:s0], s1  }
0x17f: {  	s1 =	ssub.s32 @!p0 $0x0, s1;
	[sflag:s0] =	ssyncset.done @!p0 $0x0  }
0x180: {  	[sflag:s0] =	ssyncadd.s32 @!p0 s1  }
0x181: {  	[bflag:$0x3] =	sbarrier.arrive $0xFFFF  }
0x182: {  	_ =	shalt  }

// kernel: kernel.15.cloned.1.call-start
scs
__scs_entry_jumppad:
0x0: {  	(pc) =	sbr.rel $0x88, $3  }
0x1: {  	(tag) =	ssettag $0x0;
	lr =	simm.s32 $0x1  }
0x2: {  	[smem:$0x3F96] =	sst lr;
	_ =	strace $0xD0000000  }
0x3: {  	_ = 	snop  }
0x4: {  	_ = 	snop  }
0x5: {  	_ = 	snop  }
0x6: {  	_ = 	snop  }
0x7: {  	_ = 	snop  }
__scs_overlays_trampoline_lowered:
0x8: {  	[smem:$0x3FA5] =	sst s0  }
0x9: {  	[smem:$0x3FA6] =	sst s1  }
0xa: {  	[smem:$0x3FA7] =	sst s2  }
0xb: {  	[smem:$0x3FA8] =	sst s3  }
0xc: {  	[smem:$0x3FA9] =	sst s4  }
0xd: {  	[smem:$0x3FAA] =	sst s5  }
0xe: {  	[smem:$0x3FAB] =	sst s6  }
0xf: {  	[smem:$0x3FAC] =	sst s7  }
0x10: {  	[smem:$0x3FAD] =	sst s8  }
0x11: {  	[smem:$0x3FAE] =	sst s9;
	s0 =	simm.s32 @!p0 $0x0  }
0x12: {  	s1 =	sld [smem:$0x3F94];
	s0 =	simm.s32 @p0 $0x1  }
0x13: {  	[smem:$0x3FAF] =	sst s0;
	s0 =	simm.s32 @!p1 $0x0  }
0x14: {  	s2 =	sld [smem:$0x3F93];
	s0 =	simm.s32 @p1 $0x1  }
0x15: {  	[smem:$0x3FB0] =	sst s0;
	s0 =	simm.s32 @!p2 $0x0  }
0x16: {  	s3 =	sld [smem:$0x3FDB];
	s0 =	simm.s32 @p2 $0x1  }
0x17: {  	s4 =	simm.s32 $0x1BF5;
	[smem:$0x3FB2] =	sst s0  }
0x18: {  	s0 =	sld [smem:$0x3F95];
	_ =	swait.ge [sflag:s4], $0x0  }
0x19: {  	s7 =	sld [smem:$0x3F96]  }
0x1a: {  	s8 =	sadd.s32 $0xFFFFE003, lr  }
0x1b: {  	s9 =	sadd.s32 $0xFFFFFEF7, lr;
	s5 =	simm.s32 $0xFFFFFFFF;
	p2 =	slt.u32 s8, $0xFFFFF086  }
0x1c: {  	p1 =	slt.u32 s9, $0xF7A;
	s5 =	simm.s32 @!p2 $0x0  }
0x1d: {  	s5 =	simm.s32 @p1 $0x1;
	p0 =	seq.s32 s7, s2  }
0x1e: {  	s7 =	smul.u32 @!p0 $0xF7A, s2;
	p2 =	seq.s32 @!p0 s5, $0x0  }
0x1f: {  	s9 =	smul.u32 $0xF7A, s1;
	s8 =	simm.s32 @!p0 $0x1BF5;
	p2 =	por !p2, p0  }
0x20: {  	[sflag:s8] =	ssyncset.s32 @!p0 $0xFFFFF086;
	s6 =	sadd.s32 @!p0 s3, s7;
	s7 =	simm.s32 @!p0 $0x108  }
0x21: {  	s3 =	sadd.s32 s3, s9;
	s6 =	sadd.s32 @!p0 $0x88, s6;
	s7 =	simm.s32 @p2 $0x1082  }
0x22: {  	[simem:s7], [sflag:s8] =	dma.local @!p0 [hbm:s6], $0xF7A  }
0x23: {  	s9 =	sor.u32 $0xD0000000, s2;
	s6 =	simm.s32 $0x108;
	_ =	swait.ge @!p0 [sflag:s8], $0x0  }
0x24: {  	s3 =	sadd.s32 $0x88, s3;
	s6 =	simm.s32 @!p1 $0x1082;
	[sflag:s4] =	ssyncset.s32 $0xFFFFF086  }
0x25: {  	[simem:s6], [sflag:s4] =	dma.local [hbm:s3], $0xF7A  }
0x26: {  	[smem:$0x3F96] =	sst s1;
	(tag) =	ssettag s2;
	_ =	strace s9  }
0x27: {  	s1 =	sld [smem:$0x3FA6]  }
0x28: {  	s2 =	sld [smem:$0x3FA7]  }
0x29: {  	s4 =	sld [smem:$0x3FA9]  }
0x2a: {  	p0 =	seq.s32 s5, $0x0;
	s5 =	sld [smem:$0x3FAA]  }
0x2b: {  	s6 =	sld [smem:$0x3FAB]  }
0x2c: {  	s7 =	sld [smem:$0x3FAC]  }
0x2d: {  	s3 =	simm.s32 $0x108;
	s8 =	sld [smem:$0x3FAD]  }
0x2e: {  	s3 =	simm.s32 @!p0 $0x1082;
	s9 =	sld [smem:$0x3FAE]  }
0x2f: {  	lr =	sadd.s32 s0, s3;
	s0 =	sld [smem:$0x3FA5]  }
0x30: {  	s3 =	sld [smem:$0x3FA8]  }
0x31: {  	[smem:$0x3FB1] =	sst s10  }
0x32: {  	s10 =	sld [smem:$0x3FAF];
	_ =	sdelay $0x3  }
0x33: {  	p0 =	seq.s32 s10, $0x1;
	s10 =	sld [smem:$0x3FB1];
	_ =	sdelay $0x3  }
0x34: {  	[smem:$0x3FB1] =	sst s10  }
0x35: {  	s10 =	sld [smem:$0x3FB0];
	_ =	sdelay $0x3  }
0x36: {  	p1 =	seq.s32 s10, $0x1;
	s10 =	sld [smem:$0x3FB1];
	_ =	sdelay $0x3  }
0x37: {  	[smem:$0x3FB1] =	sst s10  }
0x38: {  	s10 =	sld [smem:$0x3FB2]  }
0x39: {  	_ = 	snop;
	(pc) =	sbr.ind lr, $3  }
0x3a: {  	_ = 	snop  }
0x3b: {  	_ = 	snop  }
0x3c: {  	p2 =	seq.s32 s10, $0x1;
	s10 =	sld [smem:$0x3FB1]  }
0x3d: {  	_ =	shalt  }
0x3e: {  	_ =	shalt  }
0x3f: {  	_ =	shalt  }
0x40: {  	_ =	shalt  }
0x41: {  	_ =	shalt  }
0x42: {  	_ =	shalt  }
0x43: {  	_ =	shalt  }
0x44: {  	_ =	shalt  }
0x45: {  	_ =	shalt  }
0x46: {  	_ =	shalt  }
0x47: {  	_ =	shalt  }
0x48: {  	_ =	shalt  }
0x49: {  	_ =	shalt  }
0x4a: {  	_ =	shalt  }
0x4b: {  	_ =	shalt  }
0x4c: {  	_ =	shalt  }
0x4d: {  	_ =	shalt  }
0x4e: {  	_ =	shalt  }
0x4f: {  	_ =	shalt  }
0x50: {  	_ =	shalt  }
0x51: {  	_ =	shalt  }
0x52: {  	_ =	shalt  }
0x53: {  	_ =	shalt  }
0x54: {  	_ =	shalt  }
0x55: {  	_ =	shalt  }
0x56: {  	_ =	shalt  }
0x57: {  	_ =	shalt  }
0x58: {  	_ =	shalt  }
0x59: {  	_ =	shalt  }
0x5a: {  	_ =	shalt  }
0x5b: {  	_ =	shalt  }
0x5c: {  	_ =	shalt  }
0x5d: {  	_ =	shalt  }
0x5e: {  	_ =	shalt  }
0x5f: {  	_ =	shalt  }
0x60: {  	_ =	shalt  }
0x61: {  	_ =	shalt  }
0x62: {  	_ =	shalt  }
0x63: {  	_ =	shalt  }
0x64: {  	_ =	shalt  }
0x65: {  	_ =	shalt  }
0x66: {  	_ =	shalt  }
0x67: {  	_ =	shalt  }
0x68: {  	_ =	shalt  }
0x69: {  	_ =	shalt  }
0x6a: {  	_ =	shalt  }
0x6b: {  	_ =	shalt  }
0x6c: {  	_ =	shalt  }
0x6d: {  	_ =	shalt  }
0x6e: {  	_ =	shalt  }
0x6f: {  	_ =	shalt  }
0x70: {  	_ =	shalt  }
0x71: {  	_ =	shalt  }
0x72: {  	_ =	shalt  }
0x73: {  	_ =	shalt  }
0x74: {  	_ =	shalt  }
0x75: {  	_ =	shalt  }
0x76: {  	_ =	shalt  }
0x77: {  	_ =	shalt  }
0x78: {  	_ =	shalt  }
0x79: {  	_ =	shalt  }
0x7a: {  	_ =	shalt  }
0x7b: {  	_ =	shalt  }
0x7c: {  	_ =	shalt  }
0x7d: {  	_ =	shalt  }
0x7e: {  	_ =	shalt  }
0x7f: {  	_ =	shalt  }
0x80: {  	_ =	shalt  }
0x81: {  	_ =	shalt  }
0x82: {  	_ =	shalt  }
0x83: {  	_ =	shalt  }
0x84: {  	_ =	shalt  }
0x85: {  	_ =	shalt  }
0x86: {  	_ =	shalt  }
0x87: {  	_ =	shalt  }
.Lfunc_end0:
.L_simem_size_0:
called_computation.2_lowered:
.L_overlay_start_0:
0x88: {  	s2 =	sld [smem:$0x3FD9]  }
0x89: {  	s3 =	sld [smem:$0x3FFE];
	_ =	sdelay $0x1  }
0x8a: {  	s1 =	srdreg.scid  }
0x8b: {  	s0 =	sand.u32 $0x1, s1  }
0x8c: {  	s14 =	sshll.u32 s0, $0xA;
	s2 =	sadd.s32 s3, s2  }
0x8d: {  	s2 =	sadd.s32 s2, s14  }
0x8e: {  	[smem:$0x3FBD] =	sst s2  }
0x8f: {  	_ = 	snop  }
0x90: {  	s2 =	sld [smem:$0x3FD0];
	_ =	sdelay $0x2  }
0x91: {  	s15 =	simm.s32 $0xB;
	s4 =	simm.s32 $0x10  }
0x92: {  	[smem:s4], [sflag:s15] =	dma.local [hbm:s2], $0x1  }
0x93: {  	_ =	swait.eq [sflag:s15], $0x1  }
0x94: {  	[sflag:s15] =	ssyncset.done $0x0  }
0x95: {  	s16 =	sld [smem:$0x10];
	[sflag:s15] =	ssyncadd.s32 $0xFFFFFFFF  }
0x96: {  	s17 =	sld [smem:$0x11];
	(tm) =	ssettm $0x1  }
0x97: {  	s18 =	sld [smem:$0x3FFB];
	_ =	sdelay $0x3  }
0x98: {  	_ =	strace s18  }
0x99: {  	s4 =	sld [smem:$0x3FFC];
	_ =	sdelay $0x3  }
0x9a: {  	_ =	strace s4  }
0x9b: {  	s4 =	sld [smem:$0x3FFD];
	_ =	sdelay $0x3  }
0x9c: {  	_ =	strace s4  }
0x9d: {  	_ =	strace $0x8FFFFFFF  }
0x9e: {  	s19 =	sld [smem:$0x3FDB];
	_ =	sdelay $0x1  }
0x9f: {  	s5 =	simm.s32 $_scs_section_size  }
0xa0: {  	s6 =	simm.s32 $_size__tile_overlayer_lowered;
	s7 =	simm.s32 $_tile_overlayer_lowered  }
0xa1: {  	s22 =	simm.s32 $0x1BFF;
	s21 =	sshll.u32 s7, $0x1;
	s4 =	sadd.s32 s5, s19  }
0xa2: {  	s8 =	simm.s32 $0x0;
	s20 =	sshll.u32 s6, $0x1;
	s6 =	sadd.s32 s21, s4  }
0xa3: {  	[timem:s8], [sflag:s22] =	dma.local [hbm:s6], s20  }
0xa4: {  	_ =	swait.ge [sflag:s22], s20  }
0xa5: {  	s5 =	ssub.s32 $0x0, s20;
	[sflag:s22] =	ssyncset.done $0x0  }
0xa6: {  	[sflag:s22] =	ssyncadd.s32 s5;
	_ =	sdelay $0x1  }
0xa7: {  	s23 =	simm.s32 $0x1B8B  }
0xa8: {  	_ =	swait.ge [sflag:s23], $0x1  }
0xa9: {  	[sflag:s23] =	ssyncset.done $0x0  }
0xaa: {  	s25 =	simm.s32 $0x1B8E;
	s24 =	sld [smem:$0x3FFE];
	[sflag:s23] =	ssyncadd.s32 $0xFFFFFFFF  }
0xab: {  	s26 =	simm.s32 $execute0_lowered;
	[smem:$0x3FD2] =	sst s25  }
0xac: {  	s6 =	sshll.u32 s26, $0x1;
	_ =	strace $0x8000004C;
	[dreg:$0x1] =	wrdreg $0xFFFFFFFF  }
0xad: {  	s28 =	simm.s32 $_size_execute0_lowered;
	s4 =	sadd.s32 s4, s6;
	[dreg:$0x0] =	wrdreg $0x0  }
0xae: {  	s6 =	sshll.u32 s28, $0x1;
	[dreg:$0x2] =	wrdreg s4  }
0xaf: {  	[dreg:$0x3] =	wrdreg s6  }
0xb0: {  	[dreg:$0x4] =	wrdreg $0xC0  }
0xb1: {  	_ =	task [dreg:s8], $0x5FFFF  }
0xb2: {  	[dreg:$0x1] =	wrdreg $0xFFFFFFFF  }
0xb3: {  	[dreg:$0x0] =	wrdreg $0x60  }
0xb4: {  	[dreg:$0x2] =	wrdreg s17  }
0xb5: {  	[dreg:$0x3] =	wrdreg s24  }
0xb6: {  	[dreg:$0x4] =	wrdreg s16  }
0xb7: {  	[dreg:$0x5] =	wrdreg $0x90000  }
0xb8: {  	[dreg:$0x6] =	wrdreg $0x9  }
0xb9: {  	_ =	task.clear_ibuf [dreg:s8], $0x7FFFF;
	_ =	strace $0x9000004C  }
0xba: {  	s29 =	simm.s32 $0x9;
	_ =	strace $0x8000004E  }
0xbb: {  	_ =	swait.ge [sflag:s29], $0x1  }
0xbc: {  	[sflag:s29] =	ssyncadd.s32 $0xFFFFFFFF  }
0xbd: {  	_ =	strace $0x9000004E  }
0xbe: {  	_ =	sfence  }
0xbf: {  	s30 =	sld [smem:$0x0];
	_ =	sdelay $0x2  }
0xc0: {  	s31 =	sshll.u32 s1, $0xD;
	s1 =	sshrl.u32 s1, $0x2  }
0xc1: {  	s3 =	sand.u32 $0x4000, s31;
	s1 =	sadd.s32 s1, s30  }
0xc2: {  	s0 =	sor.u32 s3, s0;
	s1 =	sshll.u32 s1, $0x11  }
0xc3: {  	s0 =	sor.u32 s1, s0  }
0xc4: {  	s0 =	sadd.s32 $0x8F2B, s0  }
0xc5: {  	[sflag:s0] =	ssyncadd.remote.s32 $0x1  }
0xc6: {  	_ =	sfence.sel $0xFFFF  }
0xc7: {  	[dreg:$0x0] =	wrdreg $0xFFFFFFFF;
	(pc) =	sbr.abs _section_cstart, $3  }
0xc8: {  	[dreg:$0x1] =	wrdreg $0xFFFFFFFF  }
0xc9: {  	_ =	task.clear_ibuf [dreg:s8], $0x2FFFF;
	_ =	strace $0x9FFFFFFF  }
0xca: {  	(tm) =	ssettm $0x7FFFFFFF  }
0xcb: {  	_ =	shalt  }
tec
execute0_lowered:
.L_overlay_start_1:
0x0: {  	(tag) =	ssettag $0x1  }
0x1: {  	s5 =	rddreg [dreg:$0x0]  }
0x2: {  	s4 =	rddreg [dreg:$0x1]  }
0x3: {  	s1 =	rddreg [dreg:$0x2]  }
0x4: {  	s2 =	rddreg [dreg:$0x3]  }
0x5: {  	s0 =	rddreg [dreg:$0x4];
	s6 =	srdreg.scid  }
0x6: {  	s9 =	stileid.u32;
	s3 =	simm.s32 $0x0;
	s14 =	simm.s32 $0x50  }
0x7: {  	s15 =	simm.s32 $0x2;
	s16 =	simm.s32 $0x3E00;
	s17 =	simm.s32 $0x0  }
0x8: {  	s6 =	sand.u32 $0x1, s6;
	s7 =	sshll.u32 s9, $0x1;
	[smem:$0x7FF] =	sst s3  }
0x9: {  	s11 =	smul.u32 $0x4E200, s9;
	p0 =	sne.s32 s9, $0x0;
	s7 =	sor.u32 s6, s7  }
0xa: {  	_ =	strace $0x8000004D;
	s10 =	smul.u32 $0x27100, s6;
	s6 =	ssub.s32 $0x2, s6  }
0xb: {  	s9 =	sshrl.u32 @!p0 s2, $0x3;
	s8 =	sshll.u32 s7, $0xB;
	s30 =	sshrl.u32 s6, $0x1  }
0xc: {  	s7 =	smul.u32 $0x27100, s7;
	s31 =	sadd.s32 s11, s5;
	s11 =	simm.s32 $0x4000  }
0xd: {  	s8 =	sadd.s32 s8, s4;
	s12 =	sadd.s32 s10, s4;
	s13 =	ssub.s32 s6, s30  }
0xe: {  	s4 =	sadd.s32 $0x2A8200, s8;
	s5 =	sadd.s32 s5, s7;
	s6 =	sadd.s32 $0x2200, s12  }
0xf: {  	s8 =	sadd.s32 s10, s31;
	s7 =	smax.u32 s13, $0x1;
	s10 =	simm.s32 $0x3  }
0x10: {  	s12 =	simm.s32 $0x6800;
	s13 =	simm.s32 $0x1;
	s8 =	sadd.s32 $0xA00, s8  }
.LBB2_1:
0x11: {  	s18 =	simm.s32 @!p0 $0x1C03  }
0x12: {  	[spmem:s9], [sflag:s18] =	dma.local @!p0 [hbm:s1], $0x27100  }
0x13: {  	s18 =	simm.s32 @!p0 $0x3  }
0x14: {  	_ =	swait.ge @!p0 [sflag:s18], $0x27100  }
0x15: {  	[sflag:s18] =	ssyncset.done @!p0 $0x0  }
0x16: {  	[sflag:s18] =	ssyncadd.s32 @!p0 $0xFFFD8F00  }
0x17: {  	[bflag:$0x0] =	sbarrier.arrive $0xFFFF  }
0x18: {  	[tilespmem:s3], [sflag:$0x3] =	stream.linear.gather [hbm4b:s4+s3], $0x3E80, $0x38;
	[tilespmem:$0x1C880] =	vst v63  }
0x19: {  	_ =	swait.ge [sflag:s10], $0x3E80  }
0x1a: {  	[sflag:s10] =	ssyncset.done $0x0  }
0x1b: {  	[sflag:s10] =	ssyncadd.s32 $0xFFFFC180  }
0x1c: {  	[tilespmem:s11], [sflag:$0x1] =	stream.linear.gather [hbm4b:s5+s3], $0x2800, $0x38;
	[tilespmem:$0x1C880] =	vst v63  }
0x1d: {  	s29 =	sadd.s32 $0xFFFFFB00, s8  }
0x1e: {  	[tilespmem:s12], [sflag:$0x2] =	stream.linear.gather [hbm4b:s29+s3], $0x2800, $0x38;
	[tilespmem:$0x1C880] =	vst v63  }
0x1f: {  	_ =	swait.ge [sflag:s13], $0x2800  }
0x20: {  	[sflag:s13] =	ssyncset.done $0x0  }
0x21: {  	s30 =	simm.s32 $0x0;
	[sflag:s13] =	ssyncadd.s32 $0xFFFFD800  }
0x22: {  	[spmem:s2] =	stream.indirect.scatter.add.f32 [tilespmem:s11], [sflag:$0x3], $0x80, s30, s14, $0xb8;
	[tilespmem:$0x1C880] =	vst v63  }
0x23: {  	_ =	swait.ge [sflag:s10], $0x2800  }
0x24: {  	[sflag:s10] =	ssyncset.done $0x0  }
0x25: {  	[sflag:s10] =	ssyncadd.s32 $0xFFFFD800  }
0x26: {  	[tilespmem:s11], [sflag:$0x1] =	stream.linear.gather [hbm4b:s8+s3], $0x2800, $0x38;
	[tilespmem:$0x1C880] =	vst v63  }
0x27: {  	_ =	swait.ge [sflag:s15], $0x2800  }
0x28: {  	[sflag:s15] =	ssyncset.done $0x0  }
0x29: {  	s31 =	simm.s32 $0x80;
	[sflag:s15] =	ssyncadd.s32 $0xFFFFD800  }
0x2a: {  	[spmem:s2] =	stream.indirect.scatter.add.f32 [tilespmem:s12], [sflag:$0x3], $0x80, s31, s14, $0xb8;
	[tilespmem:$0x1C880] =	vst v63  }
0x2b: {  	s19 =	simm.s32 $0x400;
	_ =	swait.ge [sflag:s10], $0x2800  }
0x2c: {  	s20 =	simm.s32 $0x800;
	s18 =	sadd.s32 $0xA00, s8;
	[sflag:s10] =	ssyncset.done $0x0  }
.LBB2_2:
0x2d: {  	p1 =	sne.s32 s20, $0xF400;
	s21 =	sadd.s32 $0xFFFFFB00, s18;
	[sflag:s10] =	ssyncadd.s32 $0xFFFFD800  }
0x2e: {  	[tilespmem:s12], [sflag:$0x2] =	stream.linear.gather [hbm4b:s21+s3], $0x2800, $0x38;
	[tilespmem:$0x1C880] =	vst v63  }
0x2f: {  	s21 =	smov.u32 s20;
	s20 =	sadd.s32 $0x400, s20;
	_ =	swait.ge [sflag:s13], $0x2800  }
0x30: {  	[sflag:s13] =	ssyncset.done $0x0  }
0x31: {  	s22 =	sshra.s32 s19, $0x2;
	s19 =	smov.u32 s21;
	[sflag:s13] =	ssyncadd.s32 $0xFFFFD800  }
0x32: {  	[spmem:s2] =	stream.indirect.scatter.add.f32 [tilespmem:s11], [sflag:$0x3], $0x80, s22, s14, $0xb8;
	[tilespmem:$0x1C880] =	vst v63  }
0x33: {  	_ =	swait.ge [sflag:s10], $0x2800  }
0x34: {  	[sflag:s10] =	ssyncset.done $0x0  }
0x35: {  	[sflag:s10] =	ssyncadd.s32 $0xFFFFD800  }
0x36: {  	[tilespmem:s11], [sflag:$0x1] =	stream.linear.gather [hbm4b:s18+s3], $0x2800, $0x38;
	[tilespmem:$0x1C880] =	vst v63  }
0x37: {  	_ =	swait.ge [sflag:s15], $0x2800  }
.Ltmp0:
0x38: {  	[sflag:s15] =	ssyncset.done $0x0;
	(pc) =	sbr.rel @p1 .LBB2_2-.Ltmp0, $4  }
0x39: {  	s21 =	sadd.s32 $0x80, s22;
	[sflag:s15] =	ssyncadd.s32 $0xFFFFD800  }
0x3a: {  	[spmem:s2] =	stream.indirect.scatter.add.f32 [tilespmem:s12], [sflag:$0x3], $0x80, s21, s14, $0xb8;
	[tilespmem:$0x1C880] =	vst v63  }
0x3b: {  	_ =	swait.ge [sflag:s10], $0x2800  }
0x3c: {  	s18 =	sadd.s32 $0xA00, s18;
	[sflag:s10] =	ssyncset.done $0x0  }
0x3d: {  	s20 =	sadd.s32 $0xFFFFFB00, s18;
	[sflag:s10] =	ssyncadd.s32 $0xFFFFD800  }
0x3e: {  	[tilespmem:s12], [sflag:$0x2] =	stream.linear.gather [hbm4b:s20+s3], $0x2800, $0x38;
	[tilespmem:$0x1C880] =	vst v63  }
0x3f: {  	_ =	swait.ge [sflag:s13], $0x2800  }
0x40: {  	[sflag:s13] =	ssyncset.done $0x0  }
0x41: {  	s19 =	sshra.s32 s19, $0x2;
	[sflag:s13] =	ssyncadd.s32 $0xFFFFD800  }
0x42: {  	[spmem:s2] =	stream.indirect.scatter.add.f32 [tilespmem:s11], [sflag:$0x3], $0x80, s19, s14, $0xb8;
	[tilespmem:$0x1C880] =	vst v63  }
0x43: {  	_ =	swait.ge [sflag:s10], $0x2800  }
0x44: {  	[sflag:s10] =	ssyncset.done $0x0  }
0x45: {  	[sflag:s10] =	ssyncadd.s32 $0xFFFFD800  }
0x46: {  	[tilespmem:s11], [sflag:$0x1] =	stream.linear.gather [hbm4b:s18+s3], $0x2800, $0x38;
	[tilespmem:$0x1C880] =	vst v63  }
0x47: {  	_ =	swait.ge [sflag:s15], $0x2800  }
0x48: {  	[sflag:s15] =	ssyncset.done $0x0  }
0x49: {  	s31 =	sadd.s32 $0x80, s19;
	[sflag:s15] =	ssyncadd.s32 $0xFFFFD800  }
0x4a: {  	[spmem:s2] =	stream.indirect.scatter.add.f32 [tilespmem:s12], [sflag:$0x3], $0x80, s31, s14, $0xb8;
	[tilespmem:$0x1C880] =	vst v63  }
0x4b: {  	_ =	swait.ge [sflag:s10], $0x2800  }
0x4c: {  	[sflag:s10] =	ssyncset.done $0x0  }
0x4d: {  	[sflag:s10] =	ssyncadd.s32 $0xFFFFD800  }
0x4e: {  	_ =	swait.ge [sflag:s13], $0x2800  }
0x4f: {  	[sflag:s13] =	ssyncset.done $0x0  }
0x50: {  	[sflag:s13] =	ssyncadd.s32 $0xFFFFD800  }
0x51: {  	[spmem:s2] =	stream.indirect.scatter.add.f32 [tilespmem:s11], [sflag:$0x3], $0x80, s16, s14, $0xb8;
	[tilespmem:$0x1C880] =	vst v63  }
0x52: {  	_ =	swait.ge [sflag:s10], $0x2800  }
0x53: {  	[sflag:s10] =	ssyncset.done $0x0  }
0x54: {  	s17 =	sadd.s32 $0x1, s17;
	[sflag:s10] =	ssyncadd.s32 $0xFFFFD800  }
0x55: {  	p1 =	sne.s32 s17, s7;
	s18 =	simm.s32 @!p0 $0x1C03;
	[bflag:$0x0] =	sbarrier.arrive $0xFFFF  }
0x56: {  	[hbm:s6], [sflag:s18] =	dma.local @!p0 [spmem:s9], $0x27100  }
.Ltmp1:
0x57: {  	_ = 	snop;
	(pc) =	sbr.rel @p1 .LBB2_1-.Ltmp1, $4  }
0x58: {  	s18 =	simm.s32 @!p0 $0x3  }
0x59: {  	_ =	swait.ge @!p0 [sflag:s18], $0x27100  }
0x5a: {  	[sflag:s18] =	ssyncset.done @!p0 $0x0  }
0x5b: {  	[sflag:s18] =	ssyncadd.s32 @!p0 $0xFFFD8F00  }
0x5c: {  	_ =	sfence.sel $0x180000  }
0x5d: {  	[bflag:$0x0] =	sbarrier.arrive $0xFFFF  }
0x5e: {  	_ =	strace $0x9000004D  }
0x5f: {  	s0 =	sadd.s32 @!p0 $0x100000, s0;
	[bflag:$0x2] =	sbarrier.arrive $0xFFFF  }
0x60: {  	[sflag:s0] =	ssyncadd.tile.s32 @!p0 $0x1;
	_ =	shalt  }
.Lfunc_end2:
_tile_overlayer_lowered:
.L_overlay_start_2:
0x61: {  	(tag) =	ssettag $0x2  }
0x62: {  	s0 =	rddreg [dreg:$0x0];
	s2 =	stileid.u32  }
0x63: {  	s1 =	rddreg [dreg:$0x1];
	p0 =	sne.s32 s2, $0x0  }
0x64: {  	s3 =	rddreg [dreg:$0x2];
	[bflag:$0x3] =	sbarrier.arrive $0xFFFF;
	s2 =	simm.s32 @!p0 $0x1C03  }
0x65: {  	[timem:s3], [sflag:s2] =	dma.local @!p0 [hbm:s0], s1  }
0x66: {  	s0 =	simm.s32 @!p0 $0x3  }
0x67: {  	_ =	swait.ge @!p0 [sflag:s0], s1  }
0x68: {  	s1 =	ssub.s32 @!p0 $0x0, s1;
	[sflag:s0] =	ssyncset.done @!p0 $0x0  }
0x69: {  	[sflag:s0] =	ssyncadd.s32 @!p0 s1  }
0x6a: {  	[bflag:$0x3] =	sbarrier.arrive $0xFFFF  }
0x6b: {  	_ =	shalt  }

// kernel: kernel.9.cloned.1.call-start
scs
__scs_entry_jumppad:
0x0: {  	(pc) =	sbr.rel $0x88, $3  }
0x1: {  	(tag) =	ssettag $0x0;
	lr =	simm.s32 $0x1  }
0x2: {  	[smem:$0x3F96] =	sst lr;
	_ =	strace $0xD0000000  }
0x3: {  	_ = 	snop  }
0x4: {  	_ = 	snop  }
0x5: {  	_ = 	snop  }
0x6: {  	_ = 	snop  }
0x7: {  	_ = 	snop  }
__scs_overlays_trampoline_lowered:
0x8: {  	[smem:$0x3FA5] =	sst s0  }
0x9: {  	[smem:$0x3FA6] =	sst s1  }
0xa: {  	[smem:$0x3FA7] =	sst s2  }
0xb: {  	[smem:$0x3FA8] =	sst s3  }
0xc: {  	[smem:$0x3FA9] =	sst s4  }
0xd: {  	[smem:$0x3FAA] =	sst s5  }
0xe: {  	[smem:$0x3FAB] =	sst s6  }
0xf: {  	[smem:$0x3FAC] =	sst s7  }
0x10: {  	[smem:$0x3FAD] =	sst s8  }
0x11: {  	[smem:$0x3FAE] =	sst s9;
	s0 =	simm.s32 @!p0 $0x0  }
0x12: {  	s1 =	sld [smem:$0x3F94];
	s0 =	simm.s32 @p0 $0x1  }
0x13: {  	[smem:$0x3FAF] =	sst s0;
	s0 =	simm.s32 @!p1 $0x0  }
0x14: {  	s2 =	sld [smem:$0x3F93];
	s0 =	simm.s32 @p1 $0x1  }
0x15: {  	[smem:$0x3FB0] =	sst s0;
	s0 =	simm.s32 @!p2 $0x0  }
0x16: {  	s3 =	sld [smem:$0x3FDB];
	s0 =	simm.s32 @p2 $0x1  }
0x17: {  	s4 =	simm.s32 $0x1BF5;
	[smem:$0x3FB2] =	sst s0  }
0x18: {  	s0 =	sld [smem:$0x3F95];
	_ =	swait.ge [sflag:s4], $0x0  }
0x19: {  	s7 =	sld [smem:$0x3F96]  }
0x1a: {  	s8 =	sadd.s32 $0xFFFFE003, lr  }
0x1b: {  	s9 =	sadd.s32 $0xFFFFFEF7, lr;
	s5 =	simm.s32 $0xFFFFFFFF;
	p2 =	slt.u32 s8, $0xFFFFF086  }
0x1c: {  	p1 =	slt.u32 s9, $0xF7A;
	s5 =	simm.s32 @!p2 $0x0  }
0x1d: {  	s5 =	simm.s32 @p1 $0x1;
	p0 =	seq.s32 s7, s2  }
0x1e: {  	s7 =	smul.u32 @!p0 $0xF7A, s2;
	p2 =	seq.s32 @!p0 s5, $0x0  }
0x1f: {  	s9 =	smul.u32 $0xF7A, s1;
	s8 =	simm.s32 @!p0 $0x1BF5;
	p2 =	por !p2, p0  }
0x20: {  	[sflag:s8] =	ssyncset.s32 @!p0 $0xFFFFF086;
	s6 =	sadd.s32 @!p0 s3, s7;
	s7 =	simm.s32 @!p0 $0x108  }
0x21: {  	s3 =	sadd.s32 s3, s9;
	s6 =	sadd.s32 @!p0 $0x88, s6;
	s7 =	simm.s32 @p2 $0x1082  }
0x22: {  	[simem:s7], [sflag:s8] =	dma.local @!p0 [hbm:s6], $0xF7A  }
0x23: {  	s9 =	sor.u32 $0xD0000000, s2;
	s6 =	simm.s32 $0x108;
	_ =	swait.ge @!p0 [sflag:s8], $0x0  }
0x24: {  	s3 =	sadd.s32 $0x88, s3;
	s6 =	simm.s32 @!p1 $0x1082;
	[sflag:s4] =	ssyncset.s32 $0xFFFFF086  }
0x25: {  	[simem:s6], [sflag:s4] =	dma.local [hbm:s3], $0xF7A  }
0x26: {  	[smem:$0x3F96] =	sst s1;
	(tag) =	ssettag s2;
	_ =	strace s9  }
0x27: {  	s1 =	sld [smem:$0x3FA6]  }
0x28: {  	s2 =	sld [smem:$0x3FA7]  }
0x29: {  	s4 =	sld [smem:$0x3FA9]  }
0x2a: {  	p0 =	seq.s32 s5, $0x0;
	s5 =	sld [smem:$0x3FAA]  }
0x2b: {  	s6 =	sld [smem:$0x3FAB]  }
0x2c: {  	s7 =	sld [smem:$0x3FAC]  }
0x2d: {  	s3 =	simm.s32 $0x108;
	s8 =	sld [smem:$0x3FAD]  }
0x2e: {  	s3 =	simm.s32 @!p0 $0x1082;
	s9 =	sld [smem:$0x3FAE]  }
0x2f: {  	lr =	sadd.s32 s0, s3;
	s0 =	sld [smem:$0x3FA5]  }
0x30: {  	s3 =	sld [smem:$0x3FA8]  }
0x31: {  	[smem:$0x3FB1] =	sst s10  }
0x32: {  	s10 =	sld [smem:$0x3FAF];
	_ =	sdelay $0x3  }
0x33: {  	p0 =	seq.s32 s10, $0x1;
	s10 =	sld [smem:$0x3FB1];
	_ =	sdelay $0x3  }
0x34: {  	[smem:$0x3FB1] =	sst s10  }
0x35: {  	s10 =	sld [smem:$0x3FB0];
	_ =	sdelay $0x3  }
0x36: {  	p1 =	seq.s32 s10, $0x1;
	s10 =	sld [smem:$0x3FB1];
	_ =	sdelay $0x3  }
0x37: {  	[smem:$0x3FB1] =	sst s10  }
0x38: {  	s10 =	sld [smem:$0x3FB2]  }
0x39: {  	_ = 	snop;
	(pc) =	sbr.ind lr, $3  }
0x3a: {  	_ = 	snop  }
0x3b: {  	_ = 	snop  }
0x3c: {  	p2 =	seq.s32 s10, $0x1;
	s10 =	sld [smem:$0x3FB1]  }
0x3d: {  	_ =	shalt  }
0x3e: {  	_ =	shalt  }
0x3f: {  	_ =	shalt  }
0x40: {  	_ =	shalt  }
0x41: {  	_ =	shalt  }
0x42: {  	_ =	shalt  }
0x43: {  	_ =	shalt  }
0x44: {  	_ =	shalt  }
0x45: {  	_ =	shalt  }
0x46: {  	_ =	shalt  }
0x47: {  	_ =	shalt  }
0x48: {  	_ =	shalt  }
0x49: {  	_ =	shalt  }
0x4a: {  	_ =	shalt  }
0x4b: {  	_ =	shalt  }
0x4c: {  	_ =	shalt  }
0x4d: {  	_ =	shalt  }
0x4e: {  	_ =	shalt  }
0x4f: {  	_ =	shalt  }
0x50: {  	_ =	shalt  }
0x51: {  	_ =	shalt  }
0x52: {  	_ =	shalt  }
0x53: {  	_ =	shalt  }
0x54: {  	_ =	shalt  }
0x55: {  	_ =	shalt  }
0x56: {  	_ =	shalt  }
0x57: {  	_ =	shalt  }
0x58: {  	_ =	shalt  }
0x59: {  	_ =	shalt  }
0x5a: {  	_ =	shalt  }
0x5b: {  	_ =	shalt  }
0x5c: {  	_ =	shalt  }
0x5d: {  	_ =	shalt  }
0x5e: {  	_ =	shalt  }
0x5f: {  	_ =	shalt  }
0x60: {  	_ =	shalt  }
0x61: {  	_ =	shalt  }
0x62: {  	_ =	shalt  }
0x63: {  	_ =	shalt  }
0x64: {  	_ =	shalt  }
0x65: {  	_ =	shalt  }
0x66: {  	_ =	shalt  }
0x67: {  	_ =	shalt  }
0x68: {  	_ =	shalt  }
0x69: {  	_ =	shalt  }
0x6a: {  	_ =	shalt  }
0x6b: {  	_ =	shalt  }
0x6c: {  	_ =	shalt  }
0x6d: {  	_ =	shalt  }
0x6e: {  	_ =	shalt  }
0x6f: {  	_ =	shalt  }
0x70: {  	_ =	shalt  }
0x71: {  	_ =	shalt  }
0x72: {  	_ =	shalt  }
0x73: {  	_ =	shalt  }
0x74: {  	_ =	shalt  }
0x75: {  	_ =	shalt  }
0x76: {  	_ =	shalt  }
0x77: {  	_ =	shalt  }
0x78: {  	_ =	shalt  }
0x79: {  	_ =	shalt  }
0x7a: {  	_ =	shalt  }
0x7b: {  	_ =	shalt  }
0x7c: {  	_ =	shalt  }
0x7d: {  	_ =	shalt  }
0x7e: {  	_ =	shalt  }
0x7f: {  	_ =	shalt  }
0x80: {  	_ =	shalt  }
0x81: {  	_ =	shalt  }
0x82: {  	_ =	shalt  }
0x83: {  	_ =	shalt  }
0x84: {  	_ =	shalt  }
0x85: {  	_ =	shalt  }
0x86: {  	_ =	shalt  }
0x87: {  	_ =	shalt  }
.Lfunc_end0:
.L_simem_size_0:
called_computation_lowered:
.L_overlay_start_0:
0x88: {  	s2 =	sld [smem:$0x3FD9]  }
0x89: {  	s3 =	sld [smem:$0x3FFE];
	_ =	sdelay $0x1  }
0x8a: {  	s1 =	srdreg.scid  }
0x8b: {  	s0 =	sand.u32 $0x1, s1  }
0x8c: {  	s14 =	sshll.u32 s0, $0xA;
	s2 =	sadd.s32 s3, s2  }
0x8d: {  	s2 =	sadd.s32 s2, s14  }
0x8e: {  	[smem:$0x3FBD] =	sst s2  }
0x8f: {  	_ = 	snop  }
0x90: {  	s2 =	sld [smem:$0x3FD0];
	_ =	sdelay $0x2  }
0x91: {  	s15 =	simm.s32 $0xB;
	s4 =	simm.s32 $0x10  }
0x92: {  	[smem:s4], [sflag:s15] =	dma.local [hbm:s2], $0x1  }
0x93: {  	_ =	swait.eq [sflag:s15], $0x1  }
0x94: {  	[sflag:s15] =	ssyncset.done $0x0  }
0x95: {  	s16 =	sld [smem:$0x10];
	[sflag:s15] =	ssyncadd.s32 $0xFFFFFFFF  }
0x96: {  	s17 =	sld [smem:$0x11];
	(tm) =	ssettm $0x1  }
0x97: {  	s18 =	sld [smem:$0x3FFB];
	_ =	sdelay $0x3  }
0x98: {  	_ =	strace s18  }
0x99: {  	s4 =	sld [smem:$0x3FFC];
	_ =	sdelay $0x3  }
0x9a: {  	_ =	strace s4  }
0x9b: {  	s4 =	sld [smem:$0x3FFD];
	_ =	sdelay $0x3  }
0x9c: {  	_ =	strace s4  }
0x9d: {  	_ =	strace $0x8FFFFFFF  }
0x9e: {  	s19 =	sld [smem:$0x3FDB];
	_ =	sdelay $0x1  }
0x9f: {  	s5 =	simm.s32 $_scs_section_size  }
0xa0: {  	s6 =	simm.s32 $_size__tile_overlayer_lowered;
	s7 =	simm.s32 $_tile_overlayer_lowered  }
0xa1: {  	s22 =	simm.s32 $0x1BFF;
	s21 =	sshll.u32 s7, $0x1;
	s4 =	sadd.s32 s5, s19  }
0xa2: {  	s8 =	simm.s32 $0x0;
	s20 =	sshll.u32 s6, $0x1;
	s6 =	sadd.s32 s21, s4  }
0xa3: {  	[timem:s8], [sflag:s22] =	dma.local [hbm:s6], s20  }
0xa4: {  	_ =	swait.ge [sflag:s22], s20  }
0xa5: {  	s5 =	ssub.s32 $0x0, s20;
	[sflag:s22] =	ssyncset.done $0x0  }
0xa6: {  	[sflag:s22] =	ssyncadd.s32 s5;
	_ =	sdelay $0x1  }
0xa7: {  	s23 =	simm.s32 $0x1B8B  }
0xa8: {  	_ =	swait.ge [sflag:s23], $0x1  }
0xa9: {  	[sflag:s23] =	ssyncset.done $0x0  }
0xaa: {  	s25 =	simm.s32 $0x1B8E;
	s24 =	sld [smem:$0x3FFE];
	[sflag:s23] =	ssyncadd.s32 $0xFFFFFFFF  }
0xab: {  	s26 =	simm.s32 $execute0_lowered;
	[smem:$0x3FD2] =	sst s25  }
0xac: {  	s6 =	sshll.u32 s26, $0x1;
	_ =	strace $0x80000046;
	[dreg:$0x1] =	wrdreg $0xFFFFFFFF  }
0xad: {  	s28 =	simm.s32 $_size_execute0_lowered;
	s4 =	sadd.s32 s4, s6;
	[dreg:$0x0] =	wrdreg $0x0  }
0xae: {  	s6 =	sshll.u32 s28, $0x1;
	[dreg:$0x2] =	wrdreg s4  }
0xaf: {  	[dreg:$0x3] =	wrdreg s6  }
0xb0: {  	[dreg:$0x4] =	wrdreg $0xC0  }
0xb1: {  	_ =	task [dreg:s8], $0x5FFFF  }
0xb2: {  	[dreg:$0x1] =	wrdreg $0xFFFFFFFF  }
0xb3: {  	[dreg:$0x0] =	wrdreg $0x60  }
0xb4: {  	[dreg:$0x2] =	wrdreg s16  }
0xb5: {  	[dreg:$0x3] =	wrdreg s24  }
0xb6: {  	[dreg:$0x4] =	wrdreg s17  }
0xb7: {  	[dreg:$0x5] =	wrdreg $0x9  }
0xb8: {  	_ =	task.clear_ibuf [dreg:s8], $0x6FFFF;
	_ =	strace $0x90000046  }
0xb9: {  	s29 =	simm.s32 $0x9;
	_ =	strace $0x80000048  }
0xba: {  	_ =	swait.ge [sflag:s29], $0x1  }
0xbb: {  	[sflag:s29] =	ssyncadd.s32 $0xFFFFFFFF  }
0xbc: {  	_ =	strace $0x90000048  }
0xbd: {  	_ =	sfence  }
0xbe: {  	s30 =	sld [smem:$0x0];
	_ =	sdelay $0x2  }
0xbf: {  	s31 =	sshll.u32 s1, $0xD;
	s1 =	sshrl.u32 s1, $0x2  }
0xc0: {  	s3 =	sand.u32 $0x4000, s31;
	s1 =	sadd.s32 s1, s30  }
0xc1: {  	s0 =	sor.u32 s3, s0;
	s1 =	sshll.u32 s1, $0x11  }
0xc2: {  	s0 =	sor.u32 s1, s0  }
0xc3: {  	s0 =	sadd.s32 $0x8F2B, s0  }
0xc4: {  	[sflag:s0] =	ssyncadd.remote.s32 $0x1  }
0xc5: {  	_ =	sfence.sel $0xFFFF  }
0xc6: {  	[dreg:$0x0] =	wrdreg $0xFFFFFFFF;
	(pc) =	sbr.abs _section_cstart, $3  }
0xc7: {  	[dreg:$0x1] =	wrdreg $0xFFFFFFFF  }
0xc8: {  	_ =	task.clear_ibuf [dreg:s8], $0x2FFFF;
	_ =	strace $0x9FFFFFFF  }
0xc9: {  	(tm) =	ssettm $0x7FFFFFFF  }
tec
execute0_lowered:
.L_overlay_start_1:
0x0: {  	(tag) =	ssettag $0x1  }
0x1: {  	s1 =	rddreg [dreg:$0x0]  }
0x2: {  	s0 =	rddreg [dreg:$0x1];
	s2 =	srdreg.scid  }
0x3: {  	s3 =	stileid.u32;
	s7 =	rddreg [dreg:$0x2]  }
0x4: {  	s11 =	simm.s32 $0x3E8;
	s28 =	simm.s32 $0x5800;
	s29 =	simm.s32 $0x6C00  }
0x5: {  	s30 =	simm.s32 $0x8000;
	s2 =	sand.u32 $0x1, s2;
	s4 =	sshll.u32 s3, $0x1  }
0x6: {  	s31 =	simm.s32 $0x9400;
	s3 =	simm.s32 $0x0;
	s8 =	sor.u32 s2, s4  }
0x7: {  	s10 =	sadd.s32 $0x2200, s0;
	[smem:$0x7FF] =	sst s3;
	s9 =	smul.u32 $0x3, s8  }
0x8: {  	s4 =	sadd.s32 $0x8000, s0;
	s2 =	ssub.s32 $0x2, s2;
	_ =	strace $0x80000047  }
0x9: {  	s14 =	sshrl.u32 s2, $0x1;
	s5 =	sshrl.u32 s9, $0x1;
	s6 =	sand.u32 $0x1, s9  }
0xa: {  	s16 =	sadd.s32 $0x1, s9;
	s9 =	sadd.s32 $0x2, s9;
	s12 =	smul.u32 $0xFA0, s5  }
0xb: {  	p0 =	seq.s32 s6, $0x1;
	s5 =	sadd.s32 $0x2F200, s0;
	s6 =	smul.u32 $0xBB8, s8  }
0xc: {  	s0 =	ssub.s32 s2, s14;
	s9 =	sshrl.u32 s9, $0x1;
	s8 =	smul.u32 $0x5DC00, s8  }
0xd: {  	s17 =	sshrl.u32 s16, $0x1;
	s11 =	simm.s32 @!p0 $0x0;
	s9 =	smul.u32 $0xFA0, s9  }
0xe: {  	s15 =	sadd.s32 s11, s12;
	s12 =	sand.u32 $0x1, s16;
	s8 =	sshrl.u32 s8, $0x3  }
0xf: {  	s2 =	sshrl.u32 s15, $0x3;
	p0 =	seq.s32 s12, $0x1;
	s12 =	simm.s32 $0x3E8  }
0x10: {  	s9 =	sadd.s32 s11, s9;
	s26 =	sadd.s32 s5, s8;
	s8 =	simm.s32 $0xBC00  }
0x11: {  	s11 =	simm.s32 $0x4;
	s13 =	sadd.s32 s10, s2;
	s14 =	sadd.s32 s7, s2  }
0x12: {  	s12 =	simm.s32 @!p0 $0x0;
	s2 =	sadd.s32 $0xFA, s2;
	[dreg:$0x4] =	wrdreg s13  }
0x13: {  	s23 =	sshrl.u32 s9, $0x3;
	[dreg:$0x5] =	wrdreg s14;
	s18 =	sadd.s32 s10, s2  }
0x14: {  	s13 =	smul.u32 $0xFA0, s17;
	s2 =	sadd.s32 s7, s2;
	[dreg:$0x6] =	wrdreg s18  }
0x15: {  	s9 =	sadd.s32 s10, s23;
	s24 =	sadd.s32 $0xFA, s23;
	[dreg:$0x7] =	wrdreg s2  }
0x16: {  	[dreg:$0xc] =	wrdreg s9;
	s25 =	sadd.s32 s10, s24;
	s12 =	sadd.s32 s12, s13  }
0x17: {  	s9 =	simm.s32 $0x1;
	[dreg:$0xe] =	wrdreg s25;
	s12 =	sshrl.u32 s12, $0x3  }
0x18: {  	s25 =	simm.s32 $0x3000;
	s19 =	sadd.s32 s10, s12;
	s20 =	sadd.s32 s7, s12  }
0x19: {  	s21 =	sadd.s32 $0xFA, s12;
	s12 =	simm.s32 $0x0;
	[dreg:$0x8] =	wrdreg s19  }
0x1a: {  	[dreg:$0x9] =	wrdreg s20;
	s22 =	sadd.s32 s10, s21;
	s2 =	sadd.s32 s7, s21  }
0x1b: {  	s19 =	sadd.s32 s7, s24;
	s20 =	sadd.s32 $0xB900, s26;
	s21 =	smax.u32 s0, $0x1  }
0x1c: {  	s0 =	simm.s32 $0x5;
	s26 =	simm.s32 $0x4400;
	[dreg:$0xa] =	wrdreg s22  }
0x1d: {  	s24 =	simm.s32 $0xE400;
	s10 =	simm.s32 $0x3;
	[dreg:$0xb] =	wrdreg s2  }
0x1e: {  	s2 =	sadd.s32 s7, s23;
	s7 =	simm.s32 $0x28;
	s22 =	simm.s32 $0xD000  }
0x1f: {  	s23 =	simm.s32 $0x2;
	[dreg:$0xd] =	wrdreg s2;
	s2 =	simm.s32 $0xA800  }
.LBB2_1:
0x20: {  	s13 =	rddreg [dreg:$0x4]  }
0x21: {  	[tilespmem:s3], [sflag:$0x5] =	stream.linear.gather [hbm4b:s13+s3], $0x3E8, $0x38;
	[tilespmem:$0xF800] =	vst v63  }
0x22: {  	s17 =	rddreg [dreg:$0x5];
	s15 =	simm.s32 $0xC00  }
0x23: {  	[tilespmem:s15], [sflag:$0x5] =	stream.linear.gather [hbm4b:s17+s3], $0x3E8, $0x38;
	[tilespmem:$0xF800] =	vst v63  }
0x24: {  	s18 =	rddreg [dreg:$0x6];
	s16 =	simm.s32 $0x1800  }
0x25: {  	[tilespmem:s16], [sflag:$0x5] =	stream.linear.gather [hbm4b:s18+s3], $0x3E8, $0x38;
	[tilespmem:$0xF800] =	vst v63  }
0x26: {  	s14 =	rddreg [dreg:$0x7];
	s17 =	simm.s32 $0x2400  }
0x27: {  	[tilespmem:s17], [sflag:$0x5] =	stream.linear.gather [hbm4b:s14+s3], $0x3E8, $0x38;
	[tilespmem:$0xF800] =	vst v63  }
0x28: {  	s18 =	simm.s32 $0x3E8;
	s14 =	rddreg [dreg:$0x8]  }
0x29: {  	[tilespmem:s18], [sflag:$0x5] =	stream.linear.gather [hbm4b:s14+s3], $0x3E8, $0x38;
	[tilespmem:$0xF800] =	vst v63  }
0x2a: {  	s14 =	rddreg [dreg:$0x9];
	s18 =	simm.s32 $0xFE8  }
0x2b: {  	[tilespmem:s18], [sflag:$0x5] =	stream.linear.gather [hbm4b:s14+s3], $0x3E8, $0x38;
	[tilespmem:$0xF800] =	vst v63  }
0x2c: {  	s14 =	rddreg [dreg:$0xa];
	s18 =	simm.s32 $0x1BE8  }
0x2d: {  	[tilespmem:s18], [sflag:$0x5] =	stream.linear.gather [hbm4b:s14+s3], $0x3E8, $0x38;
	[tilespmem:$0xF800] =	vst v63  }
0x2e: {  	s14 =	rddreg [dreg:$0xb];
	s18 =	simm.s32 $0x27E8  }
0x2f: {  	[tilespmem:s18], [sflag:$0x5] =	stream.linear.gather [hbm4b:s14+s3], $0x3E8, $0x38;
	[tilespmem:$0xF800] =	vst v63  }
0x30: {  	s14 =	rddreg [dreg:$0xc];
	s18 =	simm.s32 $0x7D0  }
0x31: {  	[tilespmem:s18], [sflag:$0x5] =	stream.linear.gather [hbm4b:s14+s3], $0x3E8, $0x38;
	[tilespmem:$0xF800] =	vst v63  }
0x32: {  	s14 =	rddreg [dreg:$0xd];
	s18 =	simm.s32 $0x13D0  }
0x33: {  	[tilespmem:s18], [sflag:$0x5] =	stream.linear.gather [hbm4b:s14+s3], $0x3E8, $0x38;
	[tilespmem:$0xF800] =	vst v63  }
0x34: {  	s14 =	rddreg [dreg:$0xe];
	s18 =	simm.s32 $0x1FD0  }
0x35: {  	[tilespmem:s18], [sflag:$0x5] =	stream.linear.gather [hbm4b:s14+s3], $0x3E8, $0x38;
	[tilespmem:$0xF800] =	vst v63  }
0x36: {  	s18 =	simm.s32 $0x2BD0  }
0x37: {  	[tilespmem:s18], [sflag:$0x5] =	stream.linear.gather [hbm4b:s19+s3], $0x3E8, $0x38;
	[tilespmem:$0xF800] =	vst v63  }
0x38: {  	_ =	swait.ge [sflag:s0], $0x3E8  }
0x39: {  	[sflag:s0] =	ssyncset.done $0x0  }
0x3a: {  	[sflag:s0] =	ssyncadd.s32 $0xFFFFFC18  }
0x3b: {  	_ =	swait.ge [sflag:s0], $0x3E8  }
0x3c: {  	[sflag:s0] =	ssyncset.done $0x0  }
0x3d: {  	[sflag:s0] =	ssyncadd.s32 $0xFFFFFC18  }
0x3e: {  	_ =	swait.ge [sflag:s0], $0x3E8  }
0x3f: {  	[sflag:s0] =	ssyncset.done $0x0  }
0x40: {  	[sflag:s0] =	ssyncadd.s32 $0xFFFFFC18  }
0x41: {  	_ =	swait.ge [sflag:s0], $0x3E8  }
0x42: {  	[sflag:s0] =	ssyncset.done $0x0  }
0x43: {  	[sflag:s0] =	ssyncadd.s32 $0xFFFFFC18  }
0x44: {  	_ =	swait.ge [sflag:s0], $0x3E8  }
0x45: {  	[sflag:s0] =	ssyncset.done $0x0  }
0x46: {  	[sflag:s0] =	ssyncadd.s32 $0xFFFFFC18  }
0x47: {  	_ =	swait.ge [sflag:s0], $0x3E8  }
0x48: {  	[sflag:s0] =	ssyncset.done $0x0  }
0x49: {  	[sflag:s0] =	ssyncadd.s32 $0xFFFFFC18  }
0x4a: {  	_ =	swait.ge [sflag:s0], $0x3E8  }
0x4b: {  	[sflag:s0] =	ssyncset.done $0x0  }
0x4c: {  	[sflag:s0] =	ssyncadd.s32 $0xFFFFFC18  }
0x4d: {  	_ =	swait.ge [sflag:s0], $0x3E8  }
0x4e: {  	[sflag:s0] =	ssyncset.done $0x0  }
0x4f: {  	[sflag:s0] =	ssyncadd.s32 $0xFFFFFC18  }
0x50: {  	_ =	swait.ge [sflag:s0], $0x3E8  }
0x51: {  	[sflag:s0] =	ssyncset.done $0x0  }
0x52: {  	[sflag:s0] =	ssyncadd.s32 $0xFFFFFC18  }
0x53: {  	_ =	swait.ge [sflag:s0], $0x3E8  }
0x54: {  	[sflag:s0] =	ssyncset.done $0x0  }
0x55: {  	[sflag:s0] =	ssyncadd.s32 $0xFFFFFC18  }
0x56: {  	_ =	swait.ge [sflag:s0], $0x3E8  }
0x57: {  	[sflag:s0] =	ssyncset.done $0x0  }
0x58: {  	[sflag:s0] =	ssyncadd.s32 $0xFFFFFC18  }
0x59: {  	_ =	swait.ge [sflag:s0], $0x3E8  }
0x5a: {  	[sflag:s0] =	ssyncset.done $0x0  }
0x5b: {  	[sflag:s0] =	ssyncadd.s32 $0xFFFFFC18  }
0x5c: {  	[tilespmem:s25], [sflag:$0x1] =	stream.indirect.gather [hbm4b:s1+s7], $0x80, s3, s7, $0xb8;
	[tilespmem:$0xF800] =	vst v63  }
0x5d: {  	_ = 	snop  }
0x5e: {  	[tilespmem:s26], [sflag:$0x1] =	stream.indirect.gather [hbm4b:s4+s7], $0x80, s15, s7, $0xb8;
	[tilespmem:$0xF800] =	vst v63  }
0x5f: {  	_ = 	snop  }
0x60: {  	[tilespmem:s28], [sflag:$0x1] =	stream.indirect.gather [hbm4b:s1+s7], $0x80, s16, s7, $0xb8;
	[tilespmem:$0xF800] =	vst v63  }
0x61: {  	s13 =	simm.s32 $0x0  }
0x62: {  	[tilespmem:s29], [sflag:$0x1] =	stream.indirect.gather [hbm4b:s4+s7], $0x80, s17, s7, $0xb8;
	[tilespmem:$0xF800] =	vst v63  }
.LBB2_2:
0x63: {  	s15 =	smul.u32 $0x50, s13;
	_ =	sdelay $0x1  }
0x64: {  	s14 =	sadd.s32 $0x28, s15  }
0x65: {  	[tilespmem:s30], [sflag:$0x2] =	stream.indirect.gather [hbm4b:s1+s7], $0x80, s14, s7, $0xb8;
	[tilespmem:$0xF800] =	vst v63  }
0x66: {  	s16 =	sadd.s32 $0xC28, s15  }
0x67: {  	[tilespmem:s31], [sflag:$0x2] =	stream.indirect.gather [hbm4b:s4+s7], $0x80, s16, s7, $0xb8;
	[tilespmem:$0xF800] =	vst v63  }
0x68: {  	s17 =	sadd.s32 $0x1828, s15  }
0x69: {  	[tilespmem:s2], [sflag:$0x2] =	stream.indirect.gather [hbm4b:s1+s7], $0x80, s17, s7, $0xb8;
	[tilespmem:$0xF800] =	vst v63  }
0x6a: {  	s18 =	sadd.s32 $0x2428, s15  }
0x6b: {  	[tilespmem:s8], [sflag:$0x2] =	stream.indirect.gather [hbm4b:s4+s7], $0x80, s18, s7, $0xb8;
	[tilespmem:$0xF800] =	vst v63  }
0x6c: {  	_ =	swait.ge [sflag:s9], $0x1400  }
0x6d: {  	[sflag:s9] =	ssyncset.done $0x0  }
0x6e: {  	[sflag:s9] =	ssyncadd.s32 $0xFFFFEC00  }
0x6f: {  	_ =	swait.ge [sflag:s9], $0x1400  }
0x70: {  	[sflag:s9] =	ssyncset.done $0x0  }
0x71: {  	[sflag:s9] =	ssyncadd.s32 $0xFFFFEC00  }
0x72: {  	_ =	swait.ge [sflag:s9], $0x1400  }
0x73: {  	[sflag:s9] =	ssyncset.done $0x0  }
0x74: {  	[sflag:s9] =	ssyncadd.s32 $0xFFFFEC00  }
0x75: {  	_ =	swait.ge [sflag:s9], $0x1400  }
0x76: {  	p0 =	seq.s32 s13, $0x0;
	[sflag:s9] =	ssyncset.done $0x0  }
0x77: {  	s16 =	simm.s32 @!p0 $0x3;
	[sflag:s9] =	ssyncadd.s32 $0xFFFFEC00  }
0x78: {  	_ =	swait.ge @!p0 [sflag:s16], $0x1400  }
0x79: {  	[sflag:s16] =	ssyncset.done @!p0 $0x0  }
0x7a: {  	[sflag:s16] =	ssyncadd.s32 @!p0 $0xFFFFEC00;
	s16 =	simm.s32 $0x0  }
0x7b: {  	v0 =	vld [tilespmem:s16+$0x5830]  }
0x7c: {  	v1 =	vld [tilespmem:s16+$0x6C30]  }
0x7d: {  	v2 =	vld [tilespmem:s16+$0x5870]  }
0x7e: {  	v3 =	vld [tilespmem:s16+$0x6C70]  }
0x7f: {  	v4 =	vld [tilespmem:s16+$0x3000]  }
0x80: {  	v5 =	vld [tilespmem:s16+$0x4400]  }
0x81: {  	v6 =	vld [tilespmem:s16+$0x3040]  }
0x82: {  	v7 =	vld [tilespmem:s16+$0x4440];
	_ =	sdelay $0x2  }
0x83: {  	v8 =	vld [tilespmem:s16+$0x5800];
	v0 =	vadd.f32 v1, v0  }
0x84: {  	v1 =	vadd.f32 v3, v2;
	v2 =	vld [tilespmem:s16+$0x6C00];
	v4 =	vadd.f32 v5, v4  }
0x85: {  	v11 =	vld [tilespmem:s16+$0x6C40];
	v6 =	vadd.f32 v7, v6  }
0x86: {  	v3 =	vld [tilespmem:s16+$0x5840];
	v9 =	vshrl.u32 v0, $0x10;
	v10 =	vshrl.u32 v1, $0x10;
	v7 =	vshrl.u32 v4, $0x10  }
0x87: {  	v12 =	vshrl.u32 v6, $0x10;
	v5 =	vand.u32 $0x1, v9;
	v9 =	vand.u32 $0x1, v10;
	v10 =	vld [tilespmem:s16+$0x3010]  }
0x88: {  	v7 =	vand.u32 $0x1, v7;
	v0 =	vadd.s32 v5, v0;
	v1 =	vadd.s32 v9, v1;
	v5 =	vld [tilespmem:s16+$0x4410]  }
0x89: {  	v9 =	vld [tilespmem:s16+$0x3050];
	v0 =	vadd.s32 $0x7FFF, v0;
	v1 =	vadd.s32 $0x7FFF, v1;
	v2 =	vadd.f32 v2, v8  }
0x8a: {  	v12 =	vand.u32 $0x1, v12;
	v8 =	vld [tilespmem:s16+$0x4450];
	v0 =	vshrl.u32 v0, $0x10;
	v1 =	vand.u32 $0xFFFF0000, v1  }
0x8b: {  	v3 =	vadd.f32 v11, v3;
	v0 =	vor.u32 v0, v1;
	v1 =	vld [tilespmem:s16+$0x5810];
	v11 =	vshrl.u32 v2, $0x10  }
0x8c: {  	[tilespmem:s16+$0xD070] =	vst v0;
	v0 =	vadd.s32 v7, v4;
	v4 =	vadd.s32 v12, v6;
	v6 =	vand.u32 $0x1, v11;
	v7 =	vld [tilespmem:s16+$0x6C10]  }
0x8d: {  	v11 =	vld [tilespmem:s16+$0x6C50];
	v2 =	vadd.s32 v6, v2;
	v6 =	vshrl.u32 v3, $0x10;
	v5 =	vadd.f32 v5, v10  }
0x8e: {  	v10 =	vld [tilespmem:s16+$0x5850];
	v0 =	vadd.s32 $0x7FFF, v0;
	v4 =	vadd.s32 $0x7FFF, v4;
	v6 =	vand.u32 $0x1, v6  }
0x8f: {  	v12 =	vld [tilespmem:s16+$0x4420];
	v3 =	vadd.s32 v6, v3;
	v6 =	vadd.f32 v8, v9;
	v8 =	vshrl.u32 v5, $0x10  }
0x90: {  	v2 =	vadd.s32 $0x7FFF, v2;
	v0 =	vshrl.u32 v0, $0x10;
	v9 =	vld [tilespmem:s16+$0x3020];
	v8 =	vand.u32 $0x1, v8  }
0x91: {  	v13 =	vld [tilespmem:s16+$0x3060];
	v5 =	vadd.s32 v8, v5;
	v8 =	vshrl.u32 v6, $0x10;
	v7 =	vadd.f32 v7, v1  }
0x92: {  	v2 =	vshrl.u32 v2, $0x10;
	v3 =	vadd.s32 $0x7FFF, v3;
	v1 =	vand.u32 $0x1, v8;
	v8 =	vld [tilespmem:s16+$0x4460]  }
0x93: {  	v14 =	vld [tilespmem:s16+$0x5820];
	v3 =	vand.u32 $0xFFFF0000, v3;
	v10 =	vadd.f32 v11, v10;
	v11 =	vshrl.u32 v7, $0x10  }
0x94: {  	v6 =	vadd.s32 v1, v6;
	v1 =	vand.u32 $0xFFFF0000, v4;
	v4 =	vand.u32 $0x1, v11;
	v11 =	vld [tilespmem:s16+$0x6C20]  }
0x95: {  	v9 =	vadd.f32 v12, v9;
	v12 =	vld [tilespmem:s16+$0x5860];
	v4 =	vadd.s32 v4, v7;
	v7 =	vshrl.u32 v10, $0x10  }
0x96: {  	v5 =	vadd.s32 $0x7FFF, v5;
	v16 =	vadd.s32 $0x7FFF, v4;
	v4 =	vand.u32 $0x1, v7;
	v7 =	vld [tilespmem:s16+$0x6C60]  }
0x97: {  	v4 =	vadd.s32 v4, v10;
	v8 =	vadd.f32 v8, v13;
	v10 =	vshrl.u32 v9, $0x10;
	v13 =	vld [tilespmem:s16+$0x3030]  }
0x98: {  	v6 =	vadd.s32 $0x7FFF, v6;
	v17 =	vadd.s32 $0x7FFF, v4;
	v4 =	vand.u32 $0x1, v10;
	v10 =	vld [tilespmem:s16+$0x4430]  }
0x99: {  	v18 =	vld [tilespmem:s16+$0x3070];
	v6 =	vand.u32 $0xFFFF0000, v6;
	v15 =	vshrl.u32 v8, $0x10;
	v14 =	vadd.f32 v11, v14  }
0x9a: {  	v19 =	vld [tilespmem:s16+$0x4470];
	v9 =	vadd.s32 v4, v9;
	v4 =	vshrl.u32 v5, $0x10;
	v5 =	vand.u32 $0x1, v15  }
0x9b: {  	v5 =	vadd.s32 v5, v8;
	v20 =	vadd.f32 v7, v12;
	v7 =	vshrl.u32 v14, $0x10  }
0x9c: {  	v9 =	vadd.s32 $0x7FFF, v9;
	v11 =	vadd.s32 $0x7FFF, v5;
	v5 =	vand.u32 $0x1, v7  }
0x9d: {  	s17 =	simm.s32 $0x80;
	v7 =	vadd.s32 v5, v14;
	v14 =	vshrl.u32 v20, $0x10;
	v15 =	vadd.f32 v10, v13  }
0x9e: {  	v8 =	vshrl.u32 v16, $0x10;
	v5 =	vld [tilespmem:s17+$0x5830];
	v12 =	vadd.s32 $0x7FFF, v7;
	v10 =	vand.u32 $0x1, v14  }
0x9f: {  	v7 =	vld [tilespmem:s17+$0x6C30];
	v14 =	vadd.f32 v19, v18;
	v16 =	vadd.s32 v10, v20;
	v18 =	vshrl.u32 v15, $0x10  }
0xa0: {  	s18 =	simm.s32 $0x400;
	v13 =	vand.u32 $0xFFFF0000, v17;
	v10 =	vld [tilespmem:s17+$0x5870];
	v16 =	vadd.s32 $0x7FFF, v16;
	v17 =	vand.u32 $0x1, v18  }
.LBB2_3:
0xa1: {  	p1 =	sne.s32 s18, $0x4E00;
	v18 =	vld [tilespmem:s17+$0x6C70];
	v9 =	vshrl.u32 v9, $0x10;
	v15 =	vadd.s32 v17, v15;
	v17 =	vshrl.u32 v14, $0x10  }
0xa2: {  	v11 =	vand.u32 $0xFFFF0000, v11;
	v19 =	vld [tilespmem:s17+$0x3000];
	v15 =	vadd.s32 $0x7FFF, v15;
	v17 =	vand.u32 $0x1, v17  }
0xa3: {  	v12 =	vshrl.u32 v12, $0x10;
	v16 =	vand.u32 $0xFFFF0000, v16;
	v20 =	vld [tilespmem:s17+$0x4400];
	v14 =	vadd.s32 v17, v14  }
0xa4: {  	v0 =	vor.u32 v0, v1;
	v17 =	vld [tilespmem:s17+$0x3040];
	v1 =	vadd.s32 $0x7FFF, v14;
	v14 =	vshrl.u32 v15, $0x10  }
0xa5: {  	v15 =	vld [tilespmem:s17+$0x4440];
	[tilespmem:s16+$0xD000] =	vst v0;
	v0 =	vor.u32 v2, v3;
	v2 =	vor.u32 v4, v6;
	v1 =	vand.u32 $0xFFFF0000, v1  }
0xa6: {  	v4 =	vadd.f32 v7, v5;
	v3 =	vld [tilespmem:s17+$0x5800];
	v5 =	vadd.f32 v18, v10;
	[tilespmem:s16+$0xD040] =	vst v0;
	v0 =	vor.u32 v8, v13  }
0xa7: {  	v7 =	vor.u32 v12, v16;
	v1 =	vor.u32 v14, v1;
	v6 =	vld [tilespmem:s17+$0x6C00];
	[tilespmem:s16+$0xD010] =	vst v2;
	v2 =	vor.u32 v9, v11  }
0xa8: {  	v10 =	vshrl.u32 v4, $0x10;
	v8 =	vadd.f32 v20, v19;
	v9 =	vld [tilespmem:s17+$0x5840];
	v11 =	vshrl.u32 v5, $0x10;
	[tilespmem:s16+$0xD050] =	vst v0  }
0xa9: {  	v10 =	vand.u32 $0x1, v10;
	v0 =	vld [tilespmem:s17+$0x6C40];
	v11 =	vand.u32 $0x1, v11;
	[tilespmem:s16+$0xD020] =	vst v2  }
0xaa: {  	v4 =	vadd.s32 v10, v4;
	v2 =	vadd.f32 v15, v17;
	v12 =	vld [tilespmem:s17+$0x3010];
	v5 =	vadd.s32 v11, v5;
	[tilespmem:s16+$0xD060] =	vst v7  }
0xab: {  	v7 =	vshrl.u32 v8, $0x10;
	v4 =	vadd.s32 $0x7FFF, v4;
	v10 =	vld [tilespmem:s17+$0x4410];
	v5 =	vadd.s32 $0x7FFF, v5;
	[tilespmem:s16+$0xD030] =	vst v1;
	s16 =	smov.u32 s17  }
0xac: {  	v4 =	vshrl.u32 v4, $0x10;
	v1 =	vadd.f32 v6, v3;
	v3 =	vld [tilespmem:s16+$0x3050];
	v5 =	vand.u32 $0xFFFF0000, v5  }
0xad: {  	v6 =	vand.u32 $0x1, v7;
	v7 =	vshrl.u32 v2, $0x10;
	v11 =	vld [tilespmem:s16+$0x4450];
	v4 =	vor.u32 v4, v5  }
0xae: {  	v5 =	vand.u32 $0x1, v7;
	v0 =	vadd.f32 v0, v9;
	v7 =	vshrl.u32 v1, $0x10;
	v9 =	vld [tilespmem:s16+$0x5810];
	[tilespmem:s16+$0xD070] =	vst v4  }
0xaf: {  	v4 =	vadd.s32 v6, v8;
	v2 =	vadd.s32 v5, v2;
	v5 =	vand.u32 $0x1, v7;
	v6 =	vld [tilespmem:s16+$0x6C10]  }
0xb0: {  	v1 =	vadd.s32 v5, v1;
	v5 =	vshrl.u32 v0, $0x10;
	v7 =	vadd.f32 v10, v12;
	v8 =	vld [tilespmem:s16+$0x5850]  }
0xb1: {  	v4 =	vadd.s32 $0x7FFF, v4;
	v2 =	vadd.s32 $0x7FFF, v2;
	v5 =	vand.u32 $0x1, v5;
	v10 =	vld [tilespmem:s16+$0x6C50]  }
0xb2: {  	v0 =	vadd.s32 v5, v0;
	v3 =	vadd.f32 v11, v3;
	v5 =	vshrl.u32 v7, $0x10;
	v11 =	vld [tilespmem:s16+$0x3020]  }
0xb3: {  	v12 =	vadd.s32 $0x7FFF, v1;
	v13 =	vadd.s32 $0x7FFF, v0;
	v0 =	vand.u32 $0x1, v5;
	v5 =	vld [tilespmem:s16+$0x4420]  }
0xb4: {  	v1 =	vadd.s32 v0, v7;
	v7 =	vshrl.u32 v3, $0x10;
	v6 =	vadd.f32 v6, v9;
	v9 =	vld [tilespmem:s16+$0x3060]  }
0xb5: {  	v0 =	vshrl.u32 v4, $0x10;
	v4 =	vadd.s32 $0x7FFF, v1;
	v1 =	vand.u32 $0x1, v7;
	v7 =	vld [tilespmem:s16+$0x4460]  }
0xb6: {  	v3 =	vadd.s32 v1, v3;
	v8 =	vadd.f32 v10, v8;
	v10 =	vshrl.u32 v6, $0x10;
	v14 =	vld [tilespmem:s16+$0x5820]  }
0xb7: {  	v1 =	vand.u32 $0xFFFF0000, v2;
	v15 =	vadd.s32 $0x7FFF, v3;
	v2 =	vand.u32 $0x1, v10;
	v10 =	vld [tilespmem:s16+$0x6C20]  }
0xb8: {  	v3 =	vadd.s32 v2, v6;
	v6 =	vshrl.u32 v8, $0x10;
	v5 =	vadd.f32 v5, v11;
	v11 =	vld [tilespmem:s16+$0x5860]  }
0xb9: {  	v2 =	vshrl.u32 v12, $0x10;
	v12 =	vadd.s32 $0x7FFF, v3;
	v3 =	vand.u32 $0x1, v6;
	v6 =	vld [tilespmem:s16+$0x6C60]  }
0xba: {  	v8 =	vadd.s32 v3, v8;
	v7 =	vadd.f32 v7, v9;
	v9 =	vshrl.u32 v5, $0x10;
	v16 =	vld [tilespmem:s16+$0x3030]  }
0xbb: {  	v3 =	vand.u32 $0xFFFF0000, v13;
	v13 =	vadd.s32 $0x7FFF, v8;
	v8 =	vand.u32 $0x1, v9;
	v17 =	vld [tilespmem:s16+$0x4430]  }
0xbc: {  	v5 =	vadd.s32 v8, v5;
	v8 =	vshrl.u32 v7, $0x10;
	v10 =	vadd.f32 v10, v14;
	v14 =	vld [tilespmem:s16+$0x3070]  }
0xbd: {  	v4 =	vshrl.u32 v4, $0x10;
	v9 =	vadd.s32 $0x7FFF, v5;
	v5 =	vand.u32 $0x1, v8;
	v18 =	vld [tilespmem:s16+$0x4470]  }
0xbe: {  	v5 =	vadd.s32 v5, v7;
	v19 =	vadd.f32 v6, v11;
	v7 =	vshrl.u32 v10, $0x10  }
.Ltmp0:
0xbf: {  	v6 =	vand.u32 $0xFFFF0000, v15;
	v11 =	vadd.s32 $0x7FFF, v5;
	v5 =	vand.u32 $0x1, v7;
	(pc) =	sbr.rel @p1 .LBB2_3-.Ltmp0, $4  }
0xc0: {  	s17 =	sshra.s32 s18, $0x2;
	v7 =	vadd.s32 v5, v10;
	v10 =	vshrl.u32 v19, $0x10;
	v15 =	vadd.f32 v17, v16  }
0xc1: {  	v8 =	vshrl.u32 v12, $0x10;
	v5 =	vld [tilespmem:s17+$0x5830];
	v12 =	vadd.s32 $0x7FFF, v7;
	v10 =	vand.u32 $0x1, v10  }
0xc2: {  	v7 =	vld [tilespmem:s17+$0x6C30];
	v16 =	vadd.s32 v10, v19;
	v14 =	vadd.f32 v18, v14;
	v17 =	vshrl.u32 v15, $0x10  }
0xc3: {  	s18 =	sadd.s32 $0x200, s18;
	v13 =	vand.u32 $0xFFFF0000, v13;
	v10 =	vld [tilespmem:s17+$0x5870];
	v16 =	vadd.s32 $0x7FFF, v16;
	v17 =	vand.u32 $0x1, v17  }
0xc4: {  	v18 =	vld [tilespmem:s17+$0x6C70]  }
0xc5: {  	v19 =	vld [tilespmem:s17+$0x3000]  }
0xc6: {  	v20 =	vld [tilespmem:s17+$0x4400]  }
0xc7: {  	v21 =	vld [tilespmem:s17+$0x3040];
	v0 =	vor.u32 v0, v1  }
0xc8: {  	v1 =	vld [tilespmem:s17+$0x4440];
	v8 =	vor.u32 v8, v13;
	v12 =	vshrl.u32 v12, $0x10;
	[tilespmem:s16+$0xD000] =	vst v0;
	v0 =	vor.u32 v2, v3  }
0xc9: {  	v2 =	vld [tilespmem:s17+$0x5800];
	[tilespmem:s16+$0xD040] =	vst v0;
	v0 =	vor.u32 v4, v6;
	v4 =	vshrl.u32 v9, $0x10;
	v6 =	vadd.s32 v17, v15  }
0xca: {  	v9 =	vand.u32 $0xFFFF0000, v11;
	v3 =	vld [tilespmem:s17+$0x6C00];
	[tilespmem:s16+$0xD010] =	vst v0;
	v0 =	vshrl.u32 v14, $0x10;
	v6 =	vadd.s32 $0x7FFF, v6  }
0xcb: {  	v4 =	vor.u32 v4, v9;
	v5 =	vadd.f32 v7, v5;
	v0 =	vand.u32 $0x1, v0  }
0xcc: {  	v11 =	vld [tilespmem:s17+$0x5840];
	[tilespmem:s16+$0xD050] =	vst v8;
	v8 =	vand.u32 $0xFFFF0000, v16;
	v0 =	vadd.s32 v0, v14;
	v7 =	vadd.f32 v18, v10  }
0xcd: {  	v9 =	vld [tilespmem:s17+$0x6C40];
	[tilespmem:s16+$0xD020] =	vst v4;
	v4 =	vshrl.u32 v6, $0x10;
	v6 =	vor.u32 v12, v8;
	v0 =	vadd.s32 $0x7FFF, v0  }
0xce: {  	v8 =	vld [tilespmem:s17+$0x3010];
	[tilespmem:s16+$0xD060] =	vst v6;
	v6 =	vadd.f32 v20, v19;
	v0 =	vand.u32 $0xFFFF0000, v0  }
0xcf: {  	v10 =	vshrl.u32 v7, $0x10;
	v0 =	vor.u32 v4, v0;
	v4 =	vshrl.u32 v5, $0x10  }
0xd0: {  	v1 =	vadd.f32 v1, v21;
	v10 =	vand.u32 $0x1, v10;
	v4 =	vand.u32 $0x1, v4  }
0xd1: {  	v12 =	vld [tilespmem:s17+$0x4410];
	v2 =	vadd.f32 v3, v2;
	[tilespmem:s16+$0xD030] =	vst v0;
	v0 =	vshrl.u32 v6, $0x10;
	v4 =	vadd.s32 v4, v5  }
0xd2: {  	v5 =	vadd.s32 v10, v7;
	v0 =	vand.u32 $0x1, v0;
	v10 =	vshrl.u32 v1, $0x10  }
0xd3: {  	v9 =	vadd.f32 v9, v11;
	v11 =	vshrl.u32 v2, $0x10;
	v4 =	vadd.s32 $0x7FFF, v4  }
0xd4: {  	v7 =	vld [tilespmem:s17+$0x3050];
	v5 =	vadd.s32 $0x7FFF, v5;
	v10 =	vand.u32 $0x1, v10;
	v0 =	vadd.s32 v0, v6  }
0xd5: {  	v3 =	vshrl.u32 v4, $0x10;
	v4 =	vand.u32 $0xFFFF0000, v5;
	v5 =	vld [tilespmem:s17+$0x4450];
	v1 =	vadd.s32 v10, v1  }
0xd6: {  	v6 =	vld [tilespmem:s17+$0x6C10];
	v8 =	vadd.f32 v12, v8;
	v0 =	vadd.s32 $0x7FFF, v0;
	v3 =	vor.u32 v3, v4  }
0xd7: {  	v4 =	vld [tilespmem:s17+$0x5810];
	v1 =	vadd.s32 $0x7FFF, v1;
	v0 =	vshrl.u32 v0, $0x10;
	[tilespmem:s17+$0xD070] =	vst v3;
	v3 =	vand.u32 $0x1, v11  }
0xd8: {  	v10 =	vld [tilespmem:s17+$0x5850];
	v1 =	vand.u32 $0xFFFF0000, v1;
	v2 =	vadd.s32 v3, v2;
	v3 =	vshrl.u32 v9, $0x10  }
0xd9: {  	v11 =	vld [tilespmem:s17+$0x6C50];
	v0 =	vor.u32 v0, v1;
	v3 =	vand.u32 $0x1, v3  }
0xda: {  	v12 =	vld [tilespmem:s17+$0x4420];
	v3 =	vadd.s32 v3, v9;
	v5 =	vadd.f32 v5, v7;
	v7 =	vshrl.u32 v8, $0x10  }
0xdb: {  	v2 =	vadd.s32 $0x7FFF, v2;
	v9 =	vld [tilespmem:s17+$0x3020];
	v3 =	vadd.s32 $0x7FFF, v3;
	v7 =	vand.u32 $0x1, v7  }
0xdc: {  	v13 =	vld [tilespmem:s17+$0x4460];
	v4 =	vadd.f32 v6, v4;
	v7 =	vadd.s32 v7, v8;
	v8 =	vshrl.u32 v5, $0x10  }
0xdd: {  	v2 =	vshrl.u32 v2, $0x10;
	v6 =	vld [tilespmem:s17+$0x3060];
	v3 =	vand.u32 $0xFFFF0000, v3;
	v8 =	vand.u32 $0x1, v8  }
0xde: {  	v14 =	vld [tilespmem:s17+$0x6C20];
	v5 =	vadd.s32 v8, v5;
	v8 =	vadd.f32 v11, v10;
	v10 =	vshrl.u32 v4, $0x10  }
0xdf: {  	[tilespmem:s17+$0xD000] =	vst v0;
	v7 =	vadd.s32 $0x7FFF, v7;
	v0 =	vor.u32 v2, v3;
	v11 =	vld [tilespmem:s17+$0x5820];
	v10 =	vand.u32 $0x1, v10  }
0xe0: {  	v15 =	vld [tilespmem:s17+$0x6C60];
	v9 =	vadd.f32 v12, v9;
	v4 =	vadd.s32 v10, v4;
	v10 =	vshrl.u32 v8, $0x10  }
0xe1: {  	v7 =	vshrl.u32 v7, $0x10;
	v5 =	vadd.s32 $0x7FFF, v5;
	v12 =	vld [tilespmem:s17+$0x5860];
	v10 =	vand.u32 $0x1, v10  }
0xe2: {  	v16 =	vld [tilespmem:s17+$0x4430];
	v6 =	vadd.f32 v13, v6;
	v8 =	vadd.s32 v10, v8;
	v10 =	vshrl.u32 v9, $0x10  }
0xe3: {  	v17 =	vld [tilespmem:s17+$0x4470];
	v5 =	vand.u32 $0xFFFF0000, v5;
	v4 =	vadd.s32 $0x7FFF, v4;
	v10 =	vand.u32 $0x1, v10  }
0xe4: {  	v13 =	vld [tilespmem:s17+$0x3030];
	v11 =	vadd.f32 v14, v11;
	v9 =	vadd.s32 v10, v9;
	v10 =	vshrl.u32 v6, $0x10  }
0xe5: {  	v3 =	vor.u32 v7, v5;
	v8 =	vadd.s32 $0x7FFF, v8;
	v14 =	vld [tilespmem:s17+$0x3070];
	v10 =	vand.u32 $0x1, v10  }
0xe6: {  	v6 =	vadd.s32 v10, v6;
	v10 =	vadd.f32 v15, v12;
	v12 =	vshrl.u32 v11, $0x10  }
0xe7: {  	v4 =	vshrl.u32 v4, $0x10;
	v8 =	vand.u32 $0xFFFF0000, v8;
	v12 =	vand.u32 $0x1, v12  }
0xe8: {  	v9 =	vadd.s32 $0x7FFF, v9;
	v11 =	vadd.s32 v12, v11;
	v12 =	vshrl.u32 v10, $0x10  }
0xe9: {  	v13 =	vadd.f32 v16, v13;
	v4 =	vor.u32 v4, v8;
	v12 =	vand.u32 $0x1, v12  }
0xea: {  	v6 =	vadd.s32 $0x7FFF, v6;
	v10 =	vadd.s32 v12, v10;
	v12 =	vadd.f32 v17, v14  }
0xeb: {  	v9 =	vshrl.u32 v9, $0x10;
	v6 =	vand.u32 $0xFFFF0000, v6;
	v11 =	vadd.s32 $0x7FFF, v11  }
0xec: {  	v5 =	vor.u32 v9, v6;
	v14 =	vshrl.u32 v13, $0x10;
	v1 =	vshrl.u32 v12, $0x10  }
0xed: {  	[tilespmem:s17+$0xD040] =	vst v0;
	v0 =	vshrl.u32 v11, $0x10;
	v14 =	vand.u32 $0x1, v14;
	v1 =	vand.u32 $0x1, v1  }
0xee: {  	[tilespmem:s17+$0xD010] =	vst v3;
	v10 =	vadd.s32 $0x7FFF, v10;
	v13 =	vadd.s32 v14, v13;
	v1 =	vadd.s32 v1, v12  }
0xef: {  	[tilespmem:s17+$0xD050] =	vst v4;
	v3 =	vand.u32 $0xFFFF0000, v10;
	v2 =	vadd.s32 $0x7FFF, v13;
	v1 =	vadd.s32 $0x7FFF, v1  }
0xf0: {  	s18 =	sadd.s32 s6, s15;
	[tilespmem:s17+$0xD020] =	vst v5;
	v0 =	vor.u32 v0, v3;
	v2 =	vshrl.u32 v2, $0x10;
	v1 =	vand.u32 $0xFFFF0000, v1  }
0xf1: {  	s16 =	sshll.u32 s18, $0x4;
	[tilespmem:s17+$0xD060] =	vst v0;
	v1 =	vor.u32 v2, v1  }
0xf2: {  	s16 =	sadd.s32 s5, s16;
	[tilespmem:s17+$0xD030] =	vst v1  }
0xf3: {  	[hbm4b:s16+s3] =	stream.linear.scatter [tilespmem:s22], [sflag:$0x3], $0x1400, $0x38;
	[tilespmem:$0xF800] =	vst v63  }
0xf4: {  	s17 =	sadd.s32 $0x50, s15  }
0xf5: {  	[tilespmem:s25], [sflag:$0x1] =	stream.indirect.gather [hbm4b:s1+s7], $0x80, s17, s7, $0xb8;
	[tilespmem:$0xF800] =	vst v63  }
0xf6: {  	s18 =	sadd.s32 $0xC50, s15  }
0xf7: {  	[tilespmem:s26], [sflag:$0x1] =	stream.indirect.gather [hbm4b:s4+s7], $0x80, s18, s7, $0xb8;
	[tilespmem:$0xF800] =	vst v63  }
0xf8: {  	s17 =	sadd.s32 $0x1850, s15  }
0xf9: {  	[tilespmem:s28], [sflag:$0x1] =	stream.indirect.gather [hbm4b:s1+s7], $0x80, s17, s7, $0xb8;
	[tilespmem:$0xF800] =	vst v63  }
0xfa: {  	s18 =	sadd.s32 $0x2450, s15  }
0xfb: {  	[tilespmem:s29], [sflag:$0x1] =	stream.indirect.gather [hbm4b:s4+s7], $0x80, s18, s7, $0xb8;
	[tilespmem:$0xF800] =	vst v63  }
0xfc: {  	_ =	swait.ge [sflag:s23], $0x1400  }
0xfd: {  	[sflag:s23] =	ssyncset.done $0x0  }
0xfe: {  	[sflag:s23] =	ssyncadd.s32 $0xFFFFEC00  }
0xff: {  	_ =	swait.ge [sflag:s23], $0x1400  }
0x100: {  	[sflag:s23] =	ssyncset.done $0x0  }
0x101: {  	[sflag:s23] =	ssyncadd.s32 $0xFFFFEC00  }
0x102: {  	_ =	swait.ge [sflag:s23], $0x1400  }
0x103: {  	[sflag:s23] =	ssyncset.done $0x0  }
0x104: {  	[sflag:s23] =	ssyncadd.s32 $0xFFFFEC00  }
0x105: {  	_ =	swait.ge [sflag:s23], $0x1400  }
0x106: {  	[sflag:s23] =	ssyncset.done $0x0  }
0x107: {  	s15 =	simm.s32 @!p0 $0x4;
	[sflag:s23] =	ssyncadd.s32 $0xFFFFEC00  }
0x108: {  	_ =	swait.ge @!p0 [sflag:s15], $0x1400  }
0x109: {  	[sflag:s15] =	ssyncset.done @!p0 $0x0  }
0x10a: {  	[sflag:s15] =	ssyncadd.s32 @!p0 $0xFFFFEC00;
	s15 =	simm.s32 $0x0  }
0x10b: {  	v0 =	vld [tilespmem:s15+$0xA830]  }
0x10c: {  	v1 =	vld [tilespmem:s15+$0xBC30]  }
0x10d: {  	v2 =	vld [tilespmem:s15+$0xA870]  }
0x10e: {  	v3 =	vld [tilespmem:s15+$0xBC70]  }
0x10f: {  	v4 =	vld [tilespmem:s15+$0x8000]  }
0x110: {  	v5 =	vld [tilespmem:s15+$0x9400]  }
0x111: {  	v6 =	vld [tilespmem:s15+$0x8040]  }
0x112: {  	v7 =	vld [tilespmem:s15+$0x9440];
	_ =	sdelay $0x2  }
0x113: {  	v8 =	vld [tilespmem:s15+$0xA800];
	v0 =	vadd.f32 v1, v0  }
0x114: {  	v1 =	vadd.f32 v3, v2;
	v2 =	vld [tilespmem:s15+$0xBC00];
	v4 =	vadd.f32 v5, v4  }
0x115: {  	v11 =	vld [tilespmem:s15+$0xBC40];
	v6 =	vadd.f32 v7, v6  }
0x116: {  	v3 =	vld [tilespmem:s15+$0xA840];
	v9 =	vshrl.u32 v0, $0x10;
	v10 =	vshrl.u32 v1, $0x10;
	v7 =	vshrl.u32 v4, $0x10  }
0x117: {  	v12 =	vshrl.u32 v6, $0x10;
	v5 =	vand.u32 $0x1, v9;
	v9 =	vand.u32 $0x1, v10;
	v10 =	vld [tilespmem:s15+$0x8010]  }
0x118: {  	v7 =	vand.u32 $0x1, v7;
	v0 =	vadd.s32 v5, v0;
	v1 =	vadd.s32 v9, v1;
	v5 =	vld [tilespmem:s15+$0x9410]  }
0x119: {  	v9 =	vld [tilespmem:s15+$0x8050];
	v0 =	vadd.s32 $0x7FFF, v0;
	v1 =	vadd.s32 $0x7FFF, v1;
	v2 =	vadd.f32 v2, v8  }
0x11a: {  	v12 =	vand.u32 $0x1, v12;
	v8 =	vld [tilespmem:s15+$0x9450];
	v0 =	vshrl.u32 v0, $0x10;
	v1 =	vand.u32 $0xFFFF0000, v1  }
0x11b: {  	v3 =	vadd.f32 v11, v3;
	v0 =	vor.u32 v0, v1;
	v1 =	vld [tilespmem:s15+$0xA810];
	v11 =	vshrl.u32 v2, $0x10  }
0x11c: {  	[tilespmem:s15+$0xE470] =	vst v0;
	v0 =	vadd.s32 v7, v4;
	v4 =	vadd.s32 v12, v6;
	v6 =	vand.u32 $0x1, v11;
	v7 =	vld [tilespmem:s15+$0xBC10]  }
0x11d: {  	v11 =	vld [tilespmem:s15+$0xBC50];
	v2 =	vadd.s32 v6, v2;
	v6 =	vshrl.u32 v3, $0x10;
	v5 =	vadd.f32 v5, v10  }
0x11e: {  	v10 =	vld [tilespmem:s15+$0xA850];
	v0 =	vadd.s32 $0x7FFF, v0;
	v4 =	vadd.s32 $0x7FFF, v4;
	v6 =	vand.u32 $0x1, v6  }
0x11f: {  	v12 =	vld [tilespmem:s15+$0x9420];
	v3 =	vadd.s32 v6, v3;
	v6 =	vadd.f32 v8, v9;
	v8 =	vshrl.u32 v5, $0x10  }
0x120: {  	v2 =	vadd.s32 $0x7FFF, v2;
	v0 =	vshrl.u32 v0, $0x10;
	v9 =	vld [tilespmem:s15+$0x8020];
	v8 =	vand.u32 $0x1, v8  }
0x121: {  	v13 =	vld [tilespmem:s15+$0x8060];
	v5 =	vadd.s32 v8, v5;
	v8 =	vshrl.u32 v6, $0x10;
	v7 =	vadd.f32 v7, v1  }
0x122: {  	v2 =	vshrl.u32 v2, $0x10;
	v3 =	vadd.s32 $0x7FFF, v3;
	v1 =	vand.u32 $0x1, v8;
	v8 =	vld [tilespmem:s15+$0x9460]  }
0x123: {  	v14 =	vld [tilespmem:s15+$0xA820];
	v3 =	vand.u32 $0xFFFF0000, v3;
	v10 =	vadd.f32 v11, v10;
	v11 =	vshrl.u32 v7, $0x10  }
0x124: {  	v6 =	vadd.s32 v1, v6;
	v1 =	vand.u32 $0xFFFF0000, v4;
	v4 =	vand.u32 $0x1, v11;
	v11 =	vld [tilespmem:s15+$0xBC20]  }
0x125: {  	v9 =	vadd.f32 v12, v9;
	v12 =	vld [tilespmem:s15+$0xA860];
	v4 =	vadd.s32 v4, v7;
	v7 =	vshrl.u32 v10, $0x10  }
0x126: {  	v5 =	vadd.s32 $0x7FFF, v5;
	v16 =	vadd.s32 $0x7FFF, v4;
	v4 =	vand.u32 $0x1, v7;
	v7 =	vld [tilespmem:s15+$0xBC60]  }
0x127: {  	v4 =	vadd.s32 v4, v10;
	v8 =	vadd.f32 v8, v13;
	v10 =	vshrl.u32 v9, $0x10;
	v13 =	vld [tilespmem:s15+$0x8030]  }
0x128: {  	v6 =	vadd.s32 $0x7FFF, v6;
	v17 =	vadd.s32 $0x7FFF, v4;
	v4 =	vand.u32 $0x1, v10;
	v10 =	vld [tilespmem:s15+$0x9430]  }
0x129: {  	v18 =	vld [tilespmem:s15+$0x8070];
	v6 =	vand.u32 $0xFFFF0000, v6;
	v15 =	vshrl.u32 v8, $0x10;
	v14 =	vadd.f32 v11, v14  }
0x12a: {  	v19 =	vld [tilespmem:s15+$0x9470];
	v9 =	vadd.s32 v4, v9;
	v4 =	vshrl.u32 v5, $0x10;
	v5 =	vand.u32 $0x1, v15  }
0x12b: {  	v5 =	vadd.s32 v5, v8;
	v63 =	vadd.f32 v7, v12;
	v7 =	vshrl.u32 v14, $0x10  }
0x12c: {  	v9 =	vadd.s32 $0x7FFF, v9;
	v11 =	vadd.s32 $0x7FFF, v5;
	v5 =	vand.u32 $0x1, v7  }
0x12d: {  	s16 =	simm.s32 $0x80;
	v7 =	vadd.s32 v5, v14;
	v14 =	vshrl.u32 v63, $0x10;
	v15 =	vadd.f32 v10, v13  }
0x12e: {  	v8 =	vshrl.u32 v16, $0x10;
	v5 =	vld [tilespmem:s16+$0xA830];
	v12 =	vadd.s32 $0x7FFF, v7;
	v10 =	vand.u32 $0x1, v14  }
0x12f: {  	v7 =	vld [tilespmem:s16+$0xBC30];
	v14 =	vadd.f32 v19, v18;
	v16 =	vadd.s32 v10, v63;
	v18 =	vshrl.u32 v15, $0x10  }
0x130: {  	s17 =	simm.s32 $0x400;
	v13 =	vand.u32 $0xFFFF0000, v17;
	v10 =	vld [tilespmem:s16+$0xA870];
	v16 =	vadd.s32 $0x7FFF, v16;
	v17 =	vand.u32 $0x1, v18  }
.LBB2_5:
0x131: {  	p0 =	sne.s32 s17, $0x4E00;
	v18 =	vld [tilespmem:s16+$0xBC70];
	v9 =	vshrl.u32 v9, $0x10;
	v15 =	vadd.s32 v17, v15;
	v17 =	vshrl.u32 v14, $0x10  }
0x132: {  	v11 =	vand.u32 $0xFFFF0000, v11;
	v19 =	vld [tilespmem:s16+$0x8000];
	v15 =	vadd.s32 $0x7FFF, v15;
	v17 =	vand.u32 $0x1, v17  }
0x133: {  	v12 =	vshrl.u32 v12, $0x10;
	v16 =	vand.u32 $0xFFFF0000, v16;
	v20 =	vld [tilespmem:s16+$0x9400];
	v14 =	vadd.s32 v17, v14  }
0x134: {  	v0 =	vor.u32 v0, v1;
	v17 =	vld [tilespmem:s16+$0x8040];
	v1 =	vadd.s32 $0x7FFF, v14;
	v14 =	vshrl.u32 v15, $0x10  }
0x135: {  	v15 =	vld [tilespmem:s16+$0x9440];
	[tilespmem:s15+$0xE400] =	vst v0;
	v0 =	vor.u32 v2, v3;
	v2 =	vor.u32 v4, v6;
	v1 =	vand.u32 $0xFFFF0000, v1  }
0x136: {  	v4 =	vadd.f32 v7, v5;
	v3 =	vld [tilespmem:s16+$0xA800];
	v5 =	vadd.f32 v18, v10;
	[tilespmem:s15+$0xE440] =	vst v0;
	v0 =	vor.u32 v8, v13  }
0x137: {  	v7 =	vor.u32 v12, v16;
	v1 =	vor.u32 v14, v1;
	v6 =	vld [tilespmem:s16+$0xBC00];
	[tilespmem:s15+$0xE410] =	vst v2;
	v2 =	vor.u32 v9, v11  }
0x138: {  	v10 =	vshrl.u32 v4, $0x10;
	v8 =	vadd.f32 v20, v19;
	v9 =	vld [tilespmem:s16+$0xA840];
	v11 =	vshrl.u32 v5, $0x10;
	[tilespmem:s15+$0xE450] =	vst v0  }
0x139: {  	v10 =	vand.u32 $0x1, v10;
	v0 =	vld [tilespmem:s16+$0xBC40];
	v11 =	vand.u32 $0x1, v11;
	[tilespmem:s15+$0xE420] =	vst v2  }
0x13a: {  	v4 =	vadd.s32 v10, v4;
	v2 =	vadd.f32 v15, v17;
	v12 =	vld [tilespmem:s16+$0x8010];
	v5 =	vadd.s32 v11, v5;
	[tilespmem:s15+$0xE460] =	vst v7  }
0x13b: {  	v7 =	vshrl.u32 v8, $0x10;
	v4 =	vadd.s32 $0x7FFF, v4;
	v10 =	vld [tilespmem:s16+$0x9410];
	v5 =	vadd.s32 $0x7FFF, v5;
	[tilespmem:s15+$0xE430] =	vst v1;
	s15 =	smov.u32 s16  }
0x13c: {  	v4 =	vshrl.u32 v4, $0x10;
	v1 =	vadd.f32 v6, v3;
	v3 =	vld [tilespmem:s15+$0x8050];
	v5 =	vand.u32 $0xFFFF0000, v5  }
0x13d: {  	v6 =	vand.u32 $0x1, v7;
	v7 =	vshrl.u32 v2, $0x10;
	v11 =	vld [tilespmem:s15+$0x9450];
	v4 =	vor.u32 v4, v5  }
0x13e: {  	v5 =	vand.u32 $0x1, v7;
	v0 =	vadd.f32 v0, v9;
	v7 =	vshrl.u32 v1, $0x10;
	v9 =	vld [tilespmem:s15+$0xA810];
	[tilespmem:s15+$0xE470] =	vst v4  }
0x13f: {  	v4 =	vadd.s32 v6, v8;
	v2 =	vadd.s32 v5, v2;
	v5 =	vand.u32 $0x1, v7;
	v6 =	vld [tilespmem:s15+$0xBC10]  }
0x140: {  	v1 =	vadd.s32 v5, v1;
	v5 =	vshrl.u32 v0, $0x10;
	v7 =	vadd.f32 v10, v12;
	v8 =	vld [tilespmem:s15+$0xA850]  }
0x141: {  	v4 =	vadd.s32 $0x7FFF, v4;
	v2 =	vadd.s32 $0x7FFF, v2;
	v5 =	vand.u32 $0x1, v5;
	v10 =	vld [tilespmem:s15+$0xBC50]  }
0x142: {  	v0 =	vadd.s32 v5, v0;
	v3 =	vadd.f32 v11, v3;
	v5 =	vshrl.u32 v7, $0x10;
	v11 =	vld [tilespmem:s15+$0x8020]  }
0x143: {  	v12 =	vadd.s32 $0x7FFF, v1;
	v13 =	vadd.s32 $0x7FFF, v0;
	v0 =	vand.u32 $0x1, v5;
	v5 =	vld [tilespmem:s15+$0x9420]  }
0x144: {  	v1 =	vadd.s32 v0, v7;
	v7 =	vshrl.u32 v3, $0x10;
	v6 =	vadd.f32 v6, v9;
	v9 =	vld [tilespmem:s15+$0x8060]  }
0x145: {  	v0 =	vshrl.u32 v4, $0x10;
	v4 =	vadd.s32 $0x7FFF, v1;
	v1 =	vand.u32 $0x1, v7;
	v7 =	vld [tilespmem:s15+$0x9460]  }
0x146: {  	v3 =	vadd.s32 v1, v3;
	v8 =	vadd.f32 v10, v8;
	v10 =	vshrl.u32 v6, $0x10;
	v14 =	vld [tilespmem:s15+$0xA820]  }
0x147: {  	v1 =	vand.u32 $0xFFFF0000, v2;
	v15 =	vadd.s32 $0x7FFF, v3;
	v2 =	vand.u32 $0x1, v10;
	v10 =	vld [tilespmem:s15+$0xBC20]  }
0x148: {  	v3 =	vadd.s32 v2, v6;
	v6 =	vshrl.u32 v8, $0x10;
	v5 =	vadd.f32 v5, v11;
	v11 =	vld [tilespmem:s15+$0xA860]  }
0x149: {  	v2 =	vshrl.u32 v12, $0x10;
	v12 =	vadd.s32 $0x7FFF, v3;
	v3 =	vand.u32 $0x1, v6;
	v6 =	vld [tilespmem:s15+$0xBC60]  }
0x14a: {  	v8 =	vadd.s32 v3, v8;
	v7 =	vadd.f32 v7, v9;
	v9 =	vshrl.u32 v5, $0x10;
	v16 =	vld [tilespmem:s15+$0x8030]  }
0x14b: {  	v3 =	vand.u32 $0xFFFF0000, v13;
	v13 =	vadd.s32 $0x7FFF, v8;
	v8 =	vand.u32 $0x1, v9;
	v17 =	vld [tilespmem:s15+$0x9430]  }
0x14c: {  	v5 =	vadd.s32 v8, v5;
	v8 =	vshrl.u32 v7, $0x10;
	v10 =	vadd.f32 v10, v14;
	v14 =	vld [tilespmem:s15+$0x8070]  }
0x14d: {  	v4 =	vshrl.u32 v4, $0x10;
	v9 =	vadd.s32 $0x7FFF, v5;
	v5 =	vand.u32 $0x1, v8;
	v18 =	vld [tilespmem:s15+$0x9470]  }
0x14e: {  	v5 =	vadd.s32 v5, v7;
	v19 =	vadd.f32 v6, v11;
	v7 =	vshrl.u32 v10, $0x10  }
.Ltmp1:
0x14f: {  	v6 =	vand.u32 $0xFFFF0000, v15;
	v11 =	vadd.s32 $0x7FFF, v5;
	v5 =	vand.u32 $0x1, v7;
	(pc) =	sbr.rel @p0 .LBB2_5-.Ltmp1, $4  }
0x150: {  	s16 =	sshra.s32 s17, $0x2;
	v7 =	vadd.s32 v5, v10;
	v10 =	vshrl.u32 v19, $0x10;
	v15 =	vadd.f32 v17, v16  }
0x151: {  	v8 =	vshrl.u32 v12, $0x10;
	v5 =	vld [tilespmem:s16+$0xA830];
	v12 =	vadd.s32 $0x7FFF, v7;
	v10 =	vand.u32 $0x1, v10  }
0x152: {  	v7 =	vld [tilespmem:s16+$0xBC30];
	v16 =	vadd.s32 v10, v19;
	v14 =	vadd.f32 v18, v14;
	v17 =	vshrl.u32 v15, $0x10  }
0x153: {  	s17 =	sadd.s32 $0x200, s17;
	v13 =	vand.u32 $0xFFFF0000, v13;
	v10 =	vld [tilespmem:s16+$0xA870];
	v16 =	vadd.s32 $0x7FFF, v16;
	v17 =	vand.u32 $0x1, v17  }
0x154: {  	v18 =	vld [tilespmem:s16+$0xBC70]  }
0x155: {  	v19 =	vld [tilespmem:s16+$0x8000]  }
0x156: {  	v20 =	vld [tilespmem:s16+$0x9400]  }
0x157: {  	v21 =	vld [tilespmem:s16+$0x8040];
	v0 =	vor.u32 v0, v1;
	v49 =	vor.u32 v2, v3;
	v51 =	vor.u32 v4, v6  }
0x158: {  	v48 =	vld [tilespmem:s16+$0x9440];
	v53 =	vshrl.u32 v9, $0x10;
	v54 =	vadd.s32 v17, v15;
	v55 =	vshrl.u32 v14, $0x10;
	[tilespmem:s15+$0xE400] =	vst v0  }
0x159: {  	v56 =	vand.u32 $0xFFFF0000, v11;
	v8 =	vor.u32 v8, v13;
	v0 =	vand.u32 $0x1, v55;
	v50 =	vld [tilespmem:s16+$0xA800];
	[tilespmem:s15+$0xE440] =	vst v49  }
0x15a: {  	v12 =	vshrl.u32 v12, $0x10;
	v58 =	vand.u32 $0xFFFF0000, v16;
	v0 =	vadd.s32 v0, v14;
	v52 =	vld [tilespmem:s16+$0xBC00];
	[tilespmem:s15+$0xE410] =	vst v51  }
0x15b: {  	v6 =	vadd.s32 $0x7FFF, v54;
	v4 =	vor.u32 v53, v56;
	v0 =	vadd.s32 $0x7FFF, v0;
	v57 =	vld [tilespmem:s16+$0xA840];
	[tilespmem:s15+$0xE450] =	vst v8  }
0x15c: {  	v62 =	vor.u32 v12, v58;
	v61 =	vshrl.u32 v6, $0x10;
	v0 =	vand.u32 $0xFFFF0000, v0;
	v59 =	vld [tilespmem:s16+$0xBC40];
	[tilespmem:s15+$0xE420] =	vst v4  }
0x15d: {  	v0 =	vor.u32 v61, v0;
	v63 =	vld [tilespmem:s16+$0x8010];
	[tilespmem:s15+$0xE460] =	vst v62  }
0x15e: {  	v60 =	vadd.f32 v18, v10;
	v18 =	vld [tilespmem:s16+$0x9410];
	[tilespmem:s15+$0xE430] =	vst v0  }
0x15f: {  	v1 =	vadd.f32 v48, v21;
	v21 =	vld [tilespmem:s16+$0x8050]  }
0x160: {  	v24 =	vld [tilespmem:s16+$0x9450]  }
0x161: {  	v26 =	vld [tilespmem:s16+$0xA810]  }
0x162: {  	v29 =	vld [tilespmem:s16+$0xBC10]  }
0x163: {  	v31 =	vld [tilespmem:s16+$0xA850]  }
0x164: {  	v32 =	vld [tilespmem:s16+$0xBC50]  }
0x165: {  	v5 =	vadd.f32 v7, v5;
	v34 =	vld [tilespmem:s16+$0x8020]  }
0x166: {  	v37 =	vld [tilespmem:s16+$0x8060]  }
0x167: {  	v16 =	vshrl.u32 v5, $0x10;
	v17 =	vadd.f32 v20, v19;
	v38 =	vld [tilespmem:s16+$0x9460]  }
0x168: {  	v4 =	vand.u32 $0x1, v16;
	v10 =	vshrl.u32 v60, $0x10;
	v41 =	vld [tilespmem:s16+$0xA820]  }
0x169: {  	v4 =	vadd.s32 v4, v5;
	v20 =	vshrl.u32 v17, $0x10;
	v25 =	vshrl.u32 v1, $0x10;
	v42 =	vld [tilespmem:s16+$0xBC20]  }
0x16a: {  	v10 =	vand.u32 $0x1, v10;
	v4 =	vadd.s32 $0x7FFF, v4;
	v2 =	vadd.f32 v52, v50;
	v44 =	vld [tilespmem:s16+$0xA860]  }
0x16b: {  	v0 =	vand.u32 $0x1, v20;
	v45 =	vld [tilespmem:s16+$0xBC60];
	v19 =	vadd.s32 v10, v60;
	v22 =	vshrl.u32 v4, $0x10  }
0x16c: {  	v47 =	vld [tilespmem:s16+$0x8030];
	v10 =	vand.u32 $0x1, v25;
	v0 =	vadd.s32 v0, v17;
	v5 =	vadd.s32 $0x7FFF, v19  }
0x16d: {  	v48 =	vld [tilespmem:s16+$0x9430];
	v9 =	vadd.f32 v59, v57;
	v27 =	vshrl.u32 v2, $0x10;
	v1 =	vadd.s32 v10, v1  }
0x16e: {  	v50 =	vld [tilespmem:s16+$0x8070];
	v0 =	vadd.s32 $0x7FFF, v0;
	v23 =	vand.u32 $0xFFFF0000, v5;
	v28 =	vand.u32 $0x1, v27  }
0x16f: {  	v51 =	vld [tilespmem:s16+$0x9470];
	v1 =	vadd.s32 $0x7FFF, v1;
	v0 =	vshrl.u32 v0, $0x10;
	v3 =	vor.u32 v22, v23  }
0x170: {  	v35 =	vld [tilespmem:s16+$0x9420];
	v2 =	vadd.s32 v28, v2;
	v30 =	vshrl.u32 v9, $0x10;
	v8 =	vadd.f32 v18, v63  }
0x171: {  	v1 =	vand.u32 $0xFFFF0000, v1;
	v5 =	vadd.f32 v24, v21;
	v4 =	vadd.f32 v29, v26  }
0x172: {  	[tilespmem:s16+$0xE470] =	vst v3;
	v3 =	vand.u32 $0x1, v30;
	v39 =	vadd.f32 v32, v31;
	v6 =	vadd.f32 v38, v37  }
0x173: {  	v2 =	vadd.s32 $0x7FFF, v2;
	v11 =	vadd.f32 v42, v41;
	v52 =	vadd.f32 v45, v44  }
0x174: {  	v13 =	vadd.f32 v48, v47;
	v55 =	vadd.f32 v51, v50;
	v0 =	vor.u32 v0, v1  }
0x175: {  	v3 =	vadd.s32 v3, v9;
	v33 =	vshrl.u32 v8, $0x10;
	v9 =	vadd.f32 v35, v34  }
0x176: {  	v2 =	vshrl.u32 v2, $0x10;
	v3 =	vadd.s32 $0x7FFF, v3;
	v7 =	vand.u32 $0x1, v33  }
0x177: {  	v36 =	vshrl.u32 v5, $0x10;
	v40 =	vshrl.u32 v4, $0x10;
	v43 =	vshrl.u32 v39, $0x10  }
0x178: {  	v49 =	vshrl.u32 v6, $0x10;
	v53 =	vshrl.u32 v11, $0x10;
	v54 =	vshrl.u32 v52, $0x10  }
0x179: {  	v56 =	vshrl.u32 v13, $0x10;
	v57 =	vshrl.u32 v55, $0x10;
	v7 =	vadd.s32 v7, v8  }
0x17a: {  	v8 =	vand.u32 $0x1, v36;
	v10 =	vand.u32 $0x1, v40;
	v46 =	vshrl.u32 v9, $0x10  }
0x17b: {  	v3 =	vand.u32 $0xFFFF0000, v3;
	v12 =	vand.u32 $0x1, v53;
	v14 =	vand.u32 $0x1, v56  }
0x17c: {  	v1 =	vand.u32 $0x1, v57;
	v7 =	vadd.s32 $0x7FFF, v7;
	v5 =	vadd.s32 v8, v5  }
0x17d: {  	v4 =	vadd.s32 v10, v4;
	v10 =	vand.u32 $0x1, v43;
	v11 =	vadd.s32 v12, v11  }
0x17e: {  	v12 =	vand.u32 $0x1, v54;
	v13 =	vadd.s32 v14, v13;
	v58 =	vor.u32 v2, v3  }
0x17f: {  	v1 =	vadd.s32 v1, v55;
	v5 =	vadd.s32 $0x7FFF, v5;
	v4 =	vadd.s32 $0x7FFF, v4  }
0x180: {  	v8 =	vadd.s32 v10, v39;
	v10 =	vand.u32 $0x1, v46;
	v7 =	vshrl.u32 v7, $0x10  }
0x181: {  	v11 =	vadd.s32 $0x7FFF, v11;
	v59 =	vadd.s32 $0x7FFF, v13;
	v1 =	vadd.s32 $0x7FFF, v1  }
0x182: {  	v8 =	vadd.s32 $0x7FFF, v8;
	v9 =	vadd.s32 v10, v9;
	v10 =	vand.u32 $0x1, v49  }
0x183: {  	v5 =	vand.u32 $0xFFFF0000, v5;
	v4 =	vshrl.u32 v4, $0x10;
	v2 =	vshrl.u32 v59, $0x10  }
0x184: {  	[tilespmem:s16+$0xE400] =	vst v0;
	v1 =	vand.u32 $0xFFFF0000, v1;
	v9 =	vadd.s32 $0x7FFF, v9;
	v6 =	vadd.s32 v10, v6  }
0x185: {  	s13 =	sadd.s32 $0x1, s13;
	[tilespmem:s16+$0xE440] =	vst v58;
	v10 =	vadd.s32 v12, v52;
	v8 =	vand.u32 $0xFFFF0000, v8;
	v60 =	vor.u32 v7, v5  }
0x186: {  	p0 =	sne.s32 s13, $0x25;
	v1 =	vor.u32 v2, v1;
	v6 =	vadd.s32 $0x7FFF, v6;
	v10 =	vadd.s32 $0x7FFF, v10;
	[tilespmem:s16+$0xE410] =	vst v60  }
.Ltmp2:
0x187: {  	v9 =	vshrl.u32 v9, $0x10;
	v4 =	vor.u32 v4, v8;
	[tilespmem:s16+$0xE430] =	vst v1;
	v6 =	vand.u32 $0xFFFF0000, v6;
	(pc) =	sbr.rel @p0 .LBB2_2-.Ltmp2, $4  }
0x188: {  	s14 =	sadd.s32 s6, s14;
	v61 =	vshrl.u32 v11, $0x10;
	v62 =	vand.u32 $0xFFFF0000, v10;
	[tilespmem:s16+$0xE450] =	vst v4;
	v63 =	vor.u32 v9, v6  }
0x189: {  	s14 =	sshll.u32 s14, $0x4;
	v0 =	vor.u32 v61, v62;
	[tilespmem:s16+$0xE420] =	vst v63  }
0x18a: {  	s14 =	sadd.s32 s5, s14;
	[tilespmem:s16+$0xE460] =	vst v0  }
0x18b: {  	[hbm4b:s14+s3] =	stream.linear.scatter [tilespmem:s24], [sflag:$0x4], $0x1400, $0x38;
	[tilespmem:$0xF800] =	vst v63  }
0x18c: {  	_ =	swait.ge [sflag:s9], $0x1400  }
0x18d: {  	[sflag:s9] =	ssyncset.done $0x0  }
0x18e: {  	[sflag:s9] =	ssyncadd.s32 $0xFFFFEC00  }
0x18f: {  	_ =	swait.ge [sflag:s9], $0x1400  }
0x190: {  	[sflag:s9] =	ssyncset.done $0x0  }
0x191: {  	[sflag:s9] =	ssyncadd.s32 $0xFFFFEC00  }
0x192: {  	_ =	swait.ge [sflag:s9], $0x1400  }
0x193: {  	[sflag:s9] =	ssyncset.done $0x0  }
0x194: {  	[sflag:s9] =	ssyncadd.s32 $0xFFFFEC00  }
0x195: {  	_ =	swait.ge [sflag:s9], $0x1400  }
0x196: {  	[sflag:s9] =	ssyncset.done $0x0  }
0x197: {  	[sflag:s9] =	ssyncadd.s32 $0xFFFFEC00  }
0x198: {  	_ =	swait.ge [sflag:s10], $0x1400  }
0x199: {  	[sflag:s10] =	ssyncset.done $0x0  }
0x19a: {  	s13 =	simm.s32 $0x0;
	[sflag:s10] =	ssyncadd.s32 $0xFFFFEC00  }
0x19b: {  	v0 =	vld [tilespmem:s13+$0x5830]  }
0x19c: {  	v1 =	vld [tilespmem:s13+$0x6C30]  }
0x19d: {  	v2 =	vld [tilespmem:s13+$0x5870]  }
0x19e: {  	v3 =	vld [tilespmem:s13+$0x6C70]  }
0x19f: {  	v4 =	vld [tilespmem:s13+$0x3000]  }
0x1a0: {  	v5 =	vld [tilespmem:s13+$0x4400]  }
0x1a1: {  	v6 =	vld [tilespmem:s13+$0x3040]  }
0x1a2: {  	v7 =	vld [tilespmem:s13+$0x4440];
	_ =	sdelay $0x2  }
0x1a3: {  	v8 =	vld [tilespmem:s13+$0x5800];
	v0 =	vadd.f32 v1, v0  }
0x1a4: {  	v1 =	vadd.f32 v3, v2;
	v2 =	vld [tilespmem:s13+$0x6C00];
	v4 =	vadd.f32 v5, v4  }
0x1a5: {  	v11 =	vld [tilespmem:s13+$0x6C40];
	v6 =	vadd.f32 v7, v6  }
0x1a6: {  	v3 =	vld [tilespmem:s13+$0x5840];
	v9 =	vshrl.u32 v0, $0x10;
	v10 =	vshrl.u32 v1, $0x10;
	v7 =	vshrl.u32 v4, $0x10  }
0x1a7: {  	v12 =	vshrl.u32 v6, $0x10;
	v5 =	vand.u32 $0x1, v9;
	v9 =	vand.u32 $0x1, v10;
	v10 =	vld [tilespmem:s13+$0x3010]  }
0x1a8: {  	v7 =	vand.u32 $0x1, v7;
	v0 =	vadd.s32 v5, v0;
	v1 =	vadd.s32 v9, v1;
	v5 =	vld [tilespmem:s13+$0x4410]  }
0x1a9: {  	v9 =	vld [tilespmem:s13+$0x3050];
	v0 =	vadd.s32 $0x7FFF, v0;
	v1 =	vadd.s32 $0x7FFF, v1;
	v2 =	vadd.f32 v2, v8  }
0x1aa: {  	v12 =	vand.u32 $0x1, v12;
	v8 =	vld [tilespmem:s13+$0x4450];
	v0 =	vshrl.u32 v0, $0x10;
	v1 =	vand.u32 $0xFFFF0000, v1  }
0x1ab: {  	v3 =	vadd.f32 v11, v3;
	v0 =	vor.u32 v0, v1;
	v1 =	vld [tilespmem:s13+$0x5810];
	v11 =	vshrl.u32 v2, $0x10  }
0x1ac: {  	[tilespmem:s13+$0xD070] =	vst v0;
	v0 =	vadd.s32 v7, v4;
	v4 =	vadd.s32 v12, v6;
	v6 =	vand.u32 $0x1, v11;
	v7 =	vld [tilespmem:s13+$0x6C10]  }
0x1ad: {  	v11 =	vld [tilespmem:s13+$0x6C50];
	v2 =	vadd.s32 v6, v2;
	v6 =	vshrl.u32 v3, $0x10;
	v5 =	vadd.f32 v5, v10  }
0x1ae: {  	v10 =	vld [tilespmem:s13+$0x5850];
	v0 =	vadd.s32 $0x7FFF, v0;
	v4 =	vadd.s32 $0x7FFF, v4;
	v6 =	vand.u32 $0x1, v6  }
0x1af: {  	v12 =	vld [tilespmem:s13+$0x4420];
	v3 =	vadd.s32 v6, v3;
	v6 =	vadd.f32 v8, v9;
	v8 =	vshrl.u32 v5, $0x10  }
0x1b0: {  	v2 =	vadd.s32 $0x7FFF, v2;
	v0 =	vshrl.u32 v0, $0x10;
	v9 =	vld [tilespmem:s13+$0x3020];
	v8 =	vand.u32 $0x1, v8  }
0x1b1: {  	v13 =	vld [tilespmem:s13+$0x3060];
	v5 =	vadd.s32 v8, v5;
	v8 =	vshrl.u32 v6, $0x10;
	v7 =	vadd.f32 v7, v1  }
0x1b2: {  	v2 =	vshrl.u32 v2, $0x10;
	v3 =	vadd.s32 $0x7FFF, v3;
	v1 =	vand.u32 $0x1, v8;
	v8 =	vld [tilespmem:s13+$0x4460]  }
0x1b3: {  	v14 =	vld [tilespmem:s13+$0x5820];
	v3 =	vand.u32 $0xFFFF0000, v3;
	v10 =	vadd.f32 v11, v10;
	v11 =	vshrl.u32 v7, $0x10  }
0x1b4: {  	v6 =	vadd.s32 v1, v6;
	v1 =	vand.u32 $0xFFFF0000, v4;
	v4 =	vand.u32 $0x1, v11;
	v11 =	vld [tilespmem:s13+$0x6C20]  }
0x1b5: {  	v9 =	vadd.f32 v12, v9;
	v12 =	vld [tilespmem:s13+$0x5860];
	v4 =	vadd.s32 v4, v7;
	v7 =	vshrl.u32 v10, $0x10  }
0x1b6: {  	v5 =	vadd.s32 $0x7FFF, v5;
	v16 =	vadd.s32 $0x7FFF, v4;
	v4 =	vand.u32 $0x1, v7;
	v7 =	vld [tilespmem:s13+$0x6C60]  }
0x1b7: {  	v4 =	vadd.s32 v4, v10;
	v8 =	vadd.f32 v8, v13;
	v10 =	vshrl.u32 v9, $0x10;
	v13 =	vld [tilespmem:s13+$0x3030]  }
0x1b8: {  	v6 =	vadd.s32 $0x7FFF, v6;
	v17 =	vadd.s32 $0x7FFF, v4;
	v4 =	vand.u32 $0x1, v10;
	v10 =	vld [tilespmem:s13+$0x4430]  }
0x1b9: {  	v18 =	vld [tilespmem:s13+$0x3070];
	v6 =	vand.u32 $0xFFFF0000, v6;
	v15 =	vshrl.u32 v8, $0x10;
	v14 =	vadd.f32 v11, v14  }
0x1ba: {  	v19 =	vld [tilespmem:s13+$0x4470];
	v9 =	vadd.s32 v4, v9;
	v4 =	vshrl.u32 v5, $0x10;
	v5 =	vand.u32 $0x1, v15  }
0x1bb: {  	v5 =	vadd.s32 v5, v8;
	v20 =	vadd.f32 v7, v12;
	v7 =	vshrl.u32 v14, $0x10  }
0x1bc: {  	v9 =	vadd.s32 $0x7FFF, v9;
	v11 =	vadd.s32 $0x7FFF, v5;
	v5 =	vand.u32 $0x1, v7  }
0x1bd: {  	s14 =	simm.s32 $0x80;
	v7 =	vadd.s32 v5, v14;
	v14 =	vshrl.u32 v20, $0x10;
	v15 =	vadd.f32 v10, v13  }
0x1be: {  	v8 =	vshrl.u32 v16, $0x10;
	v5 =	vld [tilespmem:s14+$0x5830];
	v12 =	vadd.s32 $0x7FFF, v7;
	v10 =	vand.u32 $0x1, v14  }
0x1bf: {  	v7 =	vld [tilespmem:s14+$0x6C30];
	v14 =	vadd.f32 v19, v18;
	v16 =	vadd.s32 v10, v20;
	v18 =	vshrl.u32 v15, $0x10  }
0x1c0: {  	s15 =	simm.s32 $0x400;
	v13 =	vand.u32 $0xFFFF0000, v17;
	v10 =	vld [tilespmem:s14+$0x5870];
	v16 =	vadd.s32 $0x7FFF, v16;
	v17 =	vand.u32 $0x1, v18  }
.LBB2_8:
0x1c1: {  	p0 =	sne.s32 s15, $0x4E00;
	v18 =	vld [tilespmem:s14+$0x6C70];
	v9 =	vshrl.u32 v9, $0x10;
	v15 =	vadd.s32 v17, v15;
	v17 =	vshrl.u32 v14, $0x10  }
0x1c2: {  	v11 =	vand.u32 $0xFFFF0000, v11;
	v19 =	vld [tilespmem:s14+$0x3000];
	v15 =	vadd.s32 $0x7FFF, v15;
	v17 =	vand.u32 $0x1, v17  }
0x1c3: {  	v12 =	vshrl.u32 v12, $0x10;
	v16 =	vand.u32 $0xFFFF0000, v16;
	v20 =	vld [tilespmem:s14+$0x4400];
	v14 =	vadd.s32 v17, v14  }
0x1c4: {  	v0 =	vor.u32 v0, v1;
	v17 =	vld [tilespmem:s14+$0x3040];
	v1 =	vadd.s32 $0x7FFF, v14;
	v14 =	vshrl.u32 v15, $0x10  }
0x1c5: {  	v15 =	vld [tilespmem:s14+$0x4440];
	[tilespmem:s13+$0xD000] =	vst v0;
	v0 =	vor.u32 v2, v3;
	v2 =	vor.u32 v4, v6;
	v1 =	vand.u32 $0xFFFF0000, v1  }
0x1c6: {  	v4 =	vadd.f32 v7, v5;
	v3 =	vld [tilespmem:s14+$0x5800];
	v5 =	vadd.f32 v18, v10;
	[tilespmem:s13+$0xD040] =	vst v0;
	v0 =	vor.u32 v8, v13  }
0x1c7: {  	v7 =	vor.u32 v12, v16;
	v1 =	vor.u32 v14, v1;
	v6 =	vld [tilespmem:s14+$0x6C00];
	[tilespmem:s13+$0xD010] =	vst v2;
	v2 =	vor.u32 v9, v11  }
0x1c8: {  	v10 =	vshrl.u32 v4, $0x10;
	v8 =	vadd.f32 v20, v19;
	v9 =	vld [tilespmem:s14+$0x5840];
	v11 =	vshrl.u32 v5, $0x10;
	[tilespmem:s13+$0xD050] =	vst v0  }
0x1c9: {  	v10 =	vand.u32 $0x1, v10;
	v0 =	vld [tilespmem:s14+$0x6C40];
	v11 =	vand.u32 $0x1, v11;
	[tilespmem:s13+$0xD020] =	vst v2  }
0x1ca: {  	v4 =	vadd.s32 v10, v4;
	v2 =	vadd.f32 v15, v17;
	v12 =	vld [tilespmem:s14+$0x3010];
	v5 =	vadd.s32 v11, v5;
	[tilespmem:s13+$0xD060] =	vst v7  }
0x1cb: {  	v7 =	vshrl.u32 v8, $0x10;
	v4 =	vadd.s32 $0x7FFF, v4;
	v10 =	vld [tilespmem:s14+$0x4410];
	v5 =	vadd.s32 $0x7FFF, v5;
	[tilespmem:s13+$0xD030] =	vst v1;
	s13 =	smov.u32 s14  }
0x1cc: {  	v4 =	vshrl.u32 v4, $0x10;
	v1 =	vadd.f32 v6, v3;
	v3 =	vld [tilespmem:s13+$0x3050];
	v5 =	vand.u32 $0xFFFF0000, v5  }
0x1cd: {  	v6 =	vand.u32 $0x1, v7;
	v7 =	vshrl.u32 v2, $0x10;
	v11 =	vld [tilespmem:s13+$0x4450];
	v4 =	vor.u32 v4, v5  }
0x1ce: {  	v5 =	vand.u32 $0x1, v7;
	v0 =	vadd.f32 v0, v9;
	v7 =	vshrl.u32 v1, $0x10;
	v9 =	vld [tilespmem:s13+$0x5810];
	[tilespmem:s13+$0xD070] =	vst v4  }
0x1cf: {  	v4 =	vadd.s32 v6, v8;
	v2 =	vadd.s32 v5, v2;
	v5 =	vand.u32 $0x1, v7;
	v6 =	vld [tilespmem:s13+$0x6C10]  }
0x1d0: {  	v1 =	vadd.s32 v5, v1;
	v5 =	vshrl.u32 v0, $0x10;
	v7 =	vadd.f32 v10, v12;
	v8 =	vld [tilespmem:s13+$0x5850]  }
0x1d1: {  	v4 =	vadd.s32 $0x7FFF, v4;
	v2 =	vadd.s32 $0x7FFF, v2;
	v5 =	vand.u32 $0x1, v5;
	v10 =	vld [tilespmem:s13+$0x6C50]  }
0x1d2: {  	v0 =	vadd.s32 v5, v0;
	v3 =	vadd.f32 v11, v3;
	v5 =	vshrl.u32 v7, $0x10;
	v11 =	vld [tilespmem:s13+$0x3020]  }
0x1d3: {  	v12 =	vadd.s32 $0x7FFF, v1;
	v13 =	vadd.s32 $0x7FFF, v0;
	v0 =	vand.u32 $0x1, v5;
	v5 =	vld [tilespmem:s13+$0x4420]  }
0x1d4: {  	v1 =	vadd.s32 v0, v7;
	v7 =	vshrl.u32 v3, $0x10;
	v6 =	vadd.f32 v6, v9;
	v9 =	vld [tilespmem:s13+$0x3060]  }
0x1d5: {  	v0 =	vshrl.u32 v4, $0x10;
	v4 =	vadd.s32 $0x7FFF, v1;
	v1 =	vand.u32 $0x1, v7;
	v7 =	vld [tilespmem:s13+$0x4460]  }
0x1d6: {  	v3 =	vadd.s32 v1, v3;
	v8 =	vadd.f32 v10, v8;
	v10 =	vshrl.u32 v6, $0x10;
	v14 =	vld [tilespmem:s13+$0x5820]  }
0x1d7: {  	v1 =	vand.u32 $0xFFFF0000, v2;
	v15 =	vadd.s32 $0x7FFF, v3;
	v2 =	vand.u32 $0x1, v10;
	v10 =	vld [tilespmem:s13+$0x6C20]  }
0x1d8: {  	v3 =	vadd.s32 v2, v6;
	v6 =	vshrl.u32 v8, $0x10;
	v5 =	vadd.f32 v5, v11;
	v11 =	vld [tilespmem:s13+$0x5860]  }
0x1d9: {  	v2 =	vshrl.u32 v12, $0x10;
	v12 =	vadd.s32 $0x7FFF, v3;
	v3 =	vand.u32 $0x1, v6;
	v6 =	vld [tilespmem:s13+$0x6C60]  }
0x1da: {  	v8 =	vadd.s32 v3, v8;
	v7 =	vadd.f32 v7, v9;
	v9 =	vshrl.u32 v5, $0x10;
	v16 =	vld [tilespmem:s13+$0x3030]  }
0x1db: {  	v3 =	vand.u32 $0xFFFF0000, v13;
	v13 =	vadd.s32 $0x7FFF, v8;
	v8 =	vand.u32 $0x1, v9;
	v17 =	vld [tilespmem:s13+$0x4430]  }
0x1dc: {  	v5 =	vadd.s32 v8, v5;
	v8 =	vshrl.u32 v7, $0x10;
	v10 =	vadd.f32 v10, v14;
	v14 =	vld [tilespmem:s13+$0x3070]  }
0x1dd: {  	v4 =	vshrl.u32 v4, $0x10;
	v9 =	vadd.s32 $0x7FFF, v5;
	v5 =	vand.u32 $0x1, v8;
	v18 =	vld [tilespmem:s13+$0x4470]  }
0x1de: {  	v5 =	vadd.s32 v5, v7;
	v19 =	vadd.f32 v6, v11;
	v7 =	vshrl.u32 v10, $0x10  }
.Ltmp3:
0x1df: {  	v6 =	vand.u32 $0xFFFF0000, v15;
	v11 =	vadd.s32 $0x7FFF, v5;
	v5 =	vand.u32 $0x1, v7;
	(pc) =	sbr.rel @p0 .LBB2_8-.Ltmp3, $4  }
0x1e0: {  	s14 =	sshra.s32 s15, $0x2;
	v7 =	vadd.s32 v5, v10;
	v10 =	vshrl.u32 v19, $0x10;
	v15 =	vadd.f32 v17, v16  }
0x1e1: {  	v8 =	vshrl.u32 v12, $0x10;
	v5 =	vld [tilespmem:s14+$0x5830];
	v12 =	vadd.s32 $0x7FFF, v7;
	v10 =	vand.u32 $0x1, v10  }
0x1e2: {  	v7 =	vld [tilespmem:s14+$0x6C30];
	v16 =	vadd.s32 v10, v19;
	v14 =	vadd.f32 v18, v14;
	v17 =	vshrl.u32 v15, $0x10  }
0x1e3: {  	s15 =	sadd.s32 $0x200, s15;
	v13 =	vand.u32 $0xFFFF0000, v13;
	v10 =	vld [tilespmem:s14+$0x5870];
	v16 =	vadd.s32 $0x7FFF, v16;
	v17 =	vand.u32 $0x1, v17  }
0x1e4: {  	v18 =	vld [tilespmem:s14+$0x6C70]  }
0x1e5: {  	v19 =	vld [tilespmem:s14+$0x3000]  }
0x1e6: {  	v20 =	vld [tilespmem:s14+$0x4400]  }
0x1e7: {  	v21 =	vld [tilespmem:s14+$0x3040];
	v0 =	vor.u32 v0, v1;
	v49 =	vor.u32 v2, v3;
	v51 =	vor.u32 v4, v6  }
0x1e8: {  	v48 =	vld [tilespmem:s14+$0x4440];
	v53 =	vshrl.u32 v9, $0x10;
	v54 =	vadd.s32 v17, v15;
	v55 =	vshrl.u32 v14, $0x10;
	[tilespmem:s13+$0xD000] =	vst v0  }
0x1e9: {  	v56 =	vand.u32 $0xFFFF0000, v11;
	v8 =	vor.u32 v8, v13;
	v0 =	vand.u32 $0x1, v55;
	v50 =	vld [tilespmem:s14+$0x5800];
	[tilespmem:s13+$0xD040] =	vst v49  }
0x1ea: {  	v12 =	vshrl.u32 v12, $0x10;
	v58 =	vand.u32 $0xFFFF0000, v16;
	v0 =	vadd.s32 v0, v14;
	v52 =	vld [tilespmem:s14+$0x6C00];
	[tilespmem:s13+$0xD010] =	vst v51  }
0x1eb: {  	v6 =	vadd.s32 $0x7FFF, v54;
	v4 =	vor.u32 v53, v56;
	v0 =	vadd.s32 $0x7FFF, v0;
	v57 =	vld [tilespmem:s14+$0x5840];
	[tilespmem:s13+$0xD050] =	vst v8  }
0x1ec: {  	v62 =	vor.u32 v12, v58;
	v61 =	vshrl.u32 v6, $0x10;
	v0 =	vand.u32 $0xFFFF0000, v0;
	v59 =	vld [tilespmem:s14+$0x6C40];
	[tilespmem:s13+$0xD020] =	vst v4  }
0x1ed: {  	v0 =	vor.u32 v61, v0;
	v63 =	vld [tilespmem:s14+$0x3010];
	[tilespmem:s13+$0xD060] =	vst v62  }
0x1ee: {  	v60 =	vadd.f32 v18, v10;
	v18 =	vld [tilespmem:s14+$0x4410];
	[tilespmem:s13+$0xD030] =	vst v0  }
0x1ef: {  	v1 =	vadd.f32 v48, v21;
	v21 =	vld [tilespmem:s14+$0x3050]  }
0x1f0: {  	v24 =	vld [tilespmem:s14+$0x4450]  }
0x1f1: {  	v26 =	vld [tilespmem:s14+$0x5810]  }
0x1f2: {  	v29 =	vld [tilespmem:s14+$0x6C10]  }
0x1f3: {  	v31 =	vld [tilespmem:s14+$0x5850]  }
0x1f4: {  	v32 =	vld [tilespmem:s14+$0x6C50]  }
0x1f5: {  	v5 =	vadd.f32 v7, v5;
	v34 =	vld [tilespmem:s14+$0x3020]  }
0x1f6: {  	v37 =	vld [tilespmem:s14+$0x3060]  }
0x1f7: {  	v16 =	vshrl.u32 v5, $0x10;
	v17 =	vadd.f32 v20, v19;
	v38 =	vld [tilespmem:s14+$0x4460]  }
0x1f8: {  	v4 =	vand.u32 $0x1, v16;
	v10 =	vshrl.u32 v60, $0x10;
	v41 =	vld [tilespmem:s14+$0x5820]  }
0x1f9: {  	v4 =	vadd.s32 v4, v5;
	v20 =	vshrl.u32 v17, $0x10;
	v25 =	vshrl.u32 v1, $0x10;
	v42 =	vld [tilespmem:s14+$0x6C20]  }
0x1fa: {  	v10 =	vand.u32 $0x1, v10;
	v4 =	vadd.s32 $0x7FFF, v4;
	v2 =	vadd.f32 v52, v50;
	v44 =	vld [tilespmem:s14+$0x5860]  }
0x1fb: {  	v0 =	vand.u32 $0x1, v20;
	v45 =	vld [tilespmem:s14+$0x6C60];
	v19 =	vadd.s32 v10, v60;
	v22 =	vshrl.u32 v4, $0x10  }
0x1fc: {  	v47 =	vld [tilespmem:s14+$0x3030];
	v10 =	vand.u32 $0x1, v25;
	v0 =	vadd.s32 v0, v17;
	v5 =	vadd.s32 $0x7FFF, v19  }
0x1fd: {  	v48 =	vld [tilespmem:s14+$0x4430];
	v9 =	vadd.f32 v59, v57;
	v27 =	vshrl.u32 v2, $0x10;
	v1 =	vadd.s32 v10, v1  }
0x1fe: {  	v50 =	vld [tilespmem:s14+$0x3070];
	v0 =	vadd.s32 $0x7FFF, v0;
	v23 =	vand.u32 $0xFFFF0000, v5;
	v28 =	vand.u32 $0x1, v27  }
0x1ff: {  	v51 =	vld [tilespmem:s14+$0x4470];
	v1 =	vadd.s32 $0x7FFF, v1;
	v0 =	vshrl.u32 v0, $0x10;
	v3 =	vor.u32 v22, v23  }
0x200: {  	v35 =	vld [tilespmem:s14+$0x4420];
	v2 =	vadd.s32 v28, v2;
	v30 =	vshrl.u32 v9, $0x10;
	v8 =	vadd.f32 v18, v63  }
0x201: {  	v1 =	vand.u32 $0xFFFF0000, v1;
	v5 =	vadd.f32 v24, v21;
	v4 =	vadd.f32 v29, v26  }
0x202: {  	[tilespmem:s14+$0xD070] =	vst v3;
	v3 =	vand.u32 $0x1, v30;
	v39 =	vadd.f32 v32, v31;
	v6 =	vadd.f32 v38, v37  }
0x203: {  	v2 =	vadd.s32 $0x7FFF, v2;
	v11 =	vadd.f32 v42, v41;
	v52 =	vadd.f32 v45, v44  }
0x204: {  	v13 =	vadd.f32 v48, v47;
	v55 =	vadd.f32 v51, v50;
	v0 =	vor.u32 v0, v1  }
0x205: {  	v3 =	vadd.s32 v3, v9;
	v33 =	vshrl.u32 v8, $0x10;
	v9 =	vadd.f32 v35, v34  }
0x206: {  	v2 =	vshrl.u32 v2, $0x10;
	v3 =	vadd.s32 $0x7FFF, v3;
	v7 =	vand.u32 $0x1, v33  }
0x207: {  	v36 =	vshrl.u32 v5, $0x10;
	v40 =	vshrl.u32 v4, $0x10;
	v43 =	vshrl.u32 v39, $0x10  }
0x208: {  	v49 =	vshrl.u32 v6, $0x10;
	v53 =	vshrl.u32 v11, $0x10;
	v54 =	vshrl.u32 v52, $0x10  }
0x209: {  	v56 =	vshrl.u32 v13, $0x10;
	v57 =	vshrl.u32 v55, $0x10;
	v7 =	vadd.s32 v7, v8  }
0x20a: {  	v8 =	vand.u32 $0x1, v36;
	v10 =	vand.u32 $0x1, v40;
	v46 =	vshrl.u32 v9, $0x10  }
0x20b: {  	v3 =	vand.u32 $0xFFFF0000, v3;
	v12 =	vand.u32 $0x1, v53;
	v14 =	vand.u32 $0x1, v56  }
0x20c: {  	v1 =	vand.u32 $0x1, v57;
	v7 =	vadd.s32 $0x7FFF, v7;
	v5 =	vadd.s32 v8, v5  }
0x20d: {  	v4 =	vadd.s32 v10, v4;
	v10 =	vand.u32 $0x1, v43;
	v11 =	vadd.s32 v12, v11  }
0x20e: {  	v12 =	vand.u32 $0x1, v54;
	v13 =	vadd.s32 v14, v13;
	v58 =	vor.u32 v2, v3  }
0x20f: {  	v1 =	vadd.s32 v1, v55;
	v5 =	vadd.s32 $0x7FFF, v5;
	v4 =	vadd.s32 $0x7FFF, v4  }
0x210: {  	v8 =	vadd.s32 v10, v39;
	v10 =	vand.u32 $0x1, v46;
	v7 =	vshrl.u32 v7, $0x10  }
0x211: {  	v11 =	vadd.s32 $0x7FFF, v11;
	v59 =	vadd.s32 $0x7FFF, v13;
	v1 =	vadd.s32 $0x7FFF, v1  }
0x212: {  	v8 =	vadd.s32 $0x7FFF, v8;
	v9 =	vadd.s32 v10, v9;
	v10 =	vand.u32 $0x1, v49  }
0x213: {  	v5 =	vand.u32 $0xFFFF0000, v5;
	v4 =	vshrl.u32 v4, $0x10;
	v2 =	vshrl.u32 v59, $0x10  }
0x214: {  	[tilespmem:s14+$0xD000] =	vst v0;
	v1 =	vand.u32 $0xFFFF0000, v1;
	v9 =	vadd.s32 $0x7FFF, v9;
	v6 =	vadd.s32 v10, v6  }
0x215: {  	[tilespmem:s14+$0xD040] =	vst v58;
	v10 =	vadd.s32 v12, v52;
	v8 =	vand.u32 $0xFFFF0000, v8;
	v60 =	vor.u32 v7, v5  }
0x216: {  	v1 =	vor.u32 v2, v1;
	v6 =	vadd.s32 $0x7FFF, v6;
	v10 =	vadd.s32 $0x7FFF, v10;
	[tilespmem:s14+$0xD010] =	vst v60  }
0x217: {  	v9 =	vshrl.u32 v9, $0x10;
	v4 =	vor.u32 v4, v8;
	[tilespmem:s14+$0xD030] =	vst v1;
	v6 =	vand.u32 $0xFFFF0000, v6  }
0x218: {  	v61 =	vshrl.u32 v11, $0x10;
	v62 =	vand.u32 $0xFFFF0000, v10;
	[tilespmem:s14+$0xD050] =	vst v4;
	v63 =	vor.u32 v9, v6  }
0x219: {  	v0 =	vor.u32 v61, v62;
	[tilespmem:s14+$0xD020] =	vst v63  }
0x21a: {  	s12 =	sadd.s32 $0x1, s12;
	[tilespmem:s14+$0xD060] =	vst v0  }
0x21b: {  	[hbm4b:s20+s3] =	stream.linear.scatter [tilespmem:s22], [sflag:$0x3], $0x1400, $0x38;
	[tilespmem:$0xF800] =	vst v63  }
0x21c: {  	p0 =	sne.s32 s12, s21;
	_ =	swait.ge [sflag:s11], $0x1400  }
.Ltmp4:
0x21d: {  	[sflag:s11] =	ssyncset.done $0x0;
	(pc) =	sbr.rel @p0 .LBB2_1-.Ltmp4, $4  }
0x21e: {  	[sflag:s11] =	ssyncadd.s32 $0xFFFFEC00  }
0x21f: {  	_ =	swait.ge [sflag:s10], $0x1400  }
0x220: {  	[sflag:s10] =	ssyncset.done $0x0  }
0x221: {  	[sflag:s10] =	ssyncadd.s32 $0xFFFFEC00  }
0x222: {  	_ =	sfence.sel $0x180000  }
0x223: {  	[bflag:$0x0] =	sbarrier.arrive $0xFFFF  }
0x224: {  	_ =	strace $0x90000047  }
0x225: {  	s0 =	stileid.u32;
	[bflag:$0x2] =	sbarrier.arrive $0xFFFF  }
0x226: {  	p0 =	sne.s32 s0, $0x0;
	s0 =	rddreg [dreg:$0x3]  }
0x227: {  	s0 =	sadd.s32 @!p0 $0x100000, s0  }
0x228: {  	[sflag:s0] =	ssyncadd.tile.s32 @!p0 $0x1;
	_ =	shalt  }
.Lfunc_end2:
_tile_overlayer_lowered:
.L_overlay_start_2:
0x229: {  	(tag) =	ssettag $0x2  }
0x22a: {  	s0 =	rddreg [dreg:$0x0];
	s2 =	stileid.u32  }
0x22b: {  	s1 =	rddreg [dreg:$0x1];
	p0 =	sne.s32 s2, $0x0  }
0x22c: {  	s3 =	rddreg [dreg:$0x2];
	[bflag:$0x3] =	sbarrier.arrive $0xFFFF;
	s2 =	simm.s32 @!p0 $0x1C06  }
0x22d: {  	[timem:s3], [sflag:s2] =	dma.local @!p0 [hbm:s0], s1  }
0x22e: {  	s0 =	simm.s32 @!p0 $0x6  }
0x22f: {  	_ =	swait.ge @!p0 [sflag:s0], s1  }
0x230: {  	s1 =	ssub.s32 @!p0 $0x0, s1;
	[sflag:s0] =	ssyncset.done @!p0 $0x0  }
0x231: {  	[sflag:s0] =	ssyncadd.s32 @!p0 s1  }
0x232: {  	[bflag:$0x3] =	sbarrier.arrive $0xFFFF  }
0x233: {  	_ =	shalt  }

</sc_bundles>
